<compile_context>
chip_gen: v7x
topology: tpu7x:2x2x1
jax: 0.10.2.dev20260603
libtpu: 0.0.44.dev20260713+nightly
codegen_flags: <defaults>
</compile_context>

<pallas_src>
import functools

import jax
import jax.numpy as jnp
from jax import lax
from jax.experimental import pallas as pl
from jax.experimental.pallas import tpu as pltpu
from jax.experimental.pallas import tpu_sc as plsc

_N = 10000
_E = 160000
_DN = 256
_DE = 16
_HID = 32
_NC, _NS, _L = 2, 16, 16
_NW = _NC * _NS
_EW = _E // _NW
_CH = 128
_EPW = 5120
_NCH = _EPW // _CH
_P = 10240
_RPT = _P // _NS
_NB = 1000
_EBT = 16000
_NBUF = 3

_mesh = plsc.VectorSubcoreMesh(core_axis_name="c", subcore_axis_name="s",
                               num_cores=_NC, num_subcores=_NS)
_sc_params = pltpu.CompilerParams(use_tc_tiling_on_sc=False,
                                  needs_layout_passes=False)


@functools.partial(
    pl.kernel,
    out_type=[
        jax.ShapeDtypeStruct((_NC, _P, _HID), jnp.float32),
        jax.ShapeDtypeStruct((_P,), jnp.float32),
    ],
    mesh=_mesh,
    compiler_params=_sc_params,
    scratch_types=[
        pltpu.VMEM_SHARED((_P, _HID), jnp.float32),
        pltpu.VMEM_SHARED((_P, _HID), jnp.float32),
        pltpu.VMEM_SHARED((_P,), jnp.float32),
        pltpu.VMEM((_NCH, _CH), jnp.int32),
        pltpu.VMEM((_NCH, _CH), jnp.int32),
        pltpu.VMEM((_CH,), jnp.float32),
        pltpu.VMEM((_RPT, _HID), jnp.float32),
        pltpu.VMEM((_RPT,), jnp.float32),
        pltpu.VMEM((_CH, _HID), jnp.float32),
        pltpu.VMEM((_CH, _HID), jnp.float32),
        pltpu.VMEM((_CH, _HID), jnp.float32),
        pltpu.SemaphoreType.DMA,
        pltpu.SemaphoreType.DMA,
        pltpu.SemaphoreType.DMA,
        pltpu.SemaphoreType.DMA,
        pltpu.SemaphoreType.DMA,
        pltpu.SemaphoreType.DMA,
    ],
)
def _sc_fused(xe_hbm, src_hbm, dst_hbm, zeros2_hbm, zeros1_hbm, ones_hbm,
              s_out, hist_out, acc_sh, y_sh, hist_sh, idx_a, idx_b, ones_v,
              xe_v, h_v, rows0, rows1, rows2, gs0, gs1, gs2, ss0, ss1, ss2):
    c = lax.axis_index("c")
    s = lax.axis_index("s")
    w = c * _NS + s
    rows = (rows0, rows1, rows2)
    gsem = (gs0, gs1, gs2)
    ssem = (ss0, ss1, ss2)

    pltpu.sync_copy(zeros2_hbm, acc_sh.at[pl.ds(s * _RPT, _RPT), :])
    pltpu.sync_copy(zeros1_hbm, hist_sh.at[pl.ds(s * _RPT, _RPT)])
    pltpu.sync_copy(ones_hbm, ones_v)

    @pl.when(s < 10)
    def _stage():
        pltpu.sync_copy(xe_hbm.at[pl.ds(s * 1000, 1000), :],
                        y_sh.at[pl.ds(s * 1000, 1000), :])

    plsc.subcore_barrier()

    pltpu.sync_copy(dst_hbm.at[s], idx_a)
    pltpu.sync_copy(dst_hbm.at[s + _NS], idx_b)
    hd = []
    for j in range(_NCH):
        hd.append(pltpu.async_copy(ones_v, hist_sh.at[idx_a.at[j]], gs0,
                                   add=True))
        hd.append(pltpu.async_copy(ones_v, hist_sh.at[idx_b.at[j]], gs1,
                                   add=True))
    for d in hd:
        d.wait()
    plsc.subcore_barrier()

    pltpu.sync_copy(hist_sh.at[pl.ds(s * _RPT, _RPT)], h_v)
    pltpu.sync_copy(y_sh.at[pl.ds(s * _RPT, _RPT), :], xe_v)

    def dinv_body(i, carry):
        d = 1.0 + h_v[pl.ds(i * _L, _L)]
        ib = plsc.bitcast(d, jnp.int32)
        g = plsc.bitcast(jnp.int32(0x5F3759DF) - lax.shift_right_logical(ib, 1),
                         jnp.float32)
        g = g * (1.5 - 0.5 * d * g * g)
        g = g * (1.5 - 0.5 * d * g * g)
        g = g * (1.5 - 0.5 * d * g * g)
        h_v[pl.ds(i * _L, _L)] = g
        return carry

    lax.fori_loop(0, _RPT // _L, dinv_body, 0)

    def row_body(g, carry):
        dvec = h_v[pl.ds(g * _L, _L)]
        for k in range(_L):
            r = g * _L + k
            dv = dvec[k]
            xe_v[r, pl.ds(0, _L)] = xe_v[r, pl.ds(0, _L)] * dv
            xe_v[r, pl.ds(_L, _L)] = xe_v[r, pl.ds(_L, _L)] * dv
        return carry

    lax.fori_loop(0, _RPT // _L, row_body, 0)
    pltpu.sync_copy(xe_v, y_sh.at[pl.ds(s * _RPT, _RPT), :])

    @pl.when(c == 0)
    def _hist_out():
        pltpu.sync_copy(hist_sh.at[pl.ds(s * _RPT, _RPT)],
                        hist_out.at[pl.ds(s * _RPT, _RPT)])

    plsc.subcore_barrier()

    pltpu.sync_copy(src_hbm.at[w], idx_a)
    pltpu.sync_copy(dst_hbm.at[w], idx_b)
    gd = [None] * _NBUF
    sd = [None] * _NBUF
    for j in range(_NBUF):
        gd[j] = pltpu.async_copy(y_sh.at[idx_a.at[j]], rows[j], gsem[j])
    for j in range(_NCH):
        b = j % _NBUF
        gd[b].wait()
        sd[b] = pltpu.async_copy(rows[b], acc_sh.at[idx_b.at[j]], ssem[b],
                                 add=True)
        nj = j + _NBUF
        if nj < _NCH:
            sd[b].wait()
            gd[b] = pltpu.async_copy(y_sh.at[idx_a.at[nj]], rows[b], gsem[b])
            sd[b] = None
    for b in range(_NBUF):
        if sd[b] is not None:
            sd[b].wait()
    plsc.subcore_barrier()
    pltpu.sync_copy(acc_sh.at[pl.ds(s * _RPT, _RPT), :],
                    s_out.at[c, pl.ds(s * _RPT, _RPT), :])


@functools.partial(
    pl.kernel,
    out_type=jax.ShapeDtypeStruct((_E,), jnp.float32),
    mesh=_mesh,
    compiler_params=_sc_params,
    scratch_types=[
        pltpu.VMEM((_N + 16,), jnp.float32),
        pltpu.VMEM((_N + 16,), jnp.float32),
        pltpu.VMEM((_EPW,), jnp.float32),
        pltpu.VMEM((_EPW,), jnp.int32),
        pltpu.VMEM((_EPW,), jnp.int32),
        pltpu.VMEM((_EPW,), jnp.float32),
    ],
)
def _sc_edge_out(src_hbm, dst_hbm, u_hbm, v_hbm, t_hbm, out_hbm,
                 u_v, v_v, t_v, si_v, di_v, o_v):
    c = lax.axis_index("c")
    s = lax.axis_index("s")
    w = c * _NS + s
    pltpu.sync_copy(u_hbm, u_v.at[pl.ds(0, _N)])
    pltpu.sync_copy(v_hbm, v_v.at[pl.ds(0, _N)])
    pltpu.sync_copy(t_hbm.at[pl.ds(w * _EW, _EW)], t_v.at[pl.ds(0, _EW)])
    pltpu.sync_copy(src_hbm.at[pl.ds(w * _EPW, _EPW)], si_v)
    pltpu.sync_copy(dst_hbm.at[pl.ds(w * _EPW, _EPW)], di_v)

    def body(i, carry):
        off = i * _L
        gu = plsc.load_gather(u_v, [si_v[pl.ds(off, _L)]])
        gv = plsc.load_gather(v_v, [di_v[pl.ds(off, _L)]])
        o_v[pl.ds(off, _L)] = gu + gv + t_v[pl.ds(off, _L)]
        return carry

    lax.fori_loop(0, _EPW // _L, body, 0)
    pltpu.sync_copy(o_v.at[pl.ds(0, _EW)], out_hbm.at[pl.ds(w * _EW, _EW)])


def _dotT(a, bT):
    return lax.dot_general(a, bT, (((1,), (1,)), ((), ())),
                           preferred_element_type=jnp.float32)


def _tc_node_enc_body(x_ref, wneT_ref, bne_ref, xe_ref):
    xe = _dotT(x_ref[...], wneT_ref[...])
    xe_ref[...] = jnp.maximum(xe + bne_ref[...], 0.0)


_tc_node_enc = pl.pallas_call(
    _tc_node_enc_body,
    grid=(_N // _NB,),
    in_specs=[
        pl.BlockSpec((_NB, _DN), lambda i: (i, 0)),
        pl.BlockSpec((_HID, _DN), lambda i: (0, 0)),
        pl.BlockSpec((1, _HID), lambda i: (0, 0)),
    ],
    out_specs=pl.BlockSpec((_NB, _HID), lambda i: (i, 0)),
    out_shape=jax.ShapeDtypeStruct((_N, _HID), jnp.float32),
)


def _tc_edge_enc_body(eaT_ref, weeT_ref, bee_ref, w3_ref, bout_ref, t_ref):
    e = jnp.dot(weeT_ref[...], eaT_ref[...], preferred_element_type=jnp.float32)
    e = jnp.maximum(e + bee_ref[...], 0.0)
    t = jnp.dot(w3_ref[...], e, preferred_element_type=jnp.float32) + bout_ref[...]
    t_ref[pl.ds(pl.program_id(0) * _EBT, _EBT)] = t[0]


_tc_edge_enc = pl.pallas_call(
    _tc_edge_enc_body,
    grid=(_E // _EBT,),
    in_specs=[
        pl.BlockSpec((_DE, _EBT), lambda i: (0, i)),
        pl.BlockSpec((_HID, _DE), lambda i: (0, 0)),
        pl.BlockSpec((_HID, 1), lambda i: (0, 0)),
        pl.BlockSpec((1, _HID), lambda i: (0, 0)),
        pl.BlockSpec((1, 1), lambda i: (0, 0)),
    ],
    out_specs=pl.BlockSpec((_E,), lambda i: (0,)),
    out_shape=jax.ShapeDtypeStruct((_E,), jnp.float32),
)


def _tc_node_upd_body(s_ref, xe_ref, h_ref, wzT_ref, bz_ref,
                      wlzT_ref, blz_ref, whT_ref, bh_ref, wlhT_ref, blh_ref,
                      woutT_ref, uv_ref):
    dinv = lax.rsqrt(1.0 + h_ref[...])
    acc = (s_ref[0] + s_ref[1]) * dinv + xe_ref[...] * (dinv * dinv)
    g1 = _dotT(acc, wzT_ref[...]) + bz_ref[...]
    z = jax.nn.sigmoid(_dotT(g1, wlzT_ref[:, 0:_HID]) + blz_ref[...])
    g2 = _dotT(acc, whT_ref[...]) + bh_ref[...]
    ht = jnp.tanh(_dotT(g2, wlhT_ref[:, 0:_HID]) + blh_ref[...])
    hn = (1.0 - z) * ht
    uv_ref[...] = jnp.concatenate(
        [_dotT(hn, woutT_ref[:, 0:_HID]),
         _dotT(hn, woutT_ref[:, _HID:2 * _HID])], axis=1)


_tc_node_upd = pl.pallas_call(
    _tc_node_upd_body,
    grid=(_N // _NB,),
    in_specs=[
        pl.BlockSpec((2, _NB, _HID), lambda i: (0, i, 0)),
        pl.BlockSpec((_NB, _HID), lambda i: (i, 0)),
        pl.BlockSpec((_NB, 1), lambda i: (i, 0)),
        pl.BlockSpec((_HID, _HID), lambda i: (0, 0)),
        pl.BlockSpec((1, _HID), lambda i: (0, 0)),
        pl.BlockSpec((_HID, 2 * _HID), lambda i: (0, 0)),
        pl.BlockSpec((1, _HID), lambda i: (0, 0)),
        pl.BlockSpec((_HID, _HID), lambda i: (0, 0)),
        pl.BlockSpec((1, _HID), lambda i: (0, 0)),
        pl.BlockSpec((_HID, 2 * _HID), lambda i: (0, 0)),
        pl.BlockSpec((1, _HID), lambda i: (0, 0)),
        pl.BlockSpec((1, 3 * _HID), lambda i: (0, 0)),
    ],
    out_specs=pl.BlockSpec((_NB, 2), lambda i: (i, 0)),
    out_shape=jax.ShapeDtypeStruct((_N, 2), jnp.float32),
)


def kernel(x, edge_index, edge_attr, W_ne, b_ne, W_ee, b_ee, Wz, bz, Wlz, blz,
           Wr, br, Wlr, blr, Wh, bh, Wlh, blh, Wout, bout):
    f32 = jnp.float32
    src0 = edge_index[0]
    dst0 = edge_index[1]

    def pad_idx(a, fill):
        a2 = a.reshape(_NW, _EW)
        return jnp.pad(a2, ((0, 0), (0, _EPW - _EW)), constant_values=fill)

    src_pw = pad_idx(src0, 0)
    dst_pw = pad_idx(dst0, _N)
    src3 = src_pw.reshape(_NW, _NCH, _CH)
    dst3 = dst_pw.reshape(_NW, _NCH, _CH)
    src_flat = src_pw.reshape(_NW * _EPW)
    dst_flat = dst_pw.reshape(_NW * _EPW)

    zeros1 = jnp.zeros((_RPT,), f32)
    ones1 = jnp.ones((_CH,), f32)
    zeros2 = jnp.zeros((_RPT, _HID), f32)

    x_enc = _tc_node_enc(x, W_ne.T, b_ne.reshape(1, _HID))
    S, hist = _sc_fused(x_enc, src3, dst3, zeros2, zeros1, ones1)
    t = _tc_edge_enc(edge_attr.T, W_ee.T, b_ee.reshape(_HID, 1),
                     Wout[2 * _HID:3 * _HID, 0].reshape(1, _HID),
                     bout.reshape(1, 1))
    uv = _tc_node_upd(S, x_enc, hist[:_N].reshape(_N, 1),
                      Wz.T, bz.reshape(1, _HID), Wlz.T, blz.reshape(1, _HID),
                      Wh.T, bh.reshape(1, _HID), Wlh.T, blh.reshape(1, _HID),
                      Wout.reshape(1, 3 * _HID))
    out = _sc_edge_out(src_flat, dst_flat, uv[:, 0], uv[:, 1], t)
    return out.reshape(_E, 1)

# --- scband reference (transcript-rebuilt; emitter-appended) ---
"""Pipeline reference for scband-temporal-gcn-30623116820562 (READ-ONLY COPY).

The authoritative reference and input builder live on the scoring server;
editing this copy changes nothing except your own understanding.
"""

import jax, jax.numpy as jnp
import numpy as np

N = 10000
E = 160000
D_NODE = 256
D_EDGE = 16
HID = 32

def _lin(k, fan_in, fan_out):
    bound = 1.0 / np.sqrt(fan_in)
    kw, kb = jax.random.split(k)
    W = jax.random.uniform(kw, (fan_in, fan_out), minval=-bound, maxval=bound, dtype=jnp.float32)
    b = jax.random.uniform(kb, (fan_out,), minval=-bound, maxval=bound, dtype=jnp.float32)
    return W, b

def setup_inputs(seed: int = 0):
    key = jax.random.key(seed)
    ks = jax.random.split(key, 12)
    x = jax.random.normal(ks[0], (N, D_NODE), dtype=jnp.float32)
    edge_index = jax.random.randint(ks[1], (2, E), 0, N, dtype=jnp.int32)
    edge_attr = jax.random.normal(ks[2], (E, D_EDGE), dtype=jnp.float32)
    W_ne, b_ne = _lin(ks[3], D_NODE, HID)
    W_ee, b_ee = _lin(ks[4], D_EDGE, HID)
    Wz, bz = _lin(ks[5], HID, HID)
    Wlz, blz = _lin(ks[6], 2 * HID, HID)
    Wr, br = _lin(ks[7], HID, HID)
    Wlr, blr = _lin(ks[8], 2 * HID, HID)
    Wh, bh = _lin(ks[9], HID, HID)
    Wlh, blh = _lin(ks[10], 2 * HID, HID)
    Wout, bout = _lin(ks[11], 3 * HID, 1)
    return {"x": x, "edge_index": edge_index, "edge_attr": edge_attr,
            "W_ne": W_ne, "b_ne": b_ne, "W_ee": W_ee, "b_ee": b_ee,
            "Wz": Wz, "bz": bz, "Wlz": Wlz, "blz": blz,
            "Wr": Wr, "br": br, "Wlr": Wlr, "blr": blr,
            "Wh": Wh, "bh": bh, "Wlh": Wlh, "blh": blh,
            "Wout": Wout, "bout": bout}

def _gcn(x, src, dst, norm, W, b):
    xw = x @ W
    msg = xw[src] * norm[:, None]
    out = jnp.zeros_like(xw).at[dst].add(msg)
    return out + b

def reference(x, edge_index, edge_attr, W_ne, b_ne, W_ee, b_ee, Wz, bz, Wlz, blz, Wr, br, Wlr, blr, Wh, bh, Wlh, blh, Wout, bout):
    n = x.shape[0]
    x_enc = jax.nn.relu(x @ W_ne + b_ne)
    e_enc = jax.nn.relu(edge_attr @ W_ee + b_ee)
    src0, dst0 = edge_index[0], edge_index[1]
    loop = jnp.arange(n, dtype=edge_index.dtype)
    src = jnp.concatenate([src0, loop])
    dst = jnp.concatenate([dst0, loop])
    deg = jnp.zeros((n,), x.dtype).at[dst].add(1.0)
    dinv = jnp.where(deg > 0, deg ** -0.5, 0.0)
    norm = dinv[src] * dinv[dst]
    H0 = jnp.zeros((n, HID), x.dtype)
    Z = jax.nn.sigmoid(jnp.concatenate([_gcn(x_enc, src, dst, norm, Wz, bz), H0], axis=1) @ Wlz + blz)
    R = jax.nn.sigmoid(jnp.concatenate([_gcn(x_enc, src, dst, norm, Wr, br), H0], axis=1) @ Wlr + blr)
    H_tilde = jnp.tanh(jnp.concatenate([_gcn(x_enc, src, dst, norm, Wh, bh), H0 * R], axis=1) @ Wlh + blh)
    Hn = Z * H0 + (1.0 - Z) * H_tilde
    edge_h = jnp.concatenate([Hn[src0], Hn[dst0]], axis=1)
    comb = jnp.concatenate([edge_h, e_enc], axis=1)
    return comb @ Wout + bout

if __name__ == "__main__":
    import jax
    _d = setup_inputs()
    print(jax.jit(kernel)(*tuple(_d.values())))

</pallas_src>

<mosaic_0001>
#map = affine_map<(d0, d1) -> (0, 0)>
#map1 = affine_map<(d0, d1) -> (0, 0, 0)>
#map2 = affine_map<(d0, d1) -> (0)>
module attributes {stable_mosaic.version = 14 : i64} {
  func.func @_sc_fused(%arg0: i32, %arg1: i32, %arg2: memref<10000x32xf32, #tpu.memory_space<hbm>>, %arg3: memref<32x40x128xi32, #tpu.memory_space<hbm>>, %arg4: memref<32x40x128xi32, #tpu.memory_space<hbm>>, %arg5: memref<640x32xf32, #tpu.memory_space<hbm>>, %arg6: memref<640xf32, #tpu.memory_space<hbm>>, %arg7: memref<128xf32, #tpu.memory_space<hbm>>, %arg8: memref<2x10240x32xf32, #tpu.memory_space<hbm>>, %arg9: memref<10240xf32, #tpu.memory_space<hbm>>, %arg10: memref<10240x32xf32, #tpu.memory_space<vmem_shared>>, %arg11: memref<10240x32xf32, #tpu.memory_space<vmem_shared>>, %arg12: memref<10240xf32, #tpu.memory_space<vmem_shared>>, %arg13: memref<40x128xi32, #tpu.memory_space<vmem>>, %arg14: memref<40x128xi32, #tpu.memory_space<vmem>>, %arg15: memref<128xf32, #tpu.memory_space<vmem>>, %arg16: memref<640x32xf32, #tpu.memory_space<vmem>>, %arg17: memref<640xf32, #tpu.memory_space<vmem>>, %arg18: memref<128x32xf32, #tpu.memory_space<vmem>>, %arg19: memref<128x32xf32, #tpu.memory_space<vmem>>, %arg20: memref<128x32xf32, #tpu.memory_space<vmem>>, %arg21: memref<!tpu.dma_semaphore, #tpu.memory_space<semaphore_mem>>, %arg22: memref<!tpu.dma_semaphore, #tpu.memory_space<semaphore_mem>>, %arg23: memref<!tpu.dma_semaphore, #tpu.memory_space<semaphore_mem>>, %arg24: memref<!tpu.dma_semaphore, #tpu.memory_space<semaphore_mem>>, %arg25: memref<!tpu.dma_semaphore, #tpu.memory_space<semaphore_mem>>, %arg26: memref<!tpu.dma_semaphore, #tpu.memory_space<semaphore_mem>>) attributes {dimension_semantics = [#tpu.dimension_semantics<core_parallel>, #tpu.dimension_semantics<subcore_parallel>], iteration_bounds = array<i64: 2, 16>, scalar_prefetch = 0 : i64, scratch_operands = 17 : i64, tpu.core_type = #tpu.core_type<sc_vector_subcore>, window_params = [{transform_indices = #map}, {transform_indices = #map1}, {transform_indices = #map1}, {transform_indices = #map}, {transform_indices = #map2}, {transform_indices = #map2}, {transform_indices = #map1}, {transform_indices = #map2}]} {
    %mul3A = arith.constant 16 : i32
    %mul3A_0 = arith.muli %arg0, %mul3A : i32
    %add3A = arith.addi %mul3A_0, %arg1 : i32
    %mul3A_1 = arith.constant 640 : i32
    %mul3A_2 = arith.muli %arg1, %mul3A_1 : i32
    "tpu.region"() ({
      %run_scoped3A = tpu.sem_alloc : memref<!tpu.dma_semaphore, #tpu.memory_space<semaphore_mem>>
      %dma_start3A_2115 = arith.constant 0 : i32
      %dma_start3A_2116 = tpu.memref_slice %arg10[%mul3A_2, %dma_start3A_2115] : memref<10240x32xf32, #tpu.memory_space<vmem_shared>> -> memref<640x32xf32, #tpu.memory_space<vmem_shared>>
      tpu.enqueue_dma source(%arg5 : memref<640x32xf32, #tpu.memory_space<hbm>>) target(%dma_start3A_2116 : memref<640x32xf32, #tpu.memory_space<vmem_shared>>) target_semaphore(%run_scoped3A : memref<!tpu.dma_semaphore, #tpu.memory_space<semaphore_mem>>)
      %dma_wait3A_2117 = arith.constant 0 : i32
      %dma_wait3A_2118 = tpu.memref_slice %arg10[%mul3A_2, %dma_wait3A_2117] : memref<10240x32xf32, #tpu.memory_space<vmem_shared>> -> memref<640x32xf32, #tpu.memory_space<vmem_shared>>
      tpu.wait_dma2 semaphore(%run_scoped3A : memref<!tpu.dma_semaphore, #tpu.memory_space<semaphore_mem>>) src(%arg5 : memref<640x32xf32, #tpu.memory_space<hbm>>) dst(%dma_wait3A_2118 : memref<640x32xf32, #tpu.memory_space<vmem_shared>>)
      tpu.yield
    }) : () -> ()
    %mul3A_3 = arith.constant 640 : i32
    %mul3A_4 = arith.muli %arg1, %mul3A_3 : i32
    "tpu.region"() ({
      %run_scoped3A = tpu.sem_alloc : memref<!tpu.dma_semaphore, #tpu.memory_space<semaphore_mem>>
      %dma_start3A_2115 = tpu.memref_slice %arg12[%mul3A_4] : memref<10240xf32, #tpu.memory_space<vmem_shared>> -> memref<640xf32, #tpu.memory_space<vmem_shared>>
      tpu.enqueue_dma source(%arg6 : memref<640xf32, #tpu.memory_space<hbm>>) target(%dma_start3A_2115 : memref<640xf32, #tpu.memory_space<vmem_shared>>) target_semaphore(%run_scoped3A : memref<!tpu.dma_semaphore, #tpu.memory_space<semaphore_mem>>)
      %dma_wait3A_2116 = tpu.memref_slice %arg12[%mul3A_4] : memref<10240xf32, #tpu.memory_space<vmem_shared>> -> memref<640xf32, #tpu.memory_space<vmem_shared>>
      tpu.wait_dma2 semaphore(%run_scoped3A : memref<!tpu.dma_semaphore, #tpu.memory_space<semaphore_mem>>) src(%arg6 : memref<640xf32, #tpu.memory_space<hbm>>) dst(%dma_wait3A_2116 : memref<640xf32, #tpu.memory_space<vmem_shared>>)
      tpu.yield
    }) : () -> ()
    "tpu.region"() ({
      %run_scoped3A = tpu.sem_alloc : memref<!tpu.dma_semaphore, #tpu.memory_space<semaphore_mem>>
      tpu.enqueue_dma source(%arg7 : memref<128xf32, #tpu.memory_space<hbm>>) target(%arg15 : memref<128xf32, #tpu.memory_space<vmem>>) target_semaphore(%run_scoped3A : memref<!tpu.dma_semaphore, #tpu.memory_space<semaphore_mem>>)
      tpu.wait_dma2 semaphore(%run_scoped3A : memref<!tpu.dma_semaphore, #tpu.memory_space<semaphore_mem>>) src(%arg7 : memref<128xf32, #tpu.memory_space<hbm>>) dst(%arg15 : memref<128xf32, #tpu.memory_space<vmem>>)
      tpu.yield
    }) : () -> ()
    %lt3A = arith.constant 10 : i32
    %lt3A_5 = arith.cmpi slt, %arg1, %lt3A : i32
    %convert_element_type3A = arith.extui %lt3A_5 : i1 to i32
    %cond3A = arith.constant 0 : i32
    %cond3A_6 = arith.cmpi ne, %convert_element_type3A, %cond3A : i32
    scf.if %cond3A_6 {
      %mul3A_2115 = arith.constant 1000 : i32
      %mul3A_2116 = arith.muli %arg1, %mul3A_2115 : i32
      %mul3A_2117 = arith.constant 1000 : i32
      %mul3A_2118 = arith.muli %arg1, %mul3A_2117 : i32
      "tpu.region"() ({
        %run_scoped3A = tpu.sem_alloc : memref<!tpu.dma_semaphore, #tpu.memory_space<semaphore_mem>>
        %dma_start3A_2119 = arith.constant 0 : i32
        %dma_start3A_2120 = tpu.memref_slice %arg11[%mul3A_2118, %dma_start3A_2119] : memref<10240x32xf32, #tpu.memory_space<vmem_shared>> -> memref<1000x32xf32, #tpu.memory_space<vmem_shared>>
        %dma_start3A_2121 = arith.constant 0 : i32
        %dma_start3A_2122 = tpu.memref_slice %arg2[%mul3A_2116, %dma_start3A_2121] : memref<10000x32xf32, #tpu.memory_space<hbm>> -> memref<1000x32xf32, #tpu.memory_space<hbm>>
        tpu.enqueue_dma source(%dma_start3A_2122 : memref<1000x32xf32, #tpu.memory_space<hbm>>) target(%dma_start3A_2120 : memref<1000x32xf32, #tpu.memory_space<vmem_shared>>) target_semaphore(%run_scoped3A : memref<!tpu.dma_semaphore, #tpu.memory_space<semaphore_mem>>)
        %dma_wait3A_2123 = arith.constant 0 : i32
        %dma_wait3A_2124 = tpu.memref_slice %arg11[%mul3A_2118, %dma_wait3A_2123] : memref<10240x32xf32, #tpu.memory_space<vmem_shared>> -> memref<1000x32xf32, #tpu.memory_space<vmem_shared>>
        %dma_wait3A_2125 = arith.constant 0 : i32
        %dma_wait3A_2126 = tpu.memref_slice %arg2[%mul3A_2116, %dma_wait3A_2125] : memref<10000x32xf32, #tpu.memory_space<hbm>> -> memref<1000x32xf32, #tpu.memory_space<hbm>>
        tpu.wait_dma2 semaphore(%run_scoped3A : memref<!tpu.dma_semaphore, #tpu.memory_space<semaphore_mem>>) src(%dma_wait3A_2126 : memref<1000x32xf32, #tpu.memory_space<hbm>>) dst(%dma_wait3A_2124 : memref<1000x32xf32, #tpu.memory_space<vmem_shared>>)
        tpu.yield
      }) : () -> ()
    } else {
    }
    %barrier3A = arith.constant 0 : index
    tpu.barrier barrier_id(%barrier3A)
    "tpu.region"() ({
      %run_scoped3A = tpu.sem_alloc : memref<!tpu.dma_semaphore, #tpu.memory_space<semaphore_mem>>
      %dma_start3A_2115 = arith.constant 0 : i32
      %dma_start3A_2116 = arith.constant 0 : i32
      %dma_start3A_2117 = tpu.memref_slice %arg4[%arg1, %dma_start3A_2115, %dma_start3A_2116] : memref<32x40x128xi32, #tpu.memory_space<hbm>> -> memref<1x40x128xi32, #tpu.memory_space<hbm>>
      %dma_start3A_2118 = tpu.memref_squeeze %dma_start3A_2117 : memref<1x40x128xi32, #tpu.memory_space<hbm>> -> memref<40x128xi32, #tpu.memory_space<hbm>>
      %dma_start3A_2119 = arith.constant 0 : i32
      %dma_start3A_2120 = arith.constant 0 : i32
      %dma_start3A_2121 = tpu.memref_slice %arg4[%arg1, %dma_start3A_2119, %dma_start3A_2120] : memref<32x40x128xi32, #tpu.memory_space<hbm>> -> memref<1x40x128xi32, #tpu.memory_space<hbm>>
      %dma_start3A_2122 = tpu.memref_squeeze %dma_start3A_2121 : memref<1x40x128xi32, #tpu.memory_space<hbm>> -> memref<40x128xi32, #tpu.memory_space<hbm>>
      tpu.enqueue_dma source(%dma_start3A_2122 : memref<40x128xi32, #tpu.memory_space<hbm>>) target(%arg13 : memref<40x128xi32, #tpu.memory_space<vmem>>) target_semaphore(%run_scoped3A : memref<!tpu.dma_semaphore, #tpu.memory_space<semaphore_mem>>)
      %dma_wait3A_2123 = arith.constant 0 : i32
      %dma_wait3A_2124 = arith.constant 0 : i32
      %dma_wait3A_2125 = tpu.memref_slice %arg4[%arg1, %dma_wait3A_2123, %dma_wait3A_2124] : memref<32x40x128xi32, #tpu.memory_space<hbm>> -> memref<1x40x128xi32, #tpu.memory_space<hbm>>
      %dma_wait3A_2126 = tpu.memref_squeeze %dma_wait3A_2125 : memref<1x40x128xi32, #tpu.memory_space<hbm>> -> memref<40x128xi32, #tpu.memory_space<hbm>>
      %dma_wait3A_2127 = arith.constant 0 : i32
      %dma_wait3A_2128 = arith.constant 0 : i32
      %dma_wait3A_2129 = tpu.memref_slice %arg4[%arg1, %dma_wait3A_2127, %dma_wait3A_2128] : memref<32x40x128xi32, #tpu.memory_space<hbm>> -> memref<1x40x128xi32, #tpu.memory_space<hbm>>
      %dma_wait3A_2130 = tpu.memref_squeeze %dma_wait3A_2129 : memref<1x40x128xi32, #tpu.memory_space<hbm>> -> memref<40x128xi32, #tpu.memory_space<hbm>>
      tpu.wait_dma2 semaphore(%run_scoped3A : memref<!tpu.dma_semaphore, #tpu.memory_space<semaphore_mem>>) src(%dma_wait3A_2130 : memref<40x128xi32, #tpu.memory_space<hbm>>) dst(%arg13 : memref<40x128xi32, #tpu.memory_space<vmem>>)
      tpu.yield
    }) : () -> ()
    %add3A_7 = arith.constant 16 : i32
    %add3A_8 = arith.addi %arg1, %add3A_7 : i32
    "tpu.region"() ({
      %run_scoped3A = tpu.sem_alloc : memref<!tpu.dma_semaphore, #tpu.memory_space<semaphore_mem>>
      %dma_start3A_2115 = arith.constant 0 : i32
      %dma_start3A_2116 = arith.constant 0 : i32
      %dma_start3A_2117 = tpu.memref_slice %arg4[%add3A_8, %dma_start3A_2115, %dma_start3A_2116] : memref<32x40x128xi32, #tpu.memory_space<hbm>> -> memref<1x40x128xi32, #tpu.memory_space<hbm>>
      %dma_start3A_2118 = tpu.memref_squeeze %dma_start3A_2117 : memref<1x40x128xi32, #tpu.memory_space<hbm>> -> memref<40x128xi32, #tpu.memory_space<hbm>>
      %dma_start3A_2119 = arith.constant 0 : i32
      %dma_start3A_2120 = arith.constant 0 : i32
      %dma_start3A_2121 = tpu.memref_slice %arg4[%add3A_8, %dma_start3A_2119, %dma_start3A_2120] : memref<32x40x128xi32, #tpu.memory_space<hbm>> -> memref<1x40x128xi32, #tpu.memory_space<hbm>>
      %dma_start3A_2122 = tpu.memref_squeeze %dma_start3A_2121 : memref<1x40x128xi32, #tpu.memory_space<hbm>> -> memref<40x128xi32, #tpu.memory_space<hbm>>
      tpu.enqueue_dma source(%dma_start3A_2122 : memref<40x128xi32, #tpu.memory_space<hbm>>) target(%arg14 : memref<40x128xi32, #tpu.memory_space<vmem>>) target_semaphore(%run_scoped3A : memref<!tpu.dma_semaphore, #tpu.memory_space<semaphore_mem>>)
      %dma_wait3A_2123 = arith.constant 0 : i32
      %dma_wait3A_2124 = arith.constant 0 : i32
      %dma_wait3A_2125 = tpu.memref_slice %arg4[%add3A_8, %dma_wait3A_2123, %dma_wait3A_2124] : memref<32x40x128xi32, #tpu.memory_space<hbm>> -> memref<1x40x128xi32, #tpu.memory_space<hbm>>
      %dma_wait3A_2126 = tpu.memref_squeeze %dma_wait3A_2125 : memref<1x40x128xi32, #tpu.memory_space<hbm>> -> memref<40x128xi32, #tpu.memory_space<hbm>>
      %dma_wait3A_2127 = arith.constant 0 : i32
      %dma_wait3A_2128 = arith.constant 0 : i32
      %dma_wait3A_2129 = tpu.memref_slice %arg4[%add3A_8, %dma_wait3A_2127, %dma_wait3A_2128] : memref<32x40x128xi32, #tpu.memory_space<hbm>> -> memref<1x40x128xi32, #tpu.memory_space<hbm>>
      %dma_wait3A_2130 = tpu.memref_squeeze %dma_wait3A_2129 : memref<1x40x128xi32, #tpu.memory_space<hbm>> -> memref<40x128xi32, #tpu.memory_space<hbm>>
      tpu.wait_dma2 semaphore(%run_scoped3A : memref<!tpu.dma_semaphore, #tpu.memory_space<semaphore_mem>>) src(%dma_wait3A_2130 : memref<40x128xi32, #tpu.memory_space<hbm>>) dst(%arg14 : memref<40x128xi32, #tpu.memory_space<vmem>>)
      tpu.yield
    }) : () -> ()
    %dma_start3A = arith.constant 0 : i32
    %dma_start3A_9 = arith.constant 0 : i32
    %dma_start3A_10 = tpu.memref_slice %arg13[%dma_start3A, %dma_start3A_9] : memref<40x128xi32, #tpu.memory_space<vmem>> -> memref<1x128xi32, #tpu.memory_space<vmem>>
    %dma_start3A_11 = tpu.memref_squeeze %dma_start3A_10 : memref<1x128xi32, #tpu.memory_space<vmem>> -> memref<128xi32, #tpu.memory_space<vmem>>
    %dma_start3A_12 = arith.constant 0 : i32
    %dma_start3A_13 = tpu.memref_slice %arg12[%dma_start3A_12] : memref<10240xf32, #tpu.memory_space<vmem_shared>> -> memref<10240xf32, #tpu.memory_space<vmem_shared>>
    tpu.enqueue_indirect_dma source(%arg15 : memref<128xf32, #tpu.memory_space<vmem>>) target(%dma_start3A_13 : memref<10240xf32, #tpu.memory_space<vmem_shared>>) offsets(%dma_start3A_11 : memref<128xi32, #tpu.memory_space<vmem>>) semaphore(%arg21 : memref<!tpu.dma_semaphore, #tpu.memory_space<semaphore_mem>>) {add = true}
    %dma_start3A_14 = arith.constant 0 : i32
    %dma_start3A_15 = arith.constant 0 : i32
    %dma_start3A_16 = tpu.memref_slice %arg14[%dma_start3A_14, %dma_start3A_15] : memref<40x128xi32, #tpu.memory_space<vmem>> -> memref<1x128xi32, #tpu.memory_space<vmem>>
    %dma_start3A_17 = tpu.memref_squeeze %dma_start3A_16 : memref<1x128xi32, #tpu.memory_space<vmem>> -> memref<128xi32, #tpu.memory_space<vmem>>
    %dma_start3A_18 = arith.constant 0 : i32
    %dma_start3A_19 = tpu.memref_slice %arg12[%dma_start3A_18] : memref<10240xf32, #tpu.memory_space<vmem_shared>> -> memref<10240xf32, #tpu.memory_space<vmem_shared>>
    tpu.enqueue_indirect_dma source(%arg15 : memref<128xf32, #tpu.memory_space<vmem>>) target(%dma_start3A_19 : memref<10240xf32, #tpu.memory_space<vmem_shared>>) offsets(%dma_start3A_17 : memref<128xi32, #tpu.memory_space<vmem>>) semaphore(%arg22 : memref<!tpu.dma_semaphore, #tpu.memory_space<semaphore_mem>>) {add = true}
    %dma_start3A_20 = arith.constant 1 : i32
    %dma_start3A_21 = arith.constant 0 : i32
    %dma_start3A_22 = tpu.memref_slice %arg13[%dma_start3A_20, %dma_start3A_21] : memref<40x128xi32, #tpu.memory_space<vmem>> -> memref<1x128xi32, #tpu.memory_space<vmem>>
    %dma_start3A_23 = tpu.memref_squeeze %dma_start3A_22 : memref<1x128xi32, #tpu.memory_space<vmem>> -> memref<128xi32, #tpu.memory_space<vmem>>
    %dma_start3A_24 = arith.constant 0 : i32
    %dma_start3A_25 = tpu.memref_slice %arg12[%dma_start3A_24] : memref<10240xf32, #tpu.memory_space<vmem_shared>> -> memref<10240xf32, #tpu.memory_space<vmem_shared>>
    tpu.enqueue_indirect_dma source(%arg15 : memref<128xf32, #tpu.memory_space<vmem>>) target(%dma_start3A_25 : memref<10240xf32, #tpu.memory_space<vmem_shared>>) offsets(%dma_start3A_23 : memref<128xi32, #tpu.memory_space<vmem>>) semaphore(%arg21 : memref<!tpu.dma_semaphore, #tpu.memory_space<semaphore_mem>>) {add = true}
    %dma_start3A_26 = arith.constant 1 : i32
    %dma_start3A_27 = arith.constant 0 : i32
    %dma_start3A_28 = tpu.memref_slice %arg14[%dma_start3A_26, %dma_start3A_27] : memref<40x128xi32, #tpu.memory_space<vmem>> -> memref<1x128xi32, #tpu.memory_space<vmem>>
    %dma_start3A_29 = tpu.memref_squeeze %dma_start3A_28 : memref<1x128xi32, #tpu.memory_space<vmem>> -> memref<128xi32, #tpu.memory_space<vmem>>
    %dma_start3A_30 = arith.constant 0 : i32
    %dma_start3A_31 = tpu.memref_slice %arg12[%dma_start3A_30] : memref<10240xf32, #tpu.memory_space<vmem_shared>> -> memref<10240xf32, #tpu.memory_space<vmem_shared>>
    tpu.enqueue_indirect_dma source(%arg15 : memref<128xf32, #tpu.memory_space<vmem>>) target(%dma_start3A_31 : memref<10240xf32, #tpu.memory_space<vmem_shared>>) offsets(%dma_start3A_29 : memref<128xi32, #tpu.memory_space<vmem>>) semaphore(%arg22 : memref<!tpu.dma_semaphore, #tpu.memory_space<semaphore_mem>>) {add = true}
    %dma_start3A_32 = arith.constant 2 : i32
    %dma_start3A_33 = arith.constant 0 : i32
    %dma_start3A_34 = tpu.memref_slice %arg13[%dma_start3A_32, %dma_start3A_33] : memref<40x128xi32, #tpu.memory_space<vmem>> -> memref<1x128xi32, #tpu.memory_space<vmem>>
    %dma_start3A_35 = tpu.memref_squeeze %dma_start3A_34 : memref<1x128xi32, #tpu.memory_space<vmem>> -> memref<128xi32, #tpu.memory_space<vmem>>
    %dma_start3A_36 = arith.constant 0 : i32
    %dma_start3A_37 = tpu.memref_slice %arg12[%dma_start3A_36] : memref<10240xf32, #tpu.memory_space<vmem_shared>> -> memref<10240xf32, #tpu.memory_space<vmem_shared>>
    tpu.enqueue_indirect_dma source(%arg15 : memref<128xf32, #tpu.memory_space<vmem>>) target(%dma_start3A_37 : memref<10240xf32, #tpu.memory_space<vmem_shared>>) offsets(%dma_start3A_35 : memref<128xi32, #tpu.memory_space<vmem>>) semaphore(%arg21 : memref<!tpu.dma_semaphore, #tpu.memory_space<semaphore_mem>>) {add = true}
    %dma_start3A_38 = arith.constant 2 : i32
    %dma_start3A_39 = arith.constant 0 : i32
    %dma_start3A_40 = tpu.memref_slice %arg14[%dma_start3A_38, %dma_start3A_39] : memref<40x128xi32, #tpu.memory_space<vmem>> -> memref<1x128xi32, #tpu.memory_space<vmem>>
    %dma_start3A_41 = tpu.memref_squeeze %dma_start3A_40 : memref<1x128xi32, #tpu.memory_space<vmem>> -> memref<128xi32, #tpu.memory_space<vmem>>
    %dma_start3A_42 = arith.constant 0 : i32
    %dma_start3A_43 = tpu.memref_slice %arg12[%dma_start3A_42] : memref<10240xf32, #tpu.memory_space<vmem_shared>> -> memref<10240xf32, #tpu.memory_space<vmem_shared>>
    tpu.enqueue_indirect_dma source(%arg15 : memref<128xf32, #tpu.memory_space<vmem>>) target(%dma_start3A_43 : memref<10240xf32, #tpu.memory_space<vmem_shared>>) offsets(%dma_start3A_41 : memref<128xi32, #tpu.memory_space<vmem>>) semaphore(%arg22 : memref<!tpu.dma_semaphore, #tpu.memory_space<semaphore_mem>>) {add = true}
    %dma_start3A_44 = arith.constant 3 : i32
    %dma_start3A_45 = arith.constant 0 : i32
    %dma_start3A_46 = tpu.memref_slice %arg13[%dma_start3A_44, %dma_start3A_45] : memref<40x128xi32, #tpu.memory_space<vmem>> -> memref<1x128xi32, #tpu.memory_space<vmem>>
    %dma_start3A_47 = tpu.memref_squeeze %dma_start3A_46 : memref<1x128xi32, #tpu.memory_space<vmem>> -> memref<128xi32, #tpu.memory_space<vmem>>
    %dma_start3A_48 = arith.constant 0 : i32
    %dma_start3A_49 = tpu.memref_slice %arg12[%dma_start3A_48] : memref<10240xf32, #tpu.memory_space<vmem_shared>> -> memref<10240xf32, #tpu.memory_space<vmem_shared>>
    tpu.enqueue_indirect_dma source(%arg15 : memref<128xf32, #tpu.memory_space<vmem>>) target(%dma_start3A_49 : memref<10240xf32, #tpu.memory_space<vmem_shared>>) offsets(%dma_start3A_47 : memref<128xi32, #tpu.memory_space<vmem>>) semaphore(%arg21 : memref<!tpu.dma_semaphore, #tpu.memory_space<semaphore_mem>>) {add = true}
    %dma_start3A_50 = arith.constant 3 : i32
    %dma_start3A_51 = arith.constant 0 : i32
    %dma_start3A_52 = tpu.memref_slice %arg14[%dma_start3A_50, %dma_start3A_51] : memref<40x128xi32, #tpu.memory_space<vmem>> -> memref<1x128xi32, #tpu.memory_space<vmem>>
    %dma_start3A_53 = tpu.memref_squeeze %dma_start3A_52 : memref<1x128xi32, #tpu.memory_space<vmem>> -> memref<128xi32, #tpu.memory_space<vmem>>
    %dma_start3A_54 = arith.constant 0 : i32
    %dma_start3A_55 = tpu.memref_slice %arg12[%dma_start3A_54] : memref<10240xf32, #tpu.memory_space<vmem_shared>> -> memref<10240xf32, #tpu.memory_space<vmem_shared>>
    tpu.enqueue_indirect_dma source(%arg15 : memref<128xf32, #tpu.memory_space<vmem>>) target(%dma_start3A_55 : memref<10240xf32, #tpu.memory_space<vmem_shared>>) offsets(%dma_start3A_53 : memref<128xi32, #tpu.memory_space<vmem>>) semaphore(%arg22 : memref<!tpu.dma_semaphore, #tpu.memory_space<semaphore_mem>>) {add = true}
    %dma_start3A_56 = arith.constant 4 : i32
    %dma_start3A_57 = arith.constant 0 : i32
    %dma_start3A_58 = tpu.memref_slice %arg13[%dma_start3A_56, %dma_start3A_57] : memref<40x128xi32, #tpu.memory_space<vmem>> -> memref<1x128xi32, #tpu.memory_space<vmem>>
    %dma_start3A_59 = tpu.memref_squeeze %dma_start3A_58 : memref<1x128xi32, #tpu.memory_space<vmem>> -> memref<128xi32, #tpu.memory_space<vmem>>
    %dma_start3A_60 = arith.constant 0 : i32
    %dma_start3A_61 = tpu.memref_slice %arg12[%dma_start3A_60] : memref<10240xf32, #tpu.memory_space<vmem_shared>> -> memref<10240xf32, #tpu.memory_space<vmem_shared>>
    tpu.enqueue_indirect_dma source(%arg15 : memref<128xf32, #tpu.memory_space<vmem>>) target(%dma_start3A_61 : memref<10240xf32, #tpu.memory_space<vmem_shared>>) offsets(%dma_start3A_59 : memref<128xi32, #tpu.memory_space<vmem>>) semaphore(%arg21 : memref<!tpu.dma_semaphore, #tpu.memory_space<semaphore_mem>>) {add = true}
    %dma_start3A_62 = arith.constant 4 : i32
    %dma_start3A_63 = arith.constant 0 : i32
    %dma_start3A_64 = tpu.memref_slice %arg14[%dma_start3A_62, %dma_start3A_63] : memref<40x128xi32, #tpu.memory_space<vmem>> -> memref<1x128xi32, #tpu.memory_space<vmem>>
    %dma_start3A_65 = tpu.memref_squeeze %dma_start3A_64 : memref<1x128xi32, #tpu.memory_space<vmem>> -> memref<128xi32, #tpu.memory_space<vmem>>
    %dma_start3A_66 = arith.constant 0 : i32
    %dma_start3A_67 = tpu.memref_slice %arg12[%dma_start3A_66] : memref<10240xf32, #tpu.memory_space<vmem_shared>> -> memref<10240xf32, #tpu.memory_space<vmem_shared>>
    tpu.enqueue_indirect_dma source(%arg15 : memref<128xf32, #tpu.memory_space<vmem>>) target(%dma_start3A_67 : memref<10240xf32, #tpu.memory_space<vmem_shared>>) offsets(%dma_start3A_65 : memref<128xi32, #tpu.memory_space<vmem>>) semaphore(%arg22 : memref<!tpu.dma_semaphore, #tpu.memory_space<semaphore_mem>>) {add = true}
    %dma_start3A_68 = arith.constant 5 : i32
    %dma_start3A_69 = arith.constant 0 : i32
    %dma_start3A_70 = tpu.memref_slice %arg13[%dma_start3A_68, %dma_start3A_69] : memref<40x128xi32, #tpu.memory_space<vmem>> -> memref<1x128xi32, #tpu.memory_space<vmem>>
    %dma_start3A_71 = tpu.memref_squeeze %dma_start3A_70 : memref<1x128xi32, #tpu.memory_space<vmem>> -> memref<128xi32, #tpu.memory_space<vmem>>
    %dma_start3A_72 = arith.constant 0 : i32
    %dma_start3A_73 = tpu.memref_slice %arg12[%dma_start3A_72] : memref<10240xf32, #tpu.memory_space<vmem_shared>> -> memref<10240xf32, #tpu.memory_space<vmem_shared>>
    tpu.enqueue_indirect_dma source(%arg15 : memref<128xf32, #tpu.memory_space<vmem>>) target(%dma_start3A_73 : memref<10240xf32, #tpu.memory_space<vmem_shared>>) offsets(%dma_start3A_71 : memref<128xi32, #tpu.memory_space<vmem>>) semaphore(%arg21 : memref<!tpu.dma_semaphore, #tpu.memory_space<semaphore_mem>>) {add = true}
    %dma_start3A_74 = arith.constant 5 : i32
    %dma_start3A_75 = arith.constant 0 : i32
    %dma_start3A_76 = tpu.memref_slice %arg14[%dma_start3A_74, %dma_start3A_75] : memref<40x128xi32, #tpu.memory_space<vmem>> -> memref<1x128xi32, #tpu.memory_space<vmem>>
    %dma_start3A_77 = tpu.memref_squeeze %dma_start3A_76 : memref<1x128xi32, #tpu.memory_space<vmem>> -> memref<128xi32, #tpu.memory_space<vmem>>
    %dma_start3A_78 = arith.constant 0 : i32
    %dma_start3A_79 = tpu.memref_slice %arg12[%dma_start3A_78] : memref<10240xf32, #tpu.memory_space<vmem_shared>> -> memref<10240xf32, #tpu.memory_space<vmem_shared>>
    tpu.enqueue_indirect_dma source(%arg15 : memref<128xf32, #tpu.memory_space<vmem>>) target(%dma_start3A_79 : memref<10240xf32, #tpu.memory_space<vmem_shared>>) offsets(%dma_start3A_77 : memref<128xi32, #tpu.memory_space<vmem>>) semaphore(%arg22 : memref<!tpu.dma_semaphore, #tpu.memory_space<semaphore_mem>>) {add = true}
    %dma_start3A_80 = arith.constant 6 : i32
    %dma_start3A_81 = arith.constant 0 : i32
    %dma_start3A_82 = tpu.memref_slice %arg13[%dma_start3A_80, %dma_start3A_81] : memref<40x128xi32, #tpu.memory_space<vmem>> -> memref<1x128xi32, #tpu.memory_space<vmem>>
    %dma_start3A_83 = tpu.memref_squeeze %dma_start3A_82 : memref<1x128xi32, #tpu.memory_space<vmem>> -> memref<128xi32, #tpu.memory_space<vmem>>
    %dma_start3A_84 = arith.constant 0 : i32
    %dma_start3A_85 = tpu.memref_slice %arg12[%dma_start3A_84] : memref<10240xf32, #tpu.memory_space<vmem_shared>> -> memref<10240xf32, #tpu.memory_space<vmem_shared>>
    tpu.enqueue_indirect_dma source(%arg15 : memref<128xf32, #tpu.memory_space<vmem>>) target(%dma_start3A_85 : memref<10240xf32, #tpu.memory_space<vmem_shared>>) offsets(%dma_start3A_83 : memref<128xi32, #tpu.memory_space<vmem>>) semaphore(%arg21 : memref<!tpu.dma_semaphore, #tpu.memory_space<semaphore_mem>>) {add = true}
    %dma_start3A_86 = arith.constant 6 : i32
    %dma_start3A_87 = arith.constant 0 : i32
    %dma_start3A_88 = tpu.memref_slice %arg14[%dma_start3A_86, %dma_start3A_87] : memref<40x128xi32, #tpu.memory_space<vmem>> -> memref<1x128xi32, #tpu.memory_space<vmem>>
    %dma_start3A_89 = tpu.memref_squeeze %dma_start3A_88 : memref<1x128xi32, #tpu.memory_space<vmem>> -> memref<128xi32, #tpu.memory_space<vmem>>
    %dma_start3A_90 = arith.constant 0 : i32
    %dma_start3A_91 = tpu.memref_slice %arg12[%dma_start3A_90] : memref<10240xf32, #tpu.memory_space<vmem_shared>> -> memref<10240xf32, #tpu.memory_space<vmem_shared>>
    tpu.enqueue_indirect_dma source(%arg15 : memref<128xf32, #tpu.memory_space<vmem>>) target(%dma_start3A_91 : memref<10240xf32, #tpu.memory_space<vmem_shared>>) offsets(%dma_start3A_89 : memref<128xi32, #tpu.memory_space<vmem>>) semaphore(%arg22 : memref<!tpu.dma_semaphore, #tpu.memory_space<semaphore_mem>>) {add = true}
    %dma_start3A_92 = arith.constant 7 : i32
    %dma_start3A_93 = arith.constant 0 : i32
    %dma_start3A_94 = tpu.memref_slice %arg13[%dma_start3A_92, %dma_start3A_93] : memref<40x128xi32, #tpu.memory_space<vmem>> -> memref<1x128xi32, #tpu.memory_space<vmem>>
    %dma_start3A_95 = tpu.memref_squeeze %dma_start3A_94 : memref<1x128xi32, #tpu.memory_space<vmem>> -> memref<128xi32, #tpu.memory_space<vmem>>
    %dma_start3A_96 = arith.constant 0 : i32
    %dma_start3A_97 = tpu.memref_slice %arg12[%dma_start3A_96] : memref<10240xf32, #tpu.memory_space<vmem_shared>> -> memref<10240xf32, #tpu.memory_space<vmem_shared>>
    tpu.enqueue_indirect_dma source(%arg15 : memref<128xf32, #tpu.memory_space<vmem>>) target(%dma_start3A_97 : memref<10240xf32, #tpu.memory_space<vmem_shared>>) offsets(%dma_start3A_95 : memref<128xi32, #tpu.memory_space<vmem>>) semaphore(%arg21 : memref<!tpu.dma_semaphore, #tpu.memory_space<semaphore_mem>>) {add = true}
    %dma_start3A_98 = arith.constant 7 : i32
    %dma_start3A_99 = arith.constant 0 : i32
    %dma_start3A_100 = tpu.memref_slice %arg14[%dma_start3A_98, %dma_start3A_99] : memref<40x128xi32, #tpu.memory_space<vmem>> -> memref<1x128xi32, #tpu.memory_space<vmem>>
    %dma_start3A_101 = tpu.memref_squeeze %dma_start3A_100 : memref<1x128xi32, #tpu.memory_space<vmem>> -> memref<128xi32, #tpu.memory_space<vmem>>
    %dma_start3A_102 = arith.constant 0 : i32
    %dma_start3A_103 = tpu.memref_slice %arg12[%dma_start3A_102] : memref<10240xf32, #tpu.memory_space<vmem_shared>> -> memref<10240xf32, #tpu.memory_space<vmem_shared>>
    tpu.enqueue_indirect_dma source(%arg15 : memref<128xf32, #tpu.memory_space<vmem>>) target(%dma_start3A_103 : memref<10240xf32, #tpu.memory_space<vmem_shared>>) offsets(%dma_start3A_101 : memref<128xi32, #tpu.memory_space<vmem>>) semaphore(%arg22 : memref<!tpu.dma_semaphore, #tpu.memory_space<semaphore_mem>>) {add = true}
    %dma_start3A_104 = arith.constant 8 : i32
    %dma_start3A_105 = arith.constant 0 : i32
    %dma_start3A_106 = tpu.memref_slice %arg13[%dma_start3A_104, %dma_start3A_105] : memref<40x128xi32, #tpu.memory_space<vmem>> -> memref<1x128xi32, #tpu.memory_space<vmem>>
    %dma_start3A_107 = tpu.memref_squeeze %dma_start3A_106 : memref<1x128xi32, #tpu.memory_space<vmem>> -> memref<128xi32, #tpu.memory_space<vmem>>
    %dma_start3A_108 = arith.constant 0 : i32
    %dma_start3A_109 = tpu.memref_slice %arg12[%dma_start3A_108] : memref<10240xf32, #tpu.memory_space<vmem_shared>> -> memref<10240xf32, #tpu.memory_space<vmem_shared>>
    tpu.enqueue_indirect_dma source(%arg15 : memref<128xf32, #tpu.memory_space<vmem>>) target(%dma_start3A_109 : memref<10240xf32, #tpu.memory_space<vmem_shared>>) offsets(%dma_start3A_107 : memref<128xi32, #tpu.memory_space<vmem>>) semaphore(%arg21 : memref<!tpu.dma_semaphore, #tpu.memory_space<semaphore_mem>>) {add = true}
    %dma_start3A_110 = arith.constant 8 : i32
    %dma_start3A_111 = arith.constant 0 : i32
    %dma_start3A_112 = tpu.memref_slice %arg14[%dma_start3A_110, %dma_start3A_111] : memref<40x128xi32, #tpu.memory_space<vmem>> -> memref<1x128xi32, #tpu.memory_space<vmem>>
    %dma_start3A_113 = tpu.memref_squeeze %dma_start3A_112 : memref<1x128xi32, #tpu.memory_space<vmem>> -> memref<128xi32, #tpu.memory_space<vmem>>
    %dma_start3A_114 = arith.constant 0 : i32
    %dma_start3A_115 = tpu.memref_slice %arg12[%dma_start3A_114] : memref<10240xf32, #tpu.memory_space<vmem_shared>> -> memref<10240xf32, #tpu.memory_space<vmem_shared>>
    tpu.enqueue_indirect_dma source(%arg15 : memref<128xf32, #tpu.memory_space<vmem>>) target(%dma_start3A_115 : memref<10240xf32, #tpu.memory_space<vmem_shared>>) offsets(%dma_start3A_113 : memref<128xi32, #tpu.memory_space<vmem>>) semaphore(%arg22 : memref<!tpu.dma_semaphore, #tpu.memory_space<semaphore_mem>>) {add = true}
    %dma_start3A_116 = arith.constant 9 : i32
    %dma_start3A_117 = arith.constant 0 : i32
    %dma_start3A_118 = tpu.memref_slice %arg13[%dma_start3A_116, %dma_start3A_117] : memref<40x128xi32, #tpu.memory_space<vmem>> -> memref<1x128xi32, #tpu.memory_space<vmem>>
    %dma_start3A_119 = tpu.memref_squeeze %dma_start3A_118 : memref<1x128xi32, #tpu.memory_space<vmem>> -> memref<128xi32, #tpu.memory_space<vmem>>
    %dma_start3A_120 = arith.constant 0 : i32
    %dma_start3A_121 = tpu.memref_slice %arg12[%dma_start3A_120] : memref<10240xf32, #tpu.memory_space<vmem_shared>> -> memref<10240xf32, #tpu.memory_space<vmem_shared>>
    tpu.enqueue_indirect_dma source(%arg15 : memref<128xf32, #tpu.memory_space<vmem>>) target(%dma_start3A_121 : memref<10240xf32, #tpu.memory_space<vmem_shared>>) offsets(%dma_start3A_119 : memref<128xi32, #tpu.memory_space<vmem>>) semaphore(%arg21 : memref<!tpu.dma_semaphore, #tpu.memory_space<semaphore_mem>>) {add = true}
    %dma_start3A_122 = arith.constant 9 : i32
    %dma_start3A_123 = arith.constant 0 : i32
    %dma_start3A_124 = tpu.memref_slice %arg14[%dma_start3A_122, %dma_start3A_123] : memref<40x128xi32, #tpu.memory_space<vmem>> -> memref<1x128xi32, #tpu.memory_space<vmem>>
    %dma_start3A_125 = tpu.memref_squeeze %dma_start3A_124 : memref<1x128xi32, #tpu.memory_space<vmem>> -> memref<128xi32, #tpu.memory_space<vmem>>
    %dma_start3A_126 = arith.constant 0 : i32
    %dma_start3A_127 = tpu.memref_slice %arg12[%dma_start3A_126] : memref<10240xf32, #tpu.memory_space<vmem_shared>> -> memref<10240xf32, #tpu.memory_space<vmem_shared>>
    tpu.enqueue_indirect_dma source(%arg15 : memref<128xf32, #tpu.memory_space<vmem>>) target(%dma_start3A_127 : memref<10240xf32, #tpu.memory_space<vmem_shared>>) offsets(%dma_start3A_125 : memref<128xi32, #tpu.memory_space<vmem>>) semaphore(%arg22 : memref<!tpu.dma_semaphore, #tpu.memory_space<semaphore_mem>>) {add = true}
    %dma_start3A_128 = arith.constant 10 : i32
    %dma_start3A_129 = arith.constant 0 : i32
    %dma_start3A_130 = tpu.memref_slice %arg13[%dma_start3A_128, %dma_start3A_129] : memref<40x128xi32, #tpu.memory_space<vmem>> -> memref<1x128xi32, #tpu.memory_space<vmem>>
    %dma_start3A_131 = tpu.memref_squeeze %dma_start3A_130 : memref<1x128xi32, #tpu.memory_space<vmem>> -> memref<128xi32, #tpu.memory_space<vmem>>
    %dma_start3A_132 = arith.constant 0 : i32
    %dma_start3A_133 = tpu.memref_slice %arg12[%dma_start3A_132] : memref<10240xf32, #tpu.memory_space<vmem_shared>> -> memref<10240xf32, #tpu.memory_space<vmem_shared>>
    tpu.enqueue_indirect_dma source(%arg15 : memref<128xf32, #tpu.memory_space<vmem>>) target(%dma_start3A_133 : memref<10240xf32, #tpu.memory_space<vmem_shared>>) offsets(%dma_start3A_131 : memref<128xi32, #tpu.memory_space<vmem>>) semaphore(%arg21 : memref<!tpu.dma_semaphore, #tpu.memory_space<semaphore_mem>>) {add = true}
    %dma_start3A_134 = arith.constant 10 : i32
    %dma_start3A_135 = arith.constant 0 : i32
    %dma_start3A_136 = tpu.memref_slice %arg14[%dma_start3A_134, %dma_start3A_135] : memref<40x128xi32, #tpu.memory_space<vmem>> -> memref<1x128xi32, #tpu.memory_space<vmem>>
    %dma_start3A_137 = tpu.memref_squeeze %dma_start3A_136 : memref<1x128xi32, #tpu.memory_space<vmem>> -> memref<128xi32, #tpu.memory_space<vmem>>
    %dma_start3A_138 = arith.constant 0 : i32
    %dma_start3A_139 = tpu.memref_slice %arg12[%dma_start3A_138] : memref<10240xf32, #tpu.memory_space<vmem_shared>> -> memref<10240xf32, #tpu.memory_space<vmem_shared>>
    tpu.enqueue_indirect_dma source(%arg15 : memref<128xf32, #tpu.memory_space<vmem>>) target(%dma_start3A_139 : memref<10240xf32, #tpu.memory_space<vmem_shared>>) offsets(%dma_start3A_137 : memref<128xi32, #tpu.memory_space<vmem>>) semaphore(%arg22 : memref<!tpu.dma_semaphore, #tpu.memory_space<semaphore_mem>>) {add = true}
    %dma_start3A_140 = arith.constant 11 : i32
    %dma_start3A_141 = arith.constant 0 : i32
    %dma_start3A_142 = tpu.memref_slice %arg13[%dma_start3A_140, %dma_start3A_141] : memref<40x128xi32, #tpu.memory_space<vmem>> -> memref<1x128xi32, #tpu.memory_space<vmem>>
    %dma_start3A_143 = tpu.memref_squeeze %dma_start3A_142 : memref<1x128xi32, #tpu.memory_space<vmem>> -> memref<128xi32, #tpu.memory_space<vmem>>
    %dma_start3A_144 = arith.constant 0 : i32
    %dma_start3A_145 = tpu.memref_slice %arg12[%dma_start3A_144] : memref<10240xf32, #tpu.memory_space<vmem_shared>> -> memref<10240xf32, #tpu.memory_space<vmem_shared>>
    tpu.enqueue_indirect_dma source(%arg15 : memref<128xf32, #tpu.memory_space<vmem>>) target(%dma_start3A_145 : memref<10240xf32, #tpu.memory_space<vmem_shared>>) offsets(%dma_start3A_143 : memref<128xi32, #tpu.memory_space<vmem>>) semaphore(%arg21 : memref<!tpu.dma_semaphore, #tpu.memory_space<semaphore_mem>>) {add = true}
    %dma_start3A_146 = arith.constant 11 : i32
    %dma_start3A_147 = arith.constant 0 : i32
    %dma_start3A_148 = tpu.memref_slice %arg14[%dma_start3A_146, %dma_start3A_147] : memref<40x128xi32, #tpu.memory_space<vmem>> -> memref<1x128xi32, #tpu.memory_space<vmem>>
    %dma_start3A_149 = tpu.memref_squeeze %dma_start3A_148 : memref<1x128xi32, #tpu.memory_space<vmem>> -> memref<128xi32, #tpu.memory_space<vmem>>
    %dma_start3A_150 = arith.constant 0 : i32
    %dma_start3A_151 = tpu.memref_slice %arg12[%dma_start3A_150] : memref<10240xf32, #tpu.memory_space<vmem_shared>> -> memref<10240xf32, #tpu.memory_space<vmem_shared>>
    tpu.enqueue_indirect_dma source(%arg15 : memref<128xf32, #tpu.memory_space<vmem>>) target(%dma_start3A_151 : memref<10240xf32, #tpu.memory_space<vmem_shared>>) offsets(%dma_start3A_149 : memref<128xi32, #tpu.memory_space<vmem>>) semaphore(%arg22 : memref<!tpu.dma_semaphore, #tpu.memory_space<semaphore_mem>>) {add = true}
    %dma_start3A_152 = arith.constant 12 : i32
    %dma_start3A_153 = arith.constant 0 : i32
    %dma_start3A_154 = tpu.memref_slice %arg13[%dma_start3A_152, %dma_start3A_153] : memref<40x128xi32, #tpu.memory_space<vmem>> -> memref<1x128xi32, #tpu.memory_space<vmem>>
    %dma_start3A_155 = tpu.memref_squeeze %dma_start3A_154 : memref<1x128xi32, #tpu.memory_space<vmem>> -> memref<128xi32, #tpu.memory_space<vmem>>
    %dma_start3A_156 = arith.constant 0 : i32
    %dma_start3A_157 = tpu.memref_slice %arg12[%dma_start3A_156] : memref<10240xf32, #tpu.memory_space<vmem_shared>> -> memref<10240xf32, #tpu.memory_space<vmem_shared>>
    tpu.enqueue_indirect_dma source(%arg15 : memref<128xf32, #tpu.memory_space<vmem>>) target(%dma_start3A_157 : memref<10240xf32, #tpu.memory_space<vmem_shared>>) offsets(%dma_start3A_155 : memref<128xi32, #tpu.memory_space<vmem>>) semaphore(%arg21 : memref<!tpu.dma_semaphore, #tpu.memory_space<semaphore_mem>>) {add = true}
    %dma_start3A_158 = arith.constant 12 : i32
    %dma_start3A_159 = arith.constant 0 : i32
    %dma_start3A_160 = tpu.memref_slice %arg14[%dma_start3A_158, %dma_start3A_159] : memref<40x128xi32, #tpu.memory_space<vmem>> -> memref<1x128xi32, #tpu.memory_space<vmem>>
    %dma_start3A_161 = tpu.memref_squeeze %dma_start3A_160 : memref<1x128xi32, #tpu.memory_space<vmem>> -> memref<128xi32, #tpu.memory_space<vmem>>
    %dma_start3A_162 = arith.constant 0 : i32
    %dma_start3A_163 = tpu.memref_slice %arg12[%dma_start3A_162] : memref<10240xf32, #tpu.memory_space<vmem_shared>> -> memref<10240xf32, #tpu.memory_space<vmem_shared>>
    tpu.enqueue_indirect_dma source(%arg15 : memref<128xf32, #tpu.memory_space<vmem>>) target(%dma_start3A_163 : memref<10240xf32, #tpu.memory_space<vmem_shared>>) offsets(%dma_start3A_161 : memref<128xi32, #tpu.memory_space<vmem>>) semaphore(%arg22 : memref<!tpu.dma_semaphore, #tpu.memory_space<semaphore_mem>>) {add = true}
    %dma_start3A_164 = arith.constant 13 : i32
    %dma_start3A_165 = arith.constant 0 : i32
    %dma_start3A_166 = tpu.memref_slice %arg13[%dma_start3A_164, %dma_start3A_165] : memref<40x128xi32, #tpu.memory_space<vmem>> -> memref<1x128xi32, #tpu.memory_space<vmem>>
    %dma_start3A_167 = tpu.memref_squeeze %dma_start3A_166 : memref<1x128xi32, #tpu.memory_space<vmem>> -> memref<128xi32, #tpu.memory_space<vmem>>
    %dma_start3A_168 = arith.constant 0 : i32
    %dma_start3A_169 = tpu.memref_slice %arg12[%dma_start3A_168] : memref<10240xf32, #tpu.memory_space<vmem_shared>> -> memref<10240xf32, #tpu.memory_space<vmem_shared>>
    tpu.enqueue_indirect_dma source(%arg15 : memref<128xf32, #tpu.memory_space<vmem>>) target(%dma_start3A_169 : memref<10240xf32, #tpu.memory_space<vmem_shared>>) offsets(%dma_start3A_167 : memref<128xi32, #tpu.memory_space<vmem>>) semaphore(%arg21 : memref<!tpu.dma_semaphore, #tpu.memory_space<semaphore_mem>>) {add = true}
    %dma_start3A_170 = arith.constant 13 : i32
    %dma_start3A_171 = arith.constant 0 : i32
    %dma_start3A_172 = tpu.memref_slice %arg14[%dma_start3A_170, %dma_start3A_171] : memref<40x128xi32, #tpu.memory_space<vmem>> -> memref<1x128xi32, #tpu.memory_space<vmem>>
    %dma_start3A_173 = tpu.memref_squeeze %dma_start3A_172 : memref<1x128xi32, #tpu.memory_space<vmem>> -> memref<128xi32, #tpu.memory_space<vmem>>
    %dma_start3A_174 = arith.constant 0 : i32
    %dma_start3A_175 = tpu.memref_slice %arg12[%dma_start3A_174] : memref<10240xf32, #tpu.memory_space<vmem_shared>> -> memref<10240xf32, #tpu.memory_space<vmem_shared>>
    tpu.enqueue_indirect_dma source(%arg15 : memref<128xf32, #tpu.memory_space<vmem>>) target(%dma_start3A_175 : memref<10240xf32, #tpu.memory_space<vmem_shared>>) offsets(%dma_start3A_173 : memref<128xi32, #tpu.memory_space<vmem>>) semaphore(%arg22 : memref<!tpu.dma_semaphore, #tpu.memory_space<semaphore_mem>>) {add = true}
    %dma_start3A_176 = arith.constant 14 : i32
    %dma_start3A_177 = arith.constant 0 : i32
    %dma_start3A_178 = tpu.memref_slice %arg13[%dma_start3A_176, %dma_start3A_177] : memref<40x128xi32, #tpu.memory_space<vmem>> -> memref<1x128xi32, #tpu.memory_space<vmem>>
    %dma_start3A_179 = tpu.memref_squeeze %dma_start3A_178 : memref<1x128xi32, #tpu.memory_space<vmem>> -> memref<128xi32, #tpu.memory_space<vmem>>
    %dma_start3A_180 = arith.constant 0 : i32
    %dma_start3A_181 = tpu.memref_slice %arg12[%dma_start3A_180] : memref<10240xf32, #tpu.memory_space<vmem_shared>> -> memref<10240xf32, #tpu.memory_space<vmem_shared>>
    tpu.enqueue_indirect_dma source(%arg15 : memref<128xf32, #tpu.memory_space<vmem>>) target(%dma_start3A_181 : memref<10240xf32, #tpu.memory_space<vmem_shared>>) offsets(%dma_start3A_179 : memref<128xi32, #tpu.memory_space<vmem>>) semaphore(%arg21 : memref<!tpu.dma_semaphore, #tpu.memory_space<semaphore_mem>>) {add = true}
    %dma_start3A_182 = arith.constant 14 : i32
    %dma_start3A_183 = arith.constant 0 : i32
    %dma_start3A_184 = tpu.memref_slice %arg14[%dma_start3A_182, %dma_start3A_183] : memref<40x128xi32, #tpu.memory_space<vmem>> -> memref<1x128xi32, #tpu.memory_space<vmem>>
    %dma_start3A_185 = tpu.memref_squeeze %dma_start3A_184 : memref<1x128xi32, #tpu.memory_space<vmem>> -> memref<128xi32, #tpu.memory_space<vmem>>
    %dma_start3A_186 = arith.constant 0 : i32
    %dma_start3A_187 = tpu.memref_slice %arg12[%dma_start3A_186] : memref<10240xf32, #tpu.memory_space<vmem_shared>> -> memref<10240xf32, #tpu.memory_space<vmem_shared>>
    tpu.enqueue_indirect_dma source(%arg15 : memref<128xf32, #tpu.memory_space<vmem>>) target(%dma_start3A_187 : memref<10240xf32, #tpu.memory_space<vmem_shared>>) offsets(%dma_start3A_185 : memref<128xi32, #tpu.memory_space<vmem>>) semaphore(%arg22 : memref<!tpu.dma_semaphore, #tpu.memory_space<semaphore_mem>>) {add = true}
    %dma_start3A_188 = arith.constant 15 : i32
    %dma_start3A_189 = arith.constant 0 : i32
    %dma_start3A_190 = tpu.memref_slice %arg13[%dma_start3A_188, %dma_start3A_189] : memref<40x128xi32, #tpu.memory_space<vmem>> -> memref<1x128xi32, #tpu.memory_space<vmem>>
    %dma_start3A_191 = tpu.memref_squeeze %dma_start3A_190 : memref<1x128xi32, #tpu.memory_space<vmem>> -> memref<128xi32, #tpu.memory_space<vmem>>
    %dma_start3A_192 = arith.constant 0 : i32
    %dma_start3A_193 = tpu.memref_slice %arg12[%dma_start3A_192] : memref<10240xf32, #tpu.memory_space<vmem_shared>> -> memref<10240xf32, #tpu.memory_space<vmem_shared>>
    tpu.enqueue_indirect_dma source(%arg15 : memref<128xf32, #tpu.memory_space<vmem>>) target(%dma_start3A_193 : memref<10240xf32, #tpu.memory_space<vmem_shared>>) offsets(%dma_start3A_191 : memref<128xi32, #tpu.memory_space<vmem>>) semaphore(%arg21 : memref<!tpu.dma_semaphore, #tpu.memory_space<semaphore_mem>>) {add = true}
    %dma_start3A_194 = arith.constant 15 : i32
    %dma_start3A_195 = arith.constant 0 : i32
    %dma_start3A_196 = tpu.memref_slice %arg14[%dma_start3A_194, %dma_start3A_195] : memref<40x128xi32, #tpu.memory_space<vmem>> -> memref<1x128xi32, #tpu.memory_space<vmem>>
    %dma_start3A_197 = tpu.memref_squeeze %dma_start3A_196 : memref<1x128xi32, #tpu.memory_space<vmem>> -> memref<128xi32, #tpu.memory_space<vmem>>
    %dma_start3A_198 = arith.constant 0 : i32
    %dma_start3A_199 = tpu.memref_slice %arg12[%dma_start3A_198] : memref<10240xf32, #tpu.memory_space<vmem_shared>> -> memref<10240xf32, #tpu.memory_space<vmem_shared>>
    tpu.enqueue_indirect_dma source(%arg15 : memref<128xf32, #tpu.memory_space<vmem>>) target(%dma_start3A_199 : memref<10240xf32, #tpu.memory_space<vmem_shared>>) offsets(%dma_start3A_197 : memref<128xi32, #tpu.memory_space<vmem>>) semaphore(%arg22 : memref<!tpu.dma_semaphore, #tpu.memory_space<semaphore_mem>>) {add = true}
    %dma_start3A_200 = arith.constant 16 : i32
    %dma_start3A_201 = arith.constant 0 : i32
    %dma_start3A_202 = tpu.memref_slice %arg13[%dma_start3A_200, %dma_start3A_201] : memref<40x128xi32, #tpu.memory_space<vmem>> -> memref<1x128xi32, #tpu.memory_space<vmem>>
    %dma_start3A_203 = tpu.memref_squeeze %dma_start3A_202 : memref<1x128xi32, #tpu.memory_space<vmem>> -> memref<128xi32, #tpu.memory_space<vmem>>
    %dma_start3A_204 = arith.constant 0 : i32
    %dma_start3A_205 = tpu.memref_slice %arg12[%dma_start3A_204] : memref<10240xf32, #tpu.memory_space<vmem_shared>> -> memref<10240xf32, #tpu.memory_space<vmem_shared>>
    tpu.enqueue_indirect_dma source(%arg15 : memref<128xf32, #tpu.memory_space<vmem>>) target(%dma_start3A_205 : memref<10240xf32, #tpu.memory_space<vmem_shared>>) offsets(%dma_start3A_203 : memref<128xi32, #tpu.memory_space<vmem>>) semaphore(%arg21 : memref<!tpu.dma_semaphore, #tpu.memory_space<semaphore_mem>>) {add = true}
    %dma_start3A_206 = arith.constant 16 : i32
    %dma_start3A_207 = arith.constant 0 : i32
    %dma_start3A_208 = tpu.memref_slice %arg14[%dma_start3A_206, %dma_start3A_207] : memref<40x128xi32, #tpu.memory_space<vmem>> -> memref<1x128xi32, #tpu.memory_space<vmem>>
    %dma_start3A_209 = tpu.memref_squeeze %dma_start3A_208 : memref<1x128xi32, #tpu.memory_space<vmem>> -> memref<128xi32, #tpu.memory_space<vmem>>
    %dma_start3A_210 = arith.constant 0 : i32
    %dma_start3A_211 = tpu.memref_slice %arg12[%dma_start3A_210] : memref<10240xf32, #tpu.memory_space<vmem_shared>> -> memref<10240xf32, #tpu.memory_space<vmem_shared>>
    tpu.enqueue_indirect_dma source(%arg15 : memref<128xf32, #tpu.memory_space<vmem>>) target(%dma_start3A_211 : memref<10240xf32, #tpu.memory_space<vmem_shared>>) offsets(%dma_start3A_209 : memref<128xi32, #tpu.memory_space<vmem>>) semaphore(%arg22 : memref<!tpu.dma_semaphore, #tpu.memory_space<semaphore_mem>>) {add = true}
    %dma_start3A_212 = arith.constant 17 : i32
    %dma_start3A_213 = arith.constant 0 : i32
    %dma_start3A_214 = tpu.memref_slice %arg13[%dma_start3A_212, %dma_start3A_213] : memref<40x128xi32, #tpu.memory_space<vmem>> -> memref<1x128xi32, #tpu.memory_space<vmem>>
    %dma_start3A_215 = tpu.memref_squeeze %dma_start3A_214 : memref<1x128xi32, #tpu.memory_space<vmem>> -> memref<128xi32, #tpu.memory_space<vmem>>
    %dma_start3A_216 = arith.constant 0 : i32
    %dma_start3A_217 = tpu.memref_slice %arg12[%dma_start3A_216] : memref<10240xf32, #tpu.memory_space<vmem_shared>> -> memref<10240xf32, #tpu.memory_space<vmem_shared>>
    tpu.enqueue_indirect_dma source(%arg15 : memref<128xf32, #tpu.memory_space<vmem>>) target(%dma_start3A_217 : memref<10240xf32, #tpu.memory_space<vmem_shared>>) offsets(%dma_start3A_215 : memref<128xi32, #tpu.memory_space<vmem>>) semaphore(%arg21 : memref<!tpu.dma_semaphore, #tpu.memory_space<semaphore_mem>>) {add = true}
    %dma_start3A_218 = arith.constant 17 : i32
    %dma_start3A_219 = arith.constant 0 : i32
    %dma_start3A_220 = tpu.memref_slice %arg14[%dma_start3A_218, %dma_start3A_219] : memref<40x128xi32, #tpu.memory_space<vmem>> -> memref<1x128xi32, #tpu.memory_space<vmem>>
    %dma_start3A_221 = tpu.memref_squeeze %dma_start3A_220 : memref<1x128xi32, #tpu.memory_space<vmem>> -> memref<128xi32, #tpu.memory_space<vmem>>
    %dma_start3A_222 = arith.constant 0 : i32
    %dma_start3A_223 = tpu.memref_slice %arg12[%dma_start3A_222] : memref<10240xf32, #tpu.memory_space<vmem_shared>> -> memref<10240xf32, #tpu.memory_space<vmem_shared>>
    tpu.enqueue_indirect_dma source(%arg15 : memref<128xf32, #tpu.memory_space<vmem>>) target(%dma_start3A_223 : memref<10240xf32, #tpu.memory_space<vmem_shared>>) offsets(%dma_start3A_221 : memref<128xi32, #tpu.memory_space<vmem>>) semaphore(%arg22 : memref<!tpu.dma_semaphore, #tpu.memory_space<semaphore_mem>>) {add = true}
    %dma_start3A_224 = arith.constant 18 : i32
    %dma_start3A_225 = arith.constant 0 : i32
    %dma_start3A_226 = tpu.memref_slice %arg13[%dma_start3A_224, %dma_start3A_225] : memref<40x128xi32, #tpu.memory_space<vmem>> -> memref<1x128xi32, #tpu.memory_space<vmem>>
    %dma_start3A_227 = tpu.memref_squeeze %dma_start3A_226 : memref<1x128xi32, #tpu.memory_space<vmem>> -> memref<128xi32, #tpu.memory_space<vmem>>
    %dma_start3A_228 = arith.constant 0 : i32
    %dma_start3A_229 = tpu.memref_slice %arg12[%dma_start3A_228] : memref<10240xf32, #tpu.memory_space<vmem_shared>> -> memref<10240xf32, #tpu.memory_space<vmem_shared>>
    tpu.enqueue_indirect_dma source(%arg15 : memref<128xf32, #tpu.memory_space<vmem>>) target(%dma_start3A_229 : memref<10240xf32, #tpu.memory_space<vmem_shared>>) offsets(%dma_start3A_227 : memref<128xi32, #tpu.memory_space<vmem>>) semaphore(%arg21 : memref<!tpu.dma_semaphore, #tpu.memory_space<semaphore_mem>>) {add = true}
    %dma_start3A_230 = arith.constant 18 : i32
    %dma_start3A_231 = arith.constant 0 : i32
    %dma_start3A_232 = tpu.memref_slice %arg14[%dma_start3A_230, %dma_start3A_231] : memref<40x128xi32, #tpu.memory_space<vmem>> -> memref<1x128xi32, #tpu.memory_space<vmem>>
    %dma_start3A_233 = tpu.memref_squeeze %dma_start3A_232 : memref<1x128xi32, #tpu.memory_space<vmem>> -> memref<128xi32, #tpu.memory_space<vmem>>
    %dma_start3A_234 = arith.constant 0 : i32
    %dma_start3A_235 = tpu.memref_slice %arg12[%dma_start3A_234] : memref<10240xf32, #tpu.memory_space<vmem_shared>> -> memref<10240xf32, #tpu.memory_space<vmem_shared>>
    tpu.enqueue_indirect_dma source(%arg15 : memref<128xf32, #tpu.memory_space<vmem>>) target(%dma_start3A_235 : memref<10240xf32, #tpu.memory_space<vmem_shared>>) offsets(%dma_start3A_233 : memref<128xi32, #tpu.memory_space<vmem>>) semaphore(%arg22 : memref<!tpu.dma_semaphore, #tpu.memory_space<semaphore_mem>>) {add = true}
    %dma_start3A_236 = arith.constant 19 : i32
    %dma_start3A_237 = arith.constant 0 : i32
    %dma_start3A_238 = tpu.memref_slice %arg13[%dma_start3A_236, %dma_start3A_237] : memref<40x128xi32, #tpu.memory_space<vmem>> -> memref<1x128xi32, #tpu.memory_space<vmem>>
    %dma_start3A_239 = tpu.memref_squeeze %dma_start3A_238 : memref<1x128xi32, #tpu.memory_space<vmem>> -> memref<128xi32, #tpu.memory_space<vmem>>
    %dma_start3A_240 = arith.constant 0 : i32
    %dma_start3A_241 = tpu.memref_slice %arg12[%dma_start3A_240] : memref<10240xf32, #tpu.memory_space<vmem_shared>> -> memref<10240xf32, #tpu.memory_space<vmem_shared>>
    tpu.enqueue_indirect_dma source(%arg15 : memref<128xf32, #tpu.memory_space<vmem>>) target(%dma_start3A_241 : memref<10240xf32, #tpu.memory_space<vmem_shared>>) offsets(%dma_start3A_239 : memref<128xi32, #tpu.memory_space<vmem>>) semaphore(%arg21 : memref<!tpu.dma_semaphore, #tpu.memory_space<semaphore_mem>>) {add = true}
    %dma_start3A_242 = arith.constant 19 : i32
    %dma_start3A_243 = arith.constant 0 : i32
    %dma_start3A_244 = tpu.memref_slice %arg14[%dma_start3A_242, %dma_start3A_243] : memref<40x128xi32, #tpu.memory_space<vmem>> -> memref<1x128xi32, #tpu.memory_space<vmem>>
    %dma_start3A_245 = tpu.memref_squeeze %dma_start3A_244 : memref<1x128xi32, #tpu.memory_space<vmem>> -> memref<128xi32, #tpu.memory_space<vmem>>
    %dma_start3A_246 = arith.constant 0 : i32
    %dma_start3A_247 = tpu.memref_slice %arg12[%dma_start3A_246] : memref<10240xf32, #tpu.memory_space<vmem_shared>> -> memref<10240xf32, #tpu.memory_space<vmem_shared>>
    tpu.enqueue_indirect_dma source(%arg15 : memref<128xf32, #tpu.memory_space<vmem>>) target(%dma_start3A_247 : memref<10240xf32, #tpu.memory_space<vmem_shared>>) offsets(%dma_start3A_245 : memref<128xi32, #tpu.memory_space<vmem>>) semaphore(%arg22 : memref<!tpu.dma_semaphore, #tpu.memory_space<semaphore_mem>>) {add = true}
    %dma_start3A_248 = arith.constant 20 : i32
    %dma_start3A_249 = arith.constant 0 : i32
    %dma_start3A_250 = tpu.memref_slice %arg13[%dma_start3A_248, %dma_start3A_249] : memref<40x128xi32, #tpu.memory_space<vmem>> -> memref<1x128xi32, #tpu.memory_space<vmem>>
    %dma_start3A_251 = tpu.memref_squeeze %dma_start3A_250 : memref<1x128xi32, #tpu.memory_space<vmem>> -> memref<128xi32, #tpu.memory_space<vmem>>
    %dma_start3A_252 = arith.constant 0 : i32
    %dma_start3A_253 = tpu.memref_slice %arg12[%dma_start3A_252] : memref<10240xf32, #tpu.memory_space<vmem_shared>> -> memref<10240xf32, #tpu.memory_space<vmem_shared>>
    tpu.enqueue_indirect_dma source(%arg15 : memref<128xf32, #tpu.memory_space<vmem>>) target(%dma_start3A_253 : memref<10240xf32, #tpu.memory_space<vmem_shared>>) offsets(%dma_start3A_251 : memref<128xi32, #tpu.memory_space<vmem>>) semaphore(%arg21 : memref<!tpu.dma_semaphore, #tpu.memory_space<semaphore_mem>>) {add = true}
    %dma_start3A_254 = arith.constant 20 : i32
    %dma_start3A_255 = arith.constant 0 : i32
    %dma_start3A_256 = tpu.memref_slice %arg14[%dma_start3A_254, %dma_start3A_255] : memref<40x128xi32, #tpu.memory_space<vmem>> -> memref<1x128xi32, #tpu.memory_space<vmem>>
    %dma_start3A_257 = tpu.memref_squeeze %dma_start3A_256 : memref<1x128xi32, #tpu.memory_space<vmem>> -> memref<128xi32, #tpu.memory_space<vmem>>
    %dma_start3A_258 = arith.constant 0 : i32
    %dma_start3A_259 = tpu.memref_slice %arg12[%dma_start3A_258] : memref<10240xf32, #tpu.memory_space<vmem_shared>> -> memref<10240xf32, #tpu.memory_space<vmem_shared>>
    tpu.enqueue_indirect_dma source(%arg15 : memref<128xf32, #tpu.memory_space<vmem>>) target(%dma_start3A_259 : memref<10240xf32, #tpu.memory_space<vmem_shared>>) offsets(%dma_start3A_257 : memref<128xi32, #tpu.memory_space<vmem>>) semaphore(%arg22 : memref<!tpu.dma_semaphore, #tpu.memory_space<semaphore_mem>>) {add = true}
    %dma_start3A_260 = arith.constant 21 : i32
    %dma_start3A_261 = arith.constant 0 : i32
    %dma_start3A_262 = tpu.memref_slice %arg13[%dma_start3A_260, %dma_start3A_261] : memref<40x128xi32, #tpu.memory_space<vmem>> -> memref<1x128xi32, #tpu.memory_space<vmem>>
    %dma_start3A_263 = tpu.memref_squeeze %dma_start3A_262 : memref<1x128xi32, #tpu.memory_space<vmem>> -> memref<128xi32, #tpu.memory_space<vmem>>
    %dma_start3A_264 = arith.constant 0 : i32
    %dma_start3A_265 = tpu.memref_slice %arg12[%dma_start3A_264] : memref<10240xf32, #tpu.memory_space<vmem_shared>> -> memref<10240xf32, #tpu.memory_space<vmem_shared>>
    tpu.enqueue_indirect_dma source(%arg15 : memref<128xf32, #tpu.memory_space<vmem>>) target(%dma_start3A_265 : memref<10240xf32, #tpu.memory_space<vmem_shared>>) offsets(%dma_start3A_263 : memref<128xi32, #tpu.memory_space<vmem>>) semaphore(%arg21 : memref<!tpu.dma_semaphore, #tpu.memory_space<semaphore_mem>>) {add = true}
    %dma_start3A_266 = arith.constant 21 : i32
    %dma_start3A_267 = arith.constant 0 : i32
    %dma_start3A_268 = tpu.memref_slice %arg14[%dma_start3A_266, %dma_start3A_267] : memref<40x128xi32, #tpu.memory_space<vmem>> -> memref<1x128xi32, #tpu.memory_space<vmem>>
    %dma_start3A_269 = tpu.memref_squeeze %dma_start3A_268 : memref<1x128xi32, #tpu.memory_space<vmem>> -> memref<128xi32, #tpu.memory_space<vmem>>
    %dma_start3A_270 = arith.constant 0 : i32
    %dma_start3A_271 = tpu.memref_slice %arg12[%dma_start3A_270] : memref<10240xf32, #tpu.memory_space<vmem_shared>> -> memref<10240xf32, #tpu.memory_space<vmem_shared>>
    tpu.enqueue_indirect_dma source(%arg15 : memref<128xf32, #tpu.memory_space<vmem>>) target(%dma_start3A_271 : memref<10240xf32, #tpu.memory_space<vmem_shared>>) offsets(%dma_start3A_269 : memref<128xi32, #tpu.memory_space<vmem>>) semaphore(%arg22 : memref<!tpu.dma_semaphore, #tpu.memory_space<semaphore_mem>>) {add = true}
    %dma_start3A_272 = arith.constant 22 : i32
    %dma_start3A_273 = arith.constant 0 : i32
    %dma_start3A_274 = tpu.memref_slice %arg13[%dma_start3A_272, %dma_start3A_273] : memref<40x128xi32, #tpu.memory_space<vmem>> -> memref<1x128xi32, #tpu.memory_space<vmem>>
    %dma_start3A_275 = tpu.memref_squeeze %dma_start3A_274 : memref<1x128xi32, #tpu.memory_space<vmem>> -> memref<128xi32, #tpu.memory_space<vmem>>
    %dma_start3A_276 = arith.constant 0 : i32
    %dma_start3A_277 = tpu.memref_slice %arg12[%dma_start3A_276] : memref<10240xf32, #tpu.memory_space<vmem_shared>> -> memref<10240xf32, #tpu.memory_space<vmem_shared>>
    tpu.enqueue_indirect_dma source(%arg15 : memref<128xf32, #tpu.memory_space<vmem>>) target(%dma_start3A_277 : memref<10240xf32, #tpu.memory_space<vmem_shared>>) offsets(%dma_start3A_275 : memref<128xi32, #tpu.memory_space<vmem>>) semaphore(%arg21 : memref<!tpu.dma_semaphore, #tpu.memory_space<semaphore_mem>>) {add = true}
    %dma_start3A_278 = arith.constant 22 : i32
    %dma_start3A_279 = arith.constant 0 : i32
    %dma_start3A_280 = tpu.memref_slice %arg14[%dma_start3A_278, %dma_start3A_279] : memref<40x128xi32, #tpu.memory_space<vmem>> -> memref<1x128xi32, #tpu.memory_space<vmem>>
    %dma_start3A_281 = tpu.memref_squeeze %dma_start3A_280 : memref<1x128xi32, #tpu.memory_space<vmem>> -> memref<128xi32, #tpu.memory_space<vmem>>
    %dma_start3A_282 = arith.constant 0 : i32
    %dma_start3A_283 = tpu.memref_slice %arg12[%dma_start3A_282] : memref<10240xf32, #tpu.memory_space<vmem_shared>> -> memref<10240xf32, #tpu.memory_space<vmem_shared>>
    tpu.enqueue_indirect_dma source(%arg15 : memref<128xf32, #tpu.memory_space<vmem>>) target(%dma_start3A_283 : memref<10240xf32, #tpu.memory_space<vmem_shared>>) offsets(%dma_start3A_281 : memref<128xi32, #tpu.memory_space<vmem>>) semaphore(%arg22 : memref<!tpu.dma_semaphore, #tpu.memory_space<semaphore_mem>>) {add = true}
    %dma_start3A_284 = arith.constant 23 : i32
    %dma_start3A_285 = arith.constant 0 : i32
    %dma_start3A_286 = tpu.memref_slice %arg13[%dma_start3A_284, %dma_start3A_285] : memref<40x128xi32, #tpu.memory_space<vmem>> -> memref<1x128xi32, #tpu.memory_space<vmem>>
    %dma_start3A_287 = tpu.memref_squeeze %dma_start3A_286 : memref<1x128xi32, #tpu.memory_space<vmem>> -> memref<128xi32, #tpu.memory_space<vmem>>
    %dma_start3A_288 = arith.constant 0 : i32
    %dma_start3A_289 = tpu.memref_slice %arg12[%dma_start3A_288] : memref<10240xf32, #tpu.memory_space<vmem_shared>> -> memref<10240xf32, #tpu.memory_space<vmem_shared>>
    tpu.enqueue_indirect_dma source(%arg15 : memref<128xf32, #tpu.memory_space<vmem>>) target(%dma_start3A_289 : memref<10240xf32, #tpu.memory_space<vmem_shared>>) offsets(%dma_start3A_287 : memref<128xi32, #tpu.memory_space<vmem>>) semaphore(%arg21 : memref<!tpu.dma_semaphore, #tpu.memory_space<semaphore_mem>>) {add = true}
    %dma_start3A_290 = arith.constant 23 : i32
    %dma_start3A_291 = arith.constant 0 : i32
    %dma_start3A_292 = tpu.memref_slice %arg14[%dma_start3A_290, %dma_start3A_291] : memref<40x128xi32, #tpu.memory_space<vmem>> -> memref<1x128xi32, #tpu.memory_space<vmem>>
    %dma_start3A_293 = tpu.memref_squeeze %dma_start3A_292 : memref<1x128xi32, #tpu.memory_space<vmem>> -> memref<128xi32, #tpu.memory_space<vmem>>
    %dma_start3A_294 = arith.constant 0 : i32
    %dma_start3A_295 = tpu.memref_slice %arg12[%dma_start3A_294] : memref<10240xf32, #tpu.memory_space<vmem_shared>> -> memref<10240xf32, #tpu.memory_space<vmem_shared>>
    tpu.enqueue_indirect_dma source(%arg15 : memref<128xf32, #tpu.memory_space<vmem>>) target(%dma_start3A_295 : memref<10240xf32, #tpu.memory_space<vmem_shared>>) offsets(%dma_start3A_293 : memref<128xi32, #tpu.memory_space<vmem>>) semaphore(%arg22 : memref<!tpu.dma_semaphore, #tpu.memory_space<semaphore_mem>>) {add = true}
    %dma_start3A_296 = arith.constant 24 : i32
    %dma_start3A_297 = arith.constant 0 : i32
    %dma_start3A_298 = tpu.memref_slice %arg13[%dma_start3A_296, %dma_start3A_297] : memref<40x128xi32, #tpu.memory_space<vmem>> -> memref<1x128xi32, #tpu.memory_space<vmem>>
    %dma_start3A_299 = tpu.memref_squeeze %dma_start3A_298 : memref<1x128xi32, #tpu.memory_space<vmem>> -> memref<128xi32, #tpu.memory_space<vmem>>
    %dma_start3A_300 = arith.constant 0 : i32
    %dma_start3A_301 = tpu.memref_slice %arg12[%dma_start3A_300] : memref<10240xf32, #tpu.memory_space<vmem_shared>> -> memref<10240xf32, #tpu.memory_space<vmem_shared>>
    tpu.enqueue_indirect_dma source(%arg15 : memref<128xf32, #tpu.memory_space<vmem>>) target(%dma_start3A_301 : memref<10240xf32, #tpu.memory_space<vmem_shared>>) offsets(%dma_start3A_299 : memref<128xi32, #tpu.memory_space<vmem>>) semaphore(%arg21 : memref<!tpu.dma_semaphore, #tpu.memory_space<semaphore_mem>>) {add = true}
    %dma_start3A_302 = arith.constant 24 : i32
    %dma_start3A_303 = arith.constant 0 : i32
    %dma_start3A_304 = tpu.memref_slice %arg14[%dma_start3A_302, %dma_start3A_303] : memref<40x128xi32, #tpu.memory_space<vmem>> -> memref<1x128xi32, #tpu.memory_space<vmem>>
    %dma_start3A_305 = tpu.memref_squeeze %dma_start3A_304 : memref<1x128xi32, #tpu.memory_space<vmem>> -> memref<128xi32, #tpu.memory_space<vmem>>
    %dma_start3A_306 = arith.constant 0 : i32
    %dma_start3A_307 = tpu.memref_slice %arg12[%dma_start3A_306] : memref<10240xf32, #tpu.memory_space<vmem_shared>> -> memref<10240xf32, #tpu.memory_space<vmem_shared>>
    tpu.enqueue_indirect_dma source(%arg15 : memref<128xf32, #tpu.memory_space<vmem>>) target(%dma_start3A_307 : memref<10240xf32, #tpu.memory_space<vmem_shared>>) offsets(%dma_start3A_305 : memref<128xi32, #tpu.memory_space<vmem>>) semaphore(%arg22 : memref<!tpu.dma_semaphore, #tpu.memory_space<semaphore_mem>>) {add = true}
    %dma_start3A_308 = arith.constant 25 : i32
    %dma_start3A_309 = arith.constant 0 : i32
    %dma_start3A_310 = tpu.memref_slice %arg13[%dma_start3A_308, %dma_start3A_309] : memref<40x128xi32, #tpu.memory_space<vmem>> -> memref<1x128xi32, #tpu.memory_space<vmem>>
    %dma_start3A_311 = tpu.memref_squeeze %dma_start3A_310 : memref<1x128xi32, #tpu.memory_space<vmem>> -> memref<128xi32, #tpu.memory_space<vmem>>
    %dma_start3A_312 = arith.constant 0 : i32
    %dma_start3A_313 = tpu.memref_slice %arg12[%dma_start3A_312] : memref<10240xf32, #tpu.memory_space<vmem_shared>> -> memref<10240xf32, #tpu.memory_space<vmem_shared>>
    tpu.enqueue_indirect_dma source(%arg15 : memref<128xf32, #tpu.memory_space<vmem>>) target(%dma_start3A_313 : memref<10240xf32, #tpu.memory_space<vmem_shared>>) offsets(%dma_start3A_311 : memref<128xi32, #tpu.memory_space<vmem>>) semaphore(%arg21 : memref<!tpu.dma_semaphore, #tpu.memory_space<semaphore_mem>>) {add = true}
    %dma_start3A_314 = arith.constant 25 : i32
    %dma_start3A_315 = arith.constant 0 : i32
    %dma_start3A_316 = tpu.memref_slice %arg14[%dma_start3A_314, %dma_start3A_315] : memref<40x128xi32, #tpu.memory_space<vmem>> -> memref<1x128xi32, #tpu.memory_space<vmem>>
    %dma_start3A_317 = tpu.memref_squeeze %dma_start3A_316 : memref<1x128xi32, #tpu.memory_space<vmem>> -> memref<128xi32, #tpu.memory_space<vmem>>
    %dma_start3A_318 = arith.constant 0 : i32
    %dma_start3A_319 = tpu.memref_slice %arg12[%dma_start3A_318] : memref<10240xf32, #tpu.memory_space<vmem_shared>> -> memref<10240xf32, #tpu.memory_space<vmem_shared>>
    tpu.enqueue_indirect_dma source(%arg15 : memref<128xf32, #tpu.memory_space<vmem>>) target(%dma_start3A_319 : memref<10240xf32, #tpu.memory_space<vmem_shared>>) offsets(%dma_start3A_317 : memref<128xi32, #tpu.memory_space<vmem>>) semaphore(%arg22 : memref<!tpu.dma_semaphore, #tpu.memory_space<semaphore_mem>>) {add = true}
    %dma_start3A_320 = arith.constant 26 : i32
    %dma_start3A_321 = arith.constant 0 : i32
    %dma_start3A_322 = tpu.memref_slice %arg13[%dma_start3A_320, %dma_start3A_321] : memref<40x128xi32, #tpu.memory_space<vmem>> -> memref<1x128xi32, #tpu.memory_space<vmem>>
    %dma_start3A_323 = tpu.memref_squeeze %dma_start3A_322 : memref<1x128xi32, #tpu.memory_space<vmem>> -> memref<128xi32, #tpu.memory_space<vmem>>
    %dma_start3A_324 = arith.constant 0 : i32
    %dma_start3A_325 = tpu.memref_slice %arg12[%dma_start3A_324] : memref<10240xf32, #tpu.memory_space<vmem_shared>> -> memref<10240xf32, #tpu.memory_space<vmem_shared>>
    tpu.enqueue_indirect_dma source(%arg15 : memref<128xf32, #tpu.memory_space<vmem>>) target(%dma_start3A_325 : memref<10240xf32, #tpu.memory_space<vmem_shared>>) offsets(%dma_start3A_323 : memref<128xi32, #tpu.memory_space<vmem>>) semaphore(%arg21 : memref<!tpu.dma_semaphore, #tpu.memory_space<semaphore_mem>>) {add = true}
    %dma_start3A_326 = arith.constant 26 : i32
    %dma_start3A_327 = arith.constant 0 : i32
    %dma_start3A_328 = tpu.memref_slice %arg14[%dma_start3A_326, %dma_start3A_327] : memref<40x128xi32, #tpu.memory_space<vmem>> -> memref<1x128xi32, #tpu.memory_space<vmem>>
    %dma_start3A_329 = tpu.memref_squeeze %dma_start3A_328 : memref<1x128xi32, #tpu.memory_space<vmem>> -> memref<128xi32, #tpu.memory_space<vmem>>
    %dma_start3A_330 = arith.constant 0 : i32
    %dma_start3A_331 = tpu.memref_slice %arg12[%dma_start3A_330] : memref<10240xf32, #tpu.memory_space<vmem_shared>> -> memref<10240xf32, #tpu.memory_space<vmem_shared>>
    tpu.enqueue_indirect_dma source(%arg15 : memref<128xf32, #tpu.memory_space<vmem>>) target(%dma_start3A_331 : memref<10240xf32, #tpu.memory_space<vmem_shared>>) offsets(%dma_start3A_329 : memref<128xi32, #tpu.memory_space<vmem>>) semaphore(%arg22 : memref<!tpu.dma_semaphore, #tpu.memory_space<semaphore_mem>>) {add = true}
    %dma_start3A_332 = arith.constant 27 : i32
    %dma_start3A_333 = arith.constant 0 : i32
    %dma_start3A_334 = tpu.memref_slice %arg13[%dma_start3A_332, %dma_start3A_333] : memref<40x128xi32, #tpu.memory_space<vmem>> -> memref<1x128xi32, #tpu.memory_space<vmem>>
    %dma_start3A_335 = tpu.memref_squeeze %dma_start3A_334 : memref<1x128xi32, #tpu.memory_space<vmem>> -> memref<128xi32, #tpu.memory_space<vmem>>
    %dma_start3A_336 = arith.constant 0 : i32
    %dma_start3A_337 = tpu.memref_slice %arg12[%dma_start3A_336] : memref<10240xf32, #tpu.memory_space<vmem_shared>> -> memref<10240xf32, #tpu.memory_space<vmem_shared>>
    tpu.enqueue_indirect_dma source(%arg15 : memref<128xf32, #tpu.memory_space<vmem>>) target(%dma_start3A_337 : memref<10240xf32, #tpu.memory_space<vmem_shared>>) offsets(%dma_start3A_335 : memref<128xi32, #tpu.memory_space<vmem>>) semaphore(%arg21 : memref<!tpu.dma_semaphore, #tpu.memory_space<semaphore_mem>>) {add = true}
    %dma_start3A_338 = arith.constant 27 : i32
    %dma_start3A_339 = arith.constant 0 : i32
    %dma_start3A_340 = tpu.memref_slice %arg14[%dma_start3A_338, %dma_start3A_339] : memref<40x128xi32, #tpu.memory_space<vmem>> -> memref<1x128xi32, #tpu.memory_space<vmem>>
    %dma_start3A_341 = tpu.memref_squeeze %dma_start3A_340 : memref<1x128xi32, #tpu.memory_space<vmem>> -> memref<128xi32, #tpu.memory_space<vmem>>
    %dma_start3A_342 = arith.constant 0 : i32
    %dma_start3A_343 = tpu.memref_slice %arg12[%dma_start3A_342] : memref<10240xf32, #tpu.memory_space<vmem_shared>> -> memref<10240xf32, #tpu.memory_space<vmem_shared>>
    tpu.enqueue_indirect_dma source(%arg15 : memref<128xf32, #tpu.memory_space<vmem>>) target(%dma_start3A_343 : memref<10240xf32, #tpu.memory_space<vmem_shared>>) offsets(%dma_start3A_341 : memref<128xi32, #tpu.memory_space<vmem>>) semaphore(%arg22 : memref<!tpu.dma_semaphore, #tpu.memory_space<semaphore_mem>>) {add = true}
    %dma_start3A_344 = arith.constant 28 : i32
    %dma_start3A_345 = arith.constant 0 : i32
    %dma_start3A_346 = tpu.memref_slice %arg13[%dma_start3A_344, %dma_start3A_345] : memref<40x128xi32, #tpu.memory_space<vmem>> -> memref<1x128xi32, #tpu.memory_space<vmem>>
    %dma_start3A_347 = tpu.memref_squeeze %dma_start3A_346 : memref<1x128xi32, #tpu.memory_space<vmem>> -> memref<128xi32, #tpu.memory_space<vmem>>
    %dma_start3A_348 = arith.constant 0 : i32
    %dma_start3A_349 = tpu.memref_slice %arg12[%dma_start3A_348] : memref<10240xf32, #tpu.memory_space<vmem_shared>> -> memref<10240xf32, #tpu.memory_space<vmem_shared>>
    tpu.enqueue_indirect_dma source(%arg15 : memref<128xf32, #tpu.memory_space<vmem>>) target(%dma_start3A_349 : memref<10240xf32, #tpu.memory_space<vmem_shared>>) offsets(%dma_start3A_347 : memref<128xi32, #tpu.memory_space<vmem>>) semaphore(%arg21 : memref<!tpu.dma_semaphore, #tpu.memory_space<semaphore_mem>>) {add = true}
    %dma_start3A_350 = arith.constant 28 : i32
    %dma_start3A_351 = arith.constant 0 : i32
    %dma_start3A_352 = tpu.memref_slice %arg14[%dma_start3A_350, %dma_start3A_351] : memref<40x128xi32, #tpu.memory_space<vmem>> -> memref<1x128xi32, #tpu.memory_space<vmem>>
    %dma_start3A_353 = tpu.memref_squeeze %dma_start3A_352 : memref<1x128xi32, #tpu.memory_space<vmem>> -> memref<128xi32, #tpu.memory_space<vmem>>
    %dma_start3A_354 = arith.constant 0 : i32
    %dma_start3A_355 = tpu.memref_slice %arg12[%dma_start3A_354] : memref<10240xf32, #tpu.memory_space<vmem_shared>> -> memref<10240xf32, #tpu.memory_space<vmem_shared>>
    tpu.enqueue_indirect_dma source(%arg15 : memref<128xf32, #tpu.memory_space<vmem>>) target(%dma_start3A_355 : memref<10240xf32, #tpu.memory_space<vmem_shared>>) offsets(%dma_start3A_353 : memref<128xi32, #tpu.memory_space<vmem>>) semaphore(%arg22 : memref<!tpu.dma_semaphore, #tpu.memory_space<semaphore_mem>>) {add = true}
    %dma_start3A_356 = arith.constant 29 : i32
    %dma_start3A_357 = arith.constant 0 : i32
    %dma_start3A_358 = tpu.memref_slice %arg13[%dma_start3A_356, %dma_start3A_357] : memref<40x128xi32, #tpu.memory_space<vmem>> -> memref<1x128xi32, #tpu.memory_space<vmem>>
    %dma_start3A_359 = tpu.memref_squeeze %dma_start3A_358 : memref<1x128xi32, #tpu.memory_space<vmem>> -> memref<128xi32, #tpu.memory_space<vmem>>
    %dma_start3A_360 = arith.constant 0 : i32
    %dma_start3A_361 = tpu.memref_slice %arg12[%dma_start3A_360] : memref<10240xf32, #tpu.memory_space<vmem_shared>> -> memref<10240xf32, #tpu.memory_space<vmem_shared>>
    tpu.enqueue_indirect_dma source(%arg15 : memref<128xf32, #tpu.memory_space<vmem>>) target(%dma_start3A_361 : memref<10240xf32, #tpu.memory_space<vmem_shared>>) offsets(%dma_start3A_359 : memref<128xi32, #tpu.memory_space<vmem>>) semaphore(%arg21 : memref<!tpu.dma_semaphore, #tpu.memory_space<semaphore_mem>>) {add = true}
    %dma_start3A_362 = arith.constant 29 : i32
    %dma_start3A_363 = arith.constant 0 : i32
    %dma_start3A_364 = tpu.memref_slice %arg14[%dma_start3A_362, %dma_start3A_363] : memref<40x128xi32, #tpu.memory_space<vmem>> -> memref<1x128xi32, #tpu.memory_space<vmem>>
    %dma_start3A_365 = tpu.memref_squeeze %dma_start3A_364 : memref<1x128xi32, #tpu.memory_space<vmem>> -> memref<128xi32, #tpu.memory_space<vmem>>
    %dma_start3A_366 = arith.constant 0 : i32
    %dma_start3A_367 = tpu.memref_slice %arg12[%dma_start3A_366] : memref<10240xf32, #tpu.memory_space<vmem_shared>> -> memref<10240xf32, #tpu.memory_space<vmem_shared>>
    tpu.enqueue_indirect_dma source(%arg15 : memref<128xf32, #tpu.memory_space<vmem>>) target(%dma_start3A_367 : memref<10240xf32, #tpu.memory_space<vmem_shared>>) offsets(%dma_start3A_365 : memref<128xi32, #tpu.memory_space<vmem>>) semaphore(%arg22 : memref<!tpu.dma_semaphore, #tpu.memory_space<semaphore_mem>>) {add = true}
    %dma_start3A_368 = arith.constant 30 : i32
    %dma_start3A_369 = arith.constant 0 : i32
    %dma_start3A_370 = tpu.memref_slice %arg13[%dma_start3A_368, %dma_start3A_369] : memref<40x128xi32, #tpu.memory_space<vmem>> -> memref<1x128xi32, #tpu.memory_space<vmem>>
    %dma_start3A_371 = tpu.memref_squeeze %dma_start3A_370 : memref<1x128xi32, #tpu.memory_space<vmem>> -> memref<128xi32, #tpu.memory_space<vmem>>
    %dma_start3A_372 = arith.constant 0 : i32
    %dma_start3A_373 = tpu.memref_slice %arg12[%dma_start3A_372] : memref<10240xf32, #tpu.memory_space<vmem_shared>> -> memref<10240xf32, #tpu.memory_space<vmem_shared>>
    tpu.enqueue_indirect_dma source(%arg15 : memref<128xf32, #tpu.memory_space<vmem>>) target(%dma_start3A_373 : memref<10240xf32, #tpu.memory_space<vmem_shared>>) offsets(%dma_start3A_371 : memref<128xi32, #tpu.memory_space<vmem>>) semaphore(%arg21 : memref<!tpu.dma_semaphore, #tpu.memory_space<semaphore_mem>>) {add = true}
    %dma_start3A_374 = arith.constant 30 : i32
    %dma_start3A_375 = arith.constant 0 : i32
    %dma_start3A_376 = tpu.memref_slice %arg14[%dma_start3A_374, %dma_start3A_375] : memref<40x128xi32, #tpu.memory_space<vmem>> -> memref<1x128xi32, #tpu.memory_space<vmem>>
    %dma_start3A_377 = tpu.memref_squeeze %dma_start3A_376 : memref<1x128xi32, #tpu.memory_space<vmem>> -> memref<128xi32, #tpu.memory_space<vmem>>
    %dma_start3A_378 = arith.constant 0 : i32
    %dma_start3A_379 = tpu.memref_slice %arg12[%dma_start3A_378] : memref<10240xf32, #tpu.memory_space<vmem_shared>> -> memref<10240xf32, #tpu.memory_space<vmem_shared>>
    tpu.enqueue_indirect_dma source(%arg15 : memref<128xf32, #tpu.memory_space<vmem>>) target(%dma_start3A_379 : memref<10240xf32, #tpu.memory_space<vmem_shared>>) offsets(%dma_start3A_377 : memref<128xi32, #tpu.memory_space<vmem>>) semaphore(%arg22 : memref<!tpu.dma_semaphore, #tpu.memory_space<semaphore_mem>>) {add = true}
    %dma_start3A_380 = arith.constant 31 : i32
    %dma_start3A_381 = arith.constant 0 : i32
    %dma_start3A_382 = tpu.memref_slice %arg13[%dma_start3A_380, %dma_start3A_381] : memref<40x128xi32, #tpu.memory_space<vmem>> -> memref<1x128xi32, #tpu.memory_space<vmem>>
    %dma_start3A_383 = tpu.memref_squeeze %dma_start3A_382 : memref<1x128xi32, #tpu.memory_space<vmem>> -> memref<128xi32, #tpu.memory_space<vmem>>
    %dma_start3A_384 = arith.constant 0 : i32
    %dma_start3A_385 = tpu.memref_slice %arg12[%dma_start3A_384] : memref<10240xf32, #tpu.memory_space<vmem_shared>> -> memref<10240xf32, #tpu.memory_space<vmem_shared>>
    tpu.enqueue_indirect_dma source(%arg15 : memref<128xf32, #tpu.memory_space<vmem>>) target(%dma_start3A_385 : memref<10240xf32, #tpu.memory_space<vmem_shared>>) offsets(%dma_start3A_383 : memref<128xi32, #tpu.memory_space<vmem>>) semaphore(%arg21 : memref<!tpu.dma_semaphore, #tpu.memory_space<semaphore_mem>>) {add = true}
    %dma_start3A_386 = arith.constant 31 : i32
    %dma_start3A_387 = arith.constant 0 : i32
    %dma_start3A_388 = tpu.memref_slice %arg14[%dma_start3A_386, %dma_start3A_387] : memref<40x128xi32, #tpu.memory_space<vmem>> -> memref<1x128xi32, #tpu.memory_space<vmem>>
    %dma_start3A_389 = tpu.memref_squeeze %dma_start3A_388 : memref<1x128xi32, #tpu.memory_space<vmem>> -> memref<128xi32, #tpu.memory_space<vmem>>
    %dma_start3A_390 = arith.constant 0 : i32
    %dma_start3A_391 = tpu.memref_slice %arg12[%dma_start3A_390] : memref<10240xf32, #tpu.memory_space<vmem_shared>> -> memref<10240xf32, #tpu.memory_space<vmem_shared>>
    tpu.enqueue_indirect_dma source(%arg15 : memref<128xf32, #tpu.memory_space<vmem>>) target(%dma_start3A_391 : memref<10240xf32, #tpu.memory_space<vmem_shared>>) offsets(%dma_start3A_389 : memref<128xi32, #tpu.memory_space<vmem>>) semaphore(%arg22 : memref<!tpu.dma_semaphore, #tpu.memory_space<semaphore_mem>>) {add = true}
    %dma_start3A_392 = arith.constant 32 : i32
    %dma_start3A_393 = arith.constant 0 : i32
    %dma_start3A_394 = tpu.memref_slice %arg13[%dma_start3A_392, %dma_start3A_393] : memref<40x128xi32, #tpu.memory_space<vmem>> -> memref<1x128xi32, #tpu.memory_space<vmem>>
    %dma_start3A_395 = tpu.memref_squeeze %dma_start3A_394 : memref<1x128xi32, #tpu.memory_space<vmem>> -> memref<128xi32, #tpu.memory_space<vmem>>
    %dma_start3A_396 = arith.constant 0 : i32
    %dma_start3A_397 = tpu.memref_slice %arg12[%dma_start3A_396] : memref<10240xf32, #tpu.memory_space<vmem_shared>> -> memref<10240xf32, #tpu.memory_space<vmem_shared>>
    tpu.enqueue_indirect_dma source(%arg15 : memref<128xf32, #tpu.memory_space<vmem>>) target(%dma_start3A_397 : memref<10240xf32, #tpu.memory_space<vmem_shared>>) offsets(%dma_start3A_395 : memref<128xi32, #tpu.memory_space<vmem>>) semaphore(%arg21 : memref<!tpu.dma_semaphore, #tpu.memory_space<semaphore_mem>>) {add = true}
    %dma_start3A_398 = arith.constant 32 : i32
    %dma_start3A_399 = arith.constant 0 : i32
    %dma_start3A_400 = tpu.memref_slice %arg14[%dma_start3A_398, %dma_start3A_399] : memref<40x128xi32, #tpu.memory_space<vmem>> -> memref<1x128xi32, #tpu.memory_space<vmem>>
    %dma_start3A_401 = tpu.memref_squeeze %dma_start3A_400 : memref<1x128xi32, #tpu.memory_space<vmem>> -> memref<128xi32, #tpu.memory_space<vmem>>
    %dma_start3A_402 = arith.constant 0 : i32
    %dma_start3A_403 = tpu.memref_slice %arg12[%dma_start3A_402] : memref<10240xf32, #tpu.memory_space<vmem_shared>> -> memref<10240xf32, #tpu.memory_space<vmem_shared>>
    tpu.enqueue_indirect_dma source(%arg15 : memref<128xf32, #tpu.memory_space<vmem>>) target(%dma_start3A_403 : memref<10240xf32, #tpu.memory_space<vmem_shared>>) offsets(%dma_start3A_401 : memref<128xi32, #tpu.memory_space<vmem>>) semaphore(%arg22 : memref<!tpu.dma_semaphore, #tpu.memory_space<semaphore_mem>>) {add = true}
    %dma_start3A_404 = arith.constant 33 : i32
    %dma_start3A_405 = arith.constant 0 : i32
    %dma_start3A_406 = tpu.memref_slice %arg13[%dma_start3A_404, %dma_start3A_405] : memref<40x128xi32, #tpu.memory_space<vmem>> -> memref<1x128xi32, #tpu.memory_space<vmem>>
    %dma_start3A_407 = tpu.memref_squeeze %dma_start3A_406 : memref<1x128xi32, #tpu.memory_space<vmem>> -> memref<128xi32, #tpu.memory_space<vmem>>
    %dma_start3A_408 = arith.constant 0 : i32
    %dma_start3A_409 = tpu.memref_slice %arg12[%dma_start3A_408] : memref<10240xf32, #tpu.memory_space<vmem_shared>> -> memref<10240xf32, #tpu.memory_space<vmem_shared>>
    tpu.enqueue_indirect_dma source(%arg15 : memref<128xf32, #tpu.memory_space<vmem>>) target(%dma_start3A_409 : memref<10240xf32, #tpu.memory_space<vmem_shared>>) offsets(%dma_start3A_407 : memref<128xi32, #tpu.memory_space<vmem>>) semaphore(%arg21 : memref<!tpu.dma_semaphore, #tpu.memory_space<semaphore_mem>>) {add = true}
    %dma_start3A_410 = arith.constant 33 : i32
    %dma_start3A_411 = arith.constant 0 : i32
    %dma_start3A_412 = tpu.memref_slice %arg14[%dma_start3A_410, %dma_start3A_411] : memref<40x128xi32, #tpu.memory_space<vmem>> -> memref<1x128xi32, #tpu.memory_space<vmem>>
    %dma_start3A_413 = tpu.memref_squeeze %dma_start3A_412 : memref<1x128xi32, #tpu.memory_space<vmem>> -> memref<128xi32, #tpu.memory_space<vmem>>
    %dma_start3A_414 = arith.constant 0 : i32
    %dma_start3A_415 = tpu.memref_slice %arg12[%dma_start3A_414] : memref<10240xf32, #tpu.memory_space<vmem_shared>> -> memref<10240xf32, #tpu.memory_space<vmem_shared>>
    tpu.enqueue_indirect_dma source(%arg15 : memref<128xf32, #tpu.memory_space<vmem>>) target(%dma_start3A_415 : memref<10240xf32, #tpu.memory_space<vmem_shared>>) offsets(%dma_start3A_413 : memref<128xi32, #tpu.memory_space<vmem>>) semaphore(%arg22 : memref<!tpu.dma_semaphore, #tpu.memory_space<semaphore_mem>>) {add = true}
    %dma_start3A_416 = arith.constant 34 : i32
    %dma_start3A_417 = arith.constant 0 : i32
    %dma_start3A_418 = tpu.memref_slice %arg13[%dma_start3A_416, %dma_start3A_417] : memref<40x128xi32, #tpu.memory_space<vmem>> -> memref<1x128xi32, #tpu.memory_space<vmem>>
    %dma_start3A_419 = tpu.memref_squeeze %dma_start3A_418 : memref<1x128xi32, #tpu.memory_space<vmem>> -> memref<128xi32, #tpu.memory_space<vmem>>
    %dma_start3A_420 = arith.constant 0 : i32
    %dma_start3A_421 = tpu.memref_slice %arg12[%dma_start3A_420] : memref<10240xf32, #tpu.memory_space<vmem_shared>> -> memref<10240xf32, #tpu.memory_space<vmem_shared>>
    tpu.enqueue_indirect_dma source(%arg15 : memref<128xf32, #tpu.memory_space<vmem>>) target(%dma_start3A_421 : memref<10240xf32, #tpu.memory_space<vmem_shared>>) offsets(%dma_start3A_419 : memref<128xi32, #tpu.memory_space<vmem>>) semaphore(%arg21 : memref<!tpu.dma_semaphore, #tpu.memory_space<semaphore_mem>>) {add = true}
    %dma_start3A_422 = arith.constant 34 : i32
    %dma_start3A_423 = arith.constant 0 : i32
    %dma_start3A_424 = tpu.memref_slice %arg14[%dma_start3A_422, %dma_start3A_423] : memref<40x128xi32, #tpu.memory_space<vmem>> -> memref<1x128xi32, #tpu.memory_space<vmem>>
    %dma_start3A_425 = tpu.memref_squeeze %dma_start3A_424 : memref<1x128xi32, #tpu.memory_space<vmem>> -> memref<128xi32, #tpu.memory_space<vmem>>
    %dma_start3A_426 = arith.constant 0 : i32
    %dma_start3A_427 = tpu.memref_slice %arg12[%dma_start3A_426] : memref<10240xf32, #tpu.memory_space<vmem_shared>> -> memref<10240xf32, #tpu.memory_space<vmem_shared>>
    tpu.enqueue_indirect_dma source(%arg15 : memref<128xf32, #tpu.memory_space<vmem>>) target(%dma_start3A_427 : memref<10240xf32, #tpu.memory_space<vmem_shared>>) offsets(%dma_start3A_425 : memref<128xi32, #tpu.memory_space<vmem>>) semaphore(%arg22 : memref<!tpu.dma_semaphore, #tpu.memory_space<semaphore_mem>>) {add = true}
    %dma_start3A_428 = arith.constant 35 : i32
    %dma_start3A_429 = arith.constant 0 : i32
    %dma_start3A_430 = tpu.memref_slice %arg13[%dma_start3A_428, %dma_start3A_429] : memref<40x128xi32, #tpu.memory_space<vmem>> -> memref<1x128xi32, #tpu.memory_space<vmem>>
    %dma_start3A_431 = tpu.memref_squeeze %dma_start3A_430 : memref<1x128xi32, #tpu.memory_space<vmem>> -> memref<128xi32, #tpu.memory_space<vmem>>
    %dma_start3A_432 = arith.constant 0 : i32
    %dma_start3A_433 = tpu.memref_slice %arg12[%dma_start3A_432] : memref<10240xf32, #tpu.memory_space<vmem_shared>> -> memref<10240xf32, #tpu.memory_space<vmem_shared>>
    tpu.enqueue_indirect_dma source(%arg15 : memref<128xf32, #tpu.memory_space<vmem>>) target(%dma_start3A_433 : memref<10240xf32, #tpu.memory_space<vmem_shared>>) offsets(%dma_start3A_431 : memref<128xi32, #tpu.memory_space<vmem>>) semaphore(%arg21 : memref<!tpu.dma_semaphore, #tpu.memory_space<semaphore_mem>>) {add = true}
    %dma_start3A_434 = arith.constant 35 : i32
    %dma_start3A_435 = arith.constant 0 : i32
    %dma_start3A_436 = tpu.memref_slice %arg14[%dma_start3A_434, %dma_start3A_435] : memref<40x128xi32, #tpu.memory_space<vmem>> -> memref<1x128xi32, #tpu.memory_space<vmem>>
    %dma_start3A_437 = tpu.memref_squeeze %dma_start3A_436 : memref<1x128xi32, #tpu.memory_space<vmem>> -> memref<128xi32, #tpu.memory_space<vmem>>
    %dma_start3A_438 = arith.constant 0 : i32
    %dma_start3A_439 = tpu.memref_slice %arg12[%dma_start3A_438] : memref<10240xf32, #tpu.memory_space<vmem_shared>> -> memref<10240xf32, #tpu.memory_space<vmem_shared>>
    tpu.enqueue_indirect_dma source(%arg15 : memref<128xf32, #tpu.memory_space<vmem>>) target(%dma_start3A_439 : memref<10240xf32, #tpu.memory_space<vmem_shared>>) offsets(%dma_start3A_437 : memref<128xi32, #tpu.memory_space<vmem>>) semaphore(%arg22 : memref<!tpu.dma_semaphore, #tpu.memory_space<semaphore_mem>>) {add = true}
    %dma_start3A_440 = arith.constant 36 : i32
    %dma_start3A_441 = arith.constant 0 : i32
    %dma_start3A_442 = tpu.memref_slice %arg13[%dma_start3A_440, %dma_start3A_441] : memref<40x128xi32, #tpu.memory_space<vmem>> -> memref<1x128xi32, #tpu.memory_space<vmem>>
    %dma_start3A_443 = tpu.memref_squeeze %dma_start3A_442 : memref<1x128xi32, #tpu.memory_space<vmem>> -> memref<128xi32, #tpu.memory_space<vmem>>
    %dma_start3A_444 = arith.constant 0 : i32
    %dma_start3A_445 = tpu.memref_slice %arg12[%dma_start3A_444] : memref<10240xf32, #tpu.memory_space<vmem_shared>> -> memref<10240xf32, #tpu.memory_space<vmem_shared>>
    tpu.enqueue_indirect_dma source(%arg15 : memref<128xf32, #tpu.memory_space<vmem>>) target(%dma_start3A_445 : memref<10240xf32, #tpu.memory_space<vmem_shared>>) offsets(%dma_start3A_443 : memref<128xi32, #tpu.memory_space<vmem>>) semaphore(%arg21 : memref<!tpu.dma_semaphore, #tpu.memory_space<semaphore_mem>>) {add = true}
    %dma_start3A_446 = arith.constant 36 : i32
    %dma_start3A_447 = arith.constant 0 : i32
    %dma_start3A_448 = tpu.memref_slice %arg14[%dma_start3A_446, %dma_start3A_447] : memref<40x128xi32, #tpu.memory_space<vmem>> -> memref<1x128xi32, #tpu.memory_space<vmem>>
    %dma_start3A_449 = tpu.memref_squeeze %dma_start3A_448 : memref<1x128xi32, #tpu.memory_space<vmem>> -> memref<128xi32, #tpu.memory_space<vmem>>
    %dma_start3A_450 = arith.constant 0 : i32
    %dma_start3A_451 = tpu.memref_slice %arg12[%dma_start3A_450] : memref<10240xf32, #tpu.memory_space<vmem_shared>> -> memref<10240xf32, #tpu.memory_space<vmem_shared>>
    tpu.enqueue_indirect_dma source(%arg15 : memref<128xf32, #tpu.memory_space<vmem>>) target(%dma_start3A_451 : memref<10240xf32, #tpu.memory_space<vmem_shared>>) offsets(%dma_start3A_449 : memref<128xi32, #tpu.memory_space<vmem>>) semaphore(%arg22 : memref<!tpu.dma_semaphore, #tpu.memory_space<semaphore_mem>>) {add = true}
    %dma_start3A_452 = arith.constant 37 : i32
    %dma_start3A_453 = arith.constant 0 : i32
    %dma_start3A_454 = tpu.memref_slice %arg13[%dma_start3A_452, %dma_start3A_453] : memref<40x128xi32, #tpu.memory_space<vmem>> -> memref<1x128xi32, #tpu.memory_space<vmem>>
    %dma_start3A_455 = tpu.memref_squeeze %dma_start3A_454 : memref<1x128xi32, #tpu.memory_space<vmem>> -> memref<128xi32, #tpu.memory_space<vmem>>
    %dma_start3A_456 = arith.constant 0 : i32
    %dma_start3A_457 = tpu.memref_slice %arg12[%dma_start3A_456] : memref<10240xf32, #tpu.memory_space<vmem_shared>> -> memref<10240xf32, #tpu.memory_space<vmem_shared>>
    tpu.enqueue_indirect_dma source(%arg15 : memref<128xf32, #tpu.memory_space<vmem>>) target(%dma_start3A_457 : memref<10240xf32, #tpu.memory_space<vmem_shared>>) offsets(%dma_start3A_455 : memref<128xi32, #tpu.memory_space<vmem>>) semaphore(%arg21 : memref<!tpu.dma_semaphore, #tpu.memory_space<semaphore_mem>>) {add = true}
    %dma_start3A_458 = arith.constant 37 : i32
    %dma_start3A_459 = arith.constant 0 : i32
    %dma_start3A_460 = tpu.memref_slice %arg14[%dma_start3A_458, %dma_start3A_459] : memref<40x128xi32, #tpu.memory_space<vmem>> -> memref<1x128xi32, #tpu.memory_space<vmem>>
    %dma_start3A_461 = tpu.memref_squeeze %dma_start3A_460 : memref<1x128xi32, #tpu.memory_space<vmem>> -> memref<128xi32, #tpu.memory_space<vmem>>
    %dma_start3A_462 = arith.constant 0 : i32
    %dma_start3A_463 = tpu.memref_slice %arg12[%dma_start3A_462] : memref<10240xf32, #tpu.memory_space<vmem_shared>> -> memref<10240xf32, #tpu.memory_space<vmem_shared>>
    tpu.enqueue_indirect_dma source(%arg15 : memref<128xf32, #tpu.memory_space<vmem>>) target(%dma_start3A_463 : memref<10240xf32, #tpu.memory_space<vmem_shared>>) offsets(%dma_start3A_461 : memref<128xi32, #tpu.memory_space<vmem>>) semaphore(%arg22 : memref<!tpu.dma_semaphore, #tpu.memory_space<semaphore_mem>>) {add = true}
    %dma_start3A_464 = arith.constant 38 : i32
    %dma_start3A_465 = arith.constant 0 : i32
    %dma_start3A_466 = tpu.memref_slice %arg13[%dma_start3A_464, %dma_start3A_465] : memref<40x128xi32, #tpu.memory_space<vmem>> -> memref<1x128xi32, #tpu.memory_space<vmem>>
    %dma_start3A_467 = tpu.memref_squeeze %dma_start3A_466 : memref<1x128xi32, #tpu.memory_space<vmem>> -> memref<128xi32, #tpu.memory_space<vmem>>
    %dma_start3A_468 = arith.constant 0 : i32
    %dma_start3A_469 = tpu.memref_slice %arg12[%dma_start3A_468] : memref<10240xf32, #tpu.memory_space<vmem_shared>> -> memref<10240xf32, #tpu.memory_space<vmem_shared>>
    tpu.enqueue_indirect_dma source(%arg15 : memref<128xf32, #tpu.memory_space<vmem>>) target(%dma_start3A_469 : memref<10240xf32, #tpu.memory_space<vmem_shared>>) offsets(%dma_start3A_467 : memref<128xi32, #tpu.memory_space<vmem>>) semaphore(%arg21 : memref<!tpu.dma_semaphore, #tpu.memory_space<semaphore_mem>>) {add = true}
    %dma_start3A_470 = arith.constant 38 : i32
    %dma_start3A_471 = arith.constant 0 : i32
    %dma_start3A_472 = tpu.memref_slice %arg14[%dma_start3A_470, %dma_start3A_471] : memref<40x128xi32, #tpu.memory_space<vmem>> -> memref<1x128xi32, #tpu.memory_space<vmem>>
    %dma_start3A_473 = tpu.memref_squeeze %dma_start3A_472 : memref<1x128xi32, #tpu.memory_space<vmem>> -> memref<128xi32, #tpu.memory_space<vmem>>
    %dma_start3A_474 = arith.constant 0 : i32
    %dma_start3A_475 = tpu.memref_slice %arg12[%dma_start3A_474] : memref<10240xf32, #tpu.memory_space<vmem_shared>> -> memref<10240xf32, #tpu.memory_space<vmem_shared>>
    tpu.enqueue_indirect_dma source(%arg15 : memref<128xf32, #tpu.memory_space<vmem>>) target(%dma_start3A_475 : memref<10240xf32, #tpu.memory_space<vmem_shared>>) offsets(%dma_start3A_473 : memref<128xi32, #tpu.memory_space<vmem>>) semaphore(%arg22 : memref<!tpu.dma_semaphore, #tpu.memory_space<semaphore_mem>>) {add = true}
    %dma_start3A_476 = arith.constant 39 : i32
    %dma_start3A_477 = arith.constant 0 : i32
    %dma_start3A_478 = tpu.memref_slice %arg13[%dma_start3A_476, %dma_start3A_477] : memref<40x128xi32, #tpu.memory_space<vmem>> -> memref<1x128xi32, #tpu.memory_space<vmem>>
    %dma_start3A_479 = tpu.memref_squeeze %dma_start3A_478 : memref<1x128xi32, #tpu.memory_space<vmem>> -> memref<128xi32, #tpu.memory_space<vmem>>
    %dma_start3A_480 = arith.constant 0 : i32
    %dma_start3A_481 = tpu.memref_slice %arg12[%dma_start3A_480] : memref<10240xf32, #tpu.memory_space<vmem_shared>> -> memref<10240xf32, #tpu.memory_space<vmem_shared>>
    tpu.enqueue_indirect_dma source(%arg15 : memref<128xf32, #tpu.memory_space<vmem>>) target(%dma_start3A_481 : memref<10240xf32, #tpu.memory_space<vmem_shared>>) offsets(%dma_start3A_479 : memref<128xi32, #tpu.memory_space<vmem>>) semaphore(%arg21 : memref<!tpu.dma_semaphore, #tpu.memory_space<semaphore_mem>>) {add = true}
    %dma_start3A_482 = arith.constant 39 : i32
    %dma_start3A_483 = arith.constant 0 : i32
    %dma_start3A_484 = tpu.memref_slice %arg14[%dma_start3A_482, %dma_start3A_483] : memref<40x128xi32, #tpu.memory_space<vmem>> -> memref<1x128xi32, #tpu.memory_space<vmem>>
    %dma_start3A_485 = tpu.memref_squeeze %dma_start3A_484 : memref<1x128xi32, #tpu.memory_space<vmem>> -> memref<128xi32, #tpu.memory_space<vmem>>
    %dma_start3A_486 = arith.constant 0 : i32
    %dma_start3A_487 = tpu.memref_slice %arg12[%dma_start3A_486] : memref<10240xf32, #tpu.memory_space<vmem_shared>> -> memref<10240xf32, #tpu.memory_space<vmem_shared>>
    tpu.enqueue_indirect_dma source(%arg15 : memref<128xf32, #tpu.memory_space<vmem>>) target(%dma_start3A_487 : memref<10240xf32, #tpu.memory_space<vmem_shared>>) offsets(%dma_start3A_485 : memref<128xi32, #tpu.memory_space<vmem>>) semaphore(%arg22 : memref<!tpu.dma_semaphore, #tpu.memory_space<semaphore_mem>>) {add = true}
    %dma_wait3A = arith.constant 0 : i32
    %dma_wait3A_488 = arith.constant 0 : i32
    %dma_wait3A_489 = tpu.memref_slice %arg13[%dma_wait3A, %dma_wait3A_488] : memref<40x128xi32, #tpu.memory_space<vmem>> -> memref<1x128xi32, #tpu.memory_space<vmem>>
    %dma_wait3A_490 = tpu.memref_squeeze %dma_wait3A_489 : memref<1x128xi32, #tpu.memory_space<vmem>> -> memref<128xi32, #tpu.memory_space<vmem>>
    %dma_wait3A_491 = arith.constant 0 : i32
    %dma_wait3A_492 = tpu.memref_slice %arg12[%dma_wait3A_491] : memref<10240xf32, #tpu.memory_space<vmem_shared>> -> memref<10240xf32, #tpu.memory_space<vmem_shared>>
    tpu.wait_indirect_dma semaphore(%arg21 : memref<!tpu.dma_semaphore, #tpu.memory_space<semaphore_mem>>) src(%arg15 : memref<128xf32, #tpu.memory_space<vmem>>) dst(%dma_wait3A_492 : memref<10240xf32, #tpu.memory_space<vmem_shared>>)
    %dma_wait3A_493 = arith.constant 0 : i32
    %dma_wait3A_494 = arith.constant 0 : i32
    %dma_wait3A_495 = tpu.memref_slice %arg14[%dma_wait3A_493, %dma_wait3A_494] : memref<40x128xi32, #tpu.memory_space<vmem>> -> memref<1x128xi32, #tpu.memory_space<vmem>>
    %dma_wait3A_496 = tpu.memref_squeeze %dma_wait3A_495 : memref<1x128xi32, #tpu.memory_space<vmem>> -> memref<128xi32, #tpu.memory_space<vmem>>
    %dma_wait3A_497 = arith.constant 0 : i32
    %dma_wait3A_498 = tpu.memref_slice %arg12[%dma_wait3A_497] : memref<10240xf32, #tpu.memory_space<vmem_shared>> -> memref<10240xf32, #tpu.memory_space<vmem_shared>>
    tpu.wait_indirect_dma semaphore(%arg22 : memref<!tpu.dma_semaphore, #tpu.memory_space<semaphore_mem>>) src(%arg15 : memref<128xf32, #tpu.memory_space<vmem>>) dst(%dma_wait3A_498 : memref<10240xf32, #tpu.memory_space<vmem_shared>>)
    %dma_wait3A_499 = arith.constant 1 : i32
    %dma_wait3A_500 = arith.constant 0 : i32
    %dma_wait3A_501 = tpu.memref_slice %arg13[%dma_wait3A_499, %dma_wait3A_500] : memref<40x128xi32, #tpu.memory_space<vmem>> -> memref<1x128xi32, #tpu.memory_space<vmem>>
    %dma_wait3A_502 = tpu.memref_squeeze %dma_wait3A_501 : memref<1x128xi32, #tpu.memory_space<vmem>> -> memref<128xi32, #tpu.memory_space<vmem>>
    %dma_wait3A_503 = arith.constant 0 : i32
    %dma_wait3A_504 = tpu.memref_slice %arg12[%dma_wait3A_503] : memref<10240xf32, #tpu.memory_space<vmem_shared>> -> memref<10240xf32, #tpu.memory_space<vmem_shared>>
    tpu.wait_indirect_dma semaphore(%arg21 : memref<!tpu.dma_semaphore, #tpu.memory_space<semaphore_mem>>) src(%arg15 : memref<128xf32, #tpu.memory_space<vmem>>) dst(%dma_wait3A_504 : memref<10240xf32, #tpu.memory_space<vmem_shared>>)
    %dma_wait3A_505 = arith.constant 1 : i32
    %dma_wait3A_506 = arith.constant 0 : i32
    %dma_wait3A_507 = tpu.memref_slice %arg14[%dma_wait3A_505, %dma_wait3A_506] : memref<40x128xi32, #tpu.memory_space<vmem>> -> memref<1x128xi32, #tpu.memory_space<vmem>>
    %dma_wait3A_508 = tpu.memref_squeeze %dma_wait3A_507 : memref<1x128xi32, #tpu.memory_space<vmem>> -> memref<128xi32, #tpu.memory_space<vmem>>
    %dma_wait3A_509 = arith.constant 0 : i32
    %dma_wait3A_510 = tpu.memref_slice %arg12[%dma_wait3A_509] : memref<10240xf32, #tpu.memory_space<vmem_shared>> -> memref<10240xf32, #tpu.memory_space<vmem_shared>>
    tpu.wait_indirect_dma semaphore(%arg22 : memref<!tpu.dma_semaphore, #tpu.memory_space<semaphore_mem>>) src(%arg15 : memref<128xf32, #tpu.memory_space<vmem>>) dst(%dma_wait3A_510 : memref<10240xf32, #tpu.memory_space<vmem_shared>>)
    %dma_wait3A_511 = arith.constant 2 : i32
    %dma_wait3A_512 = arith.constant 0 : i32
    %dma_wait3A_513 = tpu.memref_slice %arg13[%dma_wait3A_511, %dma_wait3A_512] : memref<40x128xi32, #tpu.memory_space<vmem>> -> memref<1x128xi32, #tpu.memory_space<vmem>>
    %dma_wait3A_514 = tpu.memref_squeeze %dma_wait3A_513 : memref<1x128xi32, #tpu.memory_space<vmem>> -> memref<128xi32, #tpu.memory_space<vmem>>
    %dma_wait3A_515 = arith.constant 0 : i32
    %dma_wait3A_516 = tpu.memref_slice %arg12[%dma_wait3A_515] : memref<10240xf32, #tpu.memory_space<vmem_shared>> -> memref<10240xf32, #tpu.memory_space<vmem_shared>>
    tpu.wait_indirect_dma semaphore(%arg21 : memref<!tpu.dma_semaphore, #tpu.memory_space<semaphore_mem>>) src(%arg15 : memref<128xf32, #tpu.memory_space<vmem>>) dst(%dma_wait3A_516 : memref<10240xf32, #tpu.memory_space<vmem_shared>>)
    %dma_wait3A_517 = arith.constant 2 : i32
    %dma_wait3A_518 = arith.constant 0 : i32
    %dma_wait3A_519 = tpu.memref_slice %arg14[%dma_wait3A_517, %dma_wait3A_518] : memref<40x128xi32, #tpu.memory_space<vmem>> -> memref<1x128xi32, #tpu.memory_space<vmem>>
    %dma_wait3A_520 = tpu.memref_squeeze %dma_wait3A_519 : memref<1x128xi32, #tpu.memory_space<vmem>> -> memref<128xi32, #tpu.memory_space<vmem>>
    %dma_wait3A_521 = arith.constant 0 : i32
    %dma_wait3A_522 = tpu.memref_slice %arg12[%dma_wait3A_521] : memref<10240xf32, #tpu.memory_space<vmem_shared>> -> memref<10240xf32, #tpu.memory_space<vmem_shared>>
    tpu.wait_indirect_dma semaphore(%arg22 : memref<!tpu.dma_semaphore, #tpu.memory_space<semaphore_mem>>) src(%arg15 : memref<128xf32, #tpu.memory_space<vmem>>) dst(%dma_wait3A_522 : memref<10240xf32, #tpu.memory_space<vmem_shared>>)
    %dma_wait3A_523 = arith.constant 3 : i32
    %dma_wait3A_524 = arith.constant 0 : i32
    %dma_wait3A_525 = tpu.memref_slice %arg13[%dma_wait3A_523, %dma_wait3A_524] : memref<40x128xi32, #tpu.memory_space<vmem>> -> memref<1x128xi32, #tpu.memory_space<vmem>>
    %dma_wait3A_526 = tpu.memref_squeeze %dma_wait3A_525 : memref<1x128xi32, #tpu.memory_space<vmem>> -> memref<128xi32, #tpu.memory_space<vmem>>
    %dma_wait3A_527 = arith.constant 0 : i32
    %dma_wait3A_528 = tpu.memref_slice %arg12[%dma_wait3A_527] : memref<10240xf32, #tpu.memory_space<vmem_shared>> -> memref<10240xf32, #tpu.memory_space<vmem_shared>>
    tpu.wait_indirect_dma semaphore(%arg21 : memref<!tpu.dma_semaphore, #tpu.memory_space<semaphore_mem>>) src(%arg15 : memref<128xf32, #tpu.memory_space<vmem>>) dst(%dma_wait3A_528 : memref<10240xf32, #tpu.memory_space<vmem_shared>>)
    %dma_wait3A_529 = arith.constant 3 : i32
    %dma_wait3A_530 = arith.constant 0 : i32
    %dma_wait3A_531 = tpu.memref_slice %arg14[%dma_wait3A_529, %dma_wait3A_530] : memref<40x128xi32, #tpu.memory_space<vmem>> -> memref<1x128xi32, #tpu.memory_space<vmem>>
    %dma_wait3A_532 = tpu.memref_squeeze %dma_wait3A_531 : memref<1x128xi32, #tpu.memory_space<vmem>> -> memref<128xi32, #tpu.memory_space<vmem>>
    %dma_wait3A_533 = arith.constant 0 : i32
    %dma_wait3A_534 = tpu.memref_slice %arg12[%dma_wait3A_533] : memref<10240xf32, #tpu.memory_space<vmem_shared>> -> memref<10240xf32, #tpu.memory_space<vmem_shared>>
    tpu.wait_indirect_dma semaphore(%arg22 : memref<!tpu.dma_semaphore, #tpu.memory_space<semaphore_mem>>) src(%arg15 : memref<128xf32, #tpu.memory_space<vmem>>) dst(%dma_wait3A_534 : memref<10240xf32, #tpu.memory_space<vmem_shared>>)
    %dma_wait3A_535 = arith.constant 4 : i32
    %dma_wait3A_536 = arith.constant 0 : i32
    %dma_wait3A_537 = tpu.memref_slice %arg13[%dma_wait3A_535, %dma_wait3A_536] : memref<40x128xi32, #tpu.memory_space<vmem>> -> memref<1x128xi32, #tpu.memory_space<vmem>>
    %dma_wait3A_538 = tpu.memref_squeeze %dma_wait3A_537 : memref<1x128xi32, #tpu.memory_space<vmem>> -> memref<128xi32, #tpu.memory_space<vmem>>
    %dma_wait3A_539 = arith.constant 0 : i32
    %dma_wait3A_540 = tpu.memref_slice %arg12[%dma_wait3A_539] : memref<10240xf32, #tpu.memory_space<vmem_shared>> -> memref<10240xf32, #tpu.memory_space<vmem_shared>>
    tpu.wait_indirect_dma semaphore(%arg21 : memref<!tpu.dma_semaphore, #tpu.memory_space<semaphore_mem>>) src(%arg15 : memref<128xf32, #tpu.memory_space<vmem>>) dst(%dma_wait3A_540 : memref<10240xf32, #tpu.memory_space<vmem_shared>>)
    %dma_wait3A_541 = arith.constant 4 : i32
    %dma_wait3A_542 = arith.constant 0 : i32
    %dma_wait3A_543 = tpu.memref_slice %arg14[%dma_wait3A_541, %dma_wait3A_542] : memref<40x128xi32, #tpu.memory_space<vmem>> -> memref<1x128xi32, #tpu.memory_space<vmem>>
    %dma_wait3A_544 = tpu.memref_squeeze %dma_wait3A_543 : memref<1x128xi32, #tpu.memory_space<vmem>> -> memref<128xi32, #tpu.memory_space<vmem>>
    %dma_wait3A_545 = arith.constant 0 : i32
    %dma_wait3A_546 = tpu.memref_slice %arg12[%dma_wait3A_545] : memref<10240xf32, #tpu.memory_space<vmem_shared>> -> memref<10240xf32, #tpu.memory_space<vmem_shared>>
    tpu.wait_indirect_dma semaphore(%arg22 : memref<!tpu.dma_semaphore, #tpu.memory_space<semaphore_mem>>) src(%arg15 : memref<128xf32, #tpu.memory_space<vmem>>) dst(%dma_wait3A_546 : memref<10240xf32, #tpu.memory_space<vmem_shared>>)
    %dma_wait3A_547 = arith.constant 5 : i32
    %dma_wait3A_548 = arith.constant 0 : i32
    %dma_wait3A_549 = tpu.memref_slice %arg13[%dma_wait3A_547, %dma_wait3A_548] : memref<40x128xi32, #tpu.memory_space<vmem>> -> memref<1x128xi32, #tpu.memory_space<vmem>>
    %dma_wait3A_550 = tpu.memref_squeeze %dma_wait3A_549 : memref<1x128xi32, #tpu.memory_space<vmem>> -> memref<128xi32, #tpu.memory_space<vmem>>
    %dma_wait3A_551 = arith.constant 0 : i32
    %dma_wait3A_552 = tpu.memref_slice %arg12[%dma_wait3A_551] : memref<10240xf32, #tpu.memory_space<vmem_shared>> -> memref<10240xf32, #tpu.memory_space<vmem_shared>>
    tpu.wait_indirect_dma semaphore(%arg21 : memref<!tpu.dma_semaphore, #tpu.memory_space<semaphore_mem>>) src(%arg15 : memref<128xf32, #tpu.memory_space<vmem>>) dst(%dma_wait3A_552 : memref<10240xf32, #tpu.memory_space<vmem_shared>>)
    %dma_wait3A_553 = arith.constant 5 : i32
    %dma_wait3A_554 = arith.constant 0 : i32
    %dma_wait3A_555 = tpu.memref_slice %arg14[%dma_wait3A_553, %dma_wait3A_554] : memref<40x128xi32, #tpu.memory_space<vmem>> -> memref<1x128xi32, #tpu.memory_space<vmem>>
    %dma_wait3A_556 = tpu.memref_squeeze %dma_wait3A_555 : memref<1x128xi32, #tpu.memory_space<vmem>> -> memref<128xi32, #tpu.memory_space<vmem>>
    %dma_wait3A_557 = arith.constant 0 : i32
    %dma_wait3A_558 = tpu.memref_slice %arg12[%dma_wait3A_557] : memref<10240xf32, #tpu.memory_space<vmem_shared>> -> memref<10240xf32, #tpu.memory_space<vmem_shared>>
    tpu.wait_indirect_dma semaphore(%arg22 : memref<!tpu.dma_semaphore, #tpu.memory_space<semaphore_mem>>) src(%arg15 : memref<128xf32, #tpu.memory_space<vmem>>) dst(%dma_wait3A_558 : memref<10240xf32, #tpu.memory_space<vmem_shared>>)
    %dma_wait3A_559 = arith.constant 6 : i32
    %dma_wait3A_560 = arith.constant 0 : i32
    %dma_wait3A_561 = tpu.memref_slice %arg13[%dma_wait3A_559, %dma_wait3A_560] : memref<40x128xi32, #tpu.memory_space<vmem>> -> memref<1x128xi32, #tpu.memory_space<vmem>>
    %dma_wait3A_562 = tpu.memref_squeeze %dma_wait3A_561 : memref<1x128xi32, #tpu.memory_space<vmem>> -> memref<128xi32, #tpu.memory_space<vmem>>
    %dma_wait3A_563 = arith.constant 0 : i32
    %dma_wait3A_564 = tpu.memref_slice %arg12[%dma_wait3A_563] : memref<10240xf32, #tpu.memory_space<vmem_shared>> -> memref<10240xf32, #tpu.memory_space<vmem_shared>>
    tpu.wait_indirect_dma semaphore(%arg21 : memref<!tpu.dma_semaphore, #tpu.memory_space<semaphore_mem>>) src(%arg15 : memref<128xf32, #tpu.memory_space<vmem>>) dst(%dma_wait3A_564 : memref<10240xf32, #tpu.memory_space<vmem_shared>>)
    %dma_wait3A_565 = arith.constant 6 : i32
    %dma_wait3A_566 = arith.constant 0 : i32
    %dma_wait3A_567 = tpu.memref_slice %arg14[%dma_wait3A_565, %dma_wait3A_566] : memref<40x128xi32, #tpu.memory_space<vmem>> -> memref<1x128xi32, #tpu.memory_space<vmem>>
    %dma_wait3A_568 = tpu.memref_squeeze %dma_wait3A_567 : memref<1x128xi32, #tpu.memory_space<vmem>> -> memref<128xi32, #tpu.memory_space<vmem>>
    %dma_wait3A_569 = arith.constant 0 : i32
    %dma_wait3A_570 = tpu.memref_slice %arg12[%dma_wait3A_569] : memref<10240xf32, #tpu.memory_space<vmem_shared>> -> memref<10240xf32, #tpu.memory_space<vmem_shared>>
    tpu.wait_indirect_dma semaphore(%arg22 : memref<!tpu.dma_semaphore, #tpu.memory_space<semaphore_mem>>) src(%arg15 : memref<128xf32, #tpu.memory_space<vmem>>) dst(%dma_wait3A_570 : memref<10240xf32, #tpu.memory_space<vmem_shared>>)
    %dma_wait3A_571 = arith.constant 7 : i32
    %dma_wait3A_572 = arith.constant 0 : i32
    %dma_wait3A_573 = tpu.memref_slice %arg13[%dma_wait3A_571, %dma_wait3A_572] : memref<40x128xi32, #tpu.memory_space<vmem>> -> memref<1x128xi32, #tpu.memory_space<vmem>>
    %dma_wait3A_574 = tpu.memref_squeeze %dma_wait3A_573 : memref<1x128xi32, #tpu.memory_space<vmem>> -> memref<128xi32, #tpu.memory_space<vmem>>
    %dma_wait3A_575 = arith.constant 0 : i32
    %dma_wait3A_576 = tpu.memref_slice %arg12[%dma_wait3A_575] : memref<10240xf32, #tpu.memory_space<vmem_shared>> -> memref<10240xf32, #tpu.memory_space<vmem_shared>>
    tpu.wait_indirect_dma semaphore(%arg21 : memref<!tpu.dma_semaphore, #tpu.memory_space<semaphore_mem>>) src(%arg15 : memref<128xf32, #tpu.memory_space<vmem>>) dst(%dma_wait3A_576 : memref<10240xf32, #tpu.memory_space<vmem_shared>>)
    %dma_wait3A_577 = arith.constant 7 : i32
    %dma_wait3A_578 = arith.constant 0 : i32
    %dma_wait3A_579 = tpu.memref_slice %arg14[%dma_wait3A_577, %dma_wait3A_578] : memref<40x128xi32, #tpu.memory_space<vmem>> -> memref<1x128xi32, #tpu.memory_space<vmem>>
    %dma_wait3A_580 = tpu.memref_squeeze %dma_wait3A_579 : memref<1x128xi32, #tpu.memory_space<vmem>> -> memref<128xi32, #tpu.memory_space<vmem>>
    %dma_wait3A_581 = arith.constant 0 : i32
    %dma_wait3A_582 = tpu.memref_slice %arg12[%dma_wait3A_581] : memref<10240xf32, #tpu.memory_space<vmem_shared>> -> memref<10240xf32, #tpu.memory_space<vmem_shared>>
    tpu.wait_indirect_dma semaphore(%arg22 : memref<!tpu.dma_semaphore, #tpu.memory_space<semaphore_mem>>) src(%arg15 : memref<128xf32, #tpu.memory_space<vmem>>) dst(%dma_wait3A_582 : memref<10240xf32, #tpu.memory_space<vmem_shared>>)
    %dma_wait3A_583 = arith.constant 8 : i32
    %dma_wait3A_584 = arith.constant 0 : i32
    %dma_wait3A_585 = tpu.memref_slice %arg13[%dma_wait3A_583, %dma_wait3A_584] : memref<40x128xi32, #tpu.memory_space<vmem>> -> memref<1x128xi32, #tpu.memory_space<vmem>>
    %dma_wait3A_586 = tpu.memref_squeeze %dma_wait3A_585 : memref<1x128xi32, #tpu.memory_space<vmem>> -> memref<128xi32, #tpu.memory_space<vmem>>
    %dma_wait3A_587 = arith.constant 0 : i32
    %dma_wait3A_588 = tpu.memref_slice %arg12[%dma_wait3A_587] : memref<10240xf32, #tpu.memory_space<vmem_shared>> -> memref<10240xf32, #tpu.memory_space<vmem_shared>>
    tpu.wait_indirect_dma semaphore(%arg21 : memref<!tpu.dma_semaphore, #tpu.memory_space<semaphore_mem>>) src(%arg15 : memref<128xf32, #tpu.memory_space<vmem>>) dst(%dma_wait3A_588 : memref<10240xf32, #tpu.memory_space<vmem_shared>>)
    %dma_wait3A_589 = arith.constant 8 : i32
    %dma_wait3A_590 = arith.constant 0 : i32
    %dma_wait3A_591 = tpu.memref_slice %arg14[%dma_wait3A_589, %dma_wait3A_590] : memref<40x128xi32, #tpu.memory_space<vmem>> -> memref<1x128xi32, #tpu.memory_space<vmem>>
    %dma_wait3A_592 = tpu.memref_squeeze %dma_wait3A_591 : memref<1x128xi32, #tpu.memory_space<vmem>> -> memref<128xi32, #tpu.memory_space<vmem>>
    %dma_wait3A_593 = arith.constant 0 : i32
    %dma_wait3A_594 = tpu.memref_slice %arg12[%dma_wait3A_593] : memref<10240xf32, #tpu.memory_space<vmem_shared>> -> memref<10240xf32, #tpu.memory_space<vmem_shared>>
    tpu.wait_indirect_dma semaphore(%arg22 : memref<!tpu.dma_semaphore, #tpu.memory_space<semaphore_mem>>) src(%arg15 : memref<128xf32, #tpu.memory_space<vmem>>) dst(%dma_wait3A_594 : memref<10240xf32, #tpu.memory_space<vmem_shared>>)
    %dma_wait3A_595 = arith.constant 9 : i32
    %dma_wait3A_596 = arith.constant 0 : i32
    %dma_wait3A_597 = tpu.memref_slice %arg13[%dma_wait3A_595, %dma_wait3A_596] : memref<40x128xi32, #tpu.memory_space<vmem>> -> memref<1x128xi32, #tpu.memory_space<vmem>>
    %dma_wait3A_598 = tpu.memref_squeeze %dma_wait3A_597 : memref<1x128xi32, #tpu.memory_space<vmem>> -> memref<128xi32, #tpu.memory_space<vmem>>
    %dma_wait3A_599 = arith.constant 0 : i32
    %dma_wait3A_600 = tpu.memref_slice %arg12[%dma_wait3A_599] : memref<10240xf32, #tpu.memory_space<vmem_shared>> -> memref<10240xf32, #tpu.memory_space<vmem_shared>>
    tpu.wait_indirect_dma semaphore(%arg21 : memref<!tpu.dma_semaphore, #tpu.memory_space<semaphore_mem>>) src(%arg15 : memref<128xf32, #tpu.memory_space<vmem>>) dst(%dma_wait3A_600 : memref<10240xf32, #tpu.memory_space<vmem_shared>>)
    %dma_wait3A_601 = arith.constant 9 : i32
    %dma_wait3A_602 = arith.constant 0 : i32
    %dma_wait3A_603 = tpu.memref_slice %arg14[%dma_wait3A_601, %dma_wait3A_602] : memref<40x128xi32, #tpu.memory_space<vmem>> -> memref<1x128xi32, #tpu.memory_space<vmem>>
    %dma_wait3A_604 = tpu.memref_squeeze %dma_wait3A_603 : memref<1x128xi32, #tpu.memory_space<vmem>> -> memref<128xi32, #tpu.memory_space<vmem>>
    %dma_wait3A_605 = arith.constant 0 : i32
    %dma_wait3A_606 = tpu.memref_slice %arg12[%dma_wait3A_605] : memref<10240xf32, #tpu.memory_space<vmem_shared>> -> memref<10240xf32, #tpu.memory_space<vmem_shared>>
    tpu.wait_indirect_dma semaphore(%arg22 : memref<!tpu.dma_semaphore, #tpu.memory_space<semaphore_mem>>) src(%arg15 : memref<128xf32, #tpu.memory_space<vmem>>) dst(%dma_wait3A_606 : memref<10240xf32, #tpu.memory_space<vmem_shared>>)
    %dma_wait3A_607 = arith.constant 10 : i32
    %dma_wait3A_608 = arith.constant 0 : i32
    %dma_wait3A_609 = tpu.memref_slice %arg13[%dma_wait3A_607, %dma_wait3A_608] : memref<40x128xi32, #tpu.memory_space<vmem>> -> memref<1x128xi32, #tpu.memory_space<vmem>>
    %dma_wait3A_610 = tpu.memref_squeeze %dma_wait3A_609 : memref<1x128xi32, #tpu.memory_space<vmem>> -> memref<128xi32, #tpu.memory_space<vmem>>
    %dma_wait3A_611 = arith.constant 0 : i32
    %dma_wait3A_612 = tpu.memref_slice %arg12[%dma_wait3A_611] : memref<10240xf32, #tpu.memory_space<vmem_shared>> -> memref<10240xf32, #tpu.memory_space<vmem_shared>>
    tpu.wait_indirect_dma semaphore(%arg21 : memref<!tpu.dma_semaphore, #tpu.memory_space<semaphore_mem>>) src(%arg15 : memref<128xf32, #tpu.memory_space<vmem>>) dst(%dma_wait3A_612 : memref<10240xf32, #tpu.memory_space<vmem_shared>>)
    %dma_wait3A_613 = arith.constant 10 : i32
    %dma_wait3A_614 = arith.constant 0 : i32
    %dma_wait3A_615 = tpu.memref_slice %arg14[%dma_wait3A_613, %dma_wait3A_614] : memref<40x128xi32, #tpu.memory_space<vmem>> -> memref<1x128xi32, #tpu.memory_space<vmem>>
    %dma_wait3A_616 = tpu.memref_squeeze %dma_wait3A_615 : memref<1x128xi32, #tpu.memory_space<vmem>> -> memref<128xi32, #tpu.memory_space<vmem>>
    %dma_wait3A_617 = arith.constant 0 : i32
    %dma_wait3A_618 = tpu.memref_slice %arg12[%dma_wait3A_617] : memref<10240xf32, #tpu.memory_space<vmem_shared>> -> memref<10240xf32, #tpu.memory_space<vmem_shared>>
    tpu.wait_indirect_dma semaphore(%arg22 : memref<!tpu.dma_semaphore, #tpu.memory_space<semaphore_mem>>) src(%arg15 : memref<128xf32, #tpu.memory_space<vmem>>) dst(%dma_wait3A_618 : memref<10240xf32, #tpu.memory_space<vmem_shared>>)
    %dma_wait3A_619 = arith.constant 11 : i32
    %dma_wait3A_620 = arith.constant 0 : i32
    %dma_wait3A_621 = tpu.memref_slice %arg13[%dma_wait3A_619, %dma_wait3A_620] : memref<40x128xi32, #tpu.memory_space<vmem>> -> memref<1x128xi32, #tpu.memory_space<vmem>>
    %dma_wait3A_622 = tpu.memref_squeeze %dma_wait3A_621 : memref<1x128xi32, #tpu.memory_space<vmem>> -> memref<128xi32, #tpu.memory_space<vmem>>
    %dma_wait3A_623 = arith.constant 0 : i32
    %dma_wait3A_624 = tpu.memref_slice %arg12[%dma_wait3A_623] : memref<10240xf32, #tpu.memory_space<vmem_shared>> -> memref<10240xf32, #tpu.memory_space<vmem_shared>>
    tpu.wait_indirect_dma semaphore(%arg21 : memref<!tpu.dma_semaphore, #tpu.memory_space<semaphore_mem>>) src(%arg15 : memref<128xf32, #tpu.memory_space<vmem>>) dst(%dma_wait3A_624 : memref<10240xf32, #tpu.memory_space<vmem_shared>>)
    %dma_wait3A_625 = arith.constant 11 : i32
    %dma_wait3A_626 = arith.constant 0 : i32
    %dma_wait3A_627 = tpu.memref_slice %arg14[%dma_wait3A_625, %dma_wait3A_626] : memref<40x128xi32, #tpu.memory_space<vmem>> -> memref<1x128xi32, #tpu.memory_space<vmem>>
    %dma_wait3A_628 = tpu.memref_squeeze %dma_wait3A_627 : memref<1x128xi32, #tpu.memory_space<vmem>> -> memref<128xi32, #tpu.memory_space<vmem>>
    %dma_wait3A_629 = arith.constant 0 : i32
    %dma_wait3A_630 = tpu.memref_slice %arg12[%dma_wait3A_629] : memref<10240xf32, #tpu.memory_space<vmem_shared>> -> memref<10240xf32, #tpu.memory_space<vmem_shared>>
    tpu.wait_indirect_dma semaphore(%arg22 : memref<!tpu.dma_semaphore, #tpu.memory_space<semaphore_mem>>) src(%arg15 : memref<128xf32, #tpu.memory_space<vmem>>) dst(%dma_wait3A_630 : memref<10240xf32, #tpu.memory_space<vmem_shared>>)
    %dma_wait3A_631 = arith.constant 12 : i32
    %dma_wait3A_632 = arith.constant 0 : i32
    %dma_wait3A_633 = tpu.memref_slice %arg13[%dma_wait3A_631, %dma_wait3A_632] : memref<40x128xi32, #tpu.memory_space<vmem>> -> memref<1x128xi32, #tpu.memory_space<vmem>>
    %dma_wait3A_634 = tpu.memref_squeeze %dma_wait3A_633 : memref<1x128xi32, #tpu.memory_space<vmem>> -> memref<128xi32, #tpu.memory_space<vmem>>
    %dma_wait3A_635 = arith.constant 0 : i32
    %dma_wait3A_636 = tpu.memref_slice %arg12[%dma_wait3A_635] : memref<10240xf32, #tpu.memory_space<vmem_shared>> -> memref<10240xf32, #tpu.memory_space<vmem_shared>>
    tpu.wait_indirect_dma semaphore(%arg21 : memref<!tpu.dma_semaphore, #tpu.memory_space<semaphore_mem>>) src(%arg15 : memref<128xf32, #tpu.memory_space<vmem>>) dst(%dma_wait3A_636 : memref<10240xf32, #tpu.memory_space<vmem_shared>>)
    %dma_wait3A_637 = arith.constant 12 : i32
    %dma_wait3A_638 = arith.constant 0 : i32
    %dma_wait3A_639 = tpu.memref_slice %arg14[%dma_wait3A_637, %dma_wait3A_638] : memref<40x128xi32, #tpu.memory_space<vmem>> -> memref<1x128xi32, #tpu.memory_space<vmem>>
    %dma_wait3A_640 = tpu.memref_squeeze %dma_wait3A_639 : memref<1x128xi32, #tpu.memory_space<vmem>> -> memref<128xi32, #tpu.memory_space<vmem>>
    %dma_wait3A_641 = arith.constant 0 : i32
    %dma_wait3A_642 = tpu.memref_slice %arg12[%dma_wait3A_641] : memref<10240xf32, #tpu.memory_space<vmem_shared>> -> memref<10240xf32, #tpu.memory_space<vmem_shared>>
    tpu.wait_indirect_dma semaphore(%arg22 : memref<!tpu.dma_semaphore, #tpu.memory_space<semaphore_mem>>) src(%arg15 : memref<128xf32, #tpu.memory_space<vmem>>) dst(%dma_wait3A_642 : memref<10240xf32, #tpu.memory_space<vmem_shared>>)
    %dma_wait3A_643 = arith.constant 13 : i32
    %dma_wait3A_644 = arith.constant 0 : i32
    %dma_wait3A_645 = tpu.memref_slice %arg13[%dma_wait3A_643, %dma_wait3A_644] : memref<40x128xi32, #tpu.memory_space<vmem>> -> memref<1x128xi32, #tpu.memory_space<vmem>>
    %dma_wait3A_646 = tpu.memref_squeeze %dma_wait3A_645 : memref<1x128xi32, #tpu.memory_space<vmem>> -> memref<128xi32, #tpu.memory_space<vmem>>
    %dma_wait3A_647 = arith.constant 0 : i32
    %dma_wait3A_648 = tpu.memref_slice %arg12[%dma_wait3A_647] : memref<10240xf32, #tpu.memory_space<vmem_shared>> -> memref<10240xf32, #tpu.memory_space<vmem_shared>>
    tpu.wait_indirect_dma semaphore(%arg21 : memref<!tpu.dma_semaphore, #tpu.memory_space<semaphore_mem>>) src(%arg15 : memref<128xf32, #tpu.memory_space<vmem>>) dst(%dma_wait3A_648 : memref<10240xf32, #tpu.memory_space<vmem_shared>>)
    %dma_wait3A_649 = arith.constant 13 : i32
    %dma_wait3A_650 = arith.constant 0 : i32
    %dma_wait3A_651 = tpu.memref_slice %arg14[%dma_wait3A_649, %dma_wait3A_650] : memref<40x128xi32, #tpu.memory_space<vmem>> -> memref<1x128xi32, #tpu.memory_space<vmem>>
    %dma_wait3A_652 = tpu.memref_squeeze %dma_wait3A_651 : memref<1x128xi32, #tpu.memory_space<vmem>> -> memref<128xi32, #tpu.memory_space<vmem>>
    %dma_wait3A_653 = arith.constant 0 : i32
    %dma_wait3A_654 = tpu.memref_slice %arg12[%dma_wait3A_653] : memref<10240xf32, #tpu.memory_space<vmem_shared>> -> memref<10240xf32, #tpu.memory_space<vmem_shared>>
    tpu.wait_indirect_dma semaphore(%arg22 : memref<!tpu.dma_semaphore, #tpu.memory_space<semaphore_mem>>) src(%arg15 : memref<128xf32, #tpu.memory_space<vmem>>) dst(%dma_wait3A_654 : memref<10240xf32, #tpu.memory_space<vmem_shared>>)
    %dma_wait3A_655 = arith.constant 14 : i32
    %dma_wait3A_656 = arith.constant 0 : i32
    %dma_wait3A_657 = tpu.memref_slice %arg13[%dma_wait3A_655, %dma_wait3A_656] : memref<40x128xi32, #tpu.memory_space<vmem>> -> memref<1x128xi32, #tpu.memory_space<vmem>>
    %dma_wait3A_658 = tpu.memref_squeeze %dma_wait3A_657 : memref<1x128xi32, #tpu.memory_space<vmem>> -> memref<128xi32, #tpu.memory_space<vmem>>
    %dma_wait3A_659 = arith.constant 0 : i32
    %dma_wait3A_660 = tpu.memref_slice %arg12[%dma_wait3A_659] : memref<10240xf32, #tpu.memory_space<vmem_shared>> -> memref<10240xf32, #tpu.memory_space<vmem_shared>>
    tpu.wait_indirect_dma semaphore(%arg21 : memref<!tpu.dma_semaphore, #tpu.memory_space<semaphore_mem>>) src(%arg15 : memref<128xf32, #tpu.memory_space<vmem>>) dst(%dma_wait3A_660 : memref<10240xf32, #tpu.memory_space<vmem_shared>>)
    %dma_wait3A_661 = arith.constant 14 : i32
    %dma_wait3A_662 = arith.constant 0 : i32
    %dma_wait3A_663 = tpu.memref_slice %arg14[%dma_wait3A_661, %dma_wait3A_662] : memref<40x128xi32, #tpu.memory_space<vmem>> -> memref<1x128xi32, #tpu.memory_space<vmem>>
    %dma_wait3A_664 = tpu.memref_squeeze %dma_wait3A_663 : memref<1x128xi32, #tpu.memory_space<vmem>> -> memref<128xi32, #tpu.memory_space<vmem>>
    %dma_wait3A_665 = arith.constant 0 : i32
    %dma_wait3A_666 = tpu.memref_slice %arg12[%dma_wait3A_665] : memref<10240xf32, #tpu.memory_space<vmem_shared>> -> memref<10240xf32, #tpu.memory_space<vmem_shared>>
    tpu.wait_indirect_dma semaphore(%arg22 : memref<!tpu.dma_semaphore, #tpu.memory_space<semaphore_mem>>) src(%arg15 : memref<128xf32, #tpu.memory_space<vmem>>) dst(%dma_wait3A_666 : memref<10240xf32, #tpu.memory_space<vmem_shared>>)
    %dma_wait3A_667 = arith.constant 15 : i32
    %dma_wait3A_668 = arith.constant 0 : i32
    %dma_wait3A_669 = tpu.memref_slice %arg13[%dma_wait3A_667, %dma_wait3A_668] : memref<40x128xi32, #tpu.memory_space<vmem>> -> memref<1x128xi32, #tpu.memory_space<vmem>>
    %dma_wait3A_670 = tpu.memref_squeeze %dma_wait3A_669 : memref<1x128xi32, #tpu.memory_space<vmem>> -> memref<128xi32, #tpu.memory_space<vmem>>
    %dma_wait3A_671 = arith.constant 0 : i32
    %dma_wait3A_672 = tpu.memref_slice %arg12[%dma_wait3A_671] : memref<10240xf32, #tpu.memory_space<vmem_shared>> -> memref<10240xf32, #tpu.memory_space<vmem_shared>>
    tpu.wait_indirect_dma semaphore(%arg21 : memref<!tpu.dma_semaphore, #tpu.memory_space<semaphore_mem>>) src(%arg15 : memref<128xf32, #tpu.memory_space<vmem>>) dst(%dma_wait3A_672 : memref<10240xf32, #tpu.memory_space<vmem_shared>>)
    %dma_wait3A_673 = arith.constant 15 : i32
    %dma_wait3A_674 = arith.constant 0 : i32
    %dma_wait3A_675 = tpu.memref_slice %arg14[%dma_wait3A_673, %dma_wait3A_674] : memref<40x128xi32, #tpu.memory_space<vmem>> -> memref<1x128xi32, #tpu.memory_space<vmem>>
    %dma_wait3A_676 = tpu.memref_squeeze %dma_wait3A_675 : memref<1x128xi32, #tpu.memory_space<vmem>> -> memref<128xi32, #tpu.memory_space<vmem>>
    %dma_wait3A_677 = arith.constant 0 : i32
    %dma_wait3A_678 = tpu.memref_slice %arg12[%dma_wait3A_677] : memref<10240xf32, #tpu.memory_space<vmem_shared>> -> memref<10240xf32, #tpu.memory_space<vmem_shared>>
    tpu.wait_indirect_dma semaphore(%arg22 : memref<!tpu.dma_semaphore, #tpu.memory_space<semaphore_mem>>) src(%arg15 : memref<128xf32, #tpu.memory_space<vmem>>) dst(%dma_wait3A_678 : memref<10240xf32, #tpu.memory_space<vmem_shared>>)
    %dma_wait3A_679 = arith.constant 16 : i32
    %dma_wait3A_680 = arith.constant 0 : i32
    %dma_wait3A_681 = tpu.memref_slice %arg13[%dma_wait3A_679, %dma_wait3A_680] : memref<40x128xi32, #tpu.memory_space<vmem>> -> memref<1x128xi32, #tpu.memory_space<vmem>>
    %dma_wait3A_682 = tpu.memref_squeeze %dma_wait3A_681 : memref<1x128xi32, #tpu.memory_space<vmem>> -> memref<128xi32, #tpu.memory_space<vmem>>
    %dma_wait3A_683 = arith.constant 0 : i32
    %dma_wait3A_684 = tpu.memref_slice %arg12[%dma_wait3A_683] : memref<10240xf32, #tpu.memory_space<vmem_shared>> -> memref<10240xf32, #tpu.memory_space<vmem_shared>>
    tpu.wait_indirect_dma semaphore(%arg21 : memref<!tpu.dma_semaphore, #tpu.memory_space<semaphore_mem>>) src(%arg15 : memref<128xf32, #tpu.memory_space<vmem>>) dst(%dma_wait3A_684 : memref<10240xf32, #tpu.memory_space<vmem_shared>>)
    %dma_wait3A_685 = arith.constant 16 : i32
    %dma_wait3A_686 = arith.constant 0 : i32
    %dma_wait3A_687 = tpu.memref_slice %arg14[%dma_wait3A_685, %dma_wait3A_686] : memref<40x128xi32, #tpu.memory_space<vmem>> -> memref<1x128xi32, #tpu.memory_space<vmem>>
    %dma_wait3A_688 = tpu.memref_squeeze %dma_wait3A_687 : memref<1x128xi32, #tpu.memory_space<vmem>> -> memref<128xi32, #tpu.memory_space<vmem>>
    %dma_wait3A_689 = arith.constant 0 : i32
    %dma_wait3A_690 = tpu.memref_slice %arg12[%dma_wait3A_689] : memref<10240xf32, #tpu.memory_space<vmem_shared>> -> memref<10240xf32, #tpu.memory_space<vmem_shared>>
    tpu.wait_indirect_dma semaphore(%arg22 : memref<!tpu.dma_semaphore, #tpu.memory_space<semaphore_mem>>) src(%arg15 : memref<128xf32, #tpu.memory_space<vmem>>) dst(%dma_wait3A_690 : memref<10240xf32, #tpu.memory_space<vmem_shared>>)
    %dma_wait3A_691 = arith.constant 17 : i32
    %dma_wait3A_692 = arith.constant 0 : i32
    %dma_wait3A_693 = tpu.memref_slice %arg13[%dma_wait3A_691, %dma_wait3A_692] : memref<40x128xi32, #tpu.memory_space<vmem>> -> memref<1x128xi32, #tpu.memory_space<vmem>>
    %dma_wait3A_694 = tpu.memref_squeeze %dma_wait3A_693 : memref<1x128xi32, #tpu.memory_space<vmem>> -> memref<128xi32, #tpu.memory_space<vmem>>
    %dma_wait3A_695 = arith.constant 0 : i32
    %dma_wait3A_696 = tpu.memref_slice %arg12[%dma_wait3A_695] : memref<10240xf32, #tpu.memory_space<vmem_shared>> -> memref<10240xf32, #tpu.memory_space<vmem_shared>>
    tpu.wait_indirect_dma semaphore(%arg21 : memref<!tpu.dma_semaphore, #tpu.memory_space<semaphore_mem>>) src(%arg15 : memref<128xf32, #tpu.memory_space<vmem>>) dst(%dma_wait3A_696 : memref<10240xf32, #tpu.memory_space<vmem_shared>>)
    %dma_wait3A_697 = arith.constant 17 : i32
    %dma_wait3A_698 = arith.constant 0 : i32
    %dma_wait3A_699 = tpu.memref_slice %arg14[%dma_wait3A_697, %dma_wait3A_698] : memref<40x128xi32, #tpu.memory_space<vmem>> -> memref<1x128xi32, #tpu.memory_space<vmem>>
    %dma_wait3A_700 = tpu.memref_squeeze %dma_wait3A_699 : memref<1x128xi32, #tpu.memory_space<vmem>> -> memref<128xi32, #tpu.memory_space<vmem>>
    %dma_wait3A_701 = arith.constant 0 : i32
    %dma_wait3A_702 = tpu.memref_slice %arg12[%dma_wait3A_701] : memref<10240xf32, #tpu.memory_space<vmem_shared>> -> memref<10240xf32, #tpu.memory_space<vmem_shared>>
    tpu.wait_indirect_dma semaphore(%arg22 : memref<!tpu.dma_semaphore, #tpu.memory_space<semaphore_mem>>) src(%arg15 : memref<128xf32, #tpu.memory_space<vmem>>) dst(%dma_wait3A_702 : memref<10240xf32, #tpu.memory_space<vmem_shared>>)
    %dma_wait3A_703 = arith.constant 18 : i32
    %dma_wait3A_704 = arith.constant 0 : i32
    %dma_wait3A_705 = tpu.memref_slice %arg13[%dma_wait3A_703, %dma_wait3A_704] : memref<40x128xi32, #tpu.memory_space<vmem>> -> memref<1x128xi32, #tpu.memory_space<vmem>>
    %dma_wait3A_706 = tpu.memref_squeeze %dma_wait3A_705 : memref<1x128xi32, #tpu.memory_space<vmem>> -> memref<128xi32, #tpu.memory_space<vmem>>
    %dma_wait3A_707 = arith.constant 0 : i32
    %dma_wait3A_708 = tpu.memref_slice %arg12[%dma_wait3A_707] : memref<10240xf32, #tpu.memory_space<vmem_shared>> -> memref<10240xf32, #tpu.memory_space<vmem_shared>>
    tpu.wait_indirect_dma semaphore(%arg21 : memref<!tpu.dma_semaphore, #tpu.memory_space<semaphore_mem>>) src(%arg15 : memref<128xf32, #tpu.memory_space<vmem>>) dst(%dma_wait3A_708 : memref<10240xf32, #tpu.memory_space<vmem_shared>>)
    %dma_wait3A_709 = arith.constant 18 : i32
    %dma_wait3A_710 = arith.constant 0 : i32
    %dma_wait3A_711 = tpu.memref_slice %arg14[%dma_wait3A_709, %dma_wait3A_710] : memref<40x128xi32, #tpu.memory_space<vmem>> -> memref<1x128xi32, #tpu.memory_space<vmem>>
    %dma_wait3A_712 = tpu.memref_squeeze %dma_wait3A_711 : memref<1x128xi32, #tpu.memory_space<vmem>> -> memref<128xi32, #tpu.memory_space<vmem>>
    %dma_wait3A_713 = arith.constant 0 : i32
    %dma_wait3A_714 = tpu.memref_slice %arg12[%dma_wait3A_713] : memref<10240xf32, #tpu.memory_space<vmem_shared>> -> memref<10240xf32, #tpu.memory_space<vmem_shared>>
    tpu.wait_indirect_dma semaphore(%arg22 : memref<!tpu.dma_semaphore, #tpu.memory_space<semaphore_mem>>) src(%arg15 : memref<128xf32, #tpu.memory_space<vmem>>) dst(%dma_wait3A_714 : memref<10240xf32, #tpu.memory_space<vmem_shared>>)
    %dma_wait3A_715 = arith.constant 19 : i32
    %dma_wait3A_716 = arith.constant 0 : i32
    %dma_wait3A_717 = tpu.memref_slice %arg13[%dma_wait3A_715, %dma_wait3A_716] : memref<40x128xi32, #tpu.memory_space<vmem>> -> memref<1x128xi32, #tpu.memory_space<vmem>>
    %dma_wait3A_718 = tpu.memref_squeeze %dma_wait3A_717 : memref<1x128xi32, #tpu.memory_space<vmem>> -> memref<128xi32, #tpu.memory_space<vmem>>
    %dma_wait3A_719 = arith.constant 0 : i32
    %dma_wait3A_720 = tpu.memref_slice %arg12[%dma_wait3A_719] : memref<10240xf32, #tpu.memory_space<vmem_shared>> -> memref<10240xf32, #tpu.memory_space<vmem_shared>>
    tpu.wait_indirect_dma semaphore(%arg21 : memref<!tpu.dma_semaphore, #tpu.memory_space<semaphore_mem>>) src(%arg15 : memref<128xf32, #tpu.memory_space<vmem>>) dst(%dma_wait3A_720 : memref<10240xf32, #tpu.memory_space<vmem_shared>>)
    %dma_wait3A_721 = arith.constant 19 : i32
    %dma_wait3A_722 = arith.constant 0 : i32
    %dma_wait3A_723 = tpu.memref_slice %arg14[%dma_wait3A_721, %dma_wait3A_722] : memref<40x128xi32, #tpu.memory_space<vmem>> -> memref<1x128xi32, #tpu.memory_space<vmem>>
    %dma_wait3A_724 = tpu.memref_squeeze %dma_wait3A_723 : memref<1x128xi32, #tpu.memory_space<vmem>> -> memref<128xi32, #tpu.memory_space<vmem>>
    %dma_wait3A_725 = arith.constant 0 : i32
    %dma_wait3A_726 = tpu.memref_slice %arg12[%dma_wait3A_725] : memref<10240xf32, #tpu.memory_space<vmem_shared>> -> memref<10240xf32, #tpu.memory_space<vmem_shared>>
    tpu.wait_indirect_dma semaphore(%arg22 : memref<!tpu.dma_semaphore, #tpu.memory_space<semaphore_mem>>) src(%arg15 : memref<128xf32, #tpu.memory_space<vmem>>) dst(%dma_wait3A_726 : memref<10240xf32, #tpu.memory_space<vmem_shared>>)
    %dma_wait3A_727 = arith.constant 20 : i32
    %dma_wait3A_728 = arith.constant 0 : i32
    %dma_wait3A_729 = tpu.memref_slice %arg13[%dma_wait3A_727, %dma_wait3A_728] : memref<40x128xi32, #tpu.memory_space<vmem>> -> memref<1x128xi32, #tpu.memory_space<vmem>>
    %dma_wait3A_730 = tpu.memref_squeeze %dma_wait3A_729 : memref<1x128xi32, #tpu.memory_space<vmem>> -> memref<128xi32, #tpu.memory_space<vmem>>
    %dma_wait3A_731 = arith.constant 0 : i32
    %dma_wait3A_732 = tpu.memref_slice %arg12[%dma_wait3A_731] : memref<10240xf32, #tpu.memory_space<vmem_shared>> -> memref<10240xf32, #tpu.memory_space<vmem_shared>>
    tpu.wait_indirect_dma semaphore(%arg21 : memref<!tpu.dma_semaphore, #tpu.memory_space<semaphore_mem>>) src(%arg15 : memref<128xf32, #tpu.memory_space<vmem>>) dst(%dma_wait3A_732 : memref<10240xf32, #tpu.memory_space<vmem_shared>>)
    %dma_wait3A_733 = arith.constant 20 : i32
    %dma_wait3A_734 = arith.constant 0 : i32
    %dma_wait3A_735 = tpu.memref_slice %arg14[%dma_wait3A_733, %dma_wait3A_734] : memref<40x128xi32, #tpu.memory_space<vmem>> -> memref<1x128xi32, #tpu.memory_space<vmem>>
    %dma_wait3A_736 = tpu.memref_squeeze %dma_wait3A_735 : memref<1x128xi32, #tpu.memory_space<vmem>> -> memref<128xi32, #tpu.memory_space<vmem>>
    %dma_wait3A_737 = arith.constant 0 : i32
    %dma_wait3A_738 = tpu.memref_slice %arg12[%dma_wait3A_737] : memref<10240xf32, #tpu.memory_space<vmem_shared>> -> memref<10240xf32, #tpu.memory_space<vmem_shared>>
    tpu.wait_indirect_dma semaphore(%arg22 : memref<!tpu.dma_semaphore, #tpu.memory_space<semaphore_mem>>) src(%arg15 : memref<128xf32, #tpu.memory_space<vmem>>) dst(%dma_wait3A_738 : memref<10240xf32, #tpu.memory_space<vmem_shared>>)
    %dma_wait3A_739 = arith.constant 21 : i32
    %dma_wait3A_740 = arith.constant 0 : i32
    %dma_wait3A_741 = tpu.memref_slice %arg13[%dma_wait3A_739, %dma_wait3A_740] : memref<40x128xi32, #tpu.memory_space<vmem>> -> memref<1x128xi32, #tpu.memory_space<vmem>>
    %dma_wait3A_742 = tpu.memref_squeeze %dma_wait3A_741 : memref<1x128xi32, #tpu.memory_space<vmem>> -> memref<128xi32, #tpu.memory_space<vmem>>
    %dma_wait3A_743 = arith.constant 0 : i32
    %dma_wait3A_744 = tpu.memref_slice %arg12[%dma_wait3A_743] : memref<10240xf32, #tpu.memory_space<vmem_shared>> -> memref<10240xf32, #tpu.memory_space<vmem_shared>>
    tpu.wait_indirect_dma semaphore(%arg21 : memref<!tpu.dma_semaphore, #tpu.memory_space<semaphore_mem>>) src(%arg15 : memref<128xf32, #tpu.memory_space<vmem>>) dst(%dma_wait3A_744 : memref<10240xf32, #tpu.memory_space<vmem_shared>>)
    %dma_wait3A_745 = arith.constant 21 : i32
    %dma_wait3A_746 = arith.constant 0 : i32
    %dma_wait3A_747 = tpu.memref_slice %arg14[%dma_wait3A_745, %dma_wait3A_746] : memref<40x128xi32, #tpu.memory_space<vmem>> -> memref<1x128xi32, #tpu.memory_space<vmem>>
    %dma_wait3A_748 = tpu.memref_squeeze %dma_wait3A_747 : memref<1x128xi32, #tpu.memory_space<vmem>> -> memref<128xi32, #tpu.memory_space<vmem>>
    %dma_wait3A_749 = arith.constant 0 : i32
    %dma_wait3A_750 = tpu.memref_slice %arg12[%dma_wait3A_749] : memref<10240xf32, #tpu.memory_space<vmem_shared>> -> memref<10240xf32, #tpu.memory_space<vmem_shared>>
    tpu.wait_indirect_dma semaphore(%arg22 : memref<!tpu.dma_semaphore, #tpu.memory_space<semaphore_mem>>) src(%arg15 : memref<128xf32, #tpu.memory_space<vmem>>) dst(%dma_wait3A_750 : memref<10240xf32, #tpu.memory_space<vmem_shared>>)
    %dma_wait3A_751 = arith.constant 22 : i32
    %dma_wait3A_752 = arith.constant 0 : i32
    %dma_wait3A_753 = tpu.memref_slice %arg13[%dma_wait3A_751, %dma_wait3A_752] : memref<40x128xi32, #tpu.memory_space<vmem>> -> memref<1x128xi32, #tpu.memory_space<vmem>>
    %dma_wait3A_754 = tpu.memref_squeeze %dma_wait3A_753 : memref<1x128xi32, #tpu.memory_space<vmem>> -> memref<128xi32, #tpu.memory_space<vmem>>
    %dma_wait3A_755 = arith.constant 0 : i32
    %dma_wait3A_756 = tpu.memref_slice %arg12[%dma_wait3A_755] : memref<10240xf32, #tpu.memory_space<vmem_shared>> -> memref<10240xf32, #tpu.memory_space<vmem_shared>>
    tpu.wait_indirect_dma semaphore(%arg21 : memref<!tpu.dma_semaphore, #tpu.memory_space<semaphore_mem>>) src(%arg15 : memref<128xf32, #tpu.memory_space<vmem>>) dst(%dma_wait3A_756 : memref<10240xf32, #tpu.memory_space<vmem_shared>>)
    %dma_wait3A_757 = arith.constant 22 : i32
    %dma_wait3A_758 = arith.constant 0 : i32
    %dma_wait3A_759 = tpu.memref_slice %arg14[%dma_wait3A_757, %dma_wait3A_758] : memref<40x128xi32, #tpu.memory_space<vmem>> -> memref<1x128xi32, #tpu.memory_space<vmem>>
    %dma_wait3A_760 = tpu.memref_squeeze %dma_wait3A_759 : memref<1x128xi32, #tpu.memory_space<vmem>> -> memref<128xi32, #tpu.memory_space<vmem>>
    %dma_wait3A_761 = arith.constant 0 : i32
    %dma_wait3A_762 = tpu.memref_slice %arg12[%dma_wait3A_761] : memref<10240xf32, #tpu.memory_space<vmem_shared>> -> memref<10240xf32, #tpu.memory_space<vmem_shared>>
    tpu.wait_indirect_dma semaphore(%arg22 : memref<!tpu.dma_semaphore, #tpu.memory_space<semaphore_mem>>) src(%arg15 : memref<128xf32, #tpu.memory_space<vmem>>) dst(%dma_wait3A_762 : memref<10240xf32, #tpu.memory_space<vmem_shared>>)
    %dma_wait3A_763 = arith.constant 23 : i32
    %dma_wait3A_764 = arith.constant 0 : i32
    %dma_wait3A_765 = tpu.memref_slice %arg13[%dma_wait3A_763, %dma_wait3A_764] : memref<40x128xi32, #tpu.memory_space<vmem>> -> memref<1x128xi32, #tpu.memory_space<vmem>>
    %dma_wait3A_766 = tpu.memref_squeeze %dma_wait3A_765 : memref<1x128xi32, #tpu.memory_space<vmem>> -> memref<128xi32, #tpu.memory_space<vmem>>
    %dma_wait3A_767 = arith.constant 0 : i32
    %dma_wait3A_768 = tpu.memref_slice %arg12[%dma_wait3A_767] : memref<10240xf32, #tpu.memory_space<vmem_shared>> -> memref<10240xf32, #tpu.memory_space<vmem_shared>>
    tpu.wait_indirect_dma semaphore(%arg21 : memref<!tpu.dma_semaphore, #tpu.memory_space<semaphore_mem>>) src(%arg15 : memref<128xf32, #tpu.memory_space<vmem>>) dst(%dma_wait3A_768 : memref<10240xf32, #tpu.memory_space<vmem_shared>>)
    %dma_wait3A_769 = arith.constant 23 : i32
    %dma_wait3A_770 = arith.constant 0 : i32
    %dma_wait3A_771 = tpu.memref_slice %arg14[%dma_wait3A_769, %dma_wait3A_770] : memref<40x128xi32, #tpu.memory_space<vmem>> -> memref<1x128xi32, #tpu.memory_space<vmem>>
    %dma_wait3A_772 = tpu.memref_squeeze %dma_wait3A_771 : memref<1x128xi32, #tpu.memory_space<vmem>> -> memref<128xi32, #tpu.memory_space<vmem>>
    %dma_wait3A_773 = arith.constant 0 : i32
    %dma_wait3A_774 = tpu.memref_slice %arg12[%dma_wait3A_773] : memref<10240xf32, #tpu.memory_space<vmem_shared>> -> memref<10240xf32, #tpu.memory_space<vmem_shared>>
    tpu.wait_indirect_dma semaphore(%arg22 : memref<!tpu.dma_semaphore, #tpu.memory_space<semaphore_mem>>) src(%arg15 : memref<128xf32, #tpu.memory_space<vmem>>) dst(%dma_wait3A_774 : memref<10240xf32, #tpu.memory_space<vmem_shared>>)
    %dma_wait3A_775 = arith.constant 24 : i32
    %dma_wait3A_776 = arith.constant 0 : i32
    %dma_wait3A_777 = tpu.memref_slice %arg13[%dma_wait3A_775, %dma_wait3A_776] : memref<40x128xi32, #tpu.memory_space<vmem>> -> memref<1x128xi32, #tpu.memory_space<vmem>>
    %dma_wait3A_778 = tpu.memref_squeeze %dma_wait3A_777 : memref<1x128xi32, #tpu.memory_space<vmem>> -> memref<128xi32, #tpu.memory_space<vmem>>
    %dma_wait3A_779 = arith.constant 0 : i32
    %dma_wait3A_780 = tpu.memref_slice %arg12[%dma_wait3A_779] : memref<10240xf32, #tpu.memory_space<vmem_shared>> -> memref<10240xf32, #tpu.memory_space<vmem_shared>>
    tpu.wait_indirect_dma semaphore(%arg21 : memref<!tpu.dma_semaphore, #tpu.memory_space<semaphore_mem>>) src(%arg15 : memref<128xf32, #tpu.memory_space<vmem>>) dst(%dma_wait3A_780 : memref<10240xf32, #tpu.memory_space<vmem_shared>>)
    %dma_wait3A_781 = arith.constant 24 : i32
    %dma_wait3A_782 = arith.constant 0 : i32
    %dma_wait3A_783 = tpu.memref_slice %arg14[%dma_wait3A_781, %dma_wait3A_782] : memref<40x128xi32, #tpu.memory_space<vmem>> -> memref<1x128xi32, #tpu.memory_space<vmem>>
    %dma_wait3A_784 = tpu.memref_squeeze %dma_wait3A_783 : memref<1x128xi32, #tpu.memory_space<vmem>> -> memref<128xi32, #tpu.memory_space<vmem>>
    %dma_wait3A_785 = arith.constant 0 : i32
    %dma_wait3A_786 = tpu.memref_slice %arg12[%dma_wait3A_785] : memref<10240xf32, #tpu.memory_space<vmem_shared>> -> memref<10240xf32, #tpu.memory_space<vmem_shared>>
    tpu.wait_indirect_dma semaphore(%arg22 : memref<!tpu.dma_semaphore, #tpu.memory_space<semaphore_mem>>) src(%arg15 : memref<128xf32, #tpu.memory_space<vmem>>) dst(%dma_wait3A_786 : memref<10240xf32, #tpu.memory_space<vmem_shared>>)
    %dma_wait3A_787 = arith.constant 25 : i32
    %dma_wait3A_788 = arith.constant 0 : i32
    %dma_wait3A_789 = tpu.memref_slice %arg13[%dma_wait3A_787, %dma_wait3A_788] : memref<40x128xi32, #tpu.memory_space<vmem>> -> memref<1x128xi32, #tpu.memory_space<vmem>>
    %dma_wait3A_790 = tpu.memref_squeeze %dma_wait3A_789 : memref<1x128xi32, #tpu.memory_space<vmem>> -> memref<128xi32, #tpu.memory_space<vmem>>
    %dma_wait3A_791 = arith.constant 0 : i32
    %dma_wait3A_792 = tpu.memref_slice %arg12[%dma_wait3A_791] : memref<10240xf32, #tpu.memory_space<vmem_shared>> -> memref<10240xf32, #tpu.memory_space<vmem_shared>>
    tpu.wait_indirect_dma semaphore(%arg21 : memref<!tpu.dma_semaphore, #tpu.memory_space<semaphore_mem>>) src(%arg15 : memref<128xf32, #tpu.memory_space<vmem>>) dst(%dma_wait3A_792 : memref<10240xf32, #tpu.memory_space<vmem_shared>>)
    %dma_wait3A_793 = arith.constant 25 : i32
    %dma_wait3A_794 = arith.constant 0 : i32
    %dma_wait3A_795 = tpu.memref_slice %arg14[%dma_wait3A_793, %dma_wait3A_794] : memref<40x128xi32, #tpu.memory_space<vmem>> -> memref<1x128xi32, #tpu.memory_space<vmem>>
    %dma_wait3A_796 = tpu.memref_squeeze %dma_wait3A_795 : memref<1x128xi32, #tpu.memory_space<vmem>> -> memref<128xi32, #tpu.memory_space<vmem>>
    %dma_wait3A_797 = arith.constant 0 : i32
    %dma_wait3A_798 = tpu.memref_slice %arg12[%dma_wait3A_797] : memref<10240xf32, #tpu.memory_space<vmem_shared>> -> memref<10240xf32, #tpu.memory_space<vmem_shared>>
    tpu.wait_indirect_dma semaphore(%arg22 : memref<!tpu.dma_semaphore, #tpu.memory_space<semaphore_mem>>) src(%arg15 : memref<128xf32, #tpu.memory_space<vmem>>) dst(%dma_wait3A_798 : memref<10240xf32, #tpu.memory_space<vmem_shared>>)
    %dma_wait3A_799 = arith.constant 26 : i32
    %dma_wait3A_800 = arith.constant 0 : i32
    %dma_wait3A_801 = tpu.memref_slice %arg13[%dma_wait3A_799, %dma_wait3A_800] : memref<40x128xi32, #tpu.memory_space<vmem>> -> memref<1x128xi32, #tpu.memory_space<vmem>>
    %dma_wait3A_802 = tpu.memref_squeeze %dma_wait3A_801 : memref<1x128xi32, #tpu.memory_space<vmem>> -> memref<128xi32, #tpu.memory_space<vmem>>
    %dma_wait3A_803 = arith.constant 0 : i32
    %dma_wait3A_804 = tpu.memref_slice %arg12[%dma_wait3A_803] : memref<10240xf32, #tpu.memory_space<vmem_shared>> -> memref<10240xf32, #tpu.memory_space<vmem_shared>>
    tpu.wait_indirect_dma semaphore(%arg21 : memref<!tpu.dma_semaphore, #tpu.memory_space<semaphore_mem>>) src(%arg15 : memref<128xf32, #tpu.memory_space<vmem>>) dst(%dma_wait3A_804 : memref<10240xf32, #tpu.memory_space<vmem_shared>>)
    %dma_wait3A_805 = arith.constant 26 : i32
    %dma_wait3A_806 = arith.constant 0 : i32
    %dma_wait3A_807 = tpu.memref_slice %arg14[%dma_wait3A_805, %dma_wait3A_806] : memref<40x128xi32, #tpu.memory_space<vmem>> -> memref<1x128xi32, #tpu.memory_space<vmem>>
    %dma_wait3A_808 = tpu.memref_squeeze %dma_wait3A_807 : memref<1x128xi32, #tpu.memory_space<vmem>> -> memref<128xi32, #tpu.memory_space<vmem>>
    %dma_wait3A_809 = arith.constant 0 : i32
    %dma_wait3A_810 = tpu.memref_slice %arg12[%dma_wait3A_809] : memref<10240xf32, #tpu.memory_space<vmem_shared>> -> memref<10240xf32, #tpu.memory_space<vmem_shared>>
    tpu.wait_indirect_dma semaphore(%arg22 : memref<!tpu.dma_semaphore, #tpu.memory_space<semaphore_mem>>) src(%arg15 : memref<128xf32, #tpu.memory_space<vmem>>) dst(%dma_wait3A_810 : memref<10240xf32, #tpu.memory_space<vmem_shared>>)
    %dma_wait3A_811 = arith.constant 27 : i32
    %dma_wait3A_812 = arith.constant 0 : i32
    %dma_wait3A_813 = tpu.memref_slice %arg13[%dma_wait3A_811, %dma_wait3A_812] : memref<40x128xi32, #tpu.memory_space<vmem>> -> memref<1x128xi32, #tpu.memory_space<vmem>>
    %dma_wait3A_814 = tpu.memref_squeeze %dma_wait3A_813 : memref<1x128xi32, #tpu.memory_space<vmem>> -> memref<128xi32, #tpu.memory_space<vmem>>
    %dma_wait3A_815 = arith.constant 0 : i32
    %dma_wait3A_816 = tpu.memref_slice %arg12[%dma_wait3A_815] : memref<10240xf32, #tpu.memory_space<vmem_shared>> -> memref<10240xf32, #tpu.memory_space<vmem_shared>>
    tpu.wait_indirect_dma semaphore(%arg21 : memref<!tpu.dma_semaphore, #tpu.memory_space<semaphore_mem>>) src(%arg15 : memref<128xf32, #tpu.memory_space<vmem>>) dst(%dma_wait3A_816 : memref<10240xf32, #tpu.memory_space<vmem_shared>>)
    %dma_wait3A_817 = arith.constant 27 : i32
    %dma_wait3A_818 = arith.constant 0 : i32
    %dma_wait3A_819 = tpu.memref_slice %arg14[%dma_wait3A_817, %dma_wait3A_818] : memref<40x128xi32, #tpu.memory_space<vmem>> -> memref<1x128xi32, #tpu.memory_space<vmem>>
    %dma_wait3A_820 = tpu.memref_squeeze %dma_wait3A_819 : memref<1x128xi32, #tpu.memory_space<vmem>> -> memref<128xi32, #tpu.memory_space<vmem>>
    %dma_wait3A_821 = arith.constant 0 : i32
    %dma_wait3A_822 = tpu.memref_slice %arg12[%dma_wait3A_821] : memref<10240xf32, #tpu.memory_space<vmem_shared>> -> memref<10240xf32, #tpu.memory_space<vmem_shared>>
    tpu.wait_indirect_dma semaphore(%arg22 : memref<!tpu.dma_semaphore, #tpu.memory_space<semaphore_mem>>) src(%arg15 : memref<128xf32, #tpu.memory_space<vmem>>) dst(%dma_wait3A_822 : memref<10240xf32, #tpu.memory_space<vmem_shared>>)
    %dma_wait3A_823 = arith.constant 28 : i32
    %dma_wait3A_824 = arith.constant 0 : i32
    %dma_wait3A_825 = tpu.memref_slice %arg13[%dma_wait3A_823, %dma_wait3A_824] : memref<40x128xi32, #tpu.memory_space<vmem>> -> memref<1x128xi32, #tpu.memory_space<vmem>>
    %dma_wait3A_826 = tpu.memref_squeeze %dma_wait3A_825 : memref<1x128xi32, #tpu.memory_space<vmem>> -> memref<128xi32, #tpu.memory_space<vmem>>
    %dma_wait3A_827 = arith.constant 0 : i32
    %dma_wait3A_828 = tpu.memref_slice %arg12[%dma_wait3A_827] : memref<10240xf32, #tpu.memory_space<vmem_shared>> -> memref<10240xf32, #tpu.memory_space<vmem_shared>>
    tpu.wait_indirect_dma semaphore(%arg21 : memref<!tpu.dma_semaphore, #tpu.memory_space<semaphore_mem>>) src(%arg15 : memref<128xf32, #tpu.memory_space<vmem>>) dst(%dma_wait3A_828 : memref<10240xf32, #tpu.memory_space<vmem_shared>>)
    %dma_wait3A_829 = arith.constant 28 : i32
    %dma_wait3A_830 = arith.constant 0 : i32
    %dma_wait3A_831 = tpu.memref_slice %arg14[%dma_wait3A_829, %dma_wait3A_830] : memref<40x128xi32, #tpu.memory_space<vmem>> -> memref<1x128xi32, #tpu.memory_space<vmem>>
    %dma_wait3A_832 = tpu.memref_squeeze %dma_wait3A_831 : memref<1x128xi32, #tpu.memory_space<vmem>> -> memref<128xi32, #tpu.memory_space<vmem>>
    %dma_wait3A_833 = arith.constant 0 : i32
    %dma_wait3A_834 = tpu.memref_slice %arg12[%dma_wait3A_833] : memref<10240xf32, #tpu.memory_space<vmem_shared>> -> memref<10240xf32, #tpu.memory_space<vmem_shared>>
    tpu.wait_indirect_dma semaphore(%arg22 : memref<!tpu.dma_semaphore, #tpu.memory_space<semaphore_mem>>) src(%arg15 : memref<128xf32, #tpu.memory_space<vmem>>) dst(%dma_wait3A_834 : memref<10240xf32, #tpu.memory_space<vmem_shared>>)
    %dma_wait3A_835 = arith.constant 29 : i32
    %dma_wait3A_836 = arith.constant 0 : i32
    %dma_wait3A_837 = tpu.memref_slice %arg13[%dma_wait3A_835, %dma_wait3A_836] : memref<40x128xi32, #tpu.memory_space<vmem>> -> memref<1x128xi32, #tpu.memory_space<vmem>>
    %dma_wait3A_838 = tpu.memref_squeeze %dma_wait3A_837 : memref<1x128xi32, #tpu.memory_space<vmem>> -> memref<128xi32, #tpu.memory_space<vmem>>
    %dma_wait3A_839 = arith.constant 0 : i32
    %dma_wait3A_840 = tpu.memref_slice %arg12[%dma_wait3A_839] : memref<10240xf32, #tpu.memory_space<vmem_shared>> -> memref<10240xf32, #tpu.memory_space<vmem_shared>>
    tpu.wait_indirect_dma semaphore(%arg21 : memref<!tpu.dma_semaphore, #tpu.memory_space<semaphore_mem>>) src(%arg15 : memref<128xf32, #tpu.memory_space<vmem>>) dst(%dma_wait3A_840 : memref<10240xf32, #tpu.memory_space<vmem_shared>>)
    %dma_wait3A_841 = arith.constant 29 : i32
    %dma_wait3A_842 = arith.constant 0 : i32
    %dma_wait3A_843 = tpu.memref_slice %arg14[%dma_wait3A_841, %dma_wait3A_842] : memref<40x128xi32, #tpu.memory_space<vmem>> -> memref<1x128xi32, #tpu.memory_space<vmem>>
    %dma_wait3A_844 = tpu.memref_squeeze %dma_wait3A_843 : memref<1x128xi32, #tpu.memory_space<vmem>> -> memref<128xi32, #tpu.memory_space<vmem>>
    %dma_wait3A_845 = arith.constant 0 : i32
    %dma_wait3A_846 = tpu.memref_slice %arg12[%dma_wait3A_845] : memref<10240xf32, #tpu.memory_space<vmem_shared>> -> memref<10240xf32, #tpu.memory_space<vmem_shared>>
    tpu.wait_indirect_dma semaphore(%arg22 : memref<!tpu.dma_semaphore, #tpu.memory_space<semaphore_mem>>) src(%arg15 : memref<128xf32, #tpu.memory_space<vmem>>) dst(%dma_wait3A_846 : memref<10240xf32, #tpu.memory_space<vmem_shared>>)
    %dma_wait3A_847 = arith.constant 30 : i32
    %dma_wait3A_848 = arith.constant 0 : i32
    %dma_wait3A_849 = tpu.memref_slice %arg13[%dma_wait3A_847, %dma_wait3A_848] : memref<40x128xi32, #tpu.memory_space<vmem>> -> memref<1x128xi32, #tpu.memory_space<vmem>>
    %dma_wait3A_850 = tpu.memref_squeeze %dma_wait3A_849 : memref<1x128xi32, #tpu.memory_space<vmem>> -> memref<128xi32, #tpu.memory_space<vmem>>
    %dma_wait3A_851 = arith.constant 0 : i32
    %dma_wait3A_852 = tpu.memref_slice %arg12[%dma_wait3A_851] : memref<10240xf32, #tpu.memory_space<vmem_shared>> -> memref<10240xf32, #tpu.memory_space<vmem_shared>>
    tpu.wait_indirect_dma semaphore(%arg21 : memref<!tpu.dma_semaphore, #tpu.memory_space<semaphore_mem>>) src(%arg15 : memref<128xf32, #tpu.memory_space<vmem>>) dst(%dma_wait3A_852 : memref<10240xf32, #tpu.memory_space<vmem_shared>>)
    %dma_wait3A_853 = arith.constant 30 : i32
    %dma_wait3A_854 = arith.constant 0 : i32
    %dma_wait3A_855 = tpu.memref_slice %arg14[%dma_wait3A_853, %dma_wait3A_854] : memref<40x128xi32, #tpu.memory_space<vmem>> -> memref<1x128xi32, #tpu.memory_space<vmem>>
    %dma_wait3A_856 = tpu.memref_squeeze %dma_wait3A_855 : memref<1x128xi32, #tpu.memory_space<vmem>> -> memref<128xi32, #tpu.memory_space<vmem>>
    %dma_wait3A_857 = arith.constant 0 : i32
    %dma_wait3A_858 = tpu.memref_slice %arg12[%dma_wait3A_857] : memref<10240xf32, #tpu.memory_space<vmem_shared>> -> memref<10240xf32, #tpu.memory_space<vmem_shared>>
    tpu.wait_indirect_dma semaphore(%arg22 : memref<!tpu.dma_semaphore, #tpu.memory_space<semaphore_mem>>) src(%arg15 : memref<128xf32, #tpu.memory_space<vmem>>) dst(%dma_wait3A_858 : memref<10240xf32, #tpu.memory_space<vmem_shared>>)
    %dma_wait3A_859 = arith.constant 31 : i32
    %dma_wait3A_860 = arith.constant 0 : i32
    %dma_wait3A_861 = tpu.memref_slice %arg13[%dma_wait3A_859, %dma_wait3A_860] : memref<40x128xi32, #tpu.memory_space<vmem>> -> memref<1x128xi32, #tpu.memory_space<vmem>>
    %dma_wait3A_862 = tpu.memref_squeeze %dma_wait3A_861 : memref<1x128xi32, #tpu.memory_space<vmem>> -> memref<128xi32, #tpu.memory_space<vmem>>
    %dma_wait3A_863 = arith.constant 0 : i32
    %dma_wait3A_864 = tpu.memref_slice %arg12[%dma_wait3A_863] : memref<10240xf32, #tpu.memory_space<vmem_shared>> -> memref<10240xf32, #tpu.memory_space<vmem_shared>>
    tpu.wait_indirect_dma semaphore(%arg21 : memref<!tpu.dma_semaphore, #tpu.memory_space<semaphore_mem>>) src(%arg15 : memref<128xf32, #tpu.memory_space<vmem>>) dst(%dma_wait3A_864 : memref<10240xf32, #tpu.memory_space<vmem_shared>>)
    %dma_wait3A_865 = arith.constant 31 : i32
    %dma_wait3A_866 = arith.constant 0 : i32
    %dma_wait3A_867 = tpu.memref_slice %arg14[%dma_wait3A_865, %dma_wait3A_866] : memref<40x128xi32, #tpu.memory_space<vmem>> -> memref<1x128xi32, #tpu.memory_space<vmem>>
    %dma_wait3A_868 = tpu.memref_squeeze %dma_wait3A_867 : memref<1x128xi32, #tpu.memory_space<vmem>> -> memref<128xi32, #tpu.memory_space<vmem>>
    %dma_wait3A_869 = arith.constant 0 : i32
    %dma_wait3A_870 = tpu.memref_slice %arg12[%dma_wait3A_869] : memref<10240xf32, #tpu.memory_space<vmem_shared>> -> memref<10240xf32, #tpu.memory_space<vmem_shared>>
    tpu.wait_indirect_dma semaphore(%arg22 : memref<!tpu.dma_semaphore, #tpu.memory_space<semaphore_mem>>) src(%arg15 : memref<128xf32, #tpu.memory_space<vmem>>) dst(%dma_wait3A_870 : memref<10240xf32, #tpu.memory_space<vmem_shared>>)
    %dma_wait3A_871 = arith.constant 32 : i32
    %dma_wait3A_872 = arith.constant 0 : i32
    %dma_wait3A_873 = tpu.memref_slice %arg13[%dma_wait3A_871, %dma_wait3A_872] : memref<40x128xi32, #tpu.memory_space<vmem>> -> memref<1x128xi32, #tpu.memory_space<vmem>>
    %dma_wait3A_874 = tpu.memref_squeeze %dma_wait3A_873 : memref<1x128xi32, #tpu.memory_space<vmem>> -> memref<128xi32, #tpu.memory_space<vmem>>
    %dma_wait3A_875 = arith.constant 0 : i32
    %dma_wait3A_876 = tpu.memref_slice %arg12[%dma_wait3A_875] : memref<10240xf32, #tpu.memory_space<vmem_shared>> -> memref<10240xf32, #tpu.memory_space<vmem_shared>>
    tpu.wait_indirect_dma semaphore(%arg21 : memref<!tpu.dma_semaphore, #tpu.memory_space<semaphore_mem>>) src(%arg15 : memref<128xf32, #tpu.memory_space<vmem>>) dst(%dma_wait3A_876 : memref<10240xf32, #tpu.memory_space<vmem_shared>>)
    %dma_wait3A_877 = arith.constant 32 : i32
    %dma_wait3A_878 = arith.constant 0 : i32
    %dma_wait3A_879 = tpu.memref_slice %arg14[%dma_wait3A_877, %dma_wait3A_878] : memref<40x128xi32, #tpu.memory_space<vmem>> -> memref<1x128xi32, #tpu.memory_space<vmem>>
    %dma_wait3A_880 = tpu.memref_squeeze %dma_wait3A_879 : memref<1x128xi32, #tpu.memory_space<vmem>> -> memref<128xi32, #tpu.memory_space<vmem>>
    %dma_wait3A_881 = arith.constant 0 : i32
    %dma_wait3A_882 = tpu.memref_slice %arg12[%dma_wait3A_881] : memref<10240xf32, #tpu.memory_space<vmem_shared>> -> memref<10240xf32, #tpu.memory_space<vmem_shared>>
    tpu.wait_indirect_dma semaphore(%arg22 : memref<!tpu.dma_semaphore, #tpu.memory_space<semaphore_mem>>) src(%arg15 : memref<128xf32, #tpu.memory_space<vmem>>) dst(%dma_wait3A_882 : memref<10240xf32, #tpu.memory_space<vmem_shared>>)
    %dma_wait3A_883 = arith.constant 33 : i32
    %dma_wait3A_884 = arith.constant 0 : i32
    %dma_wait3A_885 = tpu.memref_slice %arg13[%dma_wait3A_883, %dma_wait3A_884] : memref<40x128xi32, #tpu.memory_space<vmem>> -> memref<1x128xi32, #tpu.memory_space<vmem>>
    %dma_wait3A_886 = tpu.memref_squeeze %dma_wait3A_885 : memref<1x128xi32, #tpu.memory_space<vmem>> -> memref<128xi32, #tpu.memory_space<vmem>>
    %dma_wait3A_887 = arith.constant 0 : i32
    %dma_wait3A_888 = tpu.memref_slice %arg12[%dma_wait3A_887] : memref<10240xf32, #tpu.memory_space<vmem_shared>> -> memref<10240xf32, #tpu.memory_space<vmem_shared>>
    tpu.wait_indirect_dma semaphore(%arg21 : memref<!tpu.dma_semaphore, #tpu.memory_space<semaphore_mem>>) src(%arg15 : memref<128xf32, #tpu.memory_space<vmem>>) dst(%dma_wait3A_888 : memref<10240xf32, #tpu.memory_space<vmem_shared>>)
    %dma_wait3A_889 = arith.constant 33 : i32
    %dma_wait3A_890 = arith.constant 0 : i32
    %dma_wait3A_891 = tpu.memref_slice %arg14[%dma_wait3A_889, %dma_wait3A_890] : memref<40x128xi32, #tpu.memory_space<vmem>> -> memref<1x128xi32, #tpu.memory_space<vmem>>
    %dma_wait3A_892 = tpu.memref_squeeze %dma_wait3A_891 : memref<1x128xi32, #tpu.memory_space<vmem>> -> memref<128xi32, #tpu.memory_space<vmem>>
    %dma_wait3A_893 = arith.constant 0 : i32
    %dma_wait3A_894 = tpu.memref_slice %arg12[%dma_wait3A_893] : memref<10240xf32, #tpu.memory_space<vmem_shared>> -> memref<10240xf32, #tpu.memory_space<vmem_shared>>
    tpu.wait_indirect_dma semaphore(%arg22 : memref<!tpu.dma_semaphore, #tpu.memory_space<semaphore_mem>>) src(%arg15 : memref<128xf32, #tpu.memory_space<vmem>>) dst(%dma_wait3A_894 : memref<10240xf32, #tpu.memory_space<vmem_shared>>)
    %dma_wait3A_895 = arith.constant 34 : i32
    %dma_wait3A_896 = arith.constant 0 : i32
    %dma_wait3A_897 = tpu.memref_slice %arg13[%dma_wait3A_895, %dma_wait3A_896] : memref<40x128xi32, #tpu.memory_space<vmem>> -> memref<1x128xi32, #tpu.memory_space<vmem>>
    %dma_wait3A_898 = tpu.memref_squeeze %dma_wait3A_897 : memref<1x128xi32, #tpu.memory_space<vmem>> -> memref<128xi32, #tpu.memory_space<vmem>>
    %dma_wait3A_899 = arith.constant 0 : i32
    %dma_wait3A_900 = tpu.memref_slice %arg12[%dma_wait3A_899] : memref<10240xf32, #tpu.memory_space<vmem_shared>> -> memref<10240xf32, #tpu.memory_space<vmem_shared>>
    tpu.wait_indirect_dma semaphore(%arg21 : memref<!tpu.dma_semaphore, #tpu.memory_space<semaphore_mem>>) src(%arg15 : memref<128xf32, #tpu.memory_space<vmem>>) dst(%dma_wait3A_900 : memref<10240xf32, #tpu.memory_space<vmem_shared>>)
    %dma_wait3A_901 = arith.constant 34 : i32
    %dma_wait3A_902 = arith.constant 0 : i32
    %dma_wait3A_903 = tpu.memref_slice %arg14[%dma_wait3A_901, %dma_wait3A_902] : memref<40x128xi32, #tpu.memory_space<vmem>> -> memref<1x128xi32, #tpu.memory_space<vmem>>
    %dma_wait3A_904 = tpu.memref_squeeze %dma_wait3A_903 : memref<1x128xi32, #tpu.memory_space<vmem>> -> memref<128xi32, #tpu.memory_space<vmem>>
    %dma_wait3A_905 = arith.constant 0 : i32
    %dma_wait3A_906 = tpu.memref_slice %arg12[%dma_wait3A_905] : memref<10240xf32, #tpu.memory_space<vmem_shared>> -> memref<10240xf32, #tpu.memory_space<vmem_shared>>
    tpu.wait_indirect_dma semaphore(%arg22 : memref<!tpu.dma_semaphore, #tpu.memory_space<semaphore_mem>>) src(%arg15 : memref<128xf32, #tpu.memory_space<vmem>>) dst(%dma_wait3A_906 : memref<10240xf32, #tpu.memory_space<vmem_shared>>)
    %dma_wait3A_907 = arith.constant 35 : i32
    %dma_wait3A_908 = arith.constant 0 : i32
    %dma_wait3A_909 = tpu.memref_slice %arg13[%dma_wait3A_907, %dma_wait3A_908] : memref<40x128xi32, #tpu.memory_space<vmem>> -> memref<1x128xi32, #tpu.memory_space<vmem>>
    %dma_wait3A_910 = tpu.memref_squeeze %dma_wait3A_909 : memref<1x128xi32, #tpu.memory_space<vmem>> -> memref<128xi32, #tpu.memory_space<vmem>>
    %dma_wait3A_911 = arith.constant 0 : i32
    %dma_wait3A_912 = tpu.memref_slice %arg12[%dma_wait3A_911] : memref<10240xf32, #tpu.memory_space<vmem_shared>> -> memref<10240xf32, #tpu.memory_space<vmem_shared>>
    tpu.wait_indirect_dma semaphore(%arg21 : memref<!tpu.dma_semaphore, #tpu.memory_space<semaphore_mem>>) src(%arg15 : memref<128xf32, #tpu.memory_space<vmem>>) dst(%dma_wait3A_912 : memref<10240xf32, #tpu.memory_space<vmem_shared>>)
    %dma_wait3A_913 = arith.constant 35 : i32
    %dma_wait3A_914 = arith.constant 0 : i32
    %dma_wait3A_915 = tpu.memref_slice %arg14[%dma_wait3A_913, %dma_wait3A_914] : memref<40x128xi32, #tpu.memory_space<vmem>> -> memref<1x128xi32, #tpu.memory_space<vmem>>
    %dma_wait3A_916 = tpu.memref_squeeze %dma_wait3A_915 : memref<1x128xi32, #tpu.memory_space<vmem>> -> memref<128xi32, #tpu.memory_space<vmem>>
    %dma_wait3A_917 = arith.constant 0 : i32
    %dma_wait3A_918 = tpu.memref_slice %arg12[%dma_wait3A_917] : memref<10240xf32, #tpu.memory_space<vmem_shared>> -> memref<10240xf32, #tpu.memory_space<vmem_shared>>
    tpu.wait_indirect_dma semaphore(%arg22 : memref<!tpu.dma_semaphore, #tpu.memory_space<semaphore_mem>>) src(%arg15 : memref<128xf32, #tpu.memory_space<vmem>>) dst(%dma_wait3A_918 : memref<10240xf32, #tpu.memory_space<vmem_shared>>)
    %dma_wait3A_919 = arith.constant 36 : i32
    %dma_wait3A_920 = arith.constant 0 : i32
    %dma_wait3A_921 = tpu.memref_slice %arg13[%dma_wait3A_919, %dma_wait3A_920] : memref<40x128xi32, #tpu.memory_space<vmem>> -> memref<1x128xi32, #tpu.memory_space<vmem>>
    %dma_wait3A_922 = tpu.memref_squeeze %dma_wait3A_921 : memref<1x128xi32, #tpu.memory_space<vmem>> -> memref<128xi32, #tpu.memory_space<vmem>>
    %dma_wait3A_923 = arith.constant 0 : i32
    %dma_wait3A_924 = tpu.memref_slice %arg12[%dma_wait3A_923] : memref<10240xf32, #tpu.memory_space<vmem_shared>> -> memref<10240xf32, #tpu.memory_space<vmem_shared>>
    tpu.wait_indirect_dma semaphore(%arg21 : memref<!tpu.dma_semaphore, #tpu.memory_space<semaphore_mem>>) src(%arg15 : memref<128xf32, #tpu.memory_space<vmem>>) dst(%dma_wait3A_924 : memref<10240xf32, #tpu.memory_space<vmem_shared>>)
    %dma_wait3A_925 = arith.constant 36 : i32
    %dma_wait3A_926 = arith.constant 0 : i32
    %dma_wait3A_927 = tpu.memref_slice %arg14[%dma_wait3A_925, %dma_wait3A_926] : memref<40x128xi32, #tpu.memory_space<vmem>> -> memref<1x128xi32, #tpu.memory_space<vmem>>
    %dma_wait3A_928 = tpu.memref_squeeze %dma_wait3A_927 : memref<1x128xi32, #tpu.memory_space<vmem>> -> memref<128xi32, #tpu.memory_space<vmem>>
    %dma_wait3A_929 = arith.constant 0 : i32
    %dma_wait3A_930 = tpu.memref_slice %arg12[%dma_wait3A_929] : memref<10240xf32, #tpu.memory_space<vmem_shared>> -> memref<10240xf32, #tpu.memory_space<vmem_shared>>
    tpu.wait_indirect_dma semaphore(%arg22 : memref<!tpu.dma_semaphore, #tpu.memory_space<semaphore_mem>>) src(%arg15 : memref<128xf32, #tpu.memory_space<vmem>>) dst(%dma_wait3A_930 : memref<10240xf32, #tpu.memory_space<vmem_shared>>)
    %dma_wait3A_931 = arith.constant 37 : i32
    %dma_wait3A_932 = arith.constant 0 : i32
    %dma_wait3A_933 = tpu.memref_slice %arg13[%dma_wait3A_931, %dma_wait3A_932] : memref<40x128xi32, #tpu.memory_space<vmem>> -> memref<1x128xi32, #tpu.memory_space<vmem>>
    %dma_wait3A_934 = tpu.memref_squeeze %dma_wait3A_933 : memref<1x128xi32, #tpu.memory_space<vmem>> -> memref<128xi32, #tpu.memory_space<vmem>>
    %dma_wait3A_935 = arith.constant 0 : i32
    %dma_wait3A_936 = tpu.memref_slice %arg12[%dma_wait3A_935] : memref<10240xf32, #tpu.memory_space<vmem_shared>> -> memref<10240xf32, #tpu.memory_space<vmem_shared>>
    tpu.wait_indirect_dma semaphore(%arg21 : memref<!tpu.dma_semaphore, #tpu.memory_space<semaphore_mem>>) src(%arg15 : memref<128xf32, #tpu.memory_space<vmem>>) dst(%dma_wait3A_936 : memref<10240xf32, #tpu.memory_space<vmem_shared>>)
    %dma_wait3A_937 = arith.constant 37 : i32
    %dma_wait3A_938 = arith.constant 0 : i32
    %dma_wait3A_939 = tpu.memref_slice %arg14[%dma_wait3A_937, %dma_wait3A_938] : memref<40x128xi32, #tpu.memory_space<vmem>> -> memref<1x128xi32, #tpu.memory_space<vmem>>
    %dma_wait3A_940 = tpu.memref_squeeze %dma_wait3A_939 : memref<1x128xi32, #tpu.memory_space<vmem>> -> memref<128xi32, #tpu.memory_space<vmem>>
    %dma_wait3A_941 = arith.constant 0 : i32
    %dma_wait3A_942 = tpu.memref_slice %arg12[%dma_wait3A_941] : memref<10240xf32, #tpu.memory_space<vmem_shared>> -> memref<10240xf32, #tpu.memory_space<vmem_shared>>
    tpu.wait_indirect_dma semaphore(%arg22 : memref<!tpu.dma_semaphore, #tpu.memory_space<semaphore_mem>>) src(%arg15 : memref<128xf32, #tpu.memory_space<vmem>>) dst(%dma_wait3A_942 : memref<10240xf32, #tpu.memory_space<vmem_shared>>)
    %dma_wait3A_943 = arith.constant 38 : i32
    %dma_wait3A_944 = arith.constant 0 : i32
    %dma_wait3A_945 = tpu.memref_slice %arg13[%dma_wait3A_943, %dma_wait3A_944] : memref<40x128xi32, #tpu.memory_space<vmem>> -> memref<1x128xi32, #tpu.memory_space<vmem>>
    %dma_wait3A_946 = tpu.memref_squeeze %dma_wait3A_945 : memref<1x128xi32, #tpu.memory_space<vmem>> -> memref<128xi32, #tpu.memory_space<vmem>>
    %dma_wait3A_947 = arith.constant 0 : i32
    %dma_wait3A_948 = tpu.memref_slice %arg12[%dma_wait3A_947] : memref<10240xf32, #tpu.memory_space<vmem_shared>> -> memref<10240xf32, #tpu.memory_space<vmem_shared>>
    tpu.wait_indirect_dma semaphore(%arg21 : memref<!tpu.dma_semaphore, #tpu.memory_space<semaphore_mem>>) src(%arg15 : memref<128xf32, #tpu.memory_space<vmem>>) dst(%dma_wait3A_948 : memref<10240xf32, #tpu.memory_space<vmem_shared>>)
    %dma_wait3A_949 = arith.constant 38 : i32
    %dma_wait3A_950 = arith.constant 0 : i32
    %dma_wait3A_951 = tpu.memref_slice %arg14[%dma_wait3A_949, %dma_wait3A_950] : memref<40x128xi32, #tpu.memory_space<vmem>> -> memref<1x128xi32, #tpu.memory_space<vmem>>
    %dma_wait3A_952 = tpu.memref_squeeze %dma_wait3A_951 : memref<1x128xi32, #tpu.memory_space<vmem>> -> memref<128xi32, #tpu.memory_space<vmem>>
    %dma_wait3A_953 = arith.constant 0 : i32
    %dma_wait3A_954 = tpu.memref_slice %arg12[%dma_wait3A_953] : memref<10240xf32, #tpu.memory_space<vmem_shared>> -> memref<10240xf32, #tpu.memory_space<vmem_shared>>
    tpu.wait_indirect_dma semaphore(%arg22 : memref<!tpu.dma_semaphore, #tpu.memory_space<semaphore_mem>>) src(%arg15 : memref<128xf32, #tpu.memory_space<vmem>>) dst(%dma_wait3A_954 : memref<10240xf32, #tpu.memory_space<vmem_shared>>)
    %dma_wait3A_955 = arith.constant 39 : i32
    %dma_wait3A_956 = arith.constant 0 : i32
    %dma_wait3A_957 = tpu.memref_slice %arg13[%dma_wait3A_955, %dma_wait3A_956] : memref<40x128xi32, #tpu.memory_space<vmem>> -> memref<1x128xi32, #tpu.memory_space<vmem>>
    %dma_wait3A_958 = tpu.memref_squeeze %dma_wait3A_957 : memref<1x128xi32, #tpu.memory_space<vmem>> -> memref<128xi32, #tpu.memory_space<vmem>>
    %dma_wait3A_959 = arith.constant 0 : i32
    %dma_wait3A_960 = tpu.memref_slice %arg12[%dma_wait3A_959] : memref<10240xf32, #tpu.memory_space<vmem_shared>> -> memref<10240xf32, #tpu.memory_space<vmem_shared>>
    tpu.wait_indirect_dma semaphore(%arg21 : memref<!tpu.dma_semaphore, #tpu.memory_space<semaphore_mem>>) src(%arg15 : memref<128xf32, #tpu.memory_space<vmem>>) dst(%dma_wait3A_960 : memref<10240xf32, #tpu.memory_space<vmem_shared>>)
    %dma_wait3A_961 = arith.constant 39 : i32
    %dma_wait3A_962 = arith.constant 0 : i32
    %dma_wait3A_963 = tpu.memref_slice %arg14[%dma_wait3A_961, %dma_wait3A_962] : memref<40x128xi32, #tpu.memory_space<vmem>> -> memref<1x128xi32, #tpu.memory_space<vmem>>
    %dma_wait3A_964 = tpu.memref_squeeze %dma_wait3A_963 : memref<1x128xi32, #tpu.memory_space<vmem>> -> memref<128xi32, #tpu.memory_space<vmem>>
    %dma_wait3A_965 = arith.constant 0 : i32
    %dma_wait3A_966 = tpu.memref_slice %arg12[%dma_wait3A_965] : memref<10240xf32, #tpu.memory_space<vmem_shared>> -> memref<10240xf32, #tpu.memory_space<vmem_shared>>
    tpu.wait_indirect_dma semaphore(%arg22 : memref<!tpu.dma_semaphore, #tpu.memory_space<semaphore_mem>>) src(%arg15 : memref<128xf32, #tpu.memory_space<vmem>>) dst(%dma_wait3A_966 : memref<10240xf32, #tpu.memory_space<vmem_shared>>)
    %barrier3A_967 = arith.constant 0 : index
    tpu.barrier barrier_id(%barrier3A_967)
    %mul3A_968 = arith.constant 640 : i32
    %mul3A_969 = arith.muli %arg1, %mul3A_968 : i32
    "tpu.region"() ({
      %run_scoped3A = tpu.sem_alloc : memref<!tpu.dma_semaphore, #tpu.memory_space<semaphore_mem>>
      %dma_start3A_2115 = tpu.memref_slice %arg12[%mul3A_969] : memref<10240xf32, #tpu.memory_space<vmem_shared>> -> memref<640xf32, #tpu.memory_space<vmem_shared>>
      %dma_start3A_2116 = tpu.memref_slice %arg12[%mul3A_969] : memref<10240xf32, #tpu.memory_space<vmem_shared>> -> memref<640xf32, #tpu.memory_space<vmem_shared>>
      tpu.enqueue_dma source(%dma_start3A_2116 : memref<640xf32, #tpu.memory_space<vmem_shared>>) target(%arg17 : memref<640xf32, #tpu.memory_space<vmem>>) target_semaphore(%run_scoped3A : memref<!tpu.dma_semaphore, #tpu.memory_space<semaphore_mem>>)
      %dma_wait3A_2117 = tpu.memref_slice %arg12[%mul3A_969] : memref<10240xf32, #tpu.memory_space<vmem_shared>> -> memref<640xf32, #tpu.memory_space<vmem_shared>>
      %dma_wait3A_2118 = tpu.memref_slice %arg12[%mul3A_969] : memref<10240xf32, #tpu.memory_space<vmem_shared>> -> memref<640xf32, #tpu.memory_space<vmem_shared>>
      tpu.wait_dma2 semaphore(%run_scoped3A : memref<!tpu.dma_semaphore, #tpu.memory_space<semaphore_mem>>) src(%dma_wait3A_2118 : memref<640xf32, #tpu.memory_space<vmem_shared>>) dst(%arg17 : memref<640xf32, #tpu.memory_space<vmem>>)
      tpu.yield
    }) : () -> ()
    %mul3A_970 = arith.constant 640 : i32
    %mul3A_971 = arith.muli %arg1, %mul3A_970 : i32
    "tpu.region"() ({
      %run_scoped3A = tpu.sem_alloc : memref<!tpu.dma_semaphore, #tpu.memory_space<semaphore_mem>>
      %dma_start3A_2115 = arith.constant 0 : i32
      %dma_start3A_2116 = tpu.memref_slice %arg11[%mul3A_971, %dma_start3A_2115] : memref<10240x32xf32, #tpu.memory_space<vmem_shared>> -> memref<640x32xf32, #tpu.memory_space<vmem_shared>>
      %dma_start3A_2117 = arith.constant 0 : i32
      %dma_start3A_2118 = tpu.memref_slice %arg11[%mul3A_971, %dma_start3A_2117] : memref<10240x32xf32, #tpu.memory_space<vmem_shared>> -> memref<640x32xf32, #tpu.memory_space<vmem_shared>>
      tpu.enqueue_dma source(%dma_start3A_2118 : memref<640x32xf32, #tpu.memory_space<vmem_shared>>) target(%arg16 : memref<640x32xf32, #tpu.memory_space<vmem>>) target_semaphore(%run_scoped3A : memref<!tpu.dma_semaphore, #tpu.memory_space<semaphore_mem>>)
      %dma_wait3A_2119 = arith.constant 0 : i32
      %dma_wait3A_2120 = tpu.memref_slice %arg11[%mul3A_971, %dma_wait3A_2119] : memref<10240x32xf32, #tpu.memory_space<vmem_shared>> -> memref<640x32xf32, #tpu.memory_space<vmem_shared>>
      %dma_wait3A_2121 = arith.constant 0 : i32
      %dma_wait3A_2122 = tpu.memref_slice %arg11[%mul3A_971, %dma_wait3A_2121] : memref<10240x32xf32, #tpu.memory_space<vmem_shared>> -> memref<640x32xf32, #tpu.memory_space<vmem_shared>>
      tpu.wait_dma2 semaphore(%run_scoped3A : memref<!tpu.dma_semaphore, #tpu.memory_space<semaphore_mem>>) src(%dma_wait3A_2122 : memref<640x32xf32, #tpu.memory_space<vmem_shared>>) dst(%arg16 : memref<640x32xf32, #tpu.memory_space<vmem>>)
      tpu.yield
    }) : () -> ()
    %scan3A = arith.constant 0 : i32
    %scan3A_972 = arith.constant 0 : i32
    %scan3A_973 = arith.constant 40 : i32
    %scan3A_974 = arith.addi %scan3A_972, %scan3A_973 : i32
    %scan3A_975 = arith.constant 1 : i32
    scf.for %scan3A_2115 = %scan3A_972 to %scan3A_974 step %scan3A_975  : i32 {
      %mul3A_2116 = arith.constant 16 : i32
      %mul3A_2117 = arith.muli %scan3A_2115, %mul3A_2116 : i32
      %get3A = arith.index_cast %mul3A_2117 : i32 to index
      %get3A_2118 = tpu.vector_load %arg17[%get3A] {strides = array<i32>} : memref<640xf32, #tpu.memory_space<vmem>>, vector<16xf32>,
      %add3A_2119 = arith.constant 1.000000e+00 : f32
      %add3A_2120 = vector.broadcast %add3A_2119 : f32 to vector<16xf32>
      %add3A_2121 = arith.addf %add3A_2120, %get3A_2118 : vector<16xf32>
      %bitcast3A = vector.bitcast %add3A_2121 : vector<16xf32> to vector<16xi32>
      %shift_right_logical3A = arith.constant 1 : i32
      %shift_right_logical3A_2122 = vector.broadcast %shift_right_logical3A : i32 to vector<16xi32>
      %shift_right_logical3A_2123 = arith.shrui %bitcast3A, %shift_right_logical3A_2122 : vector<16xi32>
      %sub3A = arith.constant 1597463007 : i32
      %sub3A_2124 = vector.broadcast %sub3A : i32 to vector<16xi32>
      %sub3A_2125 = arith.subi %sub3A_2124, %shift_right_logical3A_2123 : vector<16xi32>
      %bitcast3A_2126 = vector.bitcast %sub3A_2125 : vector<16xi32> to vector<16xf32>
      %mul3A_2127 = arith.constant 5.000000e-01 : f32
      %mul3A_2128 = vector.broadcast %mul3A_2127 : f32 to vector<16xf32>
      %mul3A_2129 = arith.mulf %mul3A_2128, %add3A_2121 : vector<16xf32>
      %mul3A_2130 = arith.mulf %mul3A_2129, %bitcast3A_2126 : vector<16xf32>
      %mul3A_2131 = arith.mulf %mul3A_2130, %bitcast3A_2126 : vector<16xf32>
      %sub3A_2132 = arith.constant 1.500000e+00 : f32
      %sub3A_2133 = vector.broadcast %sub3A_2132 : f32 to vector<16xf32>
      %sub3A_2134 = arith.subf %sub3A_2133, %mul3A_2131 : vector<16xf32>
      %mul3A_2135 = arith.mulf %bitcast3A_2126, %sub3A_2134 : vector<16xf32>
      %mul3A_2136 = arith.constant 5.000000e-01 : f32
      %mul3A_2137 = vector.broadcast %mul3A_2136 : f32 to vector<16xf32>
      %mul3A_2138 = arith.mulf %mul3A_2137, %add3A_2121 : vector<16xf32>
      %mul3A_2139 = arith.mulf %mul3A_2138, %mul3A_2135 : vector<16xf32>
      %mul3A_2140 = arith.mulf %mul3A_2139, %mul3A_2135 : vector<16xf32>
      %sub3A_2141 = arith.constant 1.500000e+00 : f32
      %sub3A_2142 = vector.broadcast %sub3A_2141 : f32 to vector<16xf32>
      %sub3A_2143 = arith.subf %sub3A_2142, %mul3A_2140 : vector<16xf32>
      %mul3A_2144 = arith.mulf %mul3A_2135, %sub3A_2143 : vector<16xf32>
      %mul3A_2145 = arith.constant 5.000000e-01 : f32
      %mul3A_2146 = vector.broadcast %mul3A_2145 : f32 to vector<16xf32>
      %mul3A_2147 = arith.mulf %mul3A_2146, %add3A_2121 : vector<16xf32>
      %mul3A_2148 = arith.mulf %mul3A_2147, %mul3A_2144 : vector<16xf32>
      %mul3A_2149 = arith.mulf %mul3A_2148, %mul3A_2144 : vector<16xf32>
      %sub3A_2150 = arith.constant 1.500000e+00 : f32
      %sub3A_2151 = vector.broadcast %sub3A_2150 : f32 to vector<16xf32>
      %sub3A_2152 = arith.subf %sub3A_2151, %mul3A_2149 : vector<16xf32>
      %mul3A_2153 = arith.mulf %mul3A_2144, %sub3A_2152 : vector<16xf32>
      %mul3A_2154 = arith.constant 16 : i32
      %mul3A_2155 = arith.muli %scan3A_2115, %mul3A_2154 : i32
      %swap3A = arith.index_cast %mul3A_2155 : i32 to index
      %swap3A_2156 = tpu.vector_load %arg17[%swap3A] {strides = array<i32>} : memref<640xf32, #tpu.memory_space<vmem>>, vector<16xf32>,
      tpu.vector_store %arg17[%swap3A], %mul3A_2153 {strides = array<i32>} : memref<640xf32, #tpu.memory_space<vmem>>, vector<16xf32>,
    }
    %scan3A_976 = arith.constant 40 : i32
    %scan3A_977 = arith.constant 0 : i32
    %scan3A_978 = arith.constant 0 : i32
    %scan3A_979 = arith.constant 40 : i32
    %scan3A_980 = arith.addi %scan3A_978, %scan3A_979 : i32
    %scan3A_981 = arith.constant 1 : i32
    scf.for %scan3A_2115 = %scan3A_978 to %scan3A_980 step %scan3A_981  : i32 {
      %mul3A_2116 = arith.constant 16 : i32
      %mul3A_2117 = arith.muli %scan3A_2115, %mul3A_2116 : i32
      %get3A = arith.index_cast %mul3A_2117 : i32 to index
      %get3A_2118 = tpu.vector_load %arg17[%get3A] {strides = array<i32>} : memref<640xf32, #tpu.memory_space<vmem>>, vector<16xf32>,
      %mul3A_2119 = arith.constant 16 : i32
      %mul3A_2120 = arith.muli %scan3A_2115, %mul3A_2119 : i32
      %add3A_2121 = arith.constant 0 : i32
      %add3A_2122 = arith.addi %mul3A_2120, %add3A_2121 : i32
      %slice3A = vector.extract_strided_slice %get3A_2118 {offsets = [0], sizes = [1], strides = [1]} : vector<16xf32> to vector<1xf32>
      %squeeze3A = vector.extract %slice3A[0] : f32 from vector<1xf32>
      %get3A_2123 = arith.index_cast %add3A_2122 : i32 to index
      %get3A_2124 = arith.constant 0 : index
      %get3A_2125 = tpu.vector_load %arg16[%get3A_2123, %get3A_2124] {strides = array<i32>} : memref<640x32xf32, #tpu.memory_space<vmem>>, vector<16xf32>,
      %mul3A_2126 = vector.broadcast %squeeze3A : f32 to vector<16xf32>
      %mul3A_2127 = arith.mulf %get3A_2125, %mul3A_2126 : vector<16xf32>
      %swap3A = arith.index_cast %add3A_2122 : i32 to index
      %swap3A_2128 = arith.constant 0 : index
      %swap3A_2129 = tpu.vector_load %arg16[%swap3A, %swap3A_2128] {strides = array<i32>} : memref<640x32xf32, #tpu.memory_space<vmem>>, vector<16xf32>,
      tpu.vector_store %arg16[%swap3A, %swap3A_2128], %mul3A_2127 {strides = array<i32>} : memref<640x32xf32, #tpu.memory_space<vmem>>, vector<16xf32>,
      %get3A_2130 = arith.index_cast %add3A_2122 : i32 to index
      %get3A_2131 = arith.constant 16 : index
      %get3A_2132 = tpu.vector_load %arg16[%get3A_2130, %get3A_2131] {strides = array<i32>} : memref<640x32xf32, #tpu.memory_space<vmem>>, vector<16xf32>,
      %mul3A_2133 = vector.broadcast %squeeze3A : f32 to vector<16xf32>
      %mul3A_2134 = arith.mulf %get3A_2132, %mul3A_2133 : vector<16xf32>
      %swap3A_2135 = arith.index_cast %add3A_2122 : i32 to index
      %swap3A_2136 = arith.constant 16 : index
      %swap3A_2137 = tpu.vector_load %arg16[%swap3A_2135, %swap3A_2136] {strides = array<i32>} : memref<640x32xf32, #tpu.memory_space<vmem>>, vector<16xf32>,
      tpu.vector_store %arg16[%swap3A_2135, %swap3A_2136], %mul3A_2134 {strides = array<i32>} : memref<640x32xf32, #tpu.memory_space<vmem>>, vector<16xf32>,
      %mul3A_2138 = arith.constant 16 : i32
      %mul3A_2139 = arith.muli %scan3A_2115, %mul3A_2138 : i32
      %add3A_2140 = arith.constant 1 : i32
      %add3A_2141 = arith.addi %mul3A_2139, %add3A_2140 : i32
      %slice3A_2142 = vector.extract_strided_slice %get3A_2118 {offsets = [1], sizes = [1], strides = [1]} : vector<16xf32> to vector<1xf32>
      %squeeze3A_2143 = vector.extract %slice3A_2142[0] : f32 from vector<1xf32>
      %get3A_2144 = arith.index_cast %add3A_2141 : i32 to index
      %get3A_2145 = arith.constant 0 : index
      %get3A_2146 = tpu.vector_load %arg16[%get3A_2144, %get3A_2145] {strides = array<i32>} : memref<640x32xf32, #tpu.memory_space<vmem>>, vector<16xf32>,
      %mul3A_2147 = vector.broadcast %squeeze3A_2143 : f32 to vector<16xf32>
      %mul3A_2148 = arith.mulf %get3A_2146, %mul3A_2147 : vector<16xf32>
      %swap3A_2149 = arith.index_cast %add3A_2141 : i32 to index
      %swap3A_2150 = arith.constant 0 : index
      %swap3A_2151 = tpu.vector_load %arg16[%swap3A_2149, %swap3A_2150] {strides = array<i32>} : memref<640x32xf32, #tpu.memory_space<vmem>>, vector<16xf32>,
      tpu.vector_store %arg16[%swap3A_2149, %swap3A_2150], %mul3A_2148 {strides = array<i32>} : memref<640x32xf32, #tpu.memory_space<vmem>>, vector<16xf32>,
      %get3A_2152 = arith.index_cast %add3A_2141 : i32 to index
      %get3A_2153 = arith.constant 16 : index
      %get3A_2154 = tpu.vector_load %arg16[%get3A_2152, %get3A_2153] {strides = array<i32>} : memref<640x32xf32, #tpu.memory_space<vmem>>, vector<16xf32>,
      %mul3A_2155 = vector.broadcast %squeeze3A_2143 : f32 to vector<16xf32>
      %mul3A_2156 = arith.mulf %get3A_2154, %mul3A_2155 : vector<16xf32>
      %swap3A_2157 = arith.index_cast %add3A_2141 : i32 to index
      %swap3A_2158 = arith.constant 16 : index
      %swap3A_2159 = tpu.vector_load %arg16[%swap3A_2157, %swap3A_2158] {strides = array<i32>} : memref<640x32xf32, #tpu.memory_space<vmem>>, vector<16xf32>,
      tpu.vector_store %arg16[%swap3A_2157, %swap3A_2158], %mul3A_2156 {strides = array<i32>} : memref<640x32xf32, #tpu.memory_space<vmem>>, vector<16xf32>,
      %mul3A_2160 = arith.constant 16 : i32
      %mul3A_2161 = arith.muli %scan3A_2115, %mul3A_2160 : i32
      %add3A_2162 = arith.constant 2 : i32
      %add3A_2163 = arith.addi %mul3A_2161, %add3A_2162 : i32
      %slice3A_2164 = vector.extract_strided_slice %get3A_2118 {offsets = [2], sizes = [1], strides = [1]} : vector<16xf32> to vector<1xf32>
      %squeeze3A_2165 = vector.extract %slice3A_2164[0] : f32 from vector<1xf32>
      %get3A_2166 = arith.index_cast %add3A_2163 : i32 to index
      %get3A_2167 = arith.constant 0 : index
      %get3A_2168 = tpu.vector_load %arg16[%get3A_2166, %get3A_2167] {strides = array<i32>} : memref<640x32xf32, #tpu.memory_space<vmem>>, vector<16xf32>,
      %mul3A_2169 = vector.broadcast %squeeze3A_2165 : f32 to vector<16xf32>
      %mul3A_2170 = arith.mulf %get3A_2168, %mul3A_2169 : vector<16xf32>
      %swap3A_2171 = arith.index_cast %add3A_2163 : i32 to index
      %swap3A_2172 = arith.constant 0 : index
      %swap3A_2173 = tpu.vector_load %arg16[%swap3A_2171, %swap3A_2172] {strides = array<i32>} : memref<640x32xf32, #tpu.memory_space<vmem>>, vector<16xf32>,
      tpu.vector_store %arg16[%swap3A_2171, %swap3A_2172], %mul3A_2170 {strides = array<i32>} : memref<640x32xf32, #tpu.memory_space<vmem>>, vector<16xf32>,
      %get3A_2174 = arith.index_cast %add3A_2163 : i32 to index
      %get3A_2175 = arith.constant 16 : index
      %get3A_2176 = tpu.vector_load %arg16[%get3A_2174, %get3A_2175] {strides = array<i32>} : memref<640x32xf32, #tpu.memory_space<vmem>>, vector<16xf32>,
      %mul3A_2177 = vector.broadcast %squeeze3A_2165 : f32 to vector<16xf32>
      %mul3A_2178 = arith.mulf %get3A_2176, %mul3A_2177 : vector<16xf32>
      %swap3A_2179 = arith.index_cast %add3A_2163 : i32 to index
      %swap3A_2180 = arith.constant 16 : index
      %swap3A_2181 = tpu.vector_load %arg16[%swap3A_2179, %swap3A_2180] {strides = array<i32>} : memref<640x32xf32, #tpu.memory_space<vmem>>, vector<16xf32>,
      tpu.vector_store %arg16[%swap3A_2179, %swap3A_2180], %mul3A_2178 {strides = array<i32>} : memref<640x32xf32, #tpu.memory_space<vmem>>, vector<16xf32>,
      %mul3A_2182 = arith.constant 16 : i32
      %mul3A_2183 = arith.muli %scan3A_2115, %mul3A_2182 : i32
      %add3A_2184 = arith.constant 3 : i32
      %add3A_2185 = arith.addi %mul3A_2183, %add3A_2184 : i32
      %slice3A_2186 = vector.extract_strided_slice %get3A_2118 {offsets = [3], sizes = [1], strides = [1]} : vector<16xf32> to vector<1xf32>
      %squeeze3A_2187 = vector.extract %slice3A_2186[0] : f32 from vector<1xf32>
      %get3A_2188 = arith.index_cast %add3A_2185 : i32 to index
      %get3A_2189 = arith.constant 0 : index
      %get3A_2190 = tpu.vector_load %arg16[%get3A_2188, %get3A_2189] {strides = array<i32>} : memref<640x32xf32, #tpu.memory_space<vmem>>, vector<16xf32>,
      %mul3A_2191 = vector.broadcast %squeeze3A_2187 : f32 to vector<16xf32>
      %mul3A_2192 = arith.mulf %get3A_2190, %mul3A_2191 : vector<16xf32>
      %swap3A_2193 = arith.index_cast %add3A_2185 : i32 to index
      %swap3A_2194 = arith.constant 0 : index
      %swap3A_2195 = tpu.vector_load %arg16[%swap3A_2193, %swap3A_2194] {strides = array<i32>} : memref<640x32xf32, #tpu.memory_space<vmem>>, vector<16xf32>,
      tpu.vector_store %arg16[%swap3A_2193, %swap3A_2194], %mul3A_2192 {strides = array<i32>} : memref<640x32xf32, #tpu.memory_space<vmem>>, vector<16xf32>,
      %get3A_2196 = arith.index_cast %add3A_2185 : i32 to index
      %get3A_2197 = arith.constant 16 : index
      %get3A_2198 = tpu.vector_load %arg16[%get3A_2196, %get3A_2197] {strides = array<i32>} : memref<640x32xf32, #tpu.memory_space<vmem>>, vector<16xf32>,
      %mul3A_2199 = vector.broadcast %squeeze3A_2187 : f32 to vector<16xf32>
      %mul3A_2200 = arith.mulf %get3A_2198, %mul3A_2199 : vector<16xf32>
      %swap3A_2201 = arith.index_cast %add3A_2185 : i32 to index
      %swap3A_2202 = arith.constant 16 : index
      %swap3A_2203 = tpu.vector_load %arg16[%swap3A_2201, %swap3A_2202] {strides = array<i32>} : memref<640x32xf32, #tpu.memory_space<vmem>>, vector<16xf32>,
      tpu.vector_store %arg16[%swap3A_2201, %swap3A_2202], %mul3A_2200 {strides = array<i32>} : memref<640x32xf32, #tpu.memory_space<vmem>>, vector<16xf32>,
      %mul3A_2204 = arith.constant 16 : i32
      %mul3A_2205 = arith.muli %scan3A_2115, %mul3A_2204 : i32
      %add3A_2206 = arith.constant 4 : i32
      %add3A_2207 = arith.addi %mul3A_2205, %add3A_2206 : i32
      %slice3A_2208 = vector.extract_strided_slice %get3A_2118 {offsets = [4], sizes = [1], strides = [1]} : vector<16xf32> to vector<1xf32>
      %squeeze3A_2209 = vector.extract %slice3A_2208[0] : f32 from vector<1xf32>
      %get3A_2210 = arith.index_cast %add3A_2207 : i32 to index
      %get3A_2211 = arith.constant 0 : index
      %get3A_2212 = tpu.vector_load %arg16[%get3A_2210, %get3A_2211] {strides = array<i32>} : memref<640x32xf32, #tpu.memory_space<vmem>>, vector<16xf32>,
      %mul3A_2213 = vector.broadcast %squeeze3A_2209 : f32 to vector<16xf32>
      %mul3A_2214 = arith.mulf %get3A_2212, %mul3A_2213 : vector<16xf32>
      %swap3A_2215 = arith.index_cast %add3A_2207 : i32 to index
      %swap3A_2216 = arith.constant 0 : index
      %swap3A_2217 = tpu.vector_load %arg16[%swap3A_2215, %swap3A_2216] {strides = array<i32>} : memref<640x32xf32, #tpu.memory_space<vmem>>, vector<16xf32>,
      tpu.vector_store %arg16[%swap3A_2215, %swap3A_2216], %mul3A_2214 {strides = array<i32>} : memref<640x32xf32, #tpu.memory_space<vmem>>, vector<16xf32>,
      %get3A_2218 = arith.index_cast %add3A_2207 : i32 to index
      %get3A_2219 = arith.constant 16 : index
      %get3A_2220 = tpu.vector_load %arg16[%get3A_2218, %get3A_2219] {strides = array<i32>} : memref<640x32xf32, #tpu.memory_space<vmem>>, vector<16xf32>,
      %mul3A_2221 = vector.broadcast %squeeze3A_2209 : f32 to vector<16xf32>
      %mul3A_2222 = arith.mulf %get3A_2220, %mul3A_2221 : vector<16xf32>
      %swap3A_2223 = arith.index_cast %add3A_2207 : i32 to index
      %swap3A_2224 = arith.constant 16 : index
      %swap3A_2225 = tpu.vector_load %arg16[%swap3A_2223, %swap3A_2224] {strides = array<i32>} : memref<640x32xf32, #tpu.memory_space<vmem>>, vector<16xf32>,
      tpu.vector_store %arg16[%swap3A_2223, %swap3A_2224], %mul3A_2222 {strides = array<i32>} : memref<640x32xf32, #tpu.memory_space<vmem>>, vector<16xf32>,
      %mul3A_2226 = arith.constant 16 : i32
      %mul3A_2227 = arith.muli %scan3A_2115, %mul3A_2226 : i32
      %add3A_2228 = arith.constant 5 : i32
      %add3A_2229 = arith.addi %mul3A_2227, %add3A_2228 : i32
      %slice3A_2230 = vector.extract_strided_slice %get3A_2118 {offsets = [5], sizes = [1], strides = [1]} : vector<16xf32> to vector<1xf32>
      %squeeze3A_2231 = vector.extract %slice3A_2230[0] : f32 from vector<1xf32>
      %get3A_2232 = arith.index_cast %add3A_2229 : i32 to index
      %get3A_2233 = arith.constant 0 : index
      %get3A_2234 = tpu.vector_load %arg16[%get3A_2232, %get3A_2233] {strides = array<i32>} : memref<640x32xf32, #tpu.memory_space<vmem>>, vector<16xf32>,
      %mul3A_2235 = vector.broadcast %squeeze3A_2231 : f32 to vector<16xf32>
      %mul3A_2236 = arith.mulf %get3A_2234, %mul3A_2235 : vector<16xf32>
      %swap3A_2237 = arith.index_cast %add3A_2229 : i32 to index
      %swap3A_2238 = arith.constant 0 : index
      %swap3A_2239 = tpu.vector_load %arg16[%swap3A_2237, %swap3A_2238] {strides = array<i32>} : memref<640x32xf32, #tpu.memory_space<vmem>>, vector<16xf32>,
      tpu.vector_store %arg16[%swap3A_2237, %swap3A_2238], %mul3A_2236 {strides = array<i32>} : memref<640x32xf32, #tpu.memory_space<vmem>>, vector<16xf32>,
      %get3A_2240 = arith.index_cast %add3A_2229 : i32 to index
      %get3A_2241 = arith.constant 16 : index
      %get3A_2242 = tpu.vector_load %arg16[%get3A_2240, %get3A_2241] {strides = array<i32>} : memref<640x32xf32, #tpu.memory_space<vmem>>, vector<16xf32>,
      %mul3A_2243 = vector.broadcast %squeeze3A_2231 : f32 to vector<16xf32>
      %mul3A_2244 = arith.mulf %get3A_2242, %mul3A_2243 : vector<16xf32>
      %swap3A_2245 = arith.index_cast %add3A_2229 : i32 to index
      %swap3A_2246 = arith.constant 16 : index
      %swap3A_2247 = tpu.vector_load %arg16[%swap3A_2245, %swap3A_2246] {strides = array<i32>} : memref<640x32xf32, #tpu.memory_space<vmem>>, vector<16xf32>,
      tpu.vector_store %arg16[%swap3A_2245, %swap3A_2246], %mul3A_2244 {strides = array<i32>} : memref<640x32xf32, #tpu.memory_space<vmem>>, vector<16xf32>,
      %mul3A_2248 = arith.constant 16 : i32
      %mul3A_2249 = arith.muli %scan3A_2115, %mul3A_2248 : i32
      %add3A_2250 = arith.constant 6 : i32
      %add3A_2251 = arith.addi %mul3A_2249, %add3A_2250 : i32
      %slice3A_2252 = vector.extract_strided_slice %get3A_2118 {offsets = [6], sizes = [1], strides = [1]} : vector<16xf32> to vector<1xf32>
      %squeeze3A_2253 = vector.extract %slice3A_2252[0] : f32 from vector<1xf32>
      %get3A_2254 = arith.index_cast %add3A_2251 : i32 to index
      %get3A_2255 = arith.constant 0 : index
      %get3A_2256 = tpu.vector_load %arg16[%get3A_2254, %get3A_2255] {strides = array<i32>} : memref<640x32xf32, #tpu.memory_space<vmem>>, vector<16xf32>,
      %mul3A_2257 = vector.broadcast %squeeze3A_2253 : f32 to vector<16xf32>
      %mul3A_2258 = arith.mulf %get3A_2256, %mul3A_2257 : vector<16xf32>
      %swap3A_2259 = arith.index_cast %add3A_2251 : i32 to index
      %swap3A_2260 = arith.constant 0 : index
      %swap3A_2261 = tpu.vector_load %arg16[%swap3A_2259, %swap3A_2260] {strides = array<i32>} : memref<640x32xf32, #tpu.memory_space<vmem>>, vector<16xf32>,
      tpu.vector_store %arg16[%swap3A_2259, %swap3A_2260], %mul3A_2258 {strides = array<i32>} : memref<640x32xf32, #tpu.memory_space<vmem>>, vector<16xf32>,
      %get3A_2262 = arith.index_cast %add3A_2251 : i32 to index
      %get3A_2263 = arith.constant 16 : index
      %get3A_2264 = tpu.vector_load %arg16[%get3A_2262, %get3A_2263] {strides = array<i32>} : memref<640x32xf32, #tpu.memory_space<vmem>>, vector<16xf32>,
      %mul3A_2265 = vector.broadcast %squeeze3A_2253 : f32 to vector<16xf32>
      %mul3A_2266 = arith.mulf %get3A_2264, %mul3A_2265 : vector<16xf32>
      %swap3A_2267 = arith.index_cast %add3A_2251 : i32 to index
      %swap3A_2268 = arith.constant 16 : index
      %swap3A_2269 = tpu.vector_load %arg16[%swap3A_2267, %swap3A_2268] {strides = array<i32>} : memref<640x32xf32, #tpu.memory_space<vmem>>, vector<16xf32>,
      tpu.vector_store %arg16[%swap3A_2267, %swap3A_2268], %mul3A_2266 {strides = array<i32>} : memref<640x32xf32, #tpu.memory_space<vmem>>, vector<16xf32>,
      %mul3A_2270 = arith.constant 16 : i32
      %mul3A_2271 = arith.muli %scan3A_2115, %mul3A_2270 : i32
      %add3A_2272 = arith.constant 7 : i32
      %add3A_2273 = arith.addi %mul3A_2271, %add3A_2272 : i32
      %slice3A_2274 = vector.extract_strided_slice %get3A_2118 {offsets = [7], sizes = [1], strides = [1]} : vector<16xf32> to vector<1xf32>
      %squeeze3A_2275 = vector.extract %slice3A_2274[0] : f32 from vector<1xf32>
      %get3A_2276 = arith.index_cast %add3A_2273 : i32 to index
      %get3A_2277 = arith.constant 0 : index
      %get3A_2278 = tpu.vector_load %arg16[%get3A_2276, %get3A_2277] {strides = array<i32>} : memref<640x32xf32, #tpu.memory_space<vmem>>, vector<16xf32>,
      %mul3A_2279 = vector.broadcast %squeeze3A_2275 : f32 to vector<16xf32>
      %mul3A_2280 = arith.mulf %get3A_2278, %mul3A_2279 : vector<16xf32>
      %swap3A_2281 = arith.index_cast %add3A_2273 : i32 to index
      %swap3A_2282 = arith.constant 0 : index
      %swap3A_2283 = tpu.vector_load %arg16[%swap3A_2281, %swap3A_2282] {strides = array<i32>} : memref<640x32xf32, #tpu.memory_space<vmem>>, vector<16xf32>,
      tpu.vector_store %arg16[%swap3A_2281, %swap3A_2282], %mul3A_2280 {strides = array<i32>} : memref<640x32xf32, #tpu.memory_space<vmem>>, vector<16xf32>,
      %get3A_2284 = arith.index_cast %add3A_2273 : i32 to index
      %get3A_2285 = arith.constant 16 : index
      %get3A_2286 = tpu.vector_load %arg16[%get3A_2284, %get3A_2285] {strides = array<i32>} : memref<640x32xf32, #tpu.memory_space<vmem>>, vector<16xf32>,
      %mul3A_2287 = vector.broadcast %squeeze3A_2275 : f32 to vector<16xf32>
      %mul3A_2288 = arith.mulf %get3A_2286, %mul3A_2287 : vector<16xf32>
      %swap3A_2289 = arith.index_cast %add3A_2273 : i32 to index
      %swap3A_2290 = arith.constant 16 : index
      %swap3A_2291 = tpu.vector_load %arg16[%swap3A_2289, %swap3A_2290] {strides = array<i32>} : memref<640x32xf32, #tpu.memory_space<vmem>>, vector<16xf32>,
      tpu.vector_store %arg16[%swap3A_2289, %swap3A_2290], %mul3A_2288 {strides = array<i32>} : memref<640x32xf32, #tpu.memory_space<vmem>>, vector<16xf32>,
      %mul3A_2292 = arith.constant 16 : i32
      %mul3A_2293 = arith.muli %scan3A_2115, %mul3A_2292 : i32
      %add3A_2294 = arith.constant 8 : i32
      %add3A_2295 = arith.addi %mul3A_2293, %add3A_2294 : i32
      %slice3A_2296 = vector.extract_strided_slice %get3A_2118 {offsets = [8], sizes = [1], strides = [1]} : vector<16xf32> to vector<1xf32>
      %squeeze3A_2297 = vector.extract %slice3A_2296[0] : f32 from vector<1xf32>
      %get3A_2298 = arith.index_cast %add3A_2295 : i32 to index
      %get3A_2299 = arith.constant 0 : index
      %get3A_2300 = tpu.vector_load %arg16[%get3A_2298, %get3A_2299] {strides = array<i32>} : memref<640x32xf32, #tpu.memory_space<vmem>>, vector<16xf32>,
      %mul3A_2301 = vector.broadcast %squeeze3A_2297 : f32 to vector<16xf32>
      %mul3A_2302 = arith.mulf %get3A_2300, %mul3A_2301 : vector<16xf32>
      %swap3A_2303 = arith.index_cast %add3A_2295 : i32 to index
      %swap3A_2304 = arith.constant 0 : index
      %swap3A_2305 = tpu.vector_load %arg16[%swap3A_2303, %swap3A_2304] {strides = array<i32>} : memref<640x32xf32, #tpu.memory_space<vmem>>, vector<16xf32>,
      tpu.vector_store %arg16[%swap3A_2303, %swap3A_2304], %mul3A_2302 {strides = array<i32>} : memref<640x32xf32, #tpu.memory_space<vmem>>, vector<16xf32>,
      %get3A_2306 = arith.index_cast %add3A_2295 : i32 to index
      %get3A_2307 = arith.constant 16 : index
      %get3A_2308 = tpu.vector_load %arg16[%get3A_2306, %get3A_2307] {strides = array<i32>} : memref<640x32xf32, #tpu.memory_space<vmem>>, vector<16xf32>,
      %mul3A_2309 = vector.broadcast %squeeze3A_2297 : f32 to vector<16xf32>
      %mul3A_2310 = arith.mulf %get3A_2308, %mul3A_2309 : vector<16xf32>
      %swap3A_2311 = arith.index_cast %add3A_2295 : i32 to index
      %swap3A_2312 = arith.constant 16 : index
      %swap3A_2313 = tpu.vector_load %arg16[%swap3A_2311, %swap3A_2312] {strides = array<i32>} : memref<640x32xf32, #tpu.memory_space<vmem>>, vector<16xf32>,
      tpu.vector_store %arg16[%swap3A_2311, %swap3A_2312], %mul3A_2310 {strides = array<i32>} : memref<640x32xf32, #tpu.memory_space<vmem>>, vector<16xf32>,
      %mul3A_2314 = arith.constant 16 : i32
      %mul3A_2315 = arith.muli %scan3A_2115, %mul3A_2314 : i32
      %add3A_2316 = arith.constant 9 : i32
      %add3A_2317 = arith.addi %mul3A_2315, %add3A_2316 : i32
      %slice3A_2318 = vector.extract_strided_slice %get3A_2118 {offsets = [9], sizes = [1], strides = [1]} : vector<16xf32> to vector<1xf32>
      %squeeze3A_2319 = vector.extract %slice3A_2318[0] : f32 from vector<1xf32>
      %get3A_2320 = arith.index_cast %add3A_2317 : i32 to index
      %get3A_2321 = arith.constant 0 : index
      %get3A_2322 = tpu.vector_load %arg16[%get3A_2320, %get3A_2321] {strides = array<i32>} : memref<640x32xf32, #tpu.memory_space<vmem>>, vector<16xf32>,
      %mul3A_2323 = vector.broadcast %squeeze3A_2319 : f32 to vector<16xf32>
      %mul3A_2324 = arith.mulf %get3A_2322, %mul3A_2323 : vector<16xf32>
      %swap3A_2325 = arith.index_cast %add3A_2317 : i32 to index
      %swap3A_2326 = arith.constant 0 : index
      %swap3A_2327 = tpu.vector_load %arg16[%swap3A_2325, %swap3A_2326] {strides = array<i32>} : memref<640x32xf32, #tpu.memory_space<vmem>>, vector<16xf32>,
      tpu.vector_store %arg16[%swap3A_2325, %swap3A_2326], %mul3A_2324 {strides = array<i32>} : memref<640x32xf32, #tpu.memory_space<vmem>>, vector<16xf32>,
      %get3A_2328 = arith.index_cast %add3A_2317 : i32 to index
      %get3A_2329 = arith.constant 16 : index
      %get3A_2330 = tpu.vector_load %arg16[%get3A_2328, %get3A_2329] {strides = array<i32>} : memref<640x32xf32, #tpu.memory_space<vmem>>, vector<16xf32>,
      %mul3A_2331 = vector.broadcast %squeeze3A_2319 : f32 to vector<16xf32>
      %mul3A_2332 = arith.mulf %get3A_2330, %mul3A_2331 : vector<16xf32>
      %swap3A_2333 = arith.index_cast %add3A_2317 : i32 to index
      %swap3A_2334 = arith.constant 16 : index
      %swap3A_2335 = tpu.vector_load %arg16[%swap3A_2333, %swap3A_2334] {strides = array<i32>} : memref<640x32xf32, #tpu.memory_space<vmem>>, vector<16xf32>,
      tpu.vector_store %arg16[%swap3A_2333, %swap3A_2334], %mul3A_2332 {strides = array<i32>} : memref<640x32xf32, #tpu.memory_space<vmem>>, vector<16xf32>,
      %mul3A_2336 = arith.constant 16 : i32
      %mul3A_2337 = arith.muli %scan3A_2115, %mul3A_2336 : i32
      %add3A_2338 = arith.constant 10 : i32
      %add3A_2339 = arith.addi %mul3A_2337, %add3A_2338 : i32
      %slice3A_2340 = vector.extract_strided_slice %get3A_2118 {offsets = [10], sizes = [1], strides = [1]} : vector<16xf32> to vector<1xf32>
      %squeeze3A_2341 = vector.extract %slice3A_2340[0] : f32 from vector<1xf32>
      %get3A_2342 = arith.index_cast %add3A_2339 : i32 to index
      %get3A_2343 = arith.constant 0 : index
      %get3A_2344 = tpu.vector_load %arg16[%get3A_2342, %get3A_2343] {strides = array<i32>} : memref<640x32xf32, #tpu.memory_space<vmem>>, vector<16xf32>,
      %mul3A_2345 = vector.broadcast %squeeze3A_2341 : f32 to vector<16xf32>
      %mul3A_2346 = arith.mulf %get3A_2344, %mul3A_2345 : vector<16xf32>
      %swap3A_2347 = arith.index_cast %add3A_2339 : i32 to index
      %swap3A_2348 = arith.constant 0 : index
      %swap3A_2349 = tpu.vector_load %arg16[%swap3A_2347, %swap3A_2348] {strides = array<i32>} : memref<640x32xf32, #tpu.memory_space<vmem>>, vector<16xf32>,
      tpu.vector_store %arg16[%swap3A_2347, %swap3A_2348], %mul3A_2346 {strides = array<i32>} : memref<640x32xf32, #tpu.memory_space<vmem>>, vector<16xf32>,
      %get3A_2350 = arith.index_cast %add3A_2339 : i32 to index
      %get3A_2351 = arith.constant 16 : index
      %get3A_2352 = tpu.vector_load %arg16[%get3A_2350, %get3A_2351] {strides = array<i32>} : memref<640x32xf32, #tpu.memory_space<vmem>>, vector<16xf32>,
      %mul3A_2353 = vector.broadcast %squeeze3A_2341 : f32 to vector<16xf32>
      %mul3A_2354 = arith.mulf %get3A_2352, %mul3A_2353 : vector<16xf32>
      %swap3A_2355 = arith.index_cast %add3A_2339 : i32 to index
      %swap3A_2356 = arith.constant 16 : index
      %swap3A_2357 = tpu.vector_load %arg16[%swap3A_2355, %swap3A_2356] {strides = array<i32>} : memref<640x32xf32, #tpu.memory_space<vmem>>, vector<16xf32>,
      tpu.vector_store %arg16[%swap3A_2355, %swap3A_2356], %mul3A_2354 {strides = array<i32>} : memref<640x32xf32, #tpu.memory_space<vmem>>, vector<16xf32>,
      %mul3A_2358 = arith.constant 16 : i32
      %mul3A_2359 = arith.muli %scan3A_2115, %mul3A_2358 : i32
      %add3A_2360 = arith.constant 11 : i32
      %add3A_2361 = arith.addi %mul3A_2359, %add3A_2360 : i32
      %slice3A_2362 = vector.extract_strided_slice %get3A_2118 {offsets = [11], sizes = [1], strides = [1]} : vector<16xf32> to vector<1xf32>
      %squeeze3A_2363 = vector.extract %slice3A_2362[0] : f32 from vector<1xf32>
      %get3A_2364 = arith.index_cast %add3A_2361 : i32 to index
      %get3A_2365 = arith.constant 0 : index
      %get3A_2366 = tpu.vector_load %arg16[%get3A_2364, %get3A_2365] {strides = array<i32>} : memref<640x32xf32, #tpu.memory_space<vmem>>, vector<16xf32>,
      %mul3A_2367 = vector.broadcast %squeeze3A_2363 : f32 to vector<16xf32>
      %mul3A_2368 = arith.mulf %get3A_2366, %mul3A_2367 : vector<16xf32>
      %swap3A_2369 = arith.index_cast %add3A_2361 : i32 to index
      %swap3A_2370 = arith.constant 0 : index
      %swap3A_2371 = tpu.vector_load %arg16[%swap3A_2369, %swap3A_2370] {strides = array<i32>} : memref<640x32xf32, #tpu.memory_space<vmem>>, vector<16xf32>,
      tpu.vector_store %arg16[%swap3A_2369, %swap3A_2370], %mul3A_2368 {strides = array<i32>} : memref<640x32xf32, #tpu.memory_space<vmem>>, vector<16xf32>,
      %get3A_2372 = arith.index_cast %add3A_2361 : i32 to index
      %get3A_2373 = arith.constant 16 : index
      %get3A_2374 = tpu.vector_load %arg16[%get3A_2372, %get3A_2373] {strides = array<i32>} : memref<640x32xf32, #tpu.memory_space<vmem>>, vector<16xf32>,
      %mul3A_2375 = vector.broadcast %squeeze3A_2363 : f32 to vector<16xf32>
      %mul3A_2376 = arith.mulf %get3A_2374, %mul3A_2375 : vector<16xf32>
      %swap3A_2377 = arith.index_cast %add3A_2361 : i32 to index
      %swap3A_2378 = arith.constant 16 : index
      %swap3A_2379 = tpu.vector_load %arg16[%swap3A_2377, %swap3A_2378] {strides = array<i32>} : memref<640x32xf32, #tpu.memory_space<vmem>>, vector<16xf32>,
      tpu.vector_store %arg16[%swap3A_2377, %swap3A_2378], %mul3A_2376 {strides = array<i32>} : memref<640x32xf32, #tpu.memory_space<vmem>>, vector<16xf32>,
      %mul3A_2380 = arith.constant 16 : i32
      %mul3A_2381 = arith.muli %scan3A_2115, %mul3A_2380 : i32
      %add3A_2382 = arith.constant 12 : i32
      %add3A_2383 = arith.addi %mul3A_2381, %add3A_2382 : i32
      %slice3A_2384 = vector.extract_strided_slice %get3A_2118 {offsets = [12], sizes = [1], strides = [1]} : vector<16xf32> to vector<1xf32>
      %squeeze3A_2385 = vector.extract %slice3A_2384[0] : f32 from vector<1xf32>
      %get3A_2386 = arith.index_cast %add3A_2383 : i32 to index
      %get3A_2387 = arith.constant 0 : index
      %get3A_2388 = tpu.vector_load %arg16[%get3A_2386, %get3A_2387] {strides = array<i32>} : memref<640x32xf32, #tpu.memory_space<vmem>>, vector<16xf32>,
      %mul3A_2389 = vector.broadcast %squeeze3A_2385 : f32 to vector<16xf32>
      %mul3A_2390 = arith.mulf %get3A_2388, %mul3A_2389 : vector<16xf32>
      %swap3A_2391 = arith.index_cast %add3A_2383 : i32 to index
      %swap3A_2392 = arith.constant 0 : index
      %swap3A_2393 = tpu.vector_load %arg16[%swap3A_2391, %swap3A_2392] {strides = array<i32>} : memref<640x32xf32, #tpu.memory_space<vmem>>, vector<16xf32>,
      tpu.vector_store %arg16[%swap3A_2391, %swap3A_2392], %mul3A_2390 {strides = array<i32>} : memref<640x32xf32, #tpu.memory_space<vmem>>, vector<16xf32>,
      %get3A_2394 = arith.index_cast %add3A_2383 : i32 to index
      %get3A_2395 = arith.constant 16 : index
      %get3A_2396 = tpu.vector_load %arg16[%get3A_2394, %get3A_2395] {strides = array<i32>} : memref<640x32xf32, #tpu.memory_space<vmem>>, vector<16xf32>,
      %mul3A_2397 = vector.broadcast %squeeze3A_2385 : f32 to vector<16xf32>
      %mul3A_2398 = arith.mulf %get3A_2396, %mul3A_2397 : vector<16xf32>
      %swap3A_2399 = arith.index_cast %add3A_2383 : i32 to index
      %swap3A_2400 = arith.constant 16 : index
      %swap3A_2401 = tpu.vector_load %arg16[%swap3A_2399, %swap3A_2400] {strides = array<i32>} : memref<640x32xf32, #tpu.memory_space<vmem>>, vector<16xf32>,
      tpu.vector_store %arg16[%swap3A_2399, %swap3A_2400], %mul3A_2398 {strides = array<i32>} : memref<640x32xf32, #tpu.memory_space<vmem>>, vector<16xf32>,
      %mul3A_2402 = arith.constant 16 : i32
      %mul3A_2403 = arith.muli %scan3A_2115, %mul3A_2402 : i32
      %add3A_2404 = arith.constant 13 : i32
      %add3A_2405 = arith.addi %mul3A_2403, %add3A_2404 : i32
      %slice3A_2406 = vector.extract_strided_slice %get3A_2118 {offsets = [13], sizes = [1], strides = [1]} : vector<16xf32> to vector<1xf32>
      %squeeze3A_2407 = vector.extract %slice3A_2406[0] : f32 from vector<1xf32>
      %get3A_2408 = arith.index_cast %add3A_2405 : i32 to index
      %get3A_2409 = arith.constant 0 : index
      %get3A_2410 = tpu.vector_load %arg16[%get3A_2408, %get3A_2409] {strides = array<i32>} : memref<640x32xf32, #tpu.memory_space<vmem>>, vector<16xf32>,
      %mul3A_2411 = vector.broadcast %squeeze3A_2407 : f32 to vector<16xf32>
      %mul3A_2412 = arith.mulf %get3A_2410, %mul3A_2411 : vector<16xf32>
      %swap3A_2413 = arith.index_cast %add3A_2405 : i32 to index
      %swap3A_2414 = arith.constant 0 : index
      %swap3A_2415 = tpu.vector_load %arg16[%swap3A_2413, %swap3A_2414] {strides = array<i32>} : memref<640x32xf32, #tpu.memory_space<vmem>>, vector<16xf32>,
      tpu.vector_store %arg16[%swap3A_2413, %swap3A_2414], %mul3A_2412 {strides = array<i32>} : memref<640x32xf32, #tpu.memory_space<vmem>>, vector<16xf32>,
      %get3A_2416 = arith.index_cast %add3A_2405 : i32 to index
      %get3A_2417 = arith.constant 16 : index
      %get3A_2418 = tpu.vector_load %arg16[%get3A_2416, %get3A_2417] {strides = array<i32>} : memref<640x32xf32, #tpu.memory_space<vmem>>, vector<16xf32>,
      %mul3A_2419 = vector.broadcast %squeeze3A_2407 : f32 to vector<16xf32>
      %mul3A_2420 = arith.mulf %get3A_2418, %mul3A_2419 : vector<16xf32>
      %swap3A_2421 = arith.index_cast %add3A_2405 : i32 to index
      %swap3A_2422 = arith.constant 16 : index
      %swap3A_2423 = tpu.vector_load %arg16[%swap3A_2421, %swap3A_2422] {strides = array<i32>} : memref<640x32xf32, #tpu.memory_space<vmem>>, vector<16xf32>,
      tpu.vector_store %arg16[%swap3A_2421, %swap3A_2422], %mul3A_2420 {strides = array<i32>} : memref<640x32xf32, #tpu.memory_space<vmem>>, vector<16xf32>,
      %mul3A_2424 = arith.constant 16 : i32
      %mul3A_2425 = arith.muli %scan3A_2115, %mul3A_2424 : i32
      %add3A_2426 = arith.constant 14 : i32
      %add3A_2427 = arith.addi %mul3A_2425, %add3A_2426 : i32
      %slice3A_2428 = vector.extract_strided_slice %get3A_2118 {offsets = [14], sizes = [1], strides = [1]} : vector<16xf32> to vector<1xf32>
      %squeeze3A_2429 = vector.extract %slice3A_2428[0] : f32 from vector<1xf32>
      %get3A_2430 = arith.index_cast %add3A_2427 : i32 to index
      %get3A_2431 = arith.constant 0 : index
      %get3A_2432 = tpu.vector_load %arg16[%get3A_2430, %get3A_2431] {strides = array<i32>} : memref<640x32xf32, #tpu.memory_space<vmem>>, vector<16xf32>,
      %mul3A_2433 = vector.broadcast %squeeze3A_2429 : f32 to vector<16xf32>
      %mul3A_2434 = arith.mulf %get3A_2432, %mul3A_2433 : vector<16xf32>
      %swap3A_2435 = arith.index_cast %add3A_2427 : i32 to index
      %swap3A_2436 = arith.constant 0 : index
      %swap3A_2437 = tpu.vector_load %arg16[%swap3A_2435, %swap3A_2436] {strides = array<i32>} : memref<640x32xf32, #tpu.memory_space<vmem>>, vector<16xf32>,
      tpu.vector_store %arg16[%swap3A_2435, %swap3A_2436], %mul3A_2434 {strides = array<i32>} : memref<640x32xf32, #tpu.memory_space<vmem>>, vector<16xf32>,
      %get3A_2438 = arith.index_cast %add3A_2427 : i32 to index
      %get3A_2439 = arith.constant 16 : index
      %get3A_2440 = tpu.vector_load %arg16[%get3A_2438, %get3A_2439] {strides = array<i32>} : memref<640x32xf32, #tpu.memory_space<vmem>>, vector<16xf32>,
      %mul3A_2441 = vector.broadcast %squeeze3A_2429 : f32 to vector<16xf32>
      %mul3A_2442 = arith.mulf %get3A_2440, %mul3A_2441 : vector<16xf32>
      %swap3A_2443 = arith.index_cast %add3A_2427 : i32 to index
      %swap3A_2444 = arith.constant 16 : index
      %swap3A_2445 = tpu.vector_load %arg16[%swap3A_2443, %swap3A_2444] {strides = array<i32>} : memref<640x32xf32, #tpu.memory_space<vmem>>, vector<16xf32>,
      tpu.vector_store %arg16[%swap3A_2443, %swap3A_2444], %mul3A_2442 {strides = array<i32>} : memref<640x32xf32, #tpu.memory_space<vmem>>, vector<16xf32>,
      %mul3A_2446 = arith.constant 16 : i32
      %mul3A_2447 = arith.muli %scan3A_2115, %mul3A_2446 : i32
      %add3A_2448 = arith.constant 15 : i32
      %add3A_2449 = arith.addi %mul3A_2447, %add3A_2448 : i32
      %slice3A_2450 = vector.extract_strided_slice %get3A_2118 {offsets = [15], sizes = [1], strides = [1]} : vector<16xf32> to vector<1xf32>
      %squeeze3A_2451 = vector.extract %slice3A_2450[0] : f32 from vector<1xf32>
      %get3A_2452 = arith.index_cast %add3A_2449 : i32 to index
      %get3A_2453 = arith.constant 0 : index
      %get3A_2454 = tpu.vector_load %arg16[%get3A_2452, %get3A_2453] {strides = array<i32>} : memref<640x32xf32, #tpu.memory_space<vmem>>, vector<16xf32>,
      %mul3A_2455 = vector.broadcast %squeeze3A_2451 : f32 to vector<16xf32>
      %mul3A_2456 = arith.mulf %get3A_2454, %mul3A_2455 : vector<16xf32>
      %swap3A_2457 = arith.index_cast %add3A_2449 : i32 to index
      %swap3A_2458 = arith.constant 0 : index
      %swap3A_2459 = tpu.vector_load %arg16[%swap3A_2457, %swap3A_2458] {strides = array<i32>} : memref<640x32xf32, #tpu.memory_space<vmem>>, vector<16xf32>,
      tpu.vector_store %arg16[%swap3A_2457, %swap3A_2458], %mul3A_2456 {strides = array<i32>} : memref<640x32xf32, #tpu.memory_space<vmem>>, vector<16xf32>,
      %get3A_2460 = arith.index_cast %add3A_2449 : i32 to index
      %get3A_2461 = arith.constant 16 : index
      %get3A_2462 = tpu.vector_load %arg16[%get3A_2460, %get3A_2461] {strides = array<i32>} : memref<640x32xf32, #tpu.memory_space<vmem>>, vector<16xf32>,
      %mul3A_2463 = vector.broadcast %squeeze3A_2451 : f32 to vector<16xf32>
      %mul3A_2464 = arith.mulf %get3A_2462, %mul3A_2463 : vector<16xf32>
      %swap3A_2465 = arith.index_cast %add3A_2449 : i32 to index
      %swap3A_2466 = arith.constant 16 : index
      %swap3A_2467 = tpu.vector_load %arg16[%swap3A_2465, %swap3A_2466] {strides = array<i32>} : memref<640x32xf32, #tpu.memory_space<vmem>>, vector<16xf32>,
      tpu.vector_store %arg16[%swap3A_2465, %swap3A_2466], %mul3A_2464 {strides = array<i32>} : memref<640x32xf32, #tpu.memory_space<vmem>>, vector<16xf32>,
    }
    %scan3A_982 = arith.constant 40 : i32
    %mul3A_983 = arith.constant 640 : i32
    %mul3A_984 = arith.muli %arg1, %mul3A_983 : i32
    "tpu.region"() ({
      %run_scoped3A = tpu.sem_alloc : memref<!tpu.dma_semaphore, #tpu.memory_space<semaphore_mem>>
      %dma_start3A_2115 = arith.constant 0 : i32
      %dma_start3A_2116 = tpu.memref_slice %arg11[%mul3A_984, %dma_start3A_2115] : memref<10240x32xf32, #tpu.memory_space<vmem_shared>> -> memref<640x32xf32, #tpu.memory_space<vmem_shared>>
      %dma_start3A_2117 = arith.constant 0 : i32
      %dma_start3A_2118 = tpu.memref_slice %arg11[%mul3A_984, %dma_start3A_2117] : memref<10240x32xf32, #tpu.memory_space<vmem_shared>> -> memref<640x32xf32, #tpu.memory_space<vmem_shared>>
      tpu.enqueue_dma source(%arg16 : memref<640x32xf32, #tpu.memory_space<vmem>>) target(%dma_start3A_2118 : memref<640x32xf32, #tpu.memory_space<vmem_shared>>) target_semaphore(%run_scoped3A : memref<!tpu.dma_semaphore, #tpu.memory_space<semaphore_mem>>)
      %dma_wait3A_2119 = arith.constant 0 : i32
      %dma_wait3A_2120 = tpu.memref_slice %arg11[%mul3A_984, %dma_wait3A_2119] : memref<10240x32xf32, #tpu.memory_space<vmem_shared>> -> memref<640x32xf32, #tpu.memory_space<vmem_shared>>
      %dma_wait3A_2121 = arith.constant 0 : i32
      %dma_wait3A_2122 = tpu.memref_slice %arg11[%mul3A_984, %dma_wait3A_2121] : memref<10240x32xf32, #tpu.memory_space<vmem_shared>> -> memref<640x32xf32, #tpu.memory_space<vmem_shared>>
      tpu.wait_dma2 semaphore(%run_scoped3A : memref<!tpu.dma_semaphore, #tpu.memory_space<semaphore_mem>>) src(%arg16 : memref<640x32xf32, #tpu.memory_space<vmem>>) dst(%dma_wait3A_2122 : memref<640x32xf32, #tpu.memory_space<vmem_shared>>)
      tpu.yield
    }) : () -> ()
    %eq3A = arith.constant 0 : i32
    %eq3A_985 = arith.cmpi eq, %arg0, %eq3A : i32
    %convert_element_type3A_986 = arith.extui %eq3A_985 : i1 to i32
    %cond3A_987 = arith.constant 0 : i32
    %cond3A_988 = arith.cmpi ne, %convert_element_type3A_986, %cond3A_987 : i32
    scf.if %cond3A_988 {
      %mul3A_2115 = arith.constant 640 : i32
      %mul3A_2116 = arith.muli %arg1, %mul3A_2115 : i32
      %mul3A_2117 = arith.constant 640 : i32
      %mul3A_2118 = arith.muli %arg1, %mul3A_2117 : i32
      "tpu.region"() ({
        %run_scoped3A = tpu.sem_alloc : memref<!tpu.dma_semaphore, #tpu.memory_space<semaphore_mem>>
        %dma_start3A_2119 = tpu.memref_slice %arg9[%mul3A_2118] : memref<10240xf32, #tpu.memory_space<hbm>> -> memref<640xf32, #tpu.memory_space<hbm>>
        %dma_start3A_2120 = tpu.memref_slice %arg12[%mul3A_2116] : memref<10240xf32, #tpu.memory_space<vmem_shared>> -> memref<640xf32, #tpu.memory_space<vmem_shared>>
        tpu.enqueue_dma source(%dma_start3A_2120 : memref<640xf32, #tpu.memory_space<vmem_shared>>) target(%dma_start3A_2119 : memref<640xf32, #tpu.memory_space<hbm>>) target_semaphore(%run_scoped3A : memref<!tpu.dma_semaphore, #tpu.memory_space<semaphore_mem>>)
        %dma_wait3A_2121 = tpu.memref_slice %arg9[%mul3A_2118] : memref<10240xf32, #tpu.memory_space<hbm>> -> memref<640xf32, #tpu.memory_space<hbm>>
        %dma_wait3A_2122 = tpu.memref_slice %arg12[%mul3A_2116] : memref<10240xf32, #tpu.memory_space<vmem_shared>> -> memref<640xf32, #tpu.memory_space<vmem_shared>>
        tpu.wait_dma2 semaphore(%run_scoped3A : memref<!tpu.dma_semaphore, #tpu.memory_space<semaphore_mem>>) src(%dma_wait3A_2122 : memref<640xf32, #tpu.memory_space<vmem_shared>>) dst(%dma_wait3A_2121 : memref<640xf32, #tpu.memory_space<hbm>>)
        tpu.yield
      }) : () -> ()
    } else {
    }
    %barrier3A_989 = arith.constant 0 : index
    tpu.barrier barrier_id(%barrier3A_989)
    "tpu.region"() ({
      %run_scoped3A = tpu.sem_alloc : memref<!tpu.dma_semaphore, #tpu.memory_space<semaphore_mem>>
      %dma_start3A_2115 = arith.constant 0 : i32
      %dma_start3A_2116 = arith.constant 0 : i32
      %dma_start3A_2117 = tpu.memref_slice %arg3[%add3A, %dma_start3A_2115, %dma_start3A_2116] : memref<32x40x128xi32, #tpu.memory_space<hbm>> -> memref<1x40x128xi32, #tpu.memory_space<hbm>>
      %dma_start3A_2118 = tpu.memref_squeeze %dma_start3A_2117 : memref<1x40x128xi32, #tpu.memory_space<hbm>> -> memref<40x128xi32, #tpu.memory_space<hbm>>
      %dma_start3A_2119 = arith.constant 0 : i32
      %dma_start3A_2120 = arith.constant 0 : i32
      %dma_start3A_2121 = tpu.memref_slice %arg3[%add3A, %dma_start3A_2119, %dma_start3A_2120] : memref<32x40x128xi32, #tpu.memory_space<hbm>> -> memref<1x40x128xi32, #tpu.memory_space<hbm>>
      %dma_start3A_2122 = tpu.memref_squeeze %dma_start3A_2121 : memref<1x40x128xi32, #tpu.memory_space<hbm>> -> memref<40x128xi32, #tpu.memory_space<hbm>>
      tpu.enqueue_dma source(%dma_start3A_2122 : memref<40x128xi32, #tpu.memory_space<hbm>>) target(%arg13 : memref<40x128xi32, #tpu.memory_space<vmem>>) target_semaphore(%run_scoped3A : memref<!tpu.dma_semaphore, #tpu.memory_space<semaphore_mem>>)
      %dma_wait3A_2123 = arith.constant 0 : i32
      %dma_wait3A_2124 = arith.constant 0 : i32
      %dma_wait3A_2125 = tpu.memref_slice %arg3[%add3A, %dma_wait3A_2123, %dma_wait3A_2124] : memref<32x40x128xi32, #tpu.memory_space<hbm>> -> memref<1x40x128xi32, #tpu.memory_space<hbm>>
      %dma_wait3A_2126 = tpu.memref_squeeze %dma_wait3A_2125 : memref<1x40x128xi32, #tpu.memory_space<hbm>> -> memref<40x128xi32, #tpu.memory_space<hbm>>
      %dma_wait3A_2127 = arith.constant 0 : i32
      %dma_wait3A_2128 = arith.constant 0 : i32
      %dma_wait3A_2129 = tpu.memref_slice %arg3[%add3A, %dma_wait3A_2127, %dma_wait3A_2128] : memref<32x40x128xi32, #tpu.memory_space<hbm>> -> memref<1x40x128xi32, #tpu.memory_space<hbm>>
      %dma_wait3A_2130 = tpu.memref_squeeze %dma_wait3A_2129 : memref<1x40x128xi32, #tpu.memory_space<hbm>> -> memref<40x128xi32, #tpu.memory_space<hbm>>
      tpu.wait_dma2 semaphore(%run_scoped3A : memref<!tpu.dma_semaphore, #tpu.memory_space<semaphore_mem>>) src(%dma_wait3A_2130 : memref<40x128xi32, #tpu.memory_space<hbm>>) dst(%arg13 : memref<40x128xi32, #tpu.memory_space<vmem>>)
      tpu.yield
    }) : () -> ()
    "tpu.region"() ({
      %run_scoped3A = tpu.sem_alloc : memref<!tpu.dma_semaphore, #tpu.memory_space<semaphore_mem>>
      %dma_start3A_2115 = arith.constant 0 : i32
      %dma_start3A_2116 = arith.constant 0 : i32
      %dma_start3A_2117 = tpu.memref_slice %arg4[%add3A, %dma_start3A_2115, %dma_start3A_2116] : memref<32x40x128xi32, #tpu.memory_space<hbm>> -> memref<1x40x128xi32, #tpu.memory_space<hbm>>
      %dma_start3A_2118 = tpu.memref_squeeze %dma_start3A_2117 : memref<1x40x128xi32, #tpu.memory_space<hbm>> -> memref<40x128xi32, #tpu.memory_space<hbm>>
      %dma_start3A_2119 = arith.constant 0 : i32
      %dma_start3A_2120 = arith.constant 0 : i32
      %dma_start3A_2121 = tpu.memref_slice %arg4[%add3A, %dma_start3A_2119, %dma_start3A_2120] : memref<32x40x128xi32, #tpu.memory_space<hbm>> -> memref<1x40x128xi32, #tpu.memory_space<hbm>>
      %dma_start3A_2122 = tpu.memref_squeeze %dma_start3A_2121 : memref<1x40x128xi32, #tpu.memory_space<hbm>> -> memref<40x128xi32, #tpu.memory_space<hbm>>
      tpu.enqueue_dma source(%dma_start3A_2122 : memref<40x128xi32, #tpu.memory_space<hbm>>) target(%arg14 : memref<40x128xi32, #tpu.memory_space<vmem>>) target_semaphore(%run_scoped3A : memref<!tpu.dma_semaphore, #tpu.memory_space<semaphore_mem>>)
      %dma_wait3A_2123 = arith.constant 0 : i32
      %dma_wait3A_2124 = arith.constant 0 : i32
      %dma_wait3A_2125 = tpu.memref_slice %arg4[%add3A, %dma_wait3A_2123, %dma_wait3A_2124] : memref<32x40x128xi32, #tpu.memory_space<hbm>> -> memref<1x40x128xi32, #tpu.memory_space<hbm>>
      %dma_wait3A_2126 = tpu.memref_squeeze %dma_wait3A_2125 : memref<1x40x128xi32, #tpu.memory_space<hbm>> -> memref<40x128xi32, #tpu.memory_space<hbm>>
      %dma_wait3A_2127 = arith.constant 0 : i32
      %dma_wait3A_2128 = arith.constant 0 : i32
      %dma_wait3A_2129 = tpu.memref_slice %arg4[%add3A, %dma_wait3A_2127, %dma_wait3A_2128] : memref<32x40x128xi32, #tpu.memory_space<hbm>> -> memref<1x40x128xi32, #tpu.memory_space<hbm>>
      %dma_wait3A_2130 = tpu.memref_squeeze %dma_wait3A_2129 : memref<1x40x128xi32, #tpu.memory_space<hbm>> -> memref<40x128xi32, #tpu.memory_space<hbm>>
      tpu.wait_dma2 semaphore(%run_scoped3A : memref<!tpu.dma_semaphore, #tpu.memory_space<semaphore_mem>>) src(%dma_wait3A_2130 : memref<40x128xi32, #tpu.memory_space<hbm>>) dst(%arg14 : memref<40x128xi32, #tpu.memory_space<vmem>>)
      tpu.yield
    }) : () -> ()
    %dma_start3A_990 = arith.constant 0 : i32
    %dma_start3A_991 = arith.constant 0 : i32
    %dma_start3A_992 = tpu.memref_slice %arg13[%dma_start3A_990, %dma_start3A_991] : memref<40x128xi32, #tpu.memory_space<vmem>> -> memref<1x128xi32, #tpu.memory_space<vmem>>
    %dma_start3A_993 = tpu.memref_squeeze %dma_start3A_992 : memref<1x128xi32, #tpu.memory_space<vmem>> -> memref<128xi32, #tpu.memory_space<vmem>>
    %dma_start3A_994 = arith.constant 0 : i32
    %dma_start3A_995 = arith.constant 0 : i32
    %dma_start3A_996 = tpu.memref_slice %arg11[%dma_start3A_994, %dma_start3A_995] : memref<10240x32xf32, #tpu.memory_space<vmem_shared>> -> memref<10240x32xf32, #tpu.memory_space<vmem_shared>>
    tpu.enqueue_indirect_dma source(%dma_start3A_996 : memref<10240x32xf32, #tpu.memory_space<vmem_shared>>) target(%arg18 : memref<128x32xf32, #tpu.memory_space<vmem>>) offsets(%dma_start3A_993 : memref<128xi32, #tpu.memory_space<vmem>>) semaphore(%arg21 : memref<!tpu.dma_semaphore, #tpu.memory_space<semaphore_mem>>)
    %dma_start3A_997 = arith.constant 1 : i32
    %dma_start3A_998 = arith.constant 0 : i32
    %dma_start3A_999 = tpu.memref_slice %arg13[%dma_start3A_997, %dma_start3A_998] : memref<40x128xi32, #tpu.memory_space<vmem>> -> memref<1x128xi32, #tpu.memory_space<vmem>>
    %dma_start3A_1000 = tpu.memref_squeeze %dma_start3A_999 : memref<1x128xi32, #tpu.memory_space<vmem>> -> memref<128xi32, #tpu.memory_space<vmem>>
    %dma_start3A_1001 = arith.constant 0 : i32
    %dma_start3A_1002 = arith.constant 0 : i32
    %dma_start3A_1003 = tpu.memref_slice %arg11[%dma_start3A_1001, %dma_start3A_1002] : memref<10240x32xf32, #tpu.memory_space<vmem_shared>> -> memref<10240x32xf32, #tpu.memory_space<vmem_shared>>
    tpu.enqueue_indirect_dma source(%dma_start3A_1003 : memref<10240x32xf32, #tpu.memory_space<vmem_shared>>) target(%arg19 : memref<128x32xf32, #tpu.memory_space<vmem>>) offsets(%dma_start3A_1000 : memref<128xi32, #tpu.memory_space<vmem>>) semaphore(%arg22 : memref<!tpu.dma_semaphore, #tpu.memory_space<semaphore_mem>>)
    %dma_start3A_1004 = arith.constant 2 : i32
    %dma_start3A_1005 = arith.constant 0 : i32
    %dma_start3A_1006 = tpu.memref_slice %arg13[%dma_start3A_1004, %dma_start3A_1005] : memref<40x128xi32, #tpu.memory_space<vmem>> -> memref<1x128xi32, #tpu.memory_space<vmem>>
    %dma_start3A_1007 = tpu.memref_squeeze %dma_start3A_1006 : memref<1x128xi32, #tpu.memory_space<vmem>> -> memref<128xi32, #tpu.memory_space<vmem>>
    %dma_start3A_1008 = arith.constant 0 : i32
    %dma_start3A_1009 = arith.constant 0 : i32
    %dma_start3A_1010 = tpu.memref_slice %arg11[%dma_start3A_1008, %dma_start3A_1009] : memref<10240x32xf32, #tpu.memory_space<vmem_shared>> -> memref<10240x32xf32, #tpu.memory_space<vmem_shared>>
    tpu.enqueue_indirect_dma source(%dma_start3A_1010 : memref<10240x32xf32, #tpu.memory_space<vmem_shared>>) target(%arg20 : memref<128x32xf32, #tpu.memory_space<vmem>>) offsets(%dma_start3A_1007 : memref<128xi32, #tpu.memory_space<vmem>>) semaphore(%arg23 : memref<!tpu.dma_semaphore, #tpu.memory_space<semaphore_mem>>)
    %dma_wait3A_1011 = arith.constant 0 : i32
    %dma_wait3A_1012 = arith.constant 0 : i32
    %dma_wait3A_1013 = tpu.memref_slice %arg13[%dma_wait3A_1011, %dma_wait3A_1012] : memref<40x128xi32, #tpu.memory_space<vmem>> -> memref<1x128xi32, #tpu.memory_space<vmem>>
    %dma_wait3A_1014 = tpu.memref_squeeze %dma_wait3A_1013 : memref<1x128xi32, #tpu.memory_space<vmem>> -> memref<128xi32, #tpu.memory_space<vmem>>
    %dma_wait3A_1015 = arith.constant 0 : i32
    %dma_wait3A_1016 = arith.constant 0 : i32
    %dma_wait3A_1017 = tpu.memref_slice %arg11[%dma_wait3A_1015, %dma_wait3A_1016] : memref<10240x32xf32, #tpu.memory_space<vmem_shared>> -> memref<10240x32xf32, #tpu.memory_space<vmem_shared>>
    tpu.wait_indirect_dma semaphore(%arg21 : memref<!tpu.dma_semaphore, #tpu.memory_space<semaphore_mem>>) src(%dma_wait3A_1017 : memref<10240x32xf32, #tpu.memory_space<vmem_shared>>) dst(%arg18 : memref<128x32xf32, #tpu.memory_space<vmem>>)
    %dma_start3A_1018 = arith.constant 0 : i32
    %dma_start3A_1019 = arith.constant 0 : i32
    %dma_start3A_1020 = tpu.memref_slice %arg14[%dma_start3A_1018, %dma_start3A_1019] : memref<40x128xi32, #tpu.memory_space<vmem>> -> memref<1x128xi32, #tpu.memory_space<vmem>>
    %dma_start3A_1021 = tpu.memref_squeeze %dma_start3A_1020 : memref<1x128xi32, #tpu.memory_space<vmem>> -> memref<128xi32, #tpu.memory_space<vmem>>
    %dma_start3A_1022 = arith.constant 0 : i32
    %dma_start3A_1023 = arith.constant 0 : i32
    %dma_start3A_1024 = tpu.memref_slice %arg10[%dma_start3A_1022, %dma_start3A_1023] : memref<10240x32xf32, #tpu.memory_space<vmem_shared>> -> memref<10240x32xf32, #tpu.memory_space<vmem_shared>>
    tpu.enqueue_indirect_dma source(%arg18 : memref<128x32xf32, #tpu.memory_space<vmem>>) target(%dma_start3A_1024 : memref<10240x32xf32, #tpu.memory_space<vmem_shared>>) offsets(%dma_start3A_1021 : memref<128xi32, #tpu.memory_space<vmem>>) semaphore(%arg24 : memref<!tpu.dma_semaphore, #tpu.memory_space<semaphore_mem>>) {add = true}
    %dma_wait3A_1025 = arith.constant 0 : i32
    %dma_wait3A_1026 = arith.constant 0 : i32
    %dma_wait3A_1027 = tpu.memref_slice %arg14[%dma_wait3A_1025, %dma_wait3A_1026] : memref<40x128xi32, #tpu.memory_space<vmem>> -> memref<1x128xi32, #tpu.memory_space<vmem>>
    %dma_wait3A_1028 = tpu.memref_squeeze %dma_wait3A_1027 : memref<1x128xi32, #tpu.memory_space<vmem>> -> memref<128xi32, #tpu.memory_space<vmem>>
    %dma_wait3A_1029 = arith.constant 0 : i32
    %dma_wait3A_1030 = arith.constant 0 : i32
    %dma_wait3A_1031 = tpu.memref_slice %arg10[%dma_wait3A_1029, %dma_wait3A_1030] : memref<10240x32xf32, #tpu.memory_space<vmem_shared>> -> memref<10240x32xf32, #tpu.memory_space<vmem_shared>>
    tpu.wait_indirect_dma semaphore(%arg24 : memref<!tpu.dma_semaphore, #tpu.memory_space<semaphore_mem>>) src(%arg18 : memref<128x32xf32, #tpu.memory_space<vmem>>) dst(%dma_wait3A_1031 : memref<10240x32xf32, #tpu.memory_space<vmem_shared>>)
    %dma_start3A_1032 = arith.constant 3 : i32
    %dma_start3A_1033 = arith.constant 0 : i32
    %dma_start3A_1034 = tpu.memref_slice %arg13[%dma_start3A_1032, %dma_start3A_1033] : memref<40x128xi32, #tpu.memory_space<vmem>> -> memref<1x128xi32, #tpu.memory_space<vmem>>
    %dma_start3A_1035 = tpu.memref_squeeze %dma_start3A_1034 : memref<1x128xi32, #tpu.memory_space<vmem>> -> memref<128xi32, #tpu.memory_space<vmem>>
    %dma_start3A_1036 = arith.constant 0 : i32
    %dma_start3A_1037 = arith.constant 0 : i32
    %dma_start3A_1038 = tpu.memref_slice %arg11[%dma_start3A_1036, %dma_start3A_1037] : memref<10240x32xf32, #tpu.memory_space<vmem_shared>> -> memref<10240x32xf32, #tpu.memory_space<vmem_shared>>
    tpu.enqueue_indirect_dma source(%dma_start3A_1038 : memref<10240x32xf32, #tpu.memory_space<vmem_shared>>) target(%arg18 : memref<128x32xf32, #tpu.memory_space<vmem>>) offsets(%dma_start3A_1035 : memref<128xi32, #tpu.memory_space<vmem>>) semaphore(%arg21 : memref<!tpu.dma_semaphore, #tpu.memory_space<semaphore_mem>>)
    %dma_wait3A_1039 = arith.constant 1 : i32
    %dma_wait3A_1040 = arith.constant 0 : i32
    %dma_wait3A_1041 = tpu.memref_slice %arg13[%dma_wait3A_1039, %dma_wait3A_1040] : memref<40x128xi32, #tpu.memory_space<vmem>> -> memref<1x128xi32, #tpu.memory_space<vmem>>
    %dma_wait3A_1042 = tpu.memref_squeeze %dma_wait3A_1041 : memref<1x128xi32, #tpu.memory_space<vmem>> -> memref<128xi32, #tpu.memory_space<vmem>>
    %dma_wait3A_1043 = arith.constant 0 : i32
    %dma_wait3A_1044 = arith.constant 0 : i32
    %dma_wait3A_1045 = tpu.memref_slice %arg11[%dma_wait3A_1043, %dma_wait3A_1044] : memref<10240x32xf32, #tpu.memory_space<vmem_shared>> -> memref<10240x32xf32, #tpu.memory_space<vmem_shared>>
    tpu.wait_indirect_dma semaphore(%arg22 : memref<!tpu.dma_semaphore, #tpu.memory_space<semaphore_mem>>) src(%dma_wait3A_1045 : memref<10240x32xf32, #tpu.memory_space<vmem_shared>>) dst(%arg19 : memref<128x32xf32, #tpu.memory_space<vmem>>)
    %dma_start3A_1046 = arith.constant 1 : i32
    %dma_start3A_1047 = arith.constant 0 : i32
    %dma_start3A_1048 = tpu.memref_slice %arg14[%dma_start3A_1046, %dma_start3A_1047] : memref<40x128xi32, #tpu.memory_space<vmem>> -> memref<1x128xi32, #tpu.memory_space<vmem>>
    %dma_start3A_1049 = tpu.memref_squeeze %dma_start3A_1048 : memref<1x128xi32, #tpu.memory_space<vmem>> -> memref<128xi32, #tpu.memory_space<vmem>>
    %dma_start3A_1050 = arith.constant 0 : i32
    %dma_start3A_1051 = arith.constant 0 : i32
    %dma_start3A_1052 = tpu.memref_slice %arg10[%dma_start3A_1050, %dma_start3A_1051] : memref<10240x32xf32, #tpu.memory_space<vmem_shared>> -> memref<10240x32xf32, #tpu.memory_space<vmem_shared>>
    tpu.enqueue_indirect_dma source(%arg19 : memref<128x32xf32, #tpu.memory_space<vmem>>) target(%dma_start3A_1052 : memref<10240x32xf32, #tpu.memory_space<vmem_shared>>) offsets(%dma_start3A_1049 : memref<128xi32, #tpu.memory_space<vmem>>) semaphore(%arg25 : memref<!tpu.dma_semaphore, #tpu.memory_space<semaphore_mem>>) {add = true}
    %dma_wait3A_1053 = arith.constant 1 : i32
    %dma_wait3A_1054 = arith.constant 0 : i32
    %dma_wait3A_1055 = tpu.memref_slice %arg14[%dma_wait3A_1053, %dma_wait3A_1054] : memref<40x128xi32, #tpu.memory_space<vmem>> -> memref<1x128xi32, #tpu.memory_space<vmem>>
    %dma_wait3A_1056 = tpu.memref_squeeze %dma_wait3A_1055 : memref<1x128xi32, #tpu.memory_space<vmem>> -> memref<128xi32, #tpu.memory_space<vmem>>
    %dma_wait3A_1057 = arith.constant 0 : i32
    %dma_wait3A_1058 = arith.constant 0 : i32
    %dma_wait3A_1059 = tpu.memref_slice %arg10[%dma_wait3A_1057, %dma_wait3A_1058] : memref<10240x32xf32, #tpu.memory_space<vmem_shared>> -> memref<10240x32xf32, #tpu.memory_space<vmem_shared>>
    tpu.wait_indirect_dma semaphore(%arg25 : memref<!tpu.dma_semaphore, #tpu.memory_space<semaphore_mem>>) src(%arg19 : memref<128x32xf32, #tpu.memory_space<vmem>>) dst(%dma_wait3A_1059 : memref<10240x32xf32, #tpu.memory_space<vmem_shared>>)
    %dma_start3A_1060 = arith.constant 4 : i32
    %dma_start3A_1061 = arith.constant 0 : i32
    %dma_start3A_1062 = tpu.memref_slice %arg13[%dma_start3A_1060, %dma_start3A_1061] : memref<40x128xi32, #tpu.memory_space<vmem>> -> memref<1x128xi32, #tpu.memory_space<vmem>>
    %dma_start3A_1063 = tpu.memref_squeeze %dma_start3A_1062 : memref<1x128xi32, #tpu.memory_space<vmem>> -> memref<128xi32, #tpu.memory_space<vmem>>
    %dma_start3A_1064 = arith.constant 0 : i32
    %dma_start3A_1065 = arith.constant 0 : i32
    %dma_start3A_1066 = tpu.memref_slice %arg11[%dma_start3A_1064, %dma_start3A_1065] : memref<10240x32xf32, #tpu.memory_space<vmem_shared>> -> memref<10240x32xf32, #tpu.memory_space<vmem_shared>>
    tpu.enqueue_indirect_dma source(%dma_start3A_1066 : memref<10240x32xf32, #tpu.memory_space<vmem_shared>>) target(%arg19 : memref<128x32xf32, #tpu.memory_space<vmem>>) offsets(%dma_start3A_1063 : memref<128xi32, #tpu.memory_space<vmem>>) semaphore(%arg22 : memref<!tpu.dma_semaphore, #tpu.memory_space<semaphore_mem>>)
    %dma_wait3A_1067 = arith.constant 2 : i32
    %dma_wait3A_1068 = arith.constant 0 : i32
    %dma_wait3A_1069 = tpu.memref_slice %arg13[%dma_wait3A_1067, %dma_wait3A_1068] : memref<40x128xi32, #tpu.memory_space<vmem>> -> memref<1x128xi32, #tpu.memory_space<vmem>>
    %dma_wait3A_1070 = tpu.memref_squeeze %dma_wait3A_1069 : memref<1x128xi32, #tpu.memory_space<vmem>> -> memref<128xi32, #tpu.memory_space<vmem>>
    %dma_wait3A_1071 = arith.constant 0 : i32
    %dma_wait3A_1072 = arith.constant 0 : i32
    %dma_wait3A_1073 = tpu.memref_slice %arg11[%dma_wait3A_1071, %dma_wait3A_1072] : memref<10240x32xf32, #tpu.memory_space<vmem_shared>> -> memref<10240x32xf32, #tpu.memory_space<vmem_shared>>
    tpu.wait_indirect_dma semaphore(%arg23 : memref<!tpu.dma_semaphore, #tpu.memory_space<semaphore_mem>>) src(%dma_wait3A_1073 : memref<10240x32xf32, #tpu.memory_space<vmem_shared>>) dst(%arg20 : memref<128x32xf32, #tpu.memory_space<vmem>>)
    %dma_start3A_1074 = arith.constant 2 : i32
    %dma_start3A_1075 = arith.constant 0 : i32
    %dma_start3A_1076 = tpu.memref_slice %arg14[%dma_start3A_1074, %dma_start3A_1075] : memref<40x128xi32, #tpu.memory_space<vmem>> -> memref<1x128xi32, #tpu.memory_space<vmem>>
    %dma_start3A_1077 = tpu.memref_squeeze %dma_start3A_1076 : memref<1x128xi32, #tpu.memory_space<vmem>> -> memref<128xi32, #tpu.memory_space<vmem>>
    %dma_start3A_1078 = arith.constant 0 : i32
    %dma_start3A_1079 = arith.constant 0 : i32
    %dma_start3A_1080 = tpu.memref_slice %arg10[%dma_start3A_1078, %dma_start3A_1079] : memref<10240x32xf32, #tpu.memory_space<vmem_shared>> -> memref<10240x32xf32, #tpu.memory_space<vmem_shared>>
    tpu.enqueue_indirect_dma source(%arg20 : memref<128x32xf32, #tpu.memory_space<vmem>>) target(%dma_start3A_1080 : memref<10240x32xf32, #tpu.memory_space<vmem_shared>>) offsets(%dma_start3A_1077 : memref<128xi32, #tpu.memory_space<vmem>>) semaphore(%arg26 : memref<!tpu.dma_semaphore, #tpu.memory_space<semaphore_mem>>) {add = true}
    %dma_wait3A_1081 = arith.constant 2 : i32
    %dma_wait3A_1082 = arith.constant 0 : i32
    %dma_wait3A_1083 = tpu.memref_slice %arg14[%dma_wait3A_1081, %dma_wait3A_1082] : memref<40x128xi32, #tpu.memory_space<vmem>> -> memref<1x128xi32, #tpu.memory_space<vmem>>
    %dma_wait3A_1084 = tpu.memref_squeeze %dma_wait3A_1083 : memref<1x128xi32, #tpu.memory_space<vmem>> -> memref<128xi32, #tpu.memory_space<vmem>>
    %dma_wait3A_1085 = arith.constant 0 : i32
    %dma_wait3A_1086 = arith.constant 0 : i32
    %dma_wait3A_1087 = tpu.memref_slice %arg10[%dma_wait3A_1085, %dma_wait3A_1086] : memref<10240x32xf32, #tpu.memory_space<vmem_shared>> -> memref<10240x32xf32, #tpu.memory_space<vmem_shared>>
    tpu.wait_indirect_dma semaphore(%arg26 : memref<!tpu.dma_semaphore, #tpu.memory_space<semaphore_mem>>) src(%arg20 : memref<128x32xf32, #tpu.memory_space<vmem>>) dst(%dma_wait3A_1087 : memref<10240x32xf32, #tpu.memory_space<vmem_shared>>)
    %dma_start3A_1088 = arith.constant 5 : i32
    %dma_start3A_1089 = arith.constant 0 : i32
    %dma_start3A_1090 = tpu.memref_slice %arg13[%dma_start3A_1088, %dma_start3A_1089] : memref<40x128xi32, #tpu.memory_space<vmem>> -> memref<1x128xi32, #tpu.memory_space<vmem>>
    %dma_start3A_1091 = tpu.memref_squeeze %dma_start3A_1090 : memref<1x128xi32, #tpu.memory_space<vmem>> -> memref<128xi32, #tpu.memory_space<vmem>>
    %dma_start3A_1092 = arith.constant 0 : i32
    %dma_start3A_1093 = arith.constant 0 : i32
    %dma_start3A_1094 = tpu.memref_slice %arg11[%dma_start3A_1092, %dma_start3A_1093] : memref<10240x32xf32, #tpu.memory_space<vmem_shared>> -> memref<10240x32xf32, #tpu.memory_space<vmem_shared>>
    tpu.enqueue_indirect_dma source(%dma_start3A_1094 : memref<10240x32xf32, #tpu.memory_space<vmem_shared>>) target(%arg20 : memref<128x32xf32, #tpu.memory_space<vmem>>) offsets(%dma_start3A_1091 : memref<128xi32, #tpu.memory_space<vmem>>) semaphore(%arg23 : memref<!tpu.dma_semaphore, #tpu.memory_space<semaphore_mem>>)
    %dma_wait3A_1095 = arith.constant 3 : i32
    %dma_wait3A_1096 = arith.constant 0 : i32
    %dma_wait3A_1097 = tpu.memref_slice %arg13[%dma_wait3A_1095, %dma_wait3A_1096] : memref<40x128xi32, #tpu.memory_space<vmem>> -> memref<1x128xi32, #tpu.memory_space<vmem>>
    %dma_wait3A_1098 = tpu.memref_squeeze %dma_wait3A_1097 : memref<1x128xi32, #tpu.memory_space<vmem>> -> memref<128xi32, #tpu.memory_space<vmem>>
    %dma_wait3A_1099 = arith.constant 0 : i32
    %dma_wait3A_1100 = arith.constant 0 : i32
    %dma_wait3A_1101 = tpu.memref_slice %arg11[%dma_wait3A_1099, %dma_wait3A_1100] : memref<10240x32xf32, #tpu.memory_space<vmem_shared>> -> memref<10240x32xf32, #tpu.memory_space<vmem_shared>>
    tpu.wait_indirect_dma semaphore(%arg21 : memref<!tpu.dma_semaphore, #tpu.memory_space<semaphore_mem>>) src(%dma_wait3A_1101 : memref<10240x32xf32, #tpu.memory_space<vmem_shared>>) dst(%arg18 : memref<128x32xf32, #tpu.memory_space<vmem>>)
    %dma_start3A_1102 = arith.constant 3 : i32
    %dma_start3A_1103 = arith.constant 0 : i32
    %dma_start3A_1104 = tpu.memref_slice %arg14[%dma_start3A_1102, %dma_start3A_1103] : memref<40x128xi32, #tpu.memory_space<vmem>> -> memref<1x128xi32, #tpu.memory_space<vmem>>
    %dma_start3A_1105 = tpu.memref_squeeze %dma_start3A_1104 : memref<1x128xi32, #tpu.memory_space<vmem>> -> memref<128xi32, #tpu.memory_space<vmem>>
    %dma_start3A_1106 = arith.constant 0 : i32
    %dma_start3A_1107 = arith.constant 0 : i32
    %dma_start3A_1108 = tpu.memref_slice %arg10[%dma_start3A_1106, %dma_start3A_1107] : memref<10240x32xf32, #tpu.memory_space<vmem_shared>> -> memref<10240x32xf32, #tpu.memory_space<vmem_shared>>
    tpu.enqueue_indirect_dma source(%arg18 : memref<128x32xf32, #tpu.memory_space<vmem>>) target(%dma_start3A_1108 : memref<10240x32xf32, #tpu.memory_space<vmem_shared>>) offsets(%dma_start3A_1105 : memref<128xi32, #tpu.memory_space<vmem>>) semaphore(%arg24 : memref<!tpu.dma_semaphore, #tpu.memory_space<semaphore_mem>>) {add = true}
    %dma_wait3A_1109 = arith.constant 3 : i32
    %dma_wait3A_1110 = arith.constant 0 : i32
    %dma_wait3A_1111 = tpu.memref_slice %arg14[%dma_wait3A_1109, %dma_wait3A_1110] : memref<40x128xi32, #tpu.memory_space<vmem>> -> memref<1x128xi32, #tpu.memory_space<vmem>>
    %dma_wait3A_1112 = tpu.memref_squeeze %dma_wait3A_1111 : memref<1x128xi32, #tpu.memory_space<vmem>> -> memref<128xi32, #tpu.memory_space<vmem>>
    %dma_wait3A_1113 = arith.constant 0 : i32
    %dma_wait3A_1114 = arith.constant 0 : i32
    %dma_wait3A_1115 = tpu.memref_slice %arg10[%dma_wait3A_1113, %dma_wait3A_1114] : memref<10240x32xf32, #tpu.memory_space<vmem_shared>> -> memref<10240x32xf32, #tpu.memory_space<vmem_shared>>
    tpu.wait_indirect_dma semaphore(%arg24 : memref<!tpu.dma_semaphore, #tpu.memory_space<semaphore_mem>>) src(%arg18 : memref<128x32xf32, #tpu.memory_space<vmem>>) dst(%dma_wait3A_1115 : memref<10240x32xf32, #tpu.memory_space<vmem_shared>>)
    %dma_start3A_1116 = arith.constant 6 : i32
    %dma_start3A_1117 = arith.constant 0 : i32
    %dma_start3A_1118 = tpu.memref_slice %arg13[%dma_start3A_1116, %dma_start3A_1117] : memref<40x128xi32, #tpu.memory_space<vmem>> -> memref<1x128xi32, #tpu.memory_space<vmem>>
    %dma_start3A_1119 = tpu.memref_squeeze %dma_start3A_1118 : memref<1x128xi32, #tpu.memory_space<vmem>> -> memref<128xi32, #tpu.memory_space<vmem>>
    %dma_start3A_1120 = arith.constant 0 : i32
    %dma_start3A_1121 = arith.constant 0 : i32
    %dma_start3A_1122 = tpu.memref_slice %arg11[%dma_start3A_1120, %dma_start3A_1121] : memref<10240x32xf32, #tpu.memory_space<vmem_shared>> -> memref<10240x32xf32, #tpu.memory_space<vmem_shared>>
    tpu.enqueue_indirect_dma source(%dma_start3A_1122 : memref<10240x32xf32, #tpu.memory_space<vmem_shared>>) target(%arg18 : memref<128x32xf32, #tpu.memory_space<vmem>>) offsets(%dma_start3A_1119 : memref<128xi32, #tpu.memory_space<vmem>>) semaphore(%arg21 : memref<!tpu.dma_semaphore, #tpu.memory_space<semaphore_mem>>)
    %dma_wait3A_1123 = arith.constant 4 : i32
    %dma_wait3A_1124 = arith.constant 0 : i32
    %dma_wait3A_1125 = tpu.memref_slice %arg13[%dma_wait3A_1123, %dma_wait3A_1124] : memref<40x128xi32, #tpu.memory_space<vmem>> -> memref<1x128xi32, #tpu.memory_space<vmem>>
    %dma_wait3A_1126 = tpu.memref_squeeze %dma_wait3A_1125 : memref<1x128xi32, #tpu.memory_space<vmem>> -> memref<128xi32, #tpu.memory_space<vmem>>
    %dma_wait3A_1127 = arith.constant 0 : i32
    %dma_wait3A_1128 = arith.constant 0 : i32
    %dma_wait3A_1129 = tpu.memref_slice %arg11[%dma_wait3A_1127, %dma_wait3A_1128] : memref<10240x32xf32, #tpu.memory_space<vmem_shared>> -> memref<10240x32xf32, #tpu.memory_space<vmem_shared>>
    tpu.wait_indirect_dma semaphore(%arg22 : memref<!tpu.dma_semaphore, #tpu.memory_space<semaphore_mem>>) src(%dma_wait3A_1129 : memref<10240x32xf32, #tpu.memory_space<vmem_shared>>) dst(%arg19 : memref<128x32xf32, #tpu.memory_space<vmem>>)
    %dma_start3A_1130 = arith.constant 4 : i32
    %dma_start3A_1131 = arith.constant 0 : i32
    %dma_start3A_1132 = tpu.memref_slice %arg14[%dma_start3A_1130, %dma_start3A_1131] : memref<40x128xi32, #tpu.memory_space<vmem>> -> memref<1x128xi32, #tpu.memory_space<vmem>>
    %dma_start3A_1133 = tpu.memref_squeeze %dma_start3A_1132 : memref<1x128xi32, #tpu.memory_space<vmem>> -> memref<128xi32, #tpu.memory_space<vmem>>
    %dma_start3A_1134 = arith.constant 0 : i32
    %dma_start3A_1135 = arith.constant 0 : i32
    %dma_start3A_1136 = tpu.memref_slice %arg10[%dma_start3A_1134, %dma_start3A_1135] : memref<10240x32xf32, #tpu.memory_space<vmem_shared>> -> memref<10240x32xf32, #tpu.memory_space<vmem_shared>>
    tpu.enqueue_indirect_dma source(%arg19 : memref<128x32xf32, #tpu.memory_space<vmem>>) target(%dma_start3A_1136 : memref<10240x32xf32, #tpu.memory_space<vmem_shared>>) offsets(%dma_start3A_1133 : memref<128xi32, #tpu.memory_space<vmem>>) semaphore(%arg25 : memref<!tpu.dma_semaphore, #tpu.memory_space<semaphore_mem>>) {add = true}
    %dma_wait3A_1137 = arith.constant 4 : i32
    %dma_wait3A_1138 = arith.constant 0 : i32
    %dma_wait3A_1139 = tpu.memref_slice %arg14[%dma_wait3A_1137, %dma_wait3A_1138] : memref<40x128xi32, #tpu.memory_space<vmem>> -> memref<1x128xi32, #tpu.memory_space<vmem>>
    %dma_wait3A_1140 = tpu.memref_squeeze %dma_wait3A_1139 : memref<1x128xi32, #tpu.memory_space<vmem>> -> memref<128xi32, #tpu.memory_space<vmem>>
    %dma_wait3A_1141 = arith.constant 0 : i32
    %dma_wait3A_1142 = arith.constant 0 : i32
    %dma_wait3A_1143 = tpu.memref_slice %arg10[%dma_wait3A_1141, %dma_wait3A_1142] : memref<10240x32xf32, #tpu.memory_space<vmem_shared>> -> memref<10240x32xf32, #tpu.memory_space<vmem_shared>>
    tpu.wait_indirect_dma semaphore(%arg25 : memref<!tpu.dma_semaphore, #tpu.memory_space<semaphore_mem>>) src(%arg19 : memref<128x32xf32, #tpu.memory_space<vmem>>) dst(%dma_wait3A_1143 : memref<10240x32xf32, #tpu.memory_space<vmem_shared>>)
    %dma_start3A_1144 = arith.constant 7 : i32
    %dma_start3A_1145 = arith.constant 0 : i32
    %dma_start3A_1146 = tpu.memref_slice %arg13[%dma_start3A_1144, %dma_start3A_1145] : memref<40x128xi32, #tpu.memory_space<vmem>> -> memref<1x128xi32, #tpu.memory_space<vmem>>
    %dma_start3A_1147 = tpu.memref_squeeze %dma_start3A_1146 : memref<1x128xi32, #tpu.memory_space<vmem>> -> memref<128xi32, #tpu.memory_space<vmem>>
    %dma_start3A_1148 = arith.constant 0 : i32
    %dma_start3A_1149 = arith.constant 0 : i32
    %dma_start3A_1150 = tpu.memref_slice %arg11[%dma_start3A_1148, %dma_start3A_1149] : memref<10240x32xf32, #tpu.memory_space<vmem_shared>> -> memref<10240x32xf32, #tpu.memory_space<vmem_shared>>
    tpu.enqueue_indirect_dma source(%dma_start3A_1150 : memref<10240x32xf32, #tpu.memory_space<vmem_shared>>) target(%arg19 : memref<128x32xf32, #tpu.memory_space<vmem>>) offsets(%dma_start3A_1147 : memref<128xi32, #tpu.memory_space<vmem>>) semaphore(%arg22 : memref<!tpu.dma_semaphore, #tpu.memory_space<semaphore_mem>>)
    %dma_wait3A_1151 = arith.constant 5 : i32
    %dma_wait3A_1152 = arith.constant 0 : i32
    %dma_wait3A_1153 = tpu.memref_slice %arg13[%dma_wait3A_1151, %dma_wait3A_1152] : memref<40x128xi32, #tpu.memory_space<vmem>> -> memref<1x128xi32, #tpu.memory_space<vmem>>
    %dma_wait3A_1154 = tpu.memref_squeeze %dma_wait3A_1153 : memref<1x128xi32, #tpu.memory_space<vmem>> -> memref<128xi32, #tpu.memory_space<vmem>>
    %dma_wait3A_1155 = arith.constant 0 : i32
    %dma_wait3A_1156 = arith.constant 0 : i32
    %dma_wait3A_1157 = tpu.memref_slice %arg11[%dma_wait3A_1155, %dma_wait3A_1156] : memref<10240x32xf32, #tpu.memory_space<vmem_shared>> -> memref<10240x32xf32, #tpu.memory_space<vmem_shared>>
    tpu.wait_indirect_dma semaphore(%arg23 : memref<!tpu.dma_semaphore, #tpu.memory_space<semaphore_mem>>) src(%dma_wait3A_1157 : memref<10240x32xf32, #tpu.memory_space<vmem_shared>>) dst(%arg20 : memref<128x32xf32, #tpu.memory_space<vmem>>)
    %dma_start3A_1158 = arith.constant 5 : i32
    %dma_start3A_1159 = arith.constant 0 : i32
    %dma_start3A_1160 = tpu.memref_slice %arg14[%dma_start3A_1158, %dma_start3A_1159] : memref<40x128xi32, #tpu.memory_space<vmem>> -> memref<1x128xi32, #tpu.memory_space<vmem>>
    %dma_start3A_1161 = tpu.memref_squeeze %dma_start3A_1160 : memref<1x128xi32, #tpu.memory_space<vmem>> -> memref<128xi32, #tpu.memory_space<vmem>>
    %dma_start3A_1162 = arith.constant 0 : i32
    %dma_start3A_1163 = arith.constant 0 : i32
    %dma_start3A_1164 = tpu.memref_slice %arg10[%dma_start3A_1162, %dma_start3A_1163] : memref<10240x32xf32, #tpu.memory_space<vmem_shared>> -> memref<10240x32xf32, #tpu.memory_space<vmem_shared>>
    tpu.enqueue_indirect_dma source(%arg20 : memref<128x32xf32, #tpu.memory_space<vmem>>) target(%dma_start3A_1164 : memref<10240x32xf32, #tpu.memory_space<vmem_shared>>) offsets(%dma_start3A_1161 : memref<128xi32, #tpu.memory_space<vmem>>) semaphore(%arg26 : memref<!tpu.dma_semaphore, #tpu.memory_space<semaphore_mem>>) {add = true}
    %dma_wait3A_1165 = arith.constant 5 : i32
    %dma_wait3A_1166 = arith.constant 0 : i32
    %dma_wait3A_1167 = tpu.memref_slice %arg14[%dma_wait3A_1165, %dma_wait3A_1166] : memref<40x128xi32, #tpu.memory_space<vmem>> -> memref<1x128xi32, #tpu.memory_space<vmem>>
    %dma_wait3A_1168 = tpu.memref_squeeze %dma_wait3A_1167 : memref<1x128xi32, #tpu.memory_space<vmem>> -> memref<128xi32, #tpu.memory_space<vmem>>
    %dma_wait3A_1169 = arith.constant 0 : i32
    %dma_wait3A_1170 = arith.constant 0 : i32
    %dma_wait3A_1171 = tpu.memref_slice %arg10[%dma_wait3A_1169, %dma_wait3A_1170] : memref<10240x32xf32, #tpu.memory_space<vmem_shared>> -> memref<10240x32xf32, #tpu.memory_space<vmem_shared>>
    tpu.wait_indirect_dma semaphore(%arg26 : memref<!tpu.dma_semaphore, #tpu.memory_space<semaphore_mem>>) src(%arg20 : memref<128x32xf32, #tpu.memory_space<vmem>>) dst(%dma_wait3A_1171 : memref<10240x32xf32, #tpu.memory_space<vmem_shared>>)
    %dma_start3A_1172 = arith.constant 8 : i32
    %dma_start3A_1173 = arith.constant 0 : i32
    %dma_start3A_1174 = tpu.memref_slice %arg13[%dma_start3A_1172, %dma_start3A_1173] : memref<40x128xi32, #tpu.memory_space<vmem>> -> memref<1x128xi32, #tpu.memory_space<vmem>>
    %dma_start3A_1175 = tpu.memref_squeeze %dma_start3A_1174 : memref<1x128xi32, #tpu.memory_space<vmem>> -> memref<128xi32, #tpu.memory_space<vmem>>
    %dma_start3A_1176 = arith.constant 0 : i32
    %dma_start3A_1177 = arith.constant 0 : i32
    %dma_start3A_1178 = tpu.memref_slice %arg11[%dma_start3A_1176, %dma_start3A_1177] : memref<10240x32xf32, #tpu.memory_space<vmem_shared>> -> memref<10240x32xf32, #tpu.memory_space<vmem_shared>>
    tpu.enqueue_indirect_dma source(%dma_start3A_1178 : memref<10240x32xf32, #tpu.memory_space<vmem_shared>>) target(%arg20 : memref<128x32xf32, #tpu.memory_space<vmem>>) offsets(%dma_start3A_1175 : memref<128xi32, #tpu.memory_space<vmem>>) semaphore(%arg23 : memref<!tpu.dma_semaphore, #tpu.memory_space<semaphore_mem>>)
    %dma_wait3A_1179 = arith.constant 6 : i32
    %dma_wait3A_1180 = arith.constant 0 : i32
    %dma_wait3A_1181 = tpu.memref_slice %arg13[%dma_wait3A_1179, %dma_wait3A_1180] : memref<40x128xi32, #tpu.memory_space<vmem>> -> memref<1x128xi32, #tpu.memory_space<vmem>>
    %dma_wait3A_1182 = tpu.memref_squeeze %dma_wait3A_1181 : memref<1x128xi32, #tpu.memory_space<vmem>> -> memref<128xi32, #tpu.memory_space<vmem>>
    %dma_wait3A_1183 = arith.constant 0 : i32
    %dma_wait3A_1184 = arith.constant 0 : i32
    %dma_wait3A_1185 = tpu.memref_slice %arg11[%dma_wait3A_1183, %dma_wait3A_1184] : memref<10240x32xf32, #tpu.memory_space<vmem_shared>> -> memref<10240x32xf32, #tpu.memory_space<vmem_shared>>
    tpu.wait_indirect_dma semaphore(%arg21 : memref<!tpu.dma_semaphore, #tpu.memory_space<semaphore_mem>>) src(%dma_wait3A_1185 : memref<10240x32xf32, #tpu.memory_space<vmem_shared>>) dst(%arg18 : memref<128x32xf32, #tpu.memory_space<vmem>>)
    %dma_start3A_1186 = arith.constant 6 : i32
    %dma_start3A_1187 = arith.constant 0 : i32
    %dma_start3A_1188 = tpu.memref_slice %arg14[%dma_start3A_1186, %dma_start3A_1187] : memref<40x128xi32, #tpu.memory_space<vmem>> -> memref<1x128xi32, #tpu.memory_space<vmem>>
    %dma_start3A_1189 = tpu.memref_squeeze %dma_start3A_1188 : memref<1x128xi32, #tpu.memory_space<vmem>> -> memref<128xi32, #tpu.memory_space<vmem>>
    %dma_start3A_1190 = arith.constant 0 : i32
    %dma_start3A_1191 = arith.constant 0 : i32
    %dma_start3A_1192 = tpu.memref_slice %arg10[%dma_start3A_1190, %dma_start3A_1191] : memref<10240x32xf32, #tpu.memory_space<vmem_shared>> -> memref<10240x32xf32, #tpu.memory_space<vmem_shared>>
    tpu.enqueue_indirect_dma source(%arg18 : memref<128x32xf32, #tpu.memory_space<vmem>>) target(%dma_start3A_1192 : memref<10240x32xf32, #tpu.memory_space<vmem_shared>>) offsets(%dma_start3A_1189 : memref<128xi32, #tpu.memory_space<vmem>>) semaphore(%arg24 : memref<!tpu.dma_semaphore, #tpu.memory_space<semaphore_mem>>) {add = true}
    %dma_wait3A_1193 = arith.constant 6 : i32
    %dma_wait3A_1194 = arith.constant 0 : i32
    %dma_wait3A_1195 = tpu.memref_slice %arg14[%dma_wait3A_1193, %dma_wait3A_1194] : memref<40x128xi32, #tpu.memory_space<vmem>> -> memref<1x128xi32, #tpu.memory_space<vmem>>
    %dma_wait3A_1196 = tpu.memref_squeeze %dma_wait3A_1195 : memref<1x128xi32, #tpu.memory_space<vmem>> -> memref<128xi32, #tpu.memory_space<vmem>>
    %dma_wait3A_1197 = arith.constant 0 : i32
    %dma_wait3A_1198 = arith.constant 0 : i32
    %dma_wait3A_1199 = tpu.memref_slice %arg10[%dma_wait3A_1197, %dma_wait3A_1198] : memref<10240x32xf32, #tpu.memory_space<vmem_shared>> -> memref<10240x32xf32, #tpu.memory_space<vmem_shared>>
    tpu.wait_indirect_dma semaphore(%arg24 : memref<!tpu.dma_semaphore, #tpu.memory_space<semaphore_mem>>) src(%arg18 : memref<128x32xf32, #tpu.memory_space<vmem>>) dst(%dma_wait3A_1199 : memref<10240x32xf32, #tpu.memory_space<vmem_shared>>)
    %dma_start3A_1200 = arith.constant 9 : i32
    %dma_start3A_1201 = arith.constant 0 : i32
    %dma_start3A_1202 = tpu.memref_slice %arg13[%dma_start3A_1200, %dma_start3A_1201] : memref<40x128xi32, #tpu.memory_space<vmem>> -> memref<1x128xi32, #tpu.memory_space<vmem>>
    %dma_start3A_1203 = tpu.memref_squeeze %dma_start3A_1202 : memref<1x128xi32, #tpu.memory_space<vmem>> -> memref<128xi32, #tpu.memory_space<vmem>>
    %dma_start3A_1204 = arith.constant 0 : i32
    %dma_start3A_1205 = arith.constant 0 : i32
    %dma_start3A_1206 = tpu.memref_slice %arg11[%dma_start3A_1204, %dma_start3A_1205] : memref<10240x32xf32, #tpu.memory_space<vmem_shared>> -> memref<10240x32xf32, #tpu.memory_space<vmem_shared>>
    tpu.enqueue_indirect_dma source(%dma_start3A_1206 : memref<10240x32xf32, #tpu.memory_space<vmem_shared>>) target(%arg18 : memref<128x32xf32, #tpu.memory_space<vmem>>) offsets(%dma_start3A_1203 : memref<128xi32, #tpu.memory_space<vmem>>) semaphore(%arg21 : memref<!tpu.dma_semaphore, #tpu.memory_space<semaphore_mem>>)
    %dma_wait3A_1207 = arith.constant 7 : i32
    %dma_wait3A_1208 = arith.constant 0 : i32
    %dma_wait3A_1209 = tpu.memref_slice %arg13[%dma_wait3A_1207, %dma_wait3A_1208] : memref<40x128xi32, #tpu.memory_space<vmem>> -> memref<1x128xi32, #tpu.memory_space<vmem>>
    %dma_wait3A_1210 = tpu.memref_squeeze %dma_wait3A_1209 : memref<1x128xi32, #tpu.memory_space<vmem>> -> memref<128xi32, #tpu.memory_space<vmem>>
    %dma_wait3A_1211 = arith.constant 0 : i32
    %dma_wait3A_1212 = arith.constant 0 : i32
    %dma_wait3A_1213 = tpu.memref_slice %arg11[%dma_wait3A_1211, %dma_wait3A_1212] : memref<10240x32xf32, #tpu.memory_space<vmem_shared>> -> memref<10240x32xf32, #tpu.memory_space<vmem_shared>>
    tpu.wait_indirect_dma semaphore(%arg22 : memref<!tpu.dma_semaphore, #tpu.memory_space<semaphore_mem>>) src(%dma_wait3A_1213 : memref<10240x32xf32, #tpu.memory_space<vmem_shared>>) dst(%arg19 : memref<128x32xf32, #tpu.memory_space<vmem>>)
    %dma_start3A_1214 = arith.constant 7 : i32
    %dma_start3A_1215 = arith.constant 0 : i32
    %dma_start3A_1216 = tpu.memref_slice %arg14[%dma_start3A_1214, %dma_start3A_1215] : memref<40x128xi32, #tpu.memory_space<vmem>> -> memref<1x128xi32, #tpu.memory_space<vmem>>
    %dma_start3A_1217 = tpu.memref_squeeze %dma_start3A_1216 : memref<1x128xi32, #tpu.memory_space<vmem>> -> memref<128xi32, #tpu.memory_space<vmem>>
    %dma_start3A_1218 = arith.constant 0 : i32
    %dma_start3A_1219 = arith.constant 0 : i32
    %dma_start3A_1220 = tpu.memref_slice %arg10[%dma_start3A_1218, %dma_start3A_1219] : memref<10240x32xf32, #tpu.memory_space<vmem_shared>> -> memref<10240x32xf32, #tpu.memory_space<vmem_shared>>
    tpu.enqueue_indirect_dma source(%arg19 : memref<128x32xf32, #tpu.memory_space<vmem>>) target(%dma_start3A_1220 : memref<10240x32xf32, #tpu.memory_space<vmem_shared>>) offsets(%dma_start3A_1217 : memref<128xi32, #tpu.memory_space<vmem>>) semaphore(%arg25 : memref<!tpu.dma_semaphore, #tpu.memory_space<semaphore_mem>>) {add = true}
    %dma_wait3A_1221 = arith.constant 7 : i32
    %dma_wait3A_1222 = arith.constant 0 : i32
    %dma_wait3A_1223 = tpu.memref_slice %arg14[%dma_wait3A_1221, %dma_wait3A_1222] : memref<40x128xi32, #tpu.memory_space<vmem>> -> memref<1x128xi32, #tpu.memory_space<vmem>>
    %dma_wait3A_1224 = tpu.memref_squeeze %dma_wait3A_1223 : memref<1x128xi32, #tpu.memory_space<vmem>> -> memref<128xi32, #tpu.memory_space<vmem>>
    %dma_wait3A_1225 = arith.constant 0 : i32
    %dma_wait3A_1226 = arith.constant 0 : i32
    %dma_wait3A_1227 = tpu.memref_slice %arg10[%dma_wait3A_1225, %dma_wait3A_1226] : memref<10240x32xf32, #tpu.memory_space<vmem_shared>> -> memref<10240x32xf32, #tpu.memory_space<vmem_shared>>
    tpu.wait_indirect_dma semaphore(%arg25 : memref<!tpu.dma_semaphore, #tpu.memory_space<semaphore_mem>>) src(%arg19 : memref<128x32xf32, #tpu.memory_space<vmem>>) dst(%dma_wait3A_1227 : memref<10240x32xf32, #tpu.memory_space<vmem_shared>>)
    %dma_start3A_1228 = arith.constant 10 : i32
    %dma_start3A_1229 = arith.constant 0 : i32
    %dma_start3A_1230 = tpu.memref_slice %arg13[%dma_start3A_1228, %dma_start3A_1229] : memref<40x128xi32, #tpu.memory_space<vmem>> -> memref<1x128xi32, #tpu.memory_space<vmem>>
    %dma_start3A_1231 = tpu.memref_squeeze %dma_start3A_1230 : memref<1x128xi32, #tpu.memory_space<vmem>> -> memref<128xi32, #tpu.memory_space<vmem>>
    %dma_start3A_1232 = arith.constant 0 : i32
    %dma_start3A_1233 = arith.constant 0 : i32
    %dma_start3A_1234 = tpu.memref_slice %arg11[%dma_start3A_1232, %dma_start3A_1233] : memref<10240x32xf32, #tpu.memory_space<vmem_shared>> -> memref<10240x32xf32, #tpu.memory_space<vmem_shared>>
    tpu.enqueue_indirect_dma source(%dma_start3A_1234 : memref<10240x32xf32, #tpu.memory_space<vmem_shared>>) target(%arg19 : memref<128x32xf32, #tpu.memory_space<vmem>>) offsets(%dma_start3A_1231 : memref<128xi32, #tpu.memory_space<vmem>>) semaphore(%arg22 : memref<!tpu.dma_semaphore, #tpu.memory_space<semaphore_mem>>)
    %dma_wait3A_1235 = arith.constant 8 : i32
    %dma_wait3A_1236 = arith.constant 0 : i32
    %dma_wait3A_1237 = tpu.memref_slice %arg13[%dma_wait3A_1235, %dma_wait3A_1236] : memref<40x128xi32, #tpu.memory_space<vmem>> -> memref<1x128xi32, #tpu.memory_space<vmem>>
    %dma_wait3A_1238 = tpu.memref_squeeze %dma_wait3A_1237 : memref<1x128xi32, #tpu.memory_space<vmem>> -> memref<128xi32, #tpu.memory_space<vmem>>
    %dma_wait3A_1239 = arith.constant 0 : i32
    %dma_wait3A_1240 = arith.constant 0 : i32
    %dma_wait3A_1241 = tpu.memref_slice %arg11[%dma_wait3A_1239, %dma_wait3A_1240] : memref<10240x32xf32, #tpu.memory_space<vmem_shared>> -> memref<10240x32xf32, #tpu.memory_space<vmem_shared>>
    tpu.wait_indirect_dma semaphore(%arg23 : memref<!tpu.dma_semaphore, #tpu.memory_space<semaphore_mem>>) src(%dma_wait3A_1241 : memref<10240x32xf32, #tpu.memory_space<vmem_shared>>) dst(%arg20 : memref<128x32xf32, #tpu.memory_space<vmem>>)
    %dma_start3A_1242 = arith.constant 8 : i32
    %dma_start3A_1243 = arith.constant 0 : i32
    %dma_start3A_1244 = tpu.memref_slice %arg14[%dma_start3A_1242, %dma_start3A_1243] : memref<40x128xi32, #tpu.memory_space<vmem>> -> memref<1x128xi32, #tpu.memory_space<vmem>>
    %dma_start3A_1245 = tpu.memref_squeeze %dma_start3A_1244 : memref<1x128xi32, #tpu.memory_space<vmem>> -> memref<128xi32, #tpu.memory_space<vmem>>
    %dma_start3A_1246 = arith.constant 0 : i32
    %dma_start3A_1247 = arith.constant 0 : i32
    %dma_start3A_1248 = tpu.memref_slice %arg10[%dma_start3A_1246, %dma_start3A_1247] : memref<10240x32xf32, #tpu.memory_space<vmem_shared>> -> memref<10240x32xf32, #tpu.memory_space<vmem_shared>>
    tpu.enqueue_indirect_dma source(%arg20 : memref<128x32xf32, #tpu.memory_space<vmem>>) target(%dma_start3A_1248 : memref<10240x32xf32, #tpu.memory_space<vmem_shared>>) offsets(%dma_start3A_1245 : memref<128xi32, #tpu.memory_space<vmem>>) semaphore(%arg26 : memref<!tpu.dma_semaphore, #tpu.memory_space<semaphore_mem>>) {add = true}
    %dma_wait3A_1249 = arith.constant 8 : i32
    %dma_wait3A_1250 = arith.constant 0 : i32
    %dma_wait3A_1251 = tpu.memref_slice %arg14[%dma_wait3A_1249, %dma_wait3A_1250] : memref<40x128xi32, #tpu.memory_space<vmem>> -> memref<1x128xi32, #tpu.memory_space<vmem>>
    %dma_wait3A_1252 = tpu.memref_squeeze %dma_wait3A_1251 : memref<1x128xi32, #tpu.memory_space<vmem>> -> memref<128xi32, #tpu.memory_space<vmem>>
    %dma_wait3A_1253 = arith.constant 0 : i32
    %dma_wait3A_1254 = arith.constant 0 : i32
    %dma_wait3A_1255 = tpu.memref_slice %arg10[%dma_wait3A_1253, %dma_wait3A_1254] : memref<10240x32xf32, #tpu.memory_space<vmem_shared>> -> memref<10240x32xf32, #tpu.memory_space<vmem_shared>>
    tpu.wait_indirect_dma semaphore(%arg26 : memref<!tpu.dma_semaphore, #tpu.memory_space<semaphore_mem>>) src(%arg20 : memref<128x32xf32, #tpu.memory_space<vmem>>) dst(%dma_wait3A_1255 : memref<10240x32xf32, #tpu.memory_space<vmem_shared>>)
    %dma_start3A_1256 = arith.constant 11 : i32
    %dma_start3A_1257 = arith.constant 0 : i32
    %dma_start3A_1258 = tpu.memref_slice %arg13[%dma_start3A_1256, %dma_start3A_1257] : memref<40x128xi32, #tpu.memory_space<vmem>> -> memref<1x128xi32, #tpu.memory_space<vmem>>
    %dma_start3A_1259 = tpu.memref_squeeze %dma_start3A_1258 : memref<1x128xi32, #tpu.memory_space<vmem>> -> memref<128xi32, #tpu.memory_space<vmem>>
    %dma_start3A_1260 = arith.constant 0 : i32
    %dma_start3A_1261 = arith.constant 0 : i32
    %dma_start3A_1262 = tpu.memref_slice %arg11[%dma_start3A_1260, %dma_start3A_1261] : memref<10240x32xf32, #tpu.memory_space<vmem_shared>> -> memref<10240x32xf32, #tpu.memory_space<vmem_shared>>
    tpu.enqueue_indirect_dma source(%dma_start3A_1262 : memref<10240x32xf32, #tpu.memory_space<vmem_shared>>) target(%arg20 : memref<128x32xf32, #tpu.memory_space<vmem>>) offsets(%dma_start3A_1259 : memref<128xi32, #tpu.memory_space<vmem>>) semaphore(%arg23 : memref<!tpu.dma_semaphore, #tpu.memory_space<semaphore_mem>>)
    %dma_wait3A_1263 = arith.constant 9 : i32
    %dma_wait3A_1264 = arith.constant 0 : i32
    %dma_wait3A_1265 = tpu.memref_slice %arg13[%dma_wait3A_1263, %dma_wait3A_1264] : memref<40x128xi32, #tpu.memory_space<vmem>> -> memref<1x128xi32, #tpu.memory_space<vmem>>
    %dma_wait3A_1266 = tpu.memref_squeeze %dma_wait3A_1265 : memref<1x128xi32, #tpu.memory_space<vmem>> -> memref<128xi32, #tpu.memory_space<vmem>>
    %dma_wait3A_1267 = arith.constant 0 : i32
    %dma_wait3A_1268 = arith.constant 0 : i32
    %dma_wait3A_1269 = tpu.memref_slice %arg11[%dma_wait3A_1267, %dma_wait3A_1268] : memref<10240x32xf32, #tpu.memory_space<vmem_shared>> -> memref<10240x32xf32, #tpu.memory_space<vmem_shared>>
    tpu.wait_indirect_dma semaphore(%arg21 : memref<!tpu.dma_semaphore, #tpu.memory_space<semaphore_mem>>) src(%dma_wait3A_1269 : memref<10240x32xf32, #tpu.memory_space<vmem_shared>>) dst(%arg18 : memref<128x32xf32, #tpu.memory_space<vmem>>)
    %dma_start3A_1270 = arith.constant 9 : i32
    %dma_start3A_1271 = arith.constant 0 : i32
    %dma_start3A_1272 = tpu.memref_slice %arg14[%dma_start3A_1270, %dma_start3A_1271] : memref<40x128xi32, #tpu.memory_space<vmem>> -> memref<1x128xi32, #tpu.memory_space<vmem>>
    %dma_start3A_1273 = tpu.memref_squeeze %dma_start3A_1272 : memref<1x128xi32, #tpu.memory_space<vmem>> -> memref<128xi32, #tpu.memory_space<vmem>>
    %dma_start3A_1274 = arith.constant 0 : i32
    %dma_start3A_1275 = arith.constant 0 : i32
    %dma_start3A_1276 = tpu.memref_slice %arg10[%dma_start3A_1274, %dma_start3A_1275] : memref<10240x32xf32, #tpu.memory_space<vmem_shared>> -> memref<10240x32xf32, #tpu.memory_space<vmem_shared>>
    tpu.enqueue_indirect_dma source(%arg18 : memref<128x32xf32, #tpu.memory_space<vmem>>) target(%dma_start3A_1276 : memref<10240x32xf32, #tpu.memory_space<vmem_shared>>) offsets(%dma_start3A_1273 : memref<128xi32, #tpu.memory_space<vmem>>) semaphore(%arg24 : memref<!tpu.dma_semaphore, #tpu.memory_space<semaphore_mem>>) {add = true}
    %dma_wait3A_1277 = arith.constant 9 : i32
    %dma_wait3A_1278 = arith.constant 0 : i32
    %dma_wait3A_1279 = tpu.memref_slice %arg14[%dma_wait3A_1277, %dma_wait3A_1278] : memref<40x128xi32, #tpu.memory_space<vmem>> -> memref<1x128xi32, #tpu.memory_space<vmem>>
    %dma_wait3A_1280 = tpu.memref_squeeze %dma_wait3A_1279 : memref<1x128xi32, #tpu.memory_space<vmem>> -> memref<128xi32, #tpu.memory_space<vmem>>
    %dma_wait3A_1281 = arith.constant 0 : i32
    %dma_wait3A_1282 = arith.constant 0 : i32
    %dma_wait3A_1283 = tpu.memref_slice %arg10[%dma_wait3A_1281, %dma_wait3A_1282] : memref<10240x32xf32, #tpu.memory_space<vmem_shared>> -> memref<10240x32xf32, #tpu.memory_space<vmem_shared>>
    tpu.wait_indirect_dma semaphore(%arg24 : memref<!tpu.dma_semaphore, #tpu.memory_space<semaphore_mem>>) src(%arg18 : memref<128x32xf32, #tpu.memory_space<vmem>>) dst(%dma_wait3A_1283 : memref<10240x32xf32, #tpu.memory_space<vmem_shared>>)
    %dma_start3A_1284 = arith.constant 12 : i32
    %dma_start3A_1285 = arith.constant 0 : i32
    %dma_start3A_1286 = tpu.memref_slice %arg13[%dma_start3A_1284, %dma_start3A_1285] : memref<40x128xi32, #tpu.memory_space<vmem>> -> memref<1x128xi32, #tpu.memory_space<vmem>>
    %dma_start3A_1287 = tpu.memref_squeeze %dma_start3A_1286 : memref<1x128xi32, #tpu.memory_space<vmem>> -> memref<128xi32, #tpu.memory_space<vmem>>
    %dma_start3A_1288 = arith.constant 0 : i32
    %dma_start3A_1289 = arith.constant 0 : i32
    %dma_start3A_1290 = tpu.memref_slice %arg11[%dma_start3A_1288, %dma_start3A_1289] : memref<10240x32xf32, #tpu.memory_space<vmem_shared>> -> memref<10240x32xf32, #tpu.memory_space<vmem_shared>>
    tpu.enqueue_indirect_dma source(%dma_start3A_1290 : memref<10240x32xf32, #tpu.memory_space<vmem_shared>>) target(%arg18 : memref<128x32xf32, #tpu.memory_space<vmem>>) offsets(%dma_start3A_1287 : memref<128xi32, #tpu.memory_space<vmem>>) semaphore(%arg21 : memref<!tpu.dma_semaphore, #tpu.memory_space<semaphore_mem>>)
    %dma_wait3A_1291 = arith.constant 10 : i32
    %dma_wait3A_1292 = arith.constant 0 : i32
    %dma_wait3A_1293 = tpu.memref_slice %arg13[%dma_wait3A_1291, %dma_wait3A_1292] : memref<40x128xi32, #tpu.memory_space<vmem>> -> memref<1x128xi32, #tpu.memory_space<vmem>>
    %dma_wait3A_1294 = tpu.memref_squeeze %dma_wait3A_1293 : memref<1x128xi32, #tpu.memory_space<vmem>> -> memref<128xi32, #tpu.memory_space<vmem>>
    %dma_wait3A_1295 = arith.constant 0 : i32
    %dma_wait3A_1296 = arith.constant 0 : i32
    %dma_wait3A_1297 = tpu.memref_slice %arg11[%dma_wait3A_1295, %dma_wait3A_1296] : memref<10240x32xf32, #tpu.memory_space<vmem_shared>> -> memref<10240x32xf32, #tpu.memory_space<vmem_shared>>
    tpu.wait_indirect_dma semaphore(%arg22 : memref<!tpu.dma_semaphore, #tpu.memory_space<semaphore_mem>>) src(%dma_wait3A_1297 : memref<10240x32xf32, #tpu.memory_space<vmem_shared>>) dst(%arg19 : memref<128x32xf32, #tpu.memory_space<vmem>>)
    %dma_start3A_1298 = arith.constant 10 : i32
    %dma_start3A_1299 = arith.constant 0 : i32
    %dma_start3A_1300 = tpu.memref_slice %arg14[%dma_start3A_1298, %dma_start3A_1299] : memref<40x128xi32, #tpu.memory_space<vmem>> -> memref<1x128xi32, #tpu.memory_space<vmem>>
    %dma_start3A_1301 = tpu.memref_squeeze %dma_start3A_1300 : memref<1x128xi32, #tpu.memory_space<vmem>> -> memref<128xi32, #tpu.memory_space<vmem>>
    %dma_start3A_1302 = arith.constant 0 : i32
    %dma_start3A_1303 = arith.constant 0 : i32
    %dma_start3A_1304 = tpu.memref_slice %arg10[%dma_start3A_1302, %dma_start3A_1303] : memref<10240x32xf32, #tpu.memory_space<vmem_shared>> -> memref<10240x32xf32, #tpu.memory_space<vmem_shared>>
    tpu.enqueue_indirect_dma source(%arg19 : memref<128x32xf32, #tpu.memory_space<vmem>>) target(%dma_start3A_1304 : memref<10240x32xf32, #tpu.memory_space<vmem_shared>>) offsets(%dma_start3A_1301 : memref<128xi32, #tpu.memory_space<vmem>>) semaphore(%arg25 : memref<!tpu.dma_semaphore, #tpu.memory_space<semaphore_mem>>) {add = true}
    %dma_wait3A_1305 = arith.constant 10 : i32
    %dma_wait3A_1306 = arith.constant 0 : i32
    %dma_wait3A_1307 = tpu.memref_slice %arg14[%dma_wait3A_1305, %dma_wait3A_1306] : memref<40x128xi32, #tpu.memory_space<vmem>> -> memref<1x128xi32, #tpu.memory_space<vmem>>
    %dma_wait3A_1308 = tpu.memref_squeeze %dma_wait3A_1307 : memref<1x128xi32, #tpu.memory_space<vmem>> -> memref<128xi32, #tpu.memory_space<vmem>>
    %dma_wait3A_1309 = arith.constant 0 : i32
    %dma_wait3A_1310 = arith.constant 0 : i32
    %dma_wait3A_1311 = tpu.memref_slice %arg10[%dma_wait3A_1309, %dma_wait3A_1310] : memref<10240x32xf32, #tpu.memory_space<vmem_shared>> -> memref<10240x32xf32, #tpu.memory_space<vmem_shared>>
    tpu.wait_indirect_dma semaphore(%arg25 : memref<!tpu.dma_semaphore, #tpu.memory_space<semaphore_mem>>) src(%arg19 : memref<128x32xf32, #tpu.memory_space<vmem>>) dst(%dma_wait3A_1311 : memref<10240x32xf32, #tpu.memory_space<vmem_shared>>)
    %dma_start3A_1312 = arith.constant 13 : i32
    %dma_start3A_1313 = arith.constant 0 : i32
    %dma_start3A_1314 = tpu.memref_slice %arg13[%dma_start3A_1312, %dma_start3A_1313] : memref<40x128xi32, #tpu.memory_space<vmem>> -> memref<1x128xi32, #tpu.memory_space<vmem>>
    %dma_start3A_1315 = tpu.memref_squeeze %dma_start3A_1314 : memref<1x128xi32, #tpu.memory_space<vmem>> -> memref<128xi32, #tpu.memory_space<vmem>>
    %dma_start3A_1316 = arith.constant 0 : i32
    %dma_start3A_1317 = arith.constant 0 : i32
    %dma_start3A_1318 = tpu.memref_slice %arg11[%dma_start3A_1316, %dma_start3A_1317] : memref<10240x32xf32, #tpu.memory_space<vmem_shared>> -> memref<10240x32xf32, #tpu.memory_space<vmem_shared>>
    tpu.enqueue_indirect_dma source(%dma_start3A_1318 : memref<10240x32xf32, #tpu.memory_space<vmem_shared>>) target(%arg19 : memref<128x32xf32, #tpu.memory_space<vmem>>) offsets(%dma_start3A_1315 : memref<128xi32, #tpu.memory_space<vmem>>) semaphore(%arg22 : memref<!tpu.dma_semaphore, #tpu.memory_space<semaphore_mem>>)
    %dma_wait3A_1319 = arith.constant 11 : i32
    %dma_wait3A_1320 = arith.constant 0 : i32
    %dma_wait3A_1321 = tpu.memref_slice %arg13[%dma_wait3A_1319, %dma_wait3A_1320] : memref<40x128xi32, #tpu.memory_space<vmem>> -> memref<1x128xi32, #tpu.memory_space<vmem>>
    %dma_wait3A_1322 = tpu.memref_squeeze %dma_wait3A_1321 : memref<1x128xi32, #tpu.memory_space<vmem>> -> memref<128xi32, #tpu.memory_space<vmem>>
    %dma_wait3A_1323 = arith.constant 0 : i32
    %dma_wait3A_1324 = arith.constant 0 : i32
    %dma_wait3A_1325 = tpu.memref_slice %arg11[%dma_wait3A_1323, %dma_wait3A_1324] : memref<10240x32xf32, #tpu.memory_space<vmem_shared>> -> memref<10240x32xf32, #tpu.memory_space<vmem_shared>>
    tpu.wait_indirect_dma semaphore(%arg23 : memref<!tpu.dma_semaphore, #tpu.memory_space<semaphore_mem>>) src(%dma_wait3A_1325 : memref<10240x32xf32, #tpu.memory_space<vmem_shared>>) dst(%arg20 : memref<128x32xf32, #tpu.memory_space<vmem>>)
    %dma_start3A_1326 = arith.constant 11 : i32
    %dma_start3A_1327 = arith.constant 0 : i32
    %dma_start3A_1328 = tpu.memref_slice %arg14[%dma_start3A_1326, %dma_start3A_1327] : memref<40x128xi32, #tpu.memory_space<vmem>> -> memref<1x128xi32, #tpu.memory_space<vmem>>
    %dma_start3A_1329 = tpu.memref_squeeze %dma_start3A_1328 : memref<1x128xi32, #tpu.memory_space<vmem>> -> memref<128xi32, #tpu.memory_space<vmem>>
    %dma_start3A_1330 = arith.constant 0 : i32
    %dma_start3A_1331 = arith.constant 0 : i32
    %dma_start3A_1332 = tpu.memref_slice %arg10[%dma_start3A_1330, %dma_start3A_1331] : memref<10240x32xf32, #tpu.memory_space<vmem_shared>> -> memref<10240x32xf32, #tpu.memory_space<vmem_shared>>
    tpu.enqueue_indirect_dma source(%arg20 : memref<128x32xf32, #tpu.memory_space<vmem>>) target(%dma_start3A_1332 : memref<10240x32xf32, #tpu.memory_space<vmem_shared>>) offsets(%dma_start3A_1329 : memref<128xi32, #tpu.memory_space<vmem>>) semaphore(%arg26 : memref<!tpu.dma_semaphore, #tpu.memory_space<semaphore_mem>>) {add = true}
    %dma_wait3A_1333 = arith.constant 11 : i32
    %dma_wait3A_1334 = arith.constant 0 : i32
    %dma_wait3A_1335 = tpu.memref_slice %arg14[%dma_wait3A_1333, %dma_wait3A_1334] : memref<40x128xi32, #tpu.memory_space<vmem>> -> memref<1x128xi32, #tpu.memory_space<vmem>>
    %dma_wait3A_1336 = tpu.memref_squeeze %dma_wait3A_1335 : memref<1x128xi32, #tpu.memory_space<vmem>> -> memref<128xi32, #tpu.memory_space<vmem>>
    %dma_wait3A_1337 = arith.constant 0 : i32
    %dma_wait3A_1338 = arith.constant 0 : i32
    %dma_wait3A_1339 = tpu.memref_slice %arg10[%dma_wait3A_1337, %dma_wait3A_1338] : memref<10240x32xf32, #tpu.memory_space<vmem_shared>> -> memref<10240x32xf32, #tpu.memory_space<vmem_shared>>
    tpu.wait_indirect_dma semaphore(%arg26 : memref<!tpu.dma_semaphore, #tpu.memory_space<semaphore_mem>>) src(%arg20 : memref<128x32xf32, #tpu.memory_space<vmem>>) dst(%dma_wait3A_1339 : memref<10240x32xf32, #tpu.memory_space<vmem_shared>>)
    %dma_start3A_1340 = arith.constant 14 : i32
    %dma_start3A_1341 = arith.constant 0 : i32
    %dma_start3A_1342 = tpu.memref_slice %arg13[%dma_start3A_1340, %dma_start3A_1341] : memref<40x128xi32, #tpu.memory_space<vmem>> -> memref<1x128xi32, #tpu.memory_space<vmem>>
    %dma_start3A_1343 = tpu.memref_squeeze %dma_start3A_1342 : memref<1x128xi32, #tpu.memory_space<vmem>> -> memref<128xi32, #tpu.memory_space<vmem>>
    %dma_start3A_1344 = arith.constant 0 : i32
    %dma_start3A_1345 = arith.constant 0 : i32
    %dma_start3A_1346 = tpu.memref_slice %arg11[%dma_start3A_1344, %dma_start3A_1345] : memref<10240x32xf32, #tpu.memory_space<vmem_shared>> -> memref<10240x32xf32, #tpu.memory_space<vmem_shared>>
    tpu.enqueue_indirect_dma source(%dma_start3A_1346 : memref<10240x32xf32, #tpu.memory_space<vmem_shared>>) target(%arg20 : memref<128x32xf32, #tpu.memory_space<vmem>>) offsets(%dma_start3A_1343 : memref<128xi32, #tpu.memory_space<vmem>>) semaphore(%arg23 : memref<!tpu.dma_semaphore, #tpu.memory_space<semaphore_mem>>)
    %dma_wait3A_1347 = arith.constant 12 : i32
    %dma_wait3A_1348 = arith.constant 0 : i32
    %dma_wait3A_1349 = tpu.memref_slice %arg13[%dma_wait3A_1347, %dma_wait3A_1348] : memref<40x128xi32, #tpu.memory_space<vmem>> -> memref<1x128xi32, #tpu.memory_space<vmem>>
    %dma_wait3A_1350 = tpu.memref_squeeze %dma_wait3A_1349 : memref<1x128xi32, #tpu.memory_space<vmem>> -> memref<128xi32, #tpu.memory_space<vmem>>
    %dma_wait3A_1351 = arith.constant 0 : i32
    %dma_wait3A_1352 = arith.constant 0 : i32
    %dma_wait3A_1353 = tpu.memref_slice %arg11[%dma_wait3A_1351, %dma_wait3A_1352] : memref<10240x32xf32, #tpu.memory_space<vmem_shared>> -> memref<10240x32xf32, #tpu.memory_space<vmem_shared>>
    tpu.wait_indirect_dma semaphore(%arg21 : memref<!tpu.dma_semaphore, #tpu.memory_space<semaphore_mem>>) src(%dma_wait3A_1353 : memref<10240x32xf32, #tpu.memory_space<vmem_shared>>) dst(%arg18 : memref<128x32xf32, #tpu.memory_space<vmem>>)
    %dma_start3A_1354 = arith.constant 12 : i32
    %dma_start3A_1355 = arith.constant 0 : i32
    %dma_start3A_1356 = tpu.memref_slice %arg14[%dma_start3A_1354, %dma_start3A_1355] : memref<40x128xi32, #tpu.memory_space<vmem>> -> memref<1x128xi32, #tpu.memory_space<vmem>>
    %dma_start3A_1357 = tpu.memref_squeeze %dma_start3A_1356 : memref<1x128xi32, #tpu.memory_space<vmem>> -> memref<128xi32, #tpu.memory_space<vmem>>
    %dma_start3A_1358 = arith.constant 0 : i32
    %dma_start3A_1359 = arith.constant 0 : i32
    %dma_start3A_1360 = tpu.memref_slice %arg10[%dma_start3A_1358, %dma_start3A_1359] : memref<10240x32xf32, #tpu.memory_space<vmem_shared>> -> memref<10240x32xf32, #tpu.memory_space<vmem_shared>>
    tpu.enqueue_indirect_dma source(%arg18 : memref<128x32xf32, #tpu.memory_space<vmem>>) target(%dma_start3A_1360 : memref<10240x32xf32, #tpu.memory_space<vmem_shared>>) offsets(%dma_start3A_1357 : memref<128xi32, #tpu.memory_space<vmem>>) semaphore(%arg24 : memref<!tpu.dma_semaphore, #tpu.memory_space<semaphore_mem>>) {add = true}
    %dma_wait3A_1361 = arith.constant 12 : i32
    %dma_wait3A_1362 = arith.constant 0 : i32
    %dma_wait3A_1363 = tpu.memref_slice %arg14[%dma_wait3A_1361, %dma_wait3A_1362] : memref<40x128xi32, #tpu.memory_space<vmem>> -> memref<1x128xi32, #tpu.memory_space<vmem>>
    %dma_wait3A_1364 = tpu.memref_squeeze %dma_wait3A_1363 : memref<1x128xi32, #tpu.memory_space<vmem>> -> memref<128xi32, #tpu.memory_space<vmem>>
    %dma_wait3A_1365 = arith.constant 0 : i32
    %dma_wait3A_1366 = arith.constant 0 : i32
    %dma_wait3A_1367 = tpu.memref_slice %arg10[%dma_wait3A_1365, %dma_wait3A_1366] : memref<10240x32xf32, #tpu.memory_space<vmem_shared>> -> memref<10240x32xf32, #tpu.memory_space<vmem_shared>>
    tpu.wait_indirect_dma semaphore(%arg24 : memref<!tpu.dma_semaphore, #tpu.memory_space<semaphore_mem>>) src(%arg18 : memref<128x32xf32, #tpu.memory_space<vmem>>) dst(%dma_wait3A_1367 : memref<10240x32xf32, #tpu.memory_space<vmem_shared>>)
    %dma_start3A_1368 = arith.constant 15 : i32
    %dma_start3A_1369 = arith.constant 0 : i32
    %dma_start3A_1370 = tpu.memref_slice %arg13[%dma_start3A_1368, %dma_start3A_1369] : memref<40x128xi32, #tpu.memory_space<vmem>> -> memref<1x128xi32, #tpu.memory_space<vmem>>
    %dma_start3A_1371 = tpu.memref_squeeze %dma_start3A_1370 : memref<1x128xi32, #tpu.memory_space<vmem>> -> memref<128xi32, #tpu.memory_space<vmem>>
    %dma_start3A_1372 = arith.constant 0 : i32
    %dma_start3A_1373 = arith.constant 0 : i32
    %dma_start3A_1374 = tpu.memref_slice %arg11[%dma_start3A_1372, %dma_start3A_1373] : memref<10240x32xf32, #tpu.memory_space<vmem_shared>> -> memref<10240x32xf32, #tpu.memory_space<vmem_shared>>
    tpu.enqueue_indirect_dma source(%dma_start3A_1374 : memref<10240x32xf32, #tpu.memory_space<vmem_shared>>) target(%arg18 : memref<128x32xf32, #tpu.memory_space<vmem>>) offsets(%dma_start3A_1371 : memref<128xi32, #tpu.memory_space<vmem>>) semaphore(%arg21 : memref<!tpu.dma_semaphore, #tpu.memory_space<semaphore_mem>>)
    %dma_wait3A_1375 = arith.constant 13 : i32
    %dma_wait3A_1376 = arith.constant 0 : i32
    %dma_wait3A_1377 = tpu.memref_slice %arg13[%dma_wait3A_1375, %dma_wait3A_1376] : memref<40x128xi32, #tpu.memory_space<vmem>> -> memref<1x128xi32, #tpu.memory_space<vmem>>
    %dma_wait3A_1378 = tpu.memref_squeeze %dma_wait3A_1377 : memref<1x128xi32, #tpu.memory_space<vmem>> -> memref<128xi32, #tpu.memory_space<vmem>>
    %dma_wait3A_1379 = arith.constant 0 : i32
    %dma_wait3A_1380 = arith.constant 0 : i32
    %dma_wait3A_1381 = tpu.memref_slice %arg11[%dma_wait3A_1379, %dma_wait3A_1380] : memref<10240x32xf32, #tpu.memory_space<vmem_shared>> -> memref<10240x32xf32, #tpu.memory_space<vmem_shared>>
    tpu.wait_indirect_dma semaphore(%arg22 : memref<!tpu.dma_semaphore, #tpu.memory_space<semaphore_mem>>) src(%dma_wait3A_1381 : memref<10240x32xf32, #tpu.memory_space<vmem_shared>>) dst(%arg19 : memref<128x32xf32, #tpu.memory_space<vmem>>)
    %dma_start3A_1382 = arith.constant 13 : i32
    %dma_start3A_1383 = arith.constant 0 : i32
    %dma_start3A_1384 = tpu.memref_slice %arg14[%dma_start3A_1382, %dma_start3A_1383] : memref<40x128xi32, #tpu.memory_space<vmem>> -> memref<1x128xi32, #tpu.memory_space<vmem>>
    %dma_start3A_1385 = tpu.memref_squeeze %dma_start3A_1384 : memref<1x128xi32, #tpu.memory_space<vmem>> -> memref<128xi32, #tpu.memory_space<vmem>>
    %dma_start3A_1386 = arith.constant 0 : i32
    %dma_start3A_1387 = arith.constant 0 : i32
    %dma_start3A_1388 = tpu.memref_slice %arg10[%dma_start3A_1386, %dma_start3A_1387] : memref<10240x32xf32, #tpu.memory_space<vmem_shared>> -> memref<10240x32xf32, #tpu.memory_space<vmem_shared>>
    tpu.enqueue_indirect_dma source(%arg19 : memref<128x32xf32, #tpu.memory_space<vmem>>) target(%dma_start3A_1388 : memref<10240x32xf32, #tpu.memory_space<vmem_shared>>) offsets(%dma_start3A_1385 : memref<128xi32, #tpu.memory_space<vmem>>) semaphore(%arg25 : memref<!tpu.dma_semaphore, #tpu.memory_space<semaphore_mem>>) {add = true}
    %dma_wait3A_1389 = arith.constant 13 : i32
    %dma_wait3A_1390 = arith.constant 0 : i32
    %dma_wait3A_1391 = tpu.memref_slice %arg14[%dma_wait3A_1389, %dma_wait3A_1390] : memref<40x128xi32, #tpu.memory_space<vmem>> -> memref<1x128xi32, #tpu.memory_space<vmem>>
    %dma_wait3A_1392 = tpu.memref_squeeze %dma_wait3A_1391 : memref<1x128xi32, #tpu.memory_space<vmem>> -> memref<128xi32, #tpu.memory_space<vmem>>
    %dma_wait3A_1393 = arith.constant 0 : i32
    %dma_wait3A_1394 = arith.constant 0 : i32
    %dma_wait3A_1395 = tpu.memref_slice %arg10[%dma_wait3A_1393, %dma_wait3A_1394] : memref<10240x32xf32, #tpu.memory_space<vmem_shared>> -> memref<10240x32xf32, #tpu.memory_space<vmem_shared>>
    tpu.wait_indirect_dma semaphore(%arg25 : memref<!tpu.dma_semaphore, #tpu.memory_space<semaphore_mem>>) src(%arg19 : memref<128x32xf32, #tpu.memory_space<vmem>>) dst(%dma_wait3A_1395 : memref<10240x32xf32, #tpu.memory_space<vmem_shared>>)
    %dma_start3A_1396 = arith.constant 16 : i32
    %dma_start3A_1397 = arith.constant 0 : i32
    %dma_start3A_1398 = tpu.memref_slice %arg13[%dma_start3A_1396, %dma_start3A_1397] : memref<40x128xi32, #tpu.memory_space<vmem>> -> memref<1x128xi32, #tpu.memory_space<vmem>>
    %dma_start3A_1399 = tpu.memref_squeeze %dma_start3A_1398 : memref<1x128xi32, #tpu.memory_space<vmem>> -> memref<128xi32, #tpu.memory_space<vmem>>
    %dma_start3A_1400 = arith.constant 0 : i32
    %dma_start3A_1401 = arith.constant 0 : i32
    %dma_start3A_1402 = tpu.memref_slice %arg11[%dma_start3A_1400, %dma_start3A_1401] : memref<10240x32xf32, #tpu.memory_space<vmem_shared>> -> memref<10240x32xf32, #tpu.memory_space<vmem_shared>>
    tpu.enqueue_indirect_dma source(%dma_start3A_1402 : memref<10240x32xf32, #tpu.memory_space<vmem_shared>>) target(%arg19 : memref<128x32xf32, #tpu.memory_space<vmem>>) offsets(%dma_start3A_1399 : memref<128xi32, #tpu.memory_space<vmem>>) semaphore(%arg22 : memref<!tpu.dma_semaphore, #tpu.memory_space<semaphore_mem>>)
    %dma_wait3A_1403 = arith.constant 14 : i32
    %dma_wait3A_1404 = arith.constant 0 : i32
    %dma_wait3A_1405 = tpu.memref_slice %arg13[%dma_wait3A_1403, %dma_wait3A_1404] : memref<40x128xi32, #tpu.memory_space<vmem>> -> memref<1x128xi32, #tpu.memory_space<vmem>>
    %dma_wait3A_1406 = tpu.memref_squeeze %dma_wait3A_1405 : memref<1x128xi32, #tpu.memory_space<vmem>> -> memref<128xi32, #tpu.memory_space<vmem>>
    %dma_wait3A_1407 = arith.constant 0 : i32
    %dma_wait3A_1408 = arith.constant 0 : i32
    %dma_wait3A_1409 = tpu.memref_slice %arg11[%dma_wait3A_1407, %dma_wait3A_1408] : memref<10240x32xf32, #tpu.memory_space<vmem_shared>> -> memref<10240x32xf32, #tpu.memory_space<vmem_shared>>
    tpu.wait_indirect_dma semaphore(%arg23 : memref<!tpu.dma_semaphore, #tpu.memory_space<semaphore_mem>>) src(%dma_wait3A_1409 : memref<10240x32xf32, #tpu.memory_space<vmem_shared>>) dst(%arg20 : memref<128x32xf32, #tpu.memory_space<vmem>>)
    %dma_start3A_1410 = arith.constant 14 : i32
    %dma_start3A_1411 = arith.constant 0 : i32
    %dma_start3A_1412 = tpu.memref_slice %arg14[%dma_start3A_1410, %dma_start3A_1411] : memref<40x128xi32, #tpu.memory_space<vmem>> -> memref<1x128xi32, #tpu.memory_space<vmem>>
    %dma_start3A_1413 = tpu.memref_squeeze %dma_start3A_1412 : memref<1x128xi32, #tpu.memory_space<vmem>> -> memref<128xi32, #tpu.memory_space<vmem>>
    %dma_start3A_1414 = arith.constant 0 : i32
    %dma_start3A_1415 = arith.constant 0 : i32
    %dma_start3A_1416 = tpu.memref_slice %arg10[%dma_start3A_1414, %dma_start3A_1415] : memref<10240x32xf32, #tpu.memory_space<vmem_shared>> -> memref<10240x32xf32, #tpu.memory_space<vmem_shared>>
    tpu.enqueue_indirect_dma source(%arg20 : memref<128x32xf32, #tpu.memory_space<vmem>>) target(%dma_start3A_1416 : memref<10240x32xf32, #tpu.memory_space<vmem_shared>>) offsets(%dma_start3A_1413 : memref<128xi32, #tpu.memory_space<vmem>>) semaphore(%arg26 : memref<!tpu.dma_semaphore, #tpu.memory_space<semaphore_mem>>) {add = true}
    %dma_wait3A_1417 = arith.constant 14 : i32
    %dma_wait3A_1418 = arith.constant 0 : i32
    %dma_wait3A_1419 = tpu.memref_slice %arg14[%dma_wait3A_1417, %dma_wait3A_1418] : memref<40x128xi32, #tpu.memory_space<vmem>> -> memref<1x128xi32, #tpu.memory_space<vmem>>
    %dma_wait3A_1420 = tpu.memref_squeeze %dma_wait3A_1419 : memref<1x128xi32, #tpu.memory_space<vmem>> -> memref<128xi32, #tpu.memory_space<vmem>>
    %dma_wait3A_1421 = arith.constant 0 : i32
    %dma_wait3A_1422 = arith.constant 0 : i32
    %dma_wait3A_1423 = tpu.memref_slice %arg10[%dma_wait3A_1421, %dma_wait3A_1422] : memref<10240x32xf32, #tpu.memory_space<vmem_shared>> -> memref<10240x32xf32, #tpu.memory_space<vmem_shared>>
    tpu.wait_indirect_dma semaphore(%arg26 : memref<!tpu.dma_semaphore, #tpu.memory_space<semaphore_mem>>) src(%arg20 : memref<128x32xf32, #tpu.memory_space<vmem>>) dst(%dma_wait3A_1423 : memref<10240x32xf32, #tpu.memory_space<vmem_shared>>)
    %dma_start3A_1424 = arith.constant 17 : i32
    %dma_start3A_1425 = arith.constant 0 : i32
    %dma_start3A_1426 = tpu.memref_slice %arg13[%dma_start3A_1424, %dma_start3A_1425] : memref<40x128xi32, #tpu.memory_space<vmem>> -> memref<1x128xi32, #tpu.memory_space<vmem>>
    %dma_start3A_1427 = tpu.memref_squeeze %dma_start3A_1426 : memref<1x128xi32, #tpu.memory_space<vmem>> -> memref<128xi32, #tpu.memory_space<vmem>>
    %dma_start3A_1428 = arith.constant 0 : i32
    %dma_start3A_1429 = arith.constant 0 : i32
    %dma_start3A_1430 = tpu.memref_slice %arg11[%dma_start3A_1428, %dma_start3A_1429] : memref<10240x32xf32, #tpu.memory_space<vmem_shared>> -> memref<10240x32xf32, #tpu.memory_space<vmem_shared>>
    tpu.enqueue_indirect_dma source(%dma_start3A_1430 : memref<10240x32xf32, #tpu.memory_space<vmem_shared>>) target(%arg20 : memref<128x32xf32, #tpu.memory_space<vmem>>) offsets(%dma_start3A_1427 : memref<128xi32, #tpu.memory_space<vmem>>) semaphore(%arg23 : memref<!tpu.dma_semaphore, #tpu.memory_space<semaphore_mem>>)
    %dma_wait3A_1431 = arith.constant 15 : i32
    %dma_wait3A_1432 = arith.constant 0 : i32
    %dma_wait3A_1433 = tpu.memref_slice %arg13[%dma_wait3A_1431, %dma_wait3A_1432] : memref<40x128xi32, #tpu.memory_space<vmem>> -> memref<1x128xi32, #tpu.memory_space<vmem>>
    %dma_wait3A_1434 = tpu.memref_squeeze %dma_wait3A_1433 : memref<1x128xi32, #tpu.memory_space<vmem>> -> memref<128xi32, #tpu.memory_space<vmem>>
    %dma_wait3A_1435 = arith.constant 0 : i32
    %dma_wait3A_1436 = arith.constant 0 : i32
    %dma_wait3A_1437 = tpu.memref_slice %arg11[%dma_wait3A_1435, %dma_wait3A_1436] : memref<10240x32xf32, #tpu.memory_space<vmem_shared>> -> memref<10240x32xf32, #tpu.memory_space<vmem_shared>>
    tpu.wait_indirect_dma semaphore(%arg21 : memref<!tpu.dma_semaphore, #tpu.memory_space<semaphore_mem>>) src(%dma_wait3A_1437 : memref<10240x32xf32, #tpu.memory_space<vmem_shared>>) dst(%arg18 : memref<128x32xf32, #tpu.memory_space<vmem>>)
    %dma_start3A_1438 = arith.constant 15 : i32
    %dma_start3A_1439 = arith.constant 0 : i32
    %dma_start3A_1440 = tpu.memref_slice %arg14[%dma_start3A_1438, %dma_start3A_1439] : memref<40x128xi32, #tpu.memory_space<vmem>> -> memref<1x128xi32, #tpu.memory_space<vmem>>
    %dma_start3A_1441 = tpu.memref_squeeze %dma_start3A_1440 : memref<1x128xi32, #tpu.memory_space<vmem>> -> memref<128xi32, #tpu.memory_space<vmem>>
    %dma_start3A_1442 = arith.constant 0 : i32
    %dma_start3A_1443 = arith.constant 0 : i32
    %dma_start3A_1444 = tpu.memref_slice %arg10[%dma_start3A_1442, %dma_start3A_1443] : memref<10240x32xf32, #tpu.memory_space<vmem_shared>> -> memref<10240x32xf32, #tpu.memory_space<vmem_shared>>
    tpu.enqueue_indirect_dma source(%arg18 : memref<128x32xf32, #tpu.memory_space<vmem>>) target(%dma_start3A_1444 : memref<10240x32xf32, #tpu.memory_space<vmem_shared>>) offsets(%dma_start3A_1441 : memref<128xi32, #tpu.memory_space<vmem>>) semaphore(%arg24 : memref<!tpu.dma_semaphore, #tpu.memory_space<semaphore_mem>>) {add = true}
    %dma_wait3A_1445 = arith.constant 15 : i32
    %dma_wait3A_1446 = arith.constant 0 : i32
    %dma_wait3A_1447 = tpu.memref_slice %arg14[%dma_wait3A_1445, %dma_wait3A_1446] : memref<40x128xi32, #tpu.memory_space<vmem>> -> memref<1x128xi32, #tpu.memory_space<vmem>>
    %dma_wait3A_1448 = tpu.memref_squeeze %dma_wait3A_1447 : memref<1x128xi32, #tpu.memory_space<vmem>> -> memref<128xi32, #tpu.memory_space<vmem>>
    %dma_wait3A_1449 = arith.constant 0 : i32
    %dma_wait3A_1450 = arith.constant 0 : i32
    %dma_wait3A_1451 = tpu.memref_slice %arg10[%dma_wait3A_1449, %dma_wait3A_1450] : memref<10240x32xf32, #tpu.memory_space<vmem_shared>> -> memref<10240x32xf32, #tpu.memory_space<vmem_shared>>
    tpu.wait_indirect_dma semaphore(%arg24 : memref<!tpu.dma_semaphore, #tpu.memory_space<semaphore_mem>>) src(%arg18 : memref<128x32xf32, #tpu.memory_space<vmem>>) dst(%dma_wait3A_1451 : memref<10240x32xf32, #tpu.memory_space<vmem_shared>>)
    %dma_start3A_1452 = arith.constant 18 : i32
    %dma_start3A_1453 = arith.constant 0 : i32
    %dma_start3A_1454 = tpu.memref_slice %arg13[%dma_start3A_1452, %dma_start3A_1453] : memref<40x128xi32, #tpu.memory_space<vmem>> -> memref<1x128xi32, #tpu.memory_space<vmem>>
    %dma_start3A_1455 = tpu.memref_squeeze %dma_start3A_1454 : memref<1x128xi32, #tpu.memory_space<vmem>> -> memref<128xi32, #tpu.memory_space<vmem>>
    %dma_start3A_1456 = arith.constant 0 : i32
    %dma_start3A_1457 = arith.constant 0 : i32
    %dma_start3A_1458 = tpu.memref_slice %arg11[%dma_start3A_1456, %dma_start3A_1457] : memref<10240x32xf32, #tpu.memory_space<vmem_shared>> -> memref<10240x32xf32, #tpu.memory_space<vmem_shared>>
    tpu.enqueue_indirect_dma source(%dma_start3A_1458 : memref<10240x32xf32, #tpu.memory_space<vmem_shared>>) target(%arg18 : memref<128x32xf32, #tpu.memory_space<vmem>>) offsets(%dma_start3A_1455 : memref<128xi32, #tpu.memory_space<vmem>>) semaphore(%arg21 : memref<!tpu.dma_semaphore, #tpu.memory_space<semaphore_mem>>)
    %dma_wait3A_1459 = arith.constant 16 : i32
    %dma_wait3A_1460 = arith.constant 0 : i32
    %dma_wait3A_1461 = tpu.memref_slice %arg13[%dma_wait3A_1459, %dma_wait3A_1460] : memref<40x128xi32, #tpu.memory_space<vmem>> -> memref<1x128xi32, #tpu.memory_space<vmem>>
    %dma_wait3A_1462 = tpu.memref_squeeze %dma_wait3A_1461 : memref<1x128xi32, #tpu.memory_space<vmem>> -> memref<128xi32, #tpu.memory_space<vmem>>
    %dma_wait3A_1463 = arith.constant 0 : i32
    %dma_wait3A_1464 = arith.constant 0 : i32
    %dma_wait3A_1465 = tpu.memref_slice %arg11[%dma_wait3A_1463, %dma_wait3A_1464] : memref<10240x32xf32, #tpu.memory_space<vmem_shared>> -> memref<10240x32xf32, #tpu.memory_space<vmem_shared>>
    tpu.wait_indirect_dma semaphore(%arg22 : memref<!tpu.dma_semaphore, #tpu.memory_space<semaphore_mem>>) src(%dma_wait3A_1465 : memref<10240x32xf32, #tpu.memory_space<vmem_shared>>) dst(%arg19 : memref<128x32xf32, #tpu.memory_space<vmem>>)
    %dma_start3A_1466 = arith.constant 16 : i32
    %dma_start3A_1467 = arith.constant 0 : i32
    %dma_start3A_1468 = tpu.memref_slice %arg14[%dma_start3A_1466, %dma_start3A_1467] : memref<40x128xi32, #tpu.memory_space<vmem>> -> memref<1x128xi32, #tpu.memory_space<vmem>>
    %dma_start3A_1469 = tpu.memref_squeeze %dma_start3A_1468 : memref<1x128xi32, #tpu.memory_space<vmem>> -> memref<128xi32, #tpu.memory_space<vmem>>
    %dma_start3A_1470 = arith.constant 0 : i32
    %dma_start3A_1471 = arith.constant 0 : i32
    %dma_start3A_1472 = tpu.memref_slice %arg10[%dma_start3A_1470, %dma_start3A_1471] : memref<10240x32xf32, #tpu.memory_space<vmem_shared>> -> memref<10240x32xf32, #tpu.memory_space<vmem_shared>>
    tpu.enqueue_indirect_dma source(%arg19 : memref<128x32xf32, #tpu.memory_space<vmem>>) target(%dma_start3A_1472 : memref<10240x32xf32, #tpu.memory_space<vmem_shared>>) offsets(%dma_start3A_1469 : memref<128xi32, #tpu.memory_space<vmem>>) semaphore(%arg25 : memref<!tpu.dma_semaphore, #tpu.memory_space<semaphore_mem>>) {add = true}
    %dma_wait3A_1473 = arith.constant 16 : i32
    %dma_wait3A_1474 = arith.constant 0 : i32
    %dma_wait3A_1475 = tpu.memref_slice %arg14[%dma_wait3A_1473, %dma_wait3A_1474] : memref<40x128xi32, #tpu.memory_space<vmem>> -> memref<1x128xi32, #tpu.memory_space<vmem>>
    %dma_wait3A_1476 = tpu.memref_squeeze %dma_wait3A_1475 : memref<1x128xi32, #tpu.memory_space<vmem>> -> memref<128xi32, #tpu.memory_space<vmem>>
    %dma_wait3A_1477 = arith.constant 0 : i32
    %dma_wait3A_1478 = arith.constant 0 : i32
    %dma_wait3A_1479 = tpu.memref_slice %arg10[%dma_wait3A_1477, %dma_wait3A_1478] : memref<10240x32xf32, #tpu.memory_space<vmem_shared>> -> memref<10240x32xf32, #tpu.memory_space<vmem_shared>>
    tpu.wait_indirect_dma semaphore(%arg25 : memref<!tpu.dma_semaphore, #tpu.memory_space<semaphore_mem>>) src(%arg19 : memref<128x32xf32, #tpu.memory_space<vmem>>) dst(%dma_wait3A_1479 : memref<10240x32xf32, #tpu.memory_space<vmem_shared>>)
    %dma_start3A_1480 = arith.constant 19 : i32
    %dma_start3A_1481 = arith.constant 0 : i32
    %dma_start3A_1482 = tpu.memref_slice %arg13[%dma_start3A_1480, %dma_start3A_1481] : memref<40x128xi32, #tpu.memory_space<vmem>> -> memref<1x128xi32, #tpu.memory_space<vmem>>
    %dma_start3A_1483 = tpu.memref_squeeze %dma_start3A_1482 : memref<1x128xi32, #tpu.memory_space<vmem>> -> memref<128xi32, #tpu.memory_space<vmem>>
    %dma_start3A_1484 = arith.constant 0 : i32
    %dma_start3A_1485 = arith.constant 0 : i32
    %dma_start3A_1486 = tpu.memref_slice %arg11[%dma_start3A_1484, %dma_start3A_1485] : memref<10240x32xf32, #tpu.memory_space<vmem_shared>> -> memref<10240x32xf32, #tpu.memory_space<vmem_shared>>
    tpu.enqueue_indirect_dma source(%dma_start3A_1486 : memref<10240x32xf32, #tpu.memory_space<vmem_shared>>) target(%arg19 : memref<128x32xf32, #tpu.memory_space<vmem>>) offsets(%dma_start3A_1483 : memref<128xi32, #tpu.memory_space<vmem>>) semaphore(%arg22 : memref<!tpu.dma_semaphore, #tpu.memory_space<semaphore_mem>>)
    %dma_wait3A_1487 = arith.constant 17 : i32
    %dma_wait3A_1488 = arith.constant 0 : i32
    %dma_wait3A_1489 = tpu.memref_slice %arg13[%dma_wait3A_1487, %dma_wait3A_1488] : memref<40x128xi32, #tpu.memory_space<vmem>> -> memref<1x128xi32, #tpu.memory_space<vmem>>
    %dma_wait3A_1490 = tpu.memref_squeeze %dma_wait3A_1489 : memref<1x128xi32, #tpu.memory_space<vmem>> -> memref<128xi32, #tpu.memory_space<vmem>>
    %dma_wait3A_1491 = arith.constant 0 : i32
    %dma_wait3A_1492 = arith.constant 0 : i32
    %dma_wait3A_1493 = tpu.memref_slice %arg11[%dma_wait3A_1491, %dma_wait3A_1492] : memref<10240x32xf32, #tpu.memory_space<vmem_shared>> -> memref<10240x32xf32, #tpu.memory_space<vmem_shared>>
    tpu.wait_indirect_dma semaphore(%arg23 : memref<!tpu.dma_semaphore, #tpu.memory_space<semaphore_mem>>) src(%dma_wait3A_1493 : memref<10240x32xf32, #tpu.memory_space<vmem_shared>>) dst(%arg20 : memref<128x32xf32, #tpu.memory_space<vmem>>)
    %dma_start3A_1494 = arith.constant 17 : i32
    %dma_start3A_1495 = arith.constant 0 : i32
    %dma_start3A_1496 = tpu.memref_slice %arg14[%dma_start3A_1494, %dma_start3A_1495] : memref<40x128xi32, #tpu.memory_space<vmem>> -> memref<1x128xi32, #tpu.memory_space<vmem>>
    %dma_start3A_1497 = tpu.memref_squeeze %dma_start3A_1496 : memref<1x128xi32, #tpu.memory_space<vmem>> -> memref<128xi32, #tpu.memory_space<vmem>>
    %dma_start3A_1498 = arith.constant 0 : i32
    %dma_start3A_1499 = arith.constant 0 : i32
    %dma_start3A_1500 = tpu.memref_slice %arg10[%dma_start3A_1498, %dma_start3A_1499] : memref<10240x32xf32, #tpu.memory_space<vmem_shared>> -> memref<10240x32xf32, #tpu.memory_space<vmem_shared>>
    tpu.enqueue_indirect_dma source(%arg20 : memref<128x32xf32, #tpu.memory_space<vmem>>) target(%dma_start3A_1500 : memref<10240x32xf32, #tpu.memory_space<vmem_shared>>) offsets(%dma_start3A_1497 : memref<128xi32, #tpu.memory_space<vmem>>) semaphore(%arg26 : memref<!tpu.dma_semaphore, #tpu.memory_space<semaphore_mem>>) {add = true}
    %dma_wait3A_1501 = arith.constant 17 : i32
    %dma_wait3A_1502 = arith.constant 0 : i32
    %dma_wait3A_1503 = tpu.memref_slice %arg14[%dma_wait3A_1501, %dma_wait3A_1502] : memref<40x128xi32, #tpu.memory_space<vmem>> -> memref<1x128xi32, #tpu.memory_space<vmem>>
    %dma_wait3A_1504 = tpu.memref_squeeze %dma_wait3A_1503 : memref<1x128xi32, #tpu.memory_space<vmem>> -> memref<128xi32, #tpu.memory_space<vmem>>
    %dma_wait3A_1505 = arith.constant 0 : i32
    %dma_wait3A_1506 = arith.constant 0 : i32
    %dma_wait3A_1507 = tpu.memref_slice %arg10[%dma_wait3A_1505, %dma_wait3A_1506] : memref<10240x32xf32, #tpu.memory_space<vmem_shared>> -> memref<10240x32xf32, #tpu.memory_space<vmem_shared>>
    tpu.wait_indirect_dma semaphore(%arg26 : memref<!tpu.dma_semaphore, #tpu.memory_space<semaphore_mem>>) src(%arg20 : memref<128x32xf32, #tpu.memory_space<vmem>>) dst(%dma_wait3A_1507 : memref<10240x32xf32, #tpu.memory_space<vmem_shared>>)
    %dma_start3A_1508 = arith.constant 20 : i32
    %dma_start3A_1509 = arith.constant 0 : i32
    %dma_start3A_1510 = tpu.memref_slice %arg13[%dma_start3A_1508, %dma_start3A_1509] : memref<40x128xi32, #tpu.memory_space<vmem>> -> memref<1x128xi32, #tpu.memory_space<vmem>>
    %dma_start3A_1511 = tpu.memref_squeeze %dma_start3A_1510 : memref<1x128xi32, #tpu.memory_space<vmem>> -> memref<128xi32, #tpu.memory_space<vmem>>
    %dma_start3A_1512 = arith.constant 0 : i32
    %dma_start3A_1513 = arith.constant 0 : i32
    %dma_start3A_1514 = tpu.memref_slice %arg11[%dma_start3A_1512, %dma_start3A_1513] : memref<10240x32xf32, #tpu.memory_space<vmem_shared>> -> memref<10240x32xf32, #tpu.memory_space<vmem_shared>>
    tpu.enqueue_indirect_dma source(%dma_start3A_1514 : memref<10240x32xf32, #tpu.memory_space<vmem_shared>>) target(%arg20 : memref<128x32xf32, #tpu.memory_space<vmem>>) offsets(%dma_start3A_1511 : memref<128xi32, #tpu.memory_space<vmem>>) semaphore(%arg23 : memref<!tpu.dma_semaphore, #tpu.memory_space<semaphore_mem>>)
    %dma_wait3A_1515 = arith.constant 18 : i32
    %dma_wait3A_1516 = arith.constant 0 : i32
    %dma_wait3A_1517 = tpu.memref_slice %arg13[%dma_wait3A_1515, %dma_wait3A_1516] : memref<40x128xi32, #tpu.memory_space<vmem>> -> memref<1x128xi32, #tpu.memory_space<vmem>>
    %dma_wait3A_1518 = tpu.memref_squeeze %dma_wait3A_1517 : memref<1x128xi32, #tpu.memory_space<vmem>> -> memref<128xi32, #tpu.memory_space<vmem>>
    %dma_wait3A_1519 = arith.constant 0 : i32
    %dma_wait3A_1520 = arith.constant 0 : i32
    %dma_wait3A_1521 = tpu.memref_slice %arg11[%dma_wait3A_1519, %dma_wait3A_1520] : memref<10240x32xf32, #tpu.memory_space<vmem_shared>> -> memref<10240x32xf32, #tpu.memory_space<vmem_shared>>
    tpu.wait_indirect_dma semaphore(%arg21 : memref<!tpu.dma_semaphore, #tpu.memory_space<semaphore_mem>>) src(%dma_wait3A_1521 : memref<10240x32xf32, #tpu.memory_space<vmem_shared>>) dst(%arg18 : memref<128x32xf32, #tpu.memory_space<vmem>>)
    %dma_start3A_1522 = arith.constant 18 : i32
    %dma_start3A_1523 = arith.constant 0 : i32
    %dma_start3A_1524 = tpu.memref_slice %arg14[%dma_start3A_1522, %dma_start3A_1523] : memref<40x128xi32, #tpu.memory_space<vmem>> -> memref<1x128xi32, #tpu.memory_space<vmem>>
    %dma_start3A_1525 = tpu.memref_squeeze %dma_start3A_1524 : memref<1x128xi32, #tpu.memory_space<vmem>> -> memref<128xi32, #tpu.memory_space<vmem>>
    %dma_start3A_1526 = arith.constant 0 : i32
    %dma_start3A_1527 = arith.constant 0 : i32
    %dma_start3A_1528 = tpu.memref_slice %arg10[%dma_start3A_1526, %dma_start3A_1527] : memref<10240x32xf32, #tpu.memory_space<vmem_shared>> -> memref<10240x32xf32, #tpu.memory_space<vmem_shared>>
    tpu.enqueue_indirect_dma source(%arg18 : memref<128x32xf32, #tpu.memory_space<vmem>>) target(%dma_start3A_1528 : memref<10240x32xf32, #tpu.memory_space<vmem_shared>>) offsets(%dma_start3A_1525 : memref<128xi32, #tpu.memory_space<vmem>>) semaphore(%arg24 : memref<!tpu.dma_semaphore, #tpu.memory_space<semaphore_mem>>) {add = true}
    %dma_wait3A_1529 = arith.constant 18 : i32
    %dma_wait3A_1530 = arith.constant 0 : i32
    %dma_wait3A_1531 = tpu.memref_slice %arg14[%dma_wait3A_1529, %dma_wait3A_1530] : memref<40x128xi32, #tpu.memory_space<vmem>> -> memref<1x128xi32, #tpu.memory_space<vmem>>
    %dma_wait3A_1532 = tpu.memref_squeeze %dma_wait3A_1531 : memref<1x128xi32, #tpu.memory_space<vmem>> -> memref<128xi32, #tpu.memory_space<vmem>>
    %dma_wait3A_1533 = arith.constant 0 : i32
    %dma_wait3A_1534 = arith.constant 0 : i32
    %dma_wait3A_1535 = tpu.memref_slice %arg10[%dma_wait3A_1533, %dma_wait3A_1534] : memref<10240x32xf32, #tpu.memory_space<vmem_shared>> -> memref<10240x32xf32, #tpu.memory_space<vmem_shared>>
    tpu.wait_indirect_dma semaphore(%arg24 : memref<!tpu.dma_semaphore, #tpu.memory_space<semaphore_mem>>) src(%arg18 : memref<128x32xf32, #tpu.memory_space<vmem>>) dst(%dma_wait3A_1535 : memref<10240x32xf32, #tpu.memory_space<vmem_shared>>)
    %dma_start3A_1536 = arith.constant 21 : i32
    %dma_start3A_1537 = arith.constant 0 : i32
    %dma_start3A_1538 = tpu.memref_slice %arg13[%dma_start3A_1536, %dma_start3A_1537] : memref<40x128xi32, #tpu.memory_space<vmem>> -> memref<1x128xi32, #tpu.memory_space<vmem>>
    %dma_start3A_1539 = tpu.memref_squeeze %dma_start3A_1538 : memref<1x128xi32, #tpu.memory_space<vmem>> -> memref<128xi32, #tpu.memory_space<vmem>>
    %dma_start3A_1540 = arith.constant 0 : i32
    %dma_start3A_1541 = arith.constant 0 : i32
    %dma_start3A_1542 = tpu.memref_slice %arg11[%dma_start3A_1540, %dma_start3A_1541] : memref<10240x32xf32, #tpu.memory_space<vmem_shared>> -> memref<10240x32xf32, #tpu.memory_space<vmem_shared>>
    tpu.enqueue_indirect_dma source(%dma_start3A_1542 : memref<10240x32xf32, #tpu.memory_space<vmem_shared>>) target(%arg18 : memref<128x32xf32, #tpu.memory_space<vmem>>) offsets(%dma_start3A_1539 : memref<128xi32, #tpu.memory_space<vmem>>) semaphore(%arg21 : memref<!tpu.dma_semaphore, #tpu.memory_space<semaphore_mem>>)
    %dma_wait3A_1543 = arith.constant 19 : i32
    %dma_wait3A_1544 = arith.constant 0 : i32
    %dma_wait3A_1545 = tpu.memref_slice %arg13[%dma_wait3A_1543, %dma_wait3A_1544] : memref<40x128xi32, #tpu.memory_space<vmem>> -> memref<1x128xi32, #tpu.memory_space<vmem>>
    %dma_wait3A_1546 = tpu.memref_squeeze %dma_wait3A_1545 : memref<1x128xi32, #tpu.memory_space<vmem>> -> memref<128xi32, #tpu.memory_space<vmem>>
    %dma_wait3A_1547 = arith.constant 0 : i32
    %dma_wait3A_1548 = arith.constant 0 : i32
    %dma_wait3A_1549 = tpu.memref_slice %arg11[%dma_wait3A_1547, %dma_wait3A_1548] : memref<10240x32xf32, #tpu.memory_space<vmem_shared>> -> memref<10240x32xf32, #tpu.memory_space<vmem_shared>>
    tpu.wait_indirect_dma semaphore(%arg22 : memref<!tpu.dma_semaphore, #tpu.memory_space<semaphore_mem>>) src(%dma_wait3A_1549 : memref<10240x32xf32, #tpu.memory_space<vmem_shared>>) dst(%arg19 : memref<128x32xf32, #tpu.memory_space<vmem>>)
    %dma_start3A_1550 = arith.constant 19 : i32
    %dma_start3A_1551 = arith.constant 0 : i32
    %dma_start3A_1552 = tpu.memref_slice %arg14[%dma_start3A_1550, %dma_start3A_1551] : memref<40x128xi32, #tpu.memory_space<vmem>> -> memref<1x128xi32, #tpu.memory_space<vmem>>
    %dma_start3A_1553 = tpu.memref_squeeze %dma_start3A_1552 : memref<1x128xi32, #tpu.memory_space<vmem>> -> memref<128xi32, #tpu.memory_space<vmem>>
    %dma_start3A_1554 = arith.constant 0 : i32
    %dma_start3A_1555 = arith.constant 0 : i32
    %dma_start3A_1556 = tpu.memref_slice %arg10[%dma_start3A_1554, %dma_start3A_1555] : memref<10240x32xf32, #tpu.memory_space<vmem_shared>> -> memref<10240x32xf32, #tpu.memory_space<vmem_shared>>
    tpu.enqueue_indirect_dma source(%arg19 : memref<128x32xf32, #tpu.memory_space<vmem>>) target(%dma_start3A_1556 : memref<10240x32xf32, #tpu.memory_space<vmem_shared>>) offsets(%dma_start3A_1553 : memref<128xi32, #tpu.memory_space<vmem>>) semaphore(%arg25 : memref<!tpu.dma_semaphore, #tpu.memory_space<semaphore_mem>>) {add = true}
    %dma_wait3A_1557 = arith.constant 19 : i32
    %dma_wait3A_1558 = arith.constant 0 : i32
    %dma_wait3A_1559 = tpu.memref_slice %arg14[%dma_wait3A_1557, %dma_wait3A_1558] : memref<40x128xi32, #tpu.memory_space<vmem>> -> memref<1x128xi32, #tpu.memory_space<vmem>>
    %dma_wait3A_1560 = tpu.memref_squeeze %dma_wait3A_1559 : memref<1x128xi32, #tpu.memory_space<vmem>> -> memref<128xi32, #tpu.memory_space<vmem>>
    %dma_wait3A_1561 = arith.constant 0 : i32
    %dma_wait3A_1562 = arith.constant 0 : i32
    %dma_wait3A_1563 = tpu.memref_slice %arg10[%dma_wait3A_1561, %dma_wait3A_1562] : memref<10240x32xf32, #tpu.memory_space<vmem_shared>> -> memref<10240x32xf32, #tpu.memory_space<vmem_shared>>
    tpu.wait_indirect_dma semaphore(%arg25 : memref<!tpu.dma_semaphore, #tpu.memory_space<semaphore_mem>>) src(%arg19 : memref<128x32xf32, #tpu.memory_space<vmem>>) dst(%dma_wait3A_1563 : memref<10240x32xf32, #tpu.memory_space<vmem_shared>>)
    %dma_start3A_1564 = arith.constant 22 : i32
    %dma_start3A_1565 = arith.constant 0 : i32
    %dma_start3A_1566 = tpu.memref_slice %arg13[%dma_start3A_1564, %dma_start3A_1565] : memref<40x128xi32, #tpu.memory_space<vmem>> -> memref<1x128xi32, #tpu.memory_space<vmem>>
    %dma_start3A_1567 = tpu.memref_squeeze %dma_start3A_1566 : memref<1x128xi32, #tpu.memory_space<vmem>> -> memref<128xi32, #tpu.memory_space<vmem>>
    %dma_start3A_1568 = arith.constant 0 : i32
    %dma_start3A_1569 = arith.constant 0 : i32
    %dma_start3A_1570 = tpu.memref_slice %arg11[%dma_start3A_1568, %dma_start3A_1569] : memref<10240x32xf32, #tpu.memory_space<vmem_shared>> -> memref<10240x32xf32, #tpu.memory_space<vmem_shared>>
    tpu.enqueue_indirect_dma source(%dma_start3A_1570 : memref<10240x32xf32, #tpu.memory_space<vmem_shared>>) target(%arg19 : memref<128x32xf32, #tpu.memory_space<vmem>>) offsets(%dma_start3A_1567 : memref<128xi32, #tpu.memory_space<vmem>>) semaphore(%arg22 : memref<!tpu.dma_semaphore, #tpu.memory_space<semaphore_mem>>)
    %dma_wait3A_1571 = arith.constant 20 : i32
    %dma_wait3A_1572 = arith.constant 0 : i32
    %dma_wait3A_1573 = tpu.memref_slice %arg13[%dma_wait3A_1571, %dma_wait3A_1572] : memref<40x128xi32, #tpu.memory_space<vmem>> -> memref<1x128xi32, #tpu.memory_space<vmem>>
    %dma_wait3A_1574 = tpu.memref_squeeze %dma_wait3A_1573 : memref<1x128xi32, #tpu.memory_space<vmem>> -> memref<128xi32, #tpu.memory_space<vmem>>
    %dma_wait3A_1575 = arith.constant 0 : i32
    %dma_wait3A_1576 = arith.constant 0 : i32
    %dma_wait3A_1577 = tpu.memref_slice %arg11[%dma_wait3A_1575, %dma_wait3A_1576] : memref<10240x32xf32, #tpu.memory_space<vmem_shared>> -> memref<10240x32xf32, #tpu.memory_space<vmem_shared>>
    tpu.wait_indirect_dma semaphore(%arg23 : memref<!tpu.dma_semaphore, #tpu.memory_space<semaphore_mem>>) src(%dma_wait3A_1577 : memref<10240x32xf32, #tpu.memory_space<vmem_shared>>) dst(%arg20 : memref<128x32xf32, #tpu.memory_space<vmem>>)
    %dma_start3A_1578 = arith.constant 20 : i32
    %dma_start3A_1579 = arith.constant 0 : i32
    %dma_start3A_1580 = tpu.memref_slice %arg14[%dma_start3A_1578, %dma_start3A_1579] : memref<40x128xi32, #tpu.memory_space<vmem>> -> memref<1x128xi32, #tpu.memory_space<vmem>>
    %dma_start3A_1581 = tpu.memref_squeeze %dma_start3A_1580 : memref<1x128xi32, #tpu.memory_space<vmem>> -> memref<128xi32, #tpu.memory_space<vmem>>
    %dma_start3A_1582 = arith.constant 0 : i32
    %dma_start3A_1583 = arith.constant 0 : i32
    %dma_start3A_1584 = tpu.memref_slice %arg10[%dma_start3A_1582, %dma_start3A_1583] : memref<10240x32xf32, #tpu.memory_space<vmem_shared>> -> memref<10240x32xf32, #tpu.memory_space<vmem_shared>>
    tpu.enqueue_indirect_dma source(%arg20 : memref<128x32xf32, #tpu.memory_space<vmem>>) target(%dma_start3A_1584 : memref<10240x32xf32, #tpu.memory_space<vmem_shared>>) offsets(%dma_start3A_1581 : memref<128xi32, #tpu.memory_space<vmem>>) semaphore(%arg26 : memref<!tpu.dma_semaphore, #tpu.memory_space<semaphore_mem>>) {add = true}
    %dma_wait3A_1585 = arith.constant 20 : i32
    %dma_wait3A_1586 = arith.constant 0 : i32
    %dma_wait3A_1587 = tpu.memref_slice %arg14[%dma_wait3A_1585, %dma_wait3A_1586] : memref<40x128xi32, #tpu.memory_space<vmem>> -> memref<1x128xi32, #tpu.memory_space<vmem>>
    %dma_wait3A_1588 = tpu.memref_squeeze %dma_wait3A_1587 : memref<1x128xi32, #tpu.memory_space<vmem>> -> memref<128xi32, #tpu.memory_space<vmem>>
    %dma_wait3A_1589 = arith.constant 0 : i32
    %dma_wait3A_1590 = arith.constant 0 : i32
    %dma_wait3A_1591 = tpu.memref_slice %arg10[%dma_wait3A_1589, %dma_wait3A_1590] : memref<10240x32xf32, #tpu.memory_space<vmem_shared>> -> memref<10240x32xf32, #tpu.memory_space<vmem_shared>>
    tpu.wait_indirect_dma semaphore(%arg26 : memref<!tpu.dma_semaphore, #tpu.memory_space<semaphore_mem>>) src(%arg20 : memref<128x32xf32, #tpu.memory_space<vmem>>) dst(%dma_wait3A_1591 : memref<10240x32xf32, #tpu.memory_space<vmem_shared>>)
    %dma_start3A_1592 = arith.constant 23 : i32
    %dma_start3A_1593 = arith.constant 0 : i32
    %dma_start3A_1594 = tpu.memref_slice %arg13[%dma_start3A_1592, %dma_start3A_1593] : memref<40x128xi32, #tpu.memory_space<vmem>> -> memref<1x128xi32, #tpu.memory_space<vmem>>
    %dma_start3A_1595 = tpu.memref_squeeze %dma_start3A_1594 : memref<1x128xi32, #tpu.memory_space<vmem>> -> memref<128xi32, #tpu.memory_space<vmem>>
    %dma_start3A_1596 = arith.constant 0 : i32
    %dma_start3A_1597 = arith.constant 0 : i32
    %dma_start3A_1598 = tpu.memref_slice %arg11[%dma_start3A_1596, %dma_start3A_1597] : memref<10240x32xf32, #tpu.memory_space<vmem_shared>> -> memref<10240x32xf32, #tpu.memory_space<vmem_shared>>
    tpu.enqueue_indirect_dma source(%dma_start3A_1598 : memref<10240x32xf32, #tpu.memory_space<vmem_shared>>) target(%arg20 : memref<128x32xf32, #tpu.memory_space<vmem>>) offsets(%dma_start3A_1595 : memref<128xi32, #tpu.memory_space<vmem>>) semaphore(%arg23 : memref<!tpu.dma_semaphore, #tpu.memory_space<semaphore_mem>>)
    %dma_wait3A_1599 = arith.constant 21 : i32
    %dma_wait3A_1600 = arith.constant 0 : i32
    %dma_wait3A_1601 = tpu.memref_slice %arg13[%dma_wait3A_1599, %dma_wait3A_1600] : memref<40x128xi32, #tpu.memory_space<vmem>> -> memref<1x128xi32, #tpu.memory_space<vmem>>
    %dma_wait3A_1602 = tpu.memref_squeeze %dma_wait3A_1601 : memref<1x128xi32, #tpu.memory_space<vmem>> -> memref<128xi32, #tpu.memory_space<vmem>>
    %dma_wait3A_1603 = arith.constant 0 : i32
    %dma_wait3A_1604 = arith.constant 0 : i32
    %dma_wait3A_1605 = tpu.memref_slice %arg11[%dma_wait3A_1603, %dma_wait3A_1604] : memref<10240x32xf32, #tpu.memory_space<vmem_shared>> -> memref<10240x32xf32, #tpu.memory_space<vmem_shared>>
    tpu.wait_indirect_dma semaphore(%arg21 : memref<!tpu.dma_semaphore, #tpu.memory_space<semaphore_mem>>) src(%dma_wait3A_1605 : memref<10240x32xf32, #tpu.memory_space<vmem_shared>>) dst(%arg18 : memref<128x32xf32, #tpu.memory_space<vmem>>)
    %dma_start3A_1606 = arith.constant 21 : i32
    %dma_start3A_1607 = arith.constant 0 : i32
    %dma_start3A_1608 = tpu.memref_slice %arg14[%dma_start3A_1606, %dma_start3A_1607] : memref<40x128xi32, #tpu.memory_space<vmem>> -> memref<1x128xi32, #tpu.memory_space<vmem>>
    %dma_start3A_1609 = tpu.memref_squeeze %dma_start3A_1608 : memref<1x128xi32, #tpu.memory_space<vmem>> -> memref<128xi32, #tpu.memory_space<vmem>>
    %dma_start3A_1610 = arith.constant 0 : i32
    %dma_start3A_1611 = arith.constant 0 : i32
    %dma_start3A_1612 = tpu.memref_slice %arg10[%dma_start3A_1610, %dma_start3A_1611] : memref<10240x32xf32, #tpu.memory_space<vmem_shared>> -> memref<10240x32xf32, #tpu.memory_space<vmem_shared>>
    tpu.enqueue_indirect_dma source(%arg18 : memref<128x32xf32, #tpu.memory_space<vmem>>) target(%dma_start3A_1612 : memref<10240x32xf32, #tpu.memory_space<vmem_shared>>) offsets(%dma_start3A_1609 : memref<128xi32, #tpu.memory_space<vmem>>) semaphore(%arg24 : memref<!tpu.dma_semaphore, #tpu.memory_space<semaphore_mem>>) {add = true}
    %dma_wait3A_1613 = arith.constant 21 : i32
    %dma_wait3A_1614 = arith.constant 0 : i32
    %dma_wait3A_1615 = tpu.memref_slice %arg14[%dma_wait3A_1613, %dma_wait3A_1614] : memref<40x128xi32, #tpu.memory_space<vmem>> -> memref<1x128xi32, #tpu.memory_space<vmem>>
    %dma_wait3A_1616 = tpu.memref_squeeze %dma_wait3A_1615 : memref<1x128xi32, #tpu.memory_space<vmem>> -> memref<128xi32, #tpu.memory_space<vmem>>
    %dma_wait3A_1617 = arith.constant 0 : i32
    %dma_wait3A_1618 = arith.constant 0 : i32
    %dma_wait3A_1619 = tpu.memref_slice %arg10[%dma_wait3A_1617, %dma_wait3A_1618] : memref<10240x32xf32, #tpu.memory_space<vmem_shared>> -> memref<10240x32xf32, #tpu.memory_space<vmem_shared>>
    tpu.wait_indirect_dma semaphore(%arg24 : memref<!tpu.dma_semaphore, #tpu.memory_space<semaphore_mem>>) src(%arg18 : memref<128x32xf32, #tpu.memory_space<vmem>>) dst(%dma_wait3A_1619 : memref<10240x32xf32, #tpu.memory_space<vmem_shared>>)
    %dma_start3A_1620 = arith.constant 24 : i32
    %dma_start3A_1621 = arith.constant 0 : i32
    %dma_start3A_1622 = tpu.memref_slice %arg13[%dma_start3A_1620, %dma_start3A_1621] : memref<40x128xi32, #tpu.memory_space<vmem>> -> memref<1x128xi32, #tpu.memory_space<vmem>>
    %dma_start3A_1623 = tpu.memref_squeeze %dma_start3A_1622 : memref<1x128xi32, #tpu.memory_space<vmem>> -> memref<128xi32, #tpu.memory_space<vmem>>
    %dma_start3A_1624 = arith.constant 0 : i32
    %dma_start3A_1625 = arith.constant 0 : i32
    %dma_start3A_1626 = tpu.memref_slice %arg11[%dma_start3A_1624, %dma_start3A_1625] : memref<10240x32xf32, #tpu.memory_space<vmem_shared>> -> memref<10240x32xf32, #tpu.memory_space<vmem_shared>>
    tpu.enqueue_indirect_dma source(%dma_start3A_1626 : memref<10240x32xf32, #tpu.memory_space<vmem_shared>>) target(%arg18 : memref<128x32xf32, #tpu.memory_space<vmem>>) offsets(%dma_start3A_1623 : memref<128xi32, #tpu.memory_space<vmem>>) semaphore(%arg21 : memref<!tpu.dma_semaphore, #tpu.memory_space<semaphore_mem>>)
    %dma_wait3A_1627 = arith.constant 22 : i32
    %dma_wait3A_1628 = arith.constant 0 : i32
    %dma_wait3A_1629 = tpu.memref_slice %arg13[%dma_wait3A_1627, %dma_wait3A_1628] : memref<40x128xi32, #tpu.memory_space<vmem>> -> memref<1x128xi32, #tpu.memory_space<vmem>>
    %dma_wait3A_1630 = tpu.memref_squeeze %dma_wait3A_1629 : memref<1x128xi32, #tpu.memory_space<vmem>> -> memref<128xi32, #tpu.memory_space<vmem>>
    %dma_wait3A_1631 = arith.constant 0 : i32
    %dma_wait3A_1632 = arith.constant 0 : i32
    %dma_wait3A_1633 = tpu.memref_slice %arg11[%dma_wait3A_1631, %dma_wait3A_1632] : memref<10240x32xf32, #tpu.memory_space<vmem_shared>> -> memref<10240x32xf32, #tpu.memory_space<vmem_shared>>
    tpu.wait_indirect_dma semaphore(%arg22 : memref<!tpu.dma_semaphore, #tpu.memory_space<semaphore_mem>>) src(%dma_wait3A_1633 : memref<10240x32xf32, #tpu.memory_space<vmem_shared>>) dst(%arg19 : memref<128x32xf32, #tpu.memory_space<vmem>>)
    %dma_start3A_1634 = arith.constant 22 : i32
    %dma_start3A_1635 = arith.constant 0 : i32
    %dma_start3A_1636 = tpu.memref_slice %arg14[%dma_start3A_1634, %dma_start3A_1635] : memref<40x128xi32, #tpu.memory_space<vmem>> -> memref<1x128xi32, #tpu.memory_space<vmem>>
    %dma_start3A_1637 = tpu.memref_squeeze %dma_start3A_1636 : memref<1x128xi32, #tpu.memory_space<vmem>> -> memref<128xi32, #tpu.memory_space<vmem>>
    %dma_start3A_1638 = arith.constant 0 : i32
    %dma_start3A_1639 = arith.constant 0 : i32
    %dma_start3A_1640 = tpu.memref_slice %arg10[%dma_start3A_1638, %dma_start3A_1639] : memref<10240x32xf32, #tpu.memory_space<vmem_shared>> -> memref<10240x32xf32, #tpu.memory_space<vmem_shared>>
    tpu.enqueue_indirect_dma source(%arg19 : memref<128x32xf32, #tpu.memory_space<vmem>>) target(%dma_start3A_1640 : memref<10240x32xf32, #tpu.memory_space<vmem_shared>>) offsets(%dma_start3A_1637 : memref<128xi32, #tpu.memory_space<vmem>>) semaphore(%arg25 : memref<!tpu.dma_semaphore, #tpu.memory_space<semaphore_mem>>) {add = true}
    %dma_wait3A_1641 = arith.constant 22 : i32
    %dma_wait3A_1642 = arith.constant 0 : i32
    %dma_wait3A_1643 = tpu.memref_slice %arg14[%dma_wait3A_1641, %dma_wait3A_1642] : memref<40x128xi32, #tpu.memory_space<vmem>> -> memref<1x128xi32, #tpu.memory_space<vmem>>
    %dma_wait3A_1644 = tpu.memref_squeeze %dma_wait3A_1643 : memref<1x128xi32, #tpu.memory_space<vmem>> -> memref<128xi32, #tpu.memory_space<vmem>>
    %dma_wait3A_1645 = arith.constant 0 : i32
    %dma_wait3A_1646 = arith.constant 0 : i32
    %dma_wait3A_1647 = tpu.memref_slice %arg10[%dma_wait3A_1645, %dma_wait3A_1646] : memref<10240x32xf32, #tpu.memory_space<vmem_shared>> -> memref<10240x32xf32, #tpu.memory_space<vmem_shared>>
    tpu.wait_indirect_dma semaphore(%arg25 : memref<!tpu.dma_semaphore, #tpu.memory_space<semaphore_mem>>) src(%arg19 : memref<128x32xf32, #tpu.memory_space<vmem>>) dst(%dma_wait3A_1647 : memref<10240x32xf32, #tpu.memory_space<vmem_shared>>)
    %dma_start3A_1648 = arith.constant 25 : i32
    %dma_start3A_1649 = arith.constant 0 : i32
    %dma_start3A_1650 = tpu.memref_slice %arg13[%dma_start3A_1648, %dma_start3A_1649] : memref<40x128xi32, #tpu.memory_space<vmem>> -> memref<1x128xi32, #tpu.memory_space<vmem>>
    %dma_start3A_1651 = tpu.memref_squeeze %dma_start3A_1650 : memref<1x128xi32, #tpu.memory_space<vmem>> -> memref<128xi32, #tpu.memory_space<vmem>>
    %dma_start3A_1652 = arith.constant 0 : i32
    %dma_start3A_1653 = arith.constant 0 : i32
    %dma_start3A_1654 = tpu.memref_slice %arg11[%dma_start3A_1652, %dma_start3A_1653] : memref<10240x32xf32, #tpu.memory_space<vmem_shared>> -> memref<10240x32xf32, #tpu.memory_space<vmem_shared>>
    tpu.enqueue_indirect_dma source(%dma_start3A_1654 : memref<10240x32xf32, #tpu.memory_space<vmem_shared>>) target(%arg19 : memref<128x32xf32, #tpu.memory_space<vmem>>) offsets(%dma_start3A_1651 : memref<128xi32, #tpu.memory_space<vmem>>) semaphore(%arg22 : memref<!tpu.dma_semaphore, #tpu.memory_space<semaphore_mem>>)
    %dma_wait3A_1655 = arith.constant 23 : i32
    %dma_wait3A_1656 = arith.constant 0 : i32
    %dma_wait3A_1657 = tpu.memref_slice %arg13[%dma_wait3A_1655, %dma_wait3A_1656] : memref<40x128xi32, #tpu.memory_space<vmem>> -> memref<1x128xi32, #tpu.memory_space<vmem>>
    %dma_wait3A_1658 = tpu.memref_squeeze %dma_wait3A_1657 : memref<1x128xi32, #tpu.memory_space<vmem>> -> memref<128xi32, #tpu.memory_space<vmem>>
    %dma_wait3A_1659 = arith.constant 0 : i32
    %dma_wait3A_1660 = arith.constant 0 : i32
    %dma_wait3A_1661 = tpu.memref_slice %arg11[%dma_wait3A_1659, %dma_wait3A_1660] : memref<10240x32xf32, #tpu.memory_space<vmem_shared>> -> memref<10240x32xf32, #tpu.memory_space<vmem_shared>>
    tpu.wait_indirect_dma semaphore(%arg23 : memref<!tpu.dma_semaphore, #tpu.memory_space<semaphore_mem>>) src(%dma_wait3A_1661 : memref<10240x32xf32, #tpu.memory_space<vmem_shared>>) dst(%arg20 : memref<128x32xf32, #tpu.memory_space<vmem>>)
    %dma_start3A_1662 = arith.constant 23 : i32
    %dma_start3A_1663 = arith.constant 0 : i32
    %dma_start3A_1664 = tpu.memref_slice %arg14[%dma_start3A_1662, %dma_start3A_1663] : memref<40x128xi32, #tpu.memory_space<vmem>> -> memref<1x128xi32, #tpu.memory_space<vmem>>
    %dma_start3A_1665 = tpu.memref_squeeze %dma_start3A_1664 : memref<1x128xi32, #tpu.memory_space<vmem>> -> memref<128xi32, #tpu.memory_space<vmem>>
    %dma_start3A_1666 = arith.constant 0 : i32
    %dma_start3A_1667 = arith.constant 0 : i32
    %dma_start3A_1668 = tpu.memref_slice %arg10[%dma_start3A_1666, %dma_start3A_1667] : memref<10240x32xf32, #tpu.memory_space<vmem_shared>> -> memref<10240x32xf32, #tpu.memory_space<vmem_shared>>
    tpu.enqueue_indirect_dma source(%arg20 : memref<128x32xf32, #tpu.memory_space<vmem>>) target(%dma_start3A_1668 : memref<10240x32xf32, #tpu.memory_space<vmem_shared>>) offsets(%dma_start3A_1665 : memref<128xi32, #tpu.memory_space<vmem>>) semaphore(%arg26 : memref<!tpu.dma_semaphore, #tpu.memory_space<semaphore_mem>>) {add = true}
    %dma_wait3A_1669 = arith.constant 23 : i32
    %dma_wait3A_1670 = arith.constant 0 : i32
    %dma_wait3A_1671 = tpu.memref_slice %arg14[%dma_wait3A_1669, %dma_wait3A_1670] : memref<40x128xi32, #tpu.memory_space<vmem>> -> memref<1x128xi32, #tpu.memory_space<vmem>>
    %dma_wait3A_1672 = tpu.memref_squeeze %dma_wait3A_1671 : memref<1x128xi32, #tpu.memory_space<vmem>> -> memref<128xi32, #tpu.memory_space<vmem>>
    %dma_wait3A_1673 = arith.constant 0 : i32
    %dma_wait3A_1674 = arith.constant 0 : i32
    %dma_wait3A_1675 = tpu.memref_slice %arg10[%dma_wait3A_1673, %dma_wait3A_1674] : memref<10240x32xf32, #tpu.memory_space<vmem_shared>> -> memref<10240x32xf32, #tpu.memory_space<vmem_shared>>
    tpu.wait_indirect_dma semaphore(%arg26 : memref<!tpu.dma_semaphore, #tpu.memory_space<semaphore_mem>>) src(%arg20 : memref<128x32xf32, #tpu.memory_space<vmem>>) dst(%dma_wait3A_1675 : memref<10240x32xf32, #tpu.memory_space<vmem_shared>>)
    %dma_start3A_1676 = arith.constant 26 : i32
    %dma_start3A_1677 = arith.constant 0 : i32
    %dma_start3A_1678 = tpu.memref_slice %arg13[%dma_start3A_1676, %dma_start3A_1677] : memref<40x128xi32, #tpu.memory_space<vmem>> -> memref<1x128xi32, #tpu.memory_space<vmem>>
    %dma_start3A_1679 = tpu.memref_squeeze %dma_start3A_1678 : memref<1x128xi32, #tpu.memory_space<vmem>> -> memref<128xi32, #tpu.memory_space<vmem>>
    %dma_start3A_1680 = arith.constant 0 : i32
    %dma_start3A_1681 = arith.constant 0 : i32
    %dma_start3A_1682 = tpu.memref_slice %arg11[%dma_start3A_1680, %dma_start3A_1681] : memref<10240x32xf32, #tpu.memory_space<vmem_shared>> -> memref<10240x32xf32, #tpu.memory_space<vmem_shared>>
    tpu.enqueue_indirect_dma source(%dma_start3A_1682 : memref<10240x32xf32, #tpu.memory_space<vmem_shared>>) target(%arg20 : memref<128x32xf32, #tpu.memory_space<vmem>>) offsets(%dma_start3A_1679 : memref<128xi32, #tpu.memory_space<vmem>>) semaphore(%arg23 : memref<!tpu.dma_semaphore, #tpu.memory_space<semaphore_mem>>)
    %dma_wait3A_1683 = arith.constant 24 : i32
    %dma_wait3A_1684 = arith.constant 0 : i32
    %dma_wait3A_1685 = tpu.memref_slice %arg13[%dma_wait3A_1683, %dma_wait3A_1684] : memref<40x128xi32, #tpu.memory_space<vmem>> -> memref<1x128xi32, #tpu.memory_space<vmem>>
    %dma_wait3A_1686 = tpu.memref_squeeze %dma_wait3A_1685 : memref<1x128xi32, #tpu.memory_space<vmem>> -> memref<128xi32, #tpu.memory_space<vmem>>
    %dma_wait3A_1687 = arith.constant 0 : i32
    %dma_wait3A_1688 = arith.constant 0 : i32
    %dma_wait3A_1689 = tpu.memref_slice %arg11[%dma_wait3A_1687, %dma_wait3A_1688] : memref<10240x32xf32, #tpu.memory_space<vmem_shared>> -> memref<10240x32xf32, #tpu.memory_space<vmem_shared>>
    tpu.wait_indirect_dma semaphore(%arg21 : memref<!tpu.dma_semaphore, #tpu.memory_space<semaphore_mem>>) src(%dma_wait3A_1689 : memref<10240x32xf32, #tpu.memory_space<vmem_shared>>) dst(%arg18 : memref<128x32xf32, #tpu.memory_space<vmem>>)
    %dma_start3A_1690 = arith.constant 24 : i32
    %dma_start3A_1691 = arith.constant 0 : i32
    %dma_start3A_1692 = tpu.memref_slice %arg14[%dma_start3A_1690, %dma_start3A_1691] : memref<40x128xi32, #tpu.memory_space<vmem>> -> memref<1x128xi32, #tpu.memory_space<vmem>>
    %dma_start3A_1693 = tpu.memref_squeeze %dma_start3A_1692 : memref<1x128xi32, #tpu.memory_space<vmem>> -> memref<128xi32, #tpu.memory_space<vmem>>
    %dma_start3A_1694 = arith.constant 0 : i32
    %dma_start3A_1695 = arith.constant 0 : i32
    %dma_start3A_1696 = tpu.memref_slice %arg10[%dma_start3A_1694, %dma_start3A_1695] : memref<10240x32xf32, #tpu.memory_space<vmem_shared>> -> memref<10240x32xf32, #tpu.memory_space<vmem_shared>>
    tpu.enqueue_indirect_dma source(%arg18 : memref<128x32xf32, #tpu.memory_space<vmem>>) target(%dma_start3A_1696 : memref<10240x32xf32, #tpu.memory_space<vmem_shared>>) offsets(%dma_start3A_1693 : memref<128xi32, #tpu.memory_space<vmem>>) semaphore(%arg24 : memref<!tpu.dma_semaphore, #tpu.memory_space<semaphore_mem>>) {add = true}
    %dma_wait3A_1697 = arith.constant 24 : i32
    %dma_wait3A_1698 = arith.constant 0 : i32
    %dma_wait3A_1699 = tpu.memref_slice %arg14[%dma_wait3A_1697, %dma_wait3A_1698] : memref<40x128xi32, #tpu.memory_space<vmem>> -> memref<1x128xi32, #tpu.memory_space<vmem>>
    %dma_wait3A_1700 = tpu.memref_squeeze %dma_wait3A_1699 : memref<1x128xi32, #tpu.memory_space<vmem>> -> memref<128xi32, #tpu.memory_space<vmem>>
    %dma_wait3A_1701 = arith.constant 0 : i32
    %dma_wait3A_1702 = arith.constant 0 : i32
    %dma_wait3A_1703 = tpu.memref_slice %arg10[%dma_wait3A_1701, %dma_wait3A_1702] : memref<10240x32xf32, #tpu.memory_space<vmem_shared>> -> memref<10240x32xf32, #tpu.memory_space<vmem_shared>>
    tpu.wait_indirect_dma semaphore(%arg24 : memref<!tpu.dma_semaphore, #tpu.memory_space<semaphore_mem>>) src(%arg18 : memref<128x32xf32, #tpu.memory_space<vmem>>) dst(%dma_wait3A_1703 : memref<10240x32xf32, #tpu.memory_space<vmem_shared>>)
    %dma_start3A_1704 = arith.constant 27 : i32
    %dma_start3A_1705 = arith.constant 0 : i32
    %dma_start3A_1706 = tpu.memref_slice %arg13[%dma_start3A_1704, %dma_start3A_1705] : memref<40x128xi32, #tpu.memory_space<vmem>> -> memref<1x128xi32, #tpu.memory_space<vmem>>
    %dma_start3A_1707 = tpu.memref_squeeze %dma_start3A_1706 : memref<1x128xi32, #tpu.memory_space<vmem>> -> memref<128xi32, #tpu.memory_space<vmem>>
    %dma_start3A_1708 = arith.constant 0 : i32
    %dma_start3A_1709 = arith.constant 0 : i32
    %dma_start3A_1710 = tpu.memref_slice %arg11[%dma_start3A_1708, %dma_start3A_1709] : memref<10240x32xf32, #tpu.memory_space<vmem_shared>> -> memref<10240x32xf32, #tpu.memory_space<vmem_shared>>
    tpu.enqueue_indirect_dma source(%dma_start3A_1710 : memref<10240x32xf32, #tpu.memory_space<vmem_shared>>) target(%arg18 : memref<128x32xf32, #tpu.memory_space<vmem>>) offsets(%dma_start3A_1707 : memref<128xi32, #tpu.memory_space<vmem>>) semaphore(%arg21 : memref<!tpu.dma_semaphore, #tpu.memory_space<semaphore_mem>>)
    %dma_wait3A_1711 = arith.constant 25 : i32
    %dma_wait3A_1712 = arith.constant 0 : i32
    %dma_wait3A_1713 = tpu.memref_slice %arg13[%dma_wait3A_1711, %dma_wait3A_1712] : memref<40x128xi32, #tpu.memory_space<vmem>> -> memref<1x128xi32, #tpu.memory_space<vmem>>
    %dma_wait3A_1714 = tpu.memref_squeeze %dma_wait3A_1713 : memref<1x128xi32, #tpu.memory_space<vmem>> -> memref<128xi32, #tpu.memory_space<vmem>>
    %dma_wait3A_1715 = arith.constant 0 : i32
    %dma_wait3A_1716 = arith.constant 0 : i32
    %dma_wait3A_1717 = tpu.memref_slice %arg11[%dma_wait3A_1715, %dma_wait3A_1716] : memref<10240x32xf32, #tpu.memory_space<vmem_shared>> -> memref<10240x32xf32, #tpu.memory_space<vmem_shared>>
    tpu.wait_indirect_dma semaphore(%arg22 : memref<!tpu.dma_semaphore, #tpu.memory_space<semaphore_mem>>) src(%dma_wait3A_1717 : memref<10240x32xf32, #tpu.memory_space<vmem_shared>>) dst(%arg19 : memref<128x32xf32, #tpu.memory_space<vmem>>)
    %dma_start3A_1718 = arith.constant 25 : i32
    %dma_start3A_1719 = arith.constant 0 : i32
    %dma_start3A_1720 = tpu.memref_slice %arg14[%dma_start3A_1718, %dma_start3A_1719] : memref<40x128xi32, #tpu.memory_space<vmem>> -> memref<1x128xi32, #tpu.memory_space<vmem>>
    %dma_start3A_1721 = tpu.memref_squeeze %dma_start3A_1720 : memref<1x128xi32, #tpu.memory_space<vmem>> -> memref<128xi32, #tpu.memory_space<vmem>>
    %dma_start3A_1722 = arith.constant 0 : i32
    %dma_start3A_1723 = arith.constant 0 : i32
    %dma_start3A_1724 = tpu.memref_slice %arg10[%dma_start3A_1722, %dma_start3A_1723] : memref<10240x32xf32, #tpu.memory_space<vmem_shared>> -> memref<10240x32xf32, #tpu.memory_space<vmem_shared>>
    tpu.enqueue_indirect_dma source(%arg19 : memref<128x32xf32, #tpu.memory_space<vmem>>) target(%dma_start3A_1724 : memref<10240x32xf32, #tpu.memory_space<vmem_shared>>) offsets(%dma_start3A_1721 : memref<128xi32, #tpu.memory_space<vmem>>) semaphore(%arg25 : memref<!tpu.dma_semaphore, #tpu.memory_space<semaphore_mem>>) {add = true}
    %dma_wait3A_1725 = arith.constant 25 : i32
    %dma_wait3A_1726 = arith.constant 0 : i32
    %dma_wait3A_1727 = tpu.memref_slice %arg14[%dma_wait3A_1725, %dma_wait3A_1726] : memref<40x128xi32, #tpu.memory_space<vmem>> -> memref<1x128xi32, #tpu.memory_space<vmem>>
    %dma_wait3A_1728 = tpu.memref_squeeze %dma_wait3A_1727 : memref<1x128xi32, #tpu.memory_space<vmem>> -> memref<128xi32, #tpu.memory_space<vmem>>
    %dma_wait3A_1729 = arith.constant 0 : i32
    %dma_wait3A_1730 = arith.constant 0 : i32
    %dma_wait3A_1731 = tpu.memref_slice %arg10[%dma_wait3A_1729, %dma_wait3A_1730] : memref<10240x32xf32, #tpu.memory_space<vmem_shared>> -> memref<10240x32xf32, #tpu.memory_space<vmem_shared>>
    tpu.wait_indirect_dma semaphore(%arg25 : memref<!tpu.dma_semaphore, #tpu.memory_space<semaphore_mem>>) src(%arg19 : memref<128x32xf32, #tpu.memory_space<vmem>>) dst(%dma_wait3A_1731 : memref<10240x32xf32, #tpu.memory_space<vmem_shared>>)
    %dma_start3A_1732 = arith.constant 28 : i32
    %dma_start3A_1733 = arith.constant 0 : i32
    %dma_start3A_1734 = tpu.memref_slice %arg13[%dma_start3A_1732, %dma_start3A_1733] : memref<40x128xi32, #tpu.memory_space<vmem>> -> memref<1x128xi32, #tpu.memory_space<vmem>>
    %dma_start3A_1735 = tpu.memref_squeeze %dma_start3A_1734 : memref<1x128xi32, #tpu.memory_space<vmem>> -> memref<128xi32, #tpu.memory_space<vmem>>
    %dma_start3A_1736 = arith.constant 0 : i32
    %dma_start3A_1737 = arith.constant 0 : i32
    %dma_start3A_1738 = tpu.memref_slice %arg11[%dma_start3A_1736, %dma_start3A_1737] : memref<10240x32xf32, #tpu.memory_space<vmem_shared>> -> memref<10240x32xf32, #tpu.memory_space<vmem_shared>>
    tpu.enqueue_indirect_dma source(%dma_start3A_1738 : memref<10240x32xf32, #tpu.memory_space<vmem_shared>>) target(%arg19 : memref<128x32xf32, #tpu.memory_space<vmem>>) offsets(%dma_start3A_1735 : memref<128xi32, #tpu.memory_space<vmem>>) semaphore(%arg22 : memref<!tpu.dma_semaphore, #tpu.memory_space<semaphore_mem>>)
    %dma_wait3A_1739 = arith.constant 26 : i32
    %dma_wait3A_1740 = arith.constant 0 : i32
    %dma_wait3A_1741 = tpu.memref_slice %arg13[%dma_wait3A_1739, %dma_wait3A_1740] : memref<40x128xi32, #tpu.memory_space<vmem>> -> memref<1x128xi32, #tpu.memory_space<vmem>>
    %dma_wait3A_1742 = tpu.memref_squeeze %dma_wait3A_1741 : memref<1x128xi32, #tpu.memory_space<vmem>> -> memref<128xi32, #tpu.memory_space<vmem>>
    %dma_wait3A_1743 = arith.constant 0 : i32
    %dma_wait3A_1744 = arith.constant 0 : i32
    %dma_wait3A_1745 = tpu.memref_slice %arg11[%dma_wait3A_1743, %dma_wait3A_1744] : memref<10240x32xf32, #tpu.memory_space<vmem_shared>> -> memref<10240x32xf32, #tpu.memory_space<vmem_shared>>
    tpu.wait_indirect_dma semaphore(%arg23 : memref<!tpu.dma_semaphore, #tpu.memory_space<semaphore_mem>>) src(%dma_wait3A_1745 : memref<10240x32xf32, #tpu.memory_space<vmem_shared>>) dst(%arg20 : memref<128x32xf32, #tpu.memory_space<vmem>>)
    %dma_start3A_1746 = arith.constant 26 : i32
    %dma_start3A_1747 = arith.constant 0 : i32
    %dma_start3A_1748 = tpu.memref_slice %arg14[%dma_start3A_1746, %dma_start3A_1747] : memref<40x128xi32, #tpu.memory_space<vmem>> -> memref<1x128xi32, #tpu.memory_space<vmem>>
    %dma_start3A_1749 = tpu.memref_squeeze %dma_start3A_1748 : memref<1x128xi32, #tpu.memory_space<vmem>> -> memref<128xi32, #tpu.memory_space<vmem>>
    %dma_start3A_1750 = arith.constant 0 : i32
    %dma_start3A_1751 = arith.constant 0 : i32
    %dma_start3A_1752 = tpu.memref_slice %arg10[%dma_start3A_1750, %dma_start3A_1751] : memref<10240x32xf32, #tpu.memory_space<vmem_shared>> -> memref<10240x32xf32, #tpu.memory_space<vmem_shared>>
    tpu.enqueue_indirect_dma source(%arg20 : memref<128x32xf32, #tpu.memory_space<vmem>>) target(%dma_start3A_1752 : memref<10240x32xf32, #tpu.memory_space<vmem_shared>>) offsets(%dma_start3A_1749 : memref<128xi32, #tpu.memory_space<vmem>>) semaphore(%arg26 : memref<!tpu.dma_semaphore, #tpu.memory_space<semaphore_mem>>) {add = true}
    %dma_wait3A_1753 = arith.constant 26 : i32
    %dma_wait3A_1754 = arith.constant 0 : i32
    %dma_wait3A_1755 = tpu.memref_slice %arg14[%dma_wait3A_1753, %dma_wait3A_1754] : memref<40x128xi32, #tpu.memory_space<vmem>> -> memref<1x128xi32, #tpu.memory_space<vmem>>
    %dma_wait3A_1756 = tpu.memref_squeeze %dma_wait3A_1755 : memref<1x128xi32, #tpu.memory_space<vmem>> -> memref<128xi32, #tpu.memory_space<vmem>>
    %dma_wait3A_1757 = arith.constant 0 : i32
    %dma_wait3A_1758 = arith.constant 0 : i32
    %dma_wait3A_1759 = tpu.memref_slice %arg10[%dma_wait3A_1757, %dma_wait3A_1758] : memref<10240x32xf32, #tpu.memory_space<vmem_shared>> -> memref<10240x32xf32, #tpu.memory_space<vmem_shared>>
    tpu.wait_indirect_dma semaphore(%arg26 : memref<!tpu.dma_semaphore, #tpu.memory_space<semaphore_mem>>) src(%arg20 : memref<128x32xf32, #tpu.memory_space<vmem>>) dst(%dma_wait3A_1759 : memref<10240x32xf32, #tpu.memory_space<vmem_shared>>)
    %dma_start3A_1760 = arith.constant 29 : i32
    %dma_start3A_1761 = arith.constant 0 : i32
    %dma_start3A_1762 = tpu.memref_slice %arg13[%dma_start3A_1760, %dma_start3A_1761] : memref<40x128xi32, #tpu.memory_space<vmem>> -> memref<1x128xi32, #tpu.memory_space<vmem>>
    %dma_start3A_1763 = tpu.memref_squeeze %dma_start3A_1762 : memref<1x128xi32, #tpu.memory_space<vmem>> -> memref<128xi32, #tpu.memory_space<vmem>>
    %dma_start3A_1764 = arith.constant 0 : i32
    %dma_start3A_1765 = arith.constant 0 : i32
    %dma_start3A_1766 = tpu.memref_slice %arg11[%dma_start3A_1764, %dma_start3A_1765] : memref<10240x32xf32, #tpu.memory_space<vmem_shared>> -> memref<10240x32xf32, #tpu.memory_space<vmem_shared>>
    tpu.enqueue_indirect_dma source(%dma_start3A_1766 : memref<10240x32xf32, #tpu.memory_space<vmem_shared>>) target(%arg20 : memref<128x32xf32, #tpu.memory_space<vmem>>) offsets(%dma_start3A_1763 : memref<128xi32, #tpu.memory_space<vmem>>) semaphore(%arg23 : memref<!tpu.dma_semaphore, #tpu.memory_space<semaphore_mem>>)
    %dma_wait3A_1767 = arith.constant 27 : i32
    %dma_wait3A_1768 = arith.constant 0 : i32
    %dma_wait3A_1769 = tpu.memref_slice %arg13[%dma_wait3A_1767, %dma_wait3A_1768] : memref<40x128xi32, #tpu.memory_space<vmem>> -> memref<1x128xi32, #tpu.memory_space<vmem>>
    %dma_wait3A_1770 = tpu.memref_squeeze %dma_wait3A_1769 : memref<1x128xi32, #tpu.memory_space<vmem>> -> memref<128xi32, #tpu.memory_space<vmem>>
    %dma_wait3A_1771 = arith.constant 0 : i32
    %dma_wait3A_1772 = arith.constant 0 : i32
    %dma_wait3A_1773 = tpu.memref_slice %arg11[%dma_wait3A_1771, %dma_wait3A_1772] : memref<10240x32xf32, #tpu.memory_space<vmem_shared>> -> memref<10240x32xf32, #tpu.memory_space<vmem_shared>>
    tpu.wait_indirect_dma semaphore(%arg21 : memref<!tpu.dma_semaphore, #tpu.memory_space<semaphore_mem>>) src(%dma_wait3A_1773 : memref<10240x32xf32, #tpu.memory_space<vmem_shared>>) dst(%arg18 : memref<128x32xf32, #tpu.memory_space<vmem>>)
    %dma_start3A_1774 = arith.constant 27 : i32
    %dma_start3A_1775 = arith.constant 0 : i32
    %dma_start3A_1776 = tpu.memref_slice %arg14[%dma_start3A_1774, %dma_start3A_1775] : memref<40x128xi32, #tpu.memory_space<vmem>> -> memref<1x128xi32, #tpu.memory_space<vmem>>
    %dma_start3A_1777 = tpu.memref_squeeze %dma_start3A_1776 : memref<1x128xi32, #tpu.memory_space<vmem>> -> memref<128xi32, #tpu.memory_space<vmem>>
    %dma_start3A_1778 = arith.constant 0 : i32
    %dma_start3A_1779 = arith.constant 0 : i32
    %dma_start3A_1780 = tpu.memref_slice %arg10[%dma_start3A_1778, %dma_start3A_1779] : memref<10240x32xf32, #tpu.memory_space<vmem_shared>> -> memref<10240x32xf32, #tpu.memory_space<vmem_shared>>
    tpu.enqueue_indirect_dma source(%arg18 : memref<128x32xf32, #tpu.memory_space<vmem>>) target(%dma_start3A_1780 : memref<10240x32xf32, #tpu.memory_space<vmem_shared>>) offsets(%dma_start3A_1777 : memref<128xi32, #tpu.memory_space<vmem>>) semaphore(%arg24 : memref<!tpu.dma_semaphore, #tpu.memory_space<semaphore_mem>>) {add = true}
    %dma_wait3A_1781 = arith.constant 27 : i32
    %dma_wait3A_1782 = arith.constant 0 : i32
    %dma_wait3A_1783 = tpu.memref_slice %arg14[%dma_wait3A_1781, %dma_wait3A_1782] : memref<40x128xi32, #tpu.memory_space<vmem>> -> memref<1x128xi32, #tpu.memory_space<vmem>>
    %dma_wait3A_1784 = tpu.memref_squeeze %dma_wait3A_1783 : memref<1x128xi32, #tpu.memory_space<vmem>> -> memref<128xi32, #tpu.memory_space<vmem>>
    %dma_wait3A_1785 = arith.constant 0 : i32
    %dma_wait3A_1786 = arith.constant 0 : i32
    %dma_wait3A_1787 = tpu.memref_slice %arg10[%dma_wait3A_1785, %dma_wait3A_1786] : memref<10240x32xf32, #tpu.memory_space<vmem_shared>> -> memref<10240x32xf32, #tpu.memory_space<vmem_shared>>
    tpu.wait_indirect_dma semaphore(%arg24 : memref<!tpu.dma_semaphore, #tpu.memory_space<semaphore_mem>>) src(%arg18 : memref<128x32xf32, #tpu.memory_space<vmem>>) dst(%dma_wait3A_1787 : memref<10240x32xf32, #tpu.memory_space<vmem_shared>>)
    %dma_start3A_1788 = arith.constant 30 : i32
    %dma_start3A_1789 = arith.constant 0 : i32
    %dma_start3A_1790 = tpu.memref_slice %arg13[%dma_start3A_1788, %dma_start3A_1789] : memref<40x128xi32, #tpu.memory_space<vmem>> -> memref<1x128xi32, #tpu.memory_space<vmem>>
    %dma_start3A_1791 = tpu.memref_squeeze %dma_start3A_1790 : memref<1x128xi32, #tpu.memory_space<vmem>> -> memref<128xi32, #tpu.memory_space<vmem>>
    %dma_start3A_1792 = arith.constant 0 : i32
    %dma_start3A_1793 = arith.constant 0 : i32
    %dma_start3A_1794 = tpu.memref_slice %arg11[%dma_start3A_1792, %dma_start3A_1793] : memref<10240x32xf32, #tpu.memory_space<vmem_shared>> -> memref<10240x32xf32, #tpu.memory_space<vmem_shared>>
    tpu.enqueue_indirect_dma source(%dma_start3A_1794 : memref<10240x32xf32, #tpu.memory_space<vmem_shared>>) target(%arg18 : memref<128x32xf32, #tpu.memory_space<vmem>>) offsets(%dma_start3A_1791 : memref<128xi32, #tpu.memory_space<vmem>>) semaphore(%arg21 : memref<!tpu.dma_semaphore, #tpu.memory_space<semaphore_mem>>)
    %dma_wait3A_1795 = arith.constant 28 : i32
    %dma_wait3A_1796 = arith.constant 0 : i32
    %dma_wait3A_1797 = tpu.memref_slice %arg13[%dma_wait3A_1795, %dma_wait3A_1796] : memref<40x128xi32, #tpu.memory_space<vmem>> -> memref<1x128xi32, #tpu.memory_space<vmem>>
    %dma_wait3A_1798 = tpu.memref_squeeze %dma_wait3A_1797 : memref<1x128xi32, #tpu.memory_space<vmem>> -> memref<128xi32, #tpu.memory_space<vmem>>
    %dma_wait3A_1799 = arith.constant 0 : i32
    %dma_wait3A_1800 = arith.constant 0 : i32
    %dma_wait3A_1801 = tpu.memref_slice %arg11[%dma_wait3A_1799, %dma_wait3A_1800] : memref<10240x32xf32, #tpu.memory_space<vmem_shared>> -> memref<10240x32xf32, #tpu.memory_space<vmem_shared>>
    tpu.wait_indirect_dma semaphore(%arg22 : memref<!tpu.dma_semaphore, #tpu.memory_space<semaphore_mem>>) src(%dma_wait3A_1801 : memref<10240x32xf32, #tpu.memory_space<vmem_shared>>) dst(%arg19 : memref<128x32xf32, #tpu.memory_space<vmem>>)
    %dma_start3A_1802 = arith.constant 28 : i32
    %dma_start3A_1803 = arith.constant 0 : i32
    %dma_start3A_1804 = tpu.memref_slice %arg14[%dma_start3A_1802, %dma_start3A_1803] : memref<40x128xi32, #tpu.memory_space<vmem>> -> memref<1x128xi32, #tpu.memory_space<vmem>>
    %dma_start3A_1805 = tpu.memref_squeeze %dma_start3A_1804 : memref<1x128xi32, #tpu.memory_space<vmem>> -> memref<128xi32, #tpu.memory_space<vmem>>
    %dma_start3A_1806 = arith.constant 0 : i32
    %dma_start3A_1807 = arith.constant 0 : i32
    %dma_start3A_1808 = tpu.memref_slice %arg10[%dma_start3A_1806, %dma_start3A_1807] : memref<10240x32xf32, #tpu.memory_space<vmem_shared>> -> memref<10240x32xf32, #tpu.memory_space<vmem_shared>>
    tpu.enqueue_indirect_dma source(%arg19 : memref<128x32xf32, #tpu.memory_space<vmem>>) target(%dma_start3A_1808 : memref<10240x32xf32, #tpu.memory_space<vmem_shared>>) offsets(%dma_start3A_1805 : memref<128xi32, #tpu.memory_space<vmem>>) semaphore(%arg25 : memref<!tpu.dma_semaphore, #tpu.memory_space<semaphore_mem>>) {add = true}
    %dma_wait3A_1809 = arith.constant 28 : i32
    %dma_wait3A_1810 = arith.constant 0 : i32
    %dma_wait3A_1811 = tpu.memref_slice %arg14[%dma_wait3A_1809, %dma_wait3A_1810] : memref<40x128xi32, #tpu.memory_space<vmem>> -> memref<1x128xi32, #tpu.memory_space<vmem>>
    %dma_wait3A_1812 = tpu.memref_squeeze %dma_wait3A_1811 : memref<1x128xi32, #tpu.memory_space<vmem>> -> memref<128xi32, #tpu.memory_space<vmem>>
    %dma_wait3A_1813 = arith.constant 0 : i32
    %dma_wait3A_1814 = arith.constant 0 : i32
    %dma_wait3A_1815 = tpu.memref_slice %arg10[%dma_wait3A_1813, %dma_wait3A_1814] : memref<10240x32xf32, #tpu.memory_space<vmem_shared>> -> memref<10240x32xf32, #tpu.memory_space<vmem_shared>>
    tpu.wait_indirect_dma semaphore(%arg25 : memref<!tpu.dma_semaphore, #tpu.memory_space<semaphore_mem>>) src(%arg19 : memref<128x32xf32, #tpu.memory_space<vmem>>) dst(%dma_wait3A_1815 : memref<10240x32xf32, #tpu.memory_space<vmem_shared>>)
    %dma_start3A_1816 = arith.constant 31 : i32
    %dma_start3A_1817 = arith.constant 0 : i32
    %dma_start3A_1818 = tpu.memref_slice %arg13[%dma_start3A_1816, %dma_start3A_1817] : memref<40x128xi32, #tpu.memory_space<vmem>> -> memref<1x128xi32, #tpu.memory_space<vmem>>
    %dma_start3A_1819 = tpu.memref_squeeze %dma_start3A_1818 : memref<1x128xi32, #tpu.memory_space<vmem>> -> memref<128xi32, #tpu.memory_space<vmem>>
    %dma_start3A_1820 = arith.constant 0 : i32
    %dma_start3A_1821 = arith.constant 0 : i32
    %dma_start3A_1822 = tpu.memref_slice %arg11[%dma_start3A_1820, %dma_start3A_1821] : memref<10240x32xf32, #tpu.memory_space<vmem_shared>> -> memref<10240x32xf32, #tpu.memory_space<vmem_shared>>
    tpu.enqueue_indirect_dma source(%dma_start3A_1822 : memref<10240x32xf32, #tpu.memory_space<vmem_shared>>) target(%arg19 : memref<128x32xf32, #tpu.memory_space<vmem>>) offsets(%dma_start3A_1819 : memref<128xi32, #tpu.memory_space<vmem>>) semaphore(%arg22 : memref<!tpu.dma_semaphore, #tpu.memory_space<semaphore_mem>>)
    %dma_wait3A_1823 = arith.constant 29 : i32
    %dma_wait3A_1824 = arith.constant 0 : i32
    %dma_wait3A_1825 = tpu.memref_slice %arg13[%dma_wait3A_1823, %dma_wait3A_1824] : memref<40x128xi32, #tpu.memory_space<vmem>> -> memref<1x128xi32, #tpu.memory_space<vmem>>
    %dma_wait3A_1826 = tpu.memref_squeeze %dma_wait3A_1825 : memref<1x128xi32, #tpu.memory_space<vmem>> -> memref<128xi32, #tpu.memory_space<vmem>>
    %dma_wait3A_1827 = arith.constant 0 : i32
    %dma_wait3A_1828 = arith.constant 0 : i32
    %dma_wait3A_1829 = tpu.memref_slice %arg11[%dma_wait3A_1827, %dma_wait3A_1828] : memref<10240x32xf32, #tpu.memory_space<vmem_shared>> -> memref<10240x32xf32, #tpu.memory_space<vmem_shared>>
    tpu.wait_indirect_dma semaphore(%arg23 : memref<!tpu.dma_semaphore, #tpu.memory_space<semaphore_mem>>) src(%dma_wait3A_1829 : memref<10240x32xf32, #tpu.memory_space<vmem_shared>>) dst(%arg20 : memref<128x32xf32, #tpu.memory_space<vmem>>)
    %dma_start3A_1830 = arith.constant 29 : i32
    %dma_start3A_1831 = arith.constant 0 : i32
    %dma_start3A_1832 = tpu.memref_slice %arg14[%dma_start3A_1830, %dma_start3A_1831] : memref<40x128xi32, #tpu.memory_space<vmem>> -> memref<1x128xi32, #tpu.memory_space<vmem>>
    %dma_start3A_1833 = tpu.memref_squeeze %dma_start3A_1832 : memref<1x128xi32, #tpu.memory_space<vmem>> -> memref<128xi32, #tpu.memory_space<vmem>>
    %dma_start3A_1834 = arith.constant 0 : i32
    %dma_start3A_1835 = arith.constant 0 : i32
    %dma_start3A_1836 = tpu.memref_slice %arg10[%dma_start3A_1834, %dma_start3A_1835] : memref<10240x32xf32, #tpu.memory_space<vmem_shared>> -> memref<10240x32xf32, #tpu.memory_space<vmem_shared>>
    tpu.enqueue_indirect_dma source(%arg20 : memref<128x32xf32, #tpu.memory_space<vmem>>) target(%dma_start3A_1836 : memref<10240x32xf32, #tpu.memory_space<vmem_shared>>) offsets(%dma_start3A_1833 : memref<128xi32, #tpu.memory_space<vmem>>) semaphore(%arg26 : memref<!tpu.dma_semaphore, #tpu.memory_space<semaphore_mem>>) {add = true}
    %dma_wait3A_1837 = arith.constant 29 : i32
    %dma_wait3A_1838 = arith.constant 0 : i32
    %dma_wait3A_1839 = tpu.memref_slice %arg14[%dma_wait3A_1837, %dma_wait3A_1838] : memref<40x128xi32, #tpu.memory_space<vmem>> -> memref<1x128xi32, #tpu.memory_space<vmem>>
    %dma_wait3A_1840 = tpu.memref_squeeze %dma_wait3A_1839 : memref<1x128xi32, #tpu.memory_space<vmem>> -> memref<128xi32, #tpu.memory_space<vmem>>
    %dma_wait3A_1841 = arith.constant 0 : i32
    %dma_wait3A_1842 = arith.constant 0 : i32
    %dma_wait3A_1843 = tpu.memref_slice %arg10[%dma_wait3A_1841, %dma_wait3A_1842] : memref<10240x32xf32, #tpu.memory_space<vmem_shared>> -> memref<10240x32xf32, #tpu.memory_space<vmem_shared>>
    tpu.wait_indirect_dma semaphore(%arg26 : memref<!tpu.dma_semaphore, #tpu.memory_space<semaphore_mem>>) src(%arg20 : memref<128x32xf32, #tpu.memory_space<vmem>>) dst(%dma_wait3A_1843 : memref<10240x32xf32, #tpu.memory_space<vmem_shared>>)
    %dma_start3A_1844 = arith.constant 32 : i32
    %dma_start3A_1845 = arith.constant 0 : i32
    %dma_start3A_1846 = tpu.memref_slice %arg13[%dma_start3A_1844, %dma_start3A_1845] : memref<40x128xi32, #tpu.memory_space<vmem>> -> memref<1x128xi32, #tpu.memory_space<vmem>>
    %dma_start3A_1847 = tpu.memref_squeeze %dma_start3A_1846 : memref<1x128xi32, #tpu.memory_space<vmem>> -> memref<128xi32, #tpu.memory_space<vmem>>
    %dma_start3A_1848 = arith.constant 0 : i32
    %dma_start3A_1849 = arith.constant 0 : i32
    %dma_start3A_1850 = tpu.memref_slice %arg11[%dma_start3A_1848, %dma_start3A_1849] : memref<10240x32xf32, #tpu.memory_space<vmem_shared>> -> memref<10240x32xf32, #tpu.memory_space<vmem_shared>>
    tpu.enqueue_indirect_dma source(%dma_start3A_1850 : memref<10240x32xf32, #tpu.memory_space<vmem_shared>>) target(%arg20 : memref<128x32xf32, #tpu.memory_space<vmem>>) offsets(%dma_start3A_1847 : memref<128xi32, #tpu.memory_space<vmem>>) semaphore(%arg23 : memref<!tpu.dma_semaphore, #tpu.memory_space<semaphore_mem>>)
    %dma_wait3A_1851 = arith.constant 30 : i32
    %dma_wait3A_1852 = arith.constant 0 : i32
    %dma_wait3A_1853 = tpu.memref_slice %arg13[%dma_wait3A_1851, %dma_wait3A_1852] : memref<40x128xi32, #tpu.memory_space<vmem>> -> memref<1x128xi32, #tpu.memory_space<vmem>>
    %dma_wait3A_1854 = tpu.memref_squeeze %dma_wait3A_1853 : memref<1x128xi32, #tpu.memory_space<vmem>> -> memref<128xi32, #tpu.memory_space<vmem>>
    %dma_wait3A_1855 = arith.constant 0 : i32
    %dma_wait3A_1856 = arith.constant 0 : i32
    %dma_wait3A_1857 = tpu.memref_slice %arg11[%dma_wait3A_1855, %dma_wait3A_1856] : memref<10240x32xf32, #tpu.memory_space<vmem_shared>> -> memref<10240x32xf32, #tpu.memory_space<vmem_shared>>
    tpu.wait_indirect_dma semaphore(%arg21 : memref<!tpu.dma_semaphore, #tpu.memory_space<semaphore_mem>>) src(%dma_wait3A_1857 : memref<10240x32xf32, #tpu.memory_space<vmem_shared>>) dst(%arg18 : memref<128x32xf32, #tpu.memory_space<vmem>>)
    %dma_start3A_1858 = arith.constant 30 : i32
    %dma_start3A_1859 = arith.constant 0 : i32
    %dma_start3A_1860 = tpu.memref_slice %arg14[%dma_start3A_1858, %dma_start3A_1859] : memref<40x128xi32, #tpu.memory_space<vmem>> -> memref<1x128xi32, #tpu.memory_space<vmem>>
    %dma_start3A_1861 = tpu.memref_squeeze %dma_start3A_1860 : memref<1x128xi32, #tpu.memory_space<vmem>> -> memref<128xi32, #tpu.memory_space<vmem>>
    %dma_start3A_1862 = arith.constant 0 : i32
    %dma_start3A_1863 = arith.constant 0 : i32
    %dma_start3A_1864 = tpu.memref_slice %arg10[%dma_start3A_1862, %dma_start3A_1863] : memref<10240x32xf32, #tpu.memory_space<vmem_shared>> -> memref<10240x32xf32, #tpu.memory_space<vmem_shared>>
    tpu.enqueue_indirect_dma source(%arg18 : memref<128x32xf32, #tpu.memory_space<vmem>>) target(%dma_start3A_1864 : memref<10240x32xf32, #tpu.memory_space<vmem_shared>>) offsets(%dma_start3A_1861 : memref<128xi32, #tpu.memory_space<vmem>>) semaphore(%arg24 : memref<!tpu.dma_semaphore, #tpu.memory_space<semaphore_mem>>) {add = true}
    %dma_wait3A_1865 = arith.constant 30 : i32
    %dma_wait3A_1866 = arith.constant 0 : i32
    %dma_wait3A_1867 = tpu.memref_slice %arg14[%dma_wait3A_1865, %dma_wait3A_1866] : memref<40x128xi32, #tpu.memory_space<vmem>> -> memref<1x128xi32, #tpu.memory_space<vmem>>
    %dma_wait3A_1868 = tpu.memref_squeeze %dma_wait3A_1867 : memref<1x128xi32, #tpu.memory_space<vmem>> -> memref<128xi32, #tpu.memory_space<vmem>>
    %dma_wait3A_1869 = arith.constant 0 : i32
    %dma_wait3A_1870 = arith.constant 0 : i32
    %dma_wait3A_1871 = tpu.memref_slice %arg10[%dma_wait3A_1869, %dma_wait3A_1870] : memref<10240x32xf32, #tpu.memory_space<vmem_shared>> -> memref<10240x32xf32, #tpu.memory_space<vmem_shared>>
    tpu.wait_indirect_dma semaphore(%arg24 : memref<!tpu.dma_semaphore, #tpu.memory_space<semaphore_mem>>) src(%arg18 : memref<128x32xf32, #tpu.memory_space<vmem>>) dst(%dma_wait3A_1871 : memref<10240x32xf32, #tpu.memory_space<vmem_shared>>)
    %dma_start3A_1872 = arith.constant 33 : i32
    %dma_start3A_1873 = arith.constant 0 : i32
    %dma_start3A_1874 = tpu.memref_slice %arg13[%dma_start3A_1872, %dma_start3A_1873] : memref<40x128xi32, #tpu.memory_space<vmem>> -> memref<1x128xi32, #tpu.memory_space<vmem>>
    %dma_start3A_1875 = tpu.memref_squeeze %dma_start3A_1874 : memref<1x128xi32, #tpu.memory_space<vmem>> -> memref<128xi32, #tpu.memory_space<vmem>>
    %dma_start3A_1876 = arith.constant 0 : i32
    %dma_start3A_1877 = arith.constant 0 : i32
    %dma_start3A_1878 = tpu.memref_slice %arg11[%dma_start3A_1876, %dma_start3A_1877] : memref<10240x32xf32, #tpu.memory_space<vmem_shared>> -> memref<10240x32xf32, #tpu.memory_space<vmem_shared>>
    tpu.enqueue_indirect_dma source(%dma_start3A_1878 : memref<10240x32xf32, #tpu.memory_space<vmem_shared>>) target(%arg18 : memref<128x32xf32, #tpu.memory_space<vmem>>) offsets(%dma_start3A_1875 : memref<128xi32, #tpu.memory_space<vmem>>) semaphore(%arg21 : memref<!tpu.dma_semaphore, #tpu.memory_space<semaphore_mem>>)
    %dma_wait3A_1879 = arith.constant 31 : i32
    %dma_wait3A_1880 = arith.constant 0 : i32
    %dma_wait3A_1881 = tpu.memref_slice %arg13[%dma_wait3A_1879, %dma_wait3A_1880] : memref<40x128xi32, #tpu.memory_space<vmem>> -> memref<1x128xi32, #tpu.memory_space<vmem>>
    %dma_wait3A_1882 = tpu.memref_squeeze %dma_wait3A_1881 : memref<1x128xi32, #tpu.memory_space<vmem>> -> memref<128xi32, #tpu.memory_space<vmem>>
    %dma_wait3A_1883 = arith.constant 0 : i32
    %dma_wait3A_1884 = arith.constant 0 : i32
    %dma_wait3A_1885 = tpu.memref_slice %arg11[%dma_wait3A_1883, %dma_wait3A_1884] : memref<10240x32xf32, #tpu.memory_space<vmem_shared>> -> memref<10240x32xf32, #tpu.memory_space<vmem_shared>>
    tpu.wait_indirect_dma semaphore(%arg22 : memref<!tpu.dma_semaphore, #tpu.memory_space<semaphore_mem>>) src(%dma_wait3A_1885 : memref<10240x32xf32, #tpu.memory_space<vmem_shared>>) dst(%arg19 : memref<128x32xf32, #tpu.memory_space<vmem>>)
    %dma_start3A_1886 = arith.constant 31 : i32
    %dma_start3A_1887 = arith.constant 0 : i32
    %dma_start3A_1888 = tpu.memref_slice %arg14[%dma_start3A_1886, %dma_start3A_1887] : memref<40x128xi32, #tpu.memory_space<vmem>> -> memref<1x128xi32, #tpu.memory_space<vmem>>
    %dma_start3A_1889 = tpu.memref_squeeze %dma_start3A_1888 : memref<1x128xi32, #tpu.memory_space<vmem>> -> memref<128xi32, #tpu.memory_space<vmem>>
    %dma_start3A_1890 = arith.constant 0 : i32
    %dma_start3A_1891 = arith.constant 0 : i32
    %dma_start3A_1892 = tpu.memref_slice %arg10[%dma_start3A_1890, %dma_start3A_1891] : memref<10240x32xf32, #tpu.memory_space<vmem_shared>> -> memref<10240x32xf32, #tpu.memory_space<vmem_shared>>
    tpu.enqueue_indirect_dma source(%arg19 : memref<128x32xf32, #tpu.memory_space<vmem>>) target(%dma_start3A_1892 : memref<10240x32xf32, #tpu.memory_space<vmem_shared>>) offsets(%dma_start3A_1889 : memref<128xi32, #tpu.memory_space<vmem>>) semaphore(%arg25 : memref<!tpu.dma_semaphore, #tpu.memory_space<semaphore_mem>>) {add = true}
    %dma_wait3A_1893 = arith.constant 31 : i32
    %dma_wait3A_1894 = arith.constant 0 : i32
    %dma_wait3A_1895 = tpu.memref_slice %arg14[%dma_wait3A_1893, %dma_wait3A_1894] : memref<40x128xi32, #tpu.memory_space<vmem>> -> memref<1x128xi32, #tpu.memory_space<vmem>>
    %dma_wait3A_1896 = tpu.memref_squeeze %dma_wait3A_1895 : memref<1x128xi32, #tpu.memory_space<vmem>> -> memref<128xi32, #tpu.memory_space<vmem>>
    %dma_wait3A_1897 = arith.constant 0 : i32
    %dma_wait3A_1898 = arith.constant 0 : i32
    %dma_wait3A_1899 = tpu.memref_slice %arg10[%dma_wait3A_1897, %dma_wait3A_1898] : memref<10240x32xf32, #tpu.memory_space<vmem_shared>> -> memref<10240x32xf32, #tpu.memory_space<vmem_shared>>
    tpu.wait_indirect_dma semaphore(%arg25 : memref<!tpu.dma_semaphore, #tpu.memory_space<semaphore_mem>>) src(%arg19 : memref<128x32xf32, #tpu.memory_space<vmem>>) dst(%dma_wait3A_1899 : memref<10240x32xf32, #tpu.memory_space<vmem_shared>>)
    %dma_start3A_1900 = arith.constant 34 : i32
    %dma_start3A_1901 = arith.constant 0 : i32
    %dma_start3A_1902 = tpu.memref_slice %arg13[%dma_start3A_1900, %dma_start3A_1901] : memref<40x128xi32, #tpu.memory_space<vmem>> -> memref<1x128xi32, #tpu.memory_space<vmem>>
    %dma_start3A_1903 = tpu.memref_squeeze %dma_start3A_1902 : memref<1x128xi32, #tpu.memory_space<vmem>> -> memref<128xi32, #tpu.memory_space<vmem>>
    %dma_start3A_1904 = arith.constant 0 : i32
    %dma_start3A_1905 = arith.constant 0 : i32
    %dma_start3A_1906 = tpu.memref_slice %arg11[%dma_start3A_1904, %dma_start3A_1905] : memref<10240x32xf32, #tpu.memory_space<vmem_shared>> -> memref<10240x32xf32, #tpu.memory_space<vmem_shared>>
    tpu.enqueue_indirect_dma source(%dma_start3A_1906 : memref<10240x32xf32, #tpu.memory_space<vmem_shared>>) target(%arg19 : memref<128x32xf32, #tpu.memory_space<vmem>>) offsets(%dma_start3A_1903 : memref<128xi32, #tpu.memory_space<vmem>>) semaphore(%arg22 : memref<!tpu.dma_semaphore, #tpu.memory_space<semaphore_mem>>)
    %dma_wait3A_1907 = arith.constant 32 : i32
    %dma_wait3A_1908 = arith.constant 0 : i32
    %dma_wait3A_1909 = tpu.memref_slice %arg13[%dma_wait3A_1907, %dma_wait3A_1908] : memref<40x128xi32, #tpu.memory_space<vmem>> -> memref<1x128xi32, #tpu.memory_space<vmem>>
    %dma_wait3A_1910 = tpu.memref_squeeze %dma_wait3A_1909 : memref<1x128xi32, #tpu.memory_space<vmem>> -> memref<128xi32, #tpu.memory_space<vmem>>
    %dma_wait3A_1911 = arith.constant 0 : i32
    %dma_wait3A_1912 = arith.constant 0 : i32
    %dma_wait3A_1913 = tpu.memref_slice %arg11[%dma_wait3A_1911, %dma_wait3A_1912] : memref<10240x32xf32, #tpu.memory_space<vmem_shared>> -> memref<10240x32xf32, #tpu.memory_space<vmem_shared>>
    tpu.wait_indirect_dma semaphore(%arg23 : memref<!tpu.dma_semaphore, #tpu.memory_space<semaphore_mem>>) src(%dma_wait3A_1913 : memref<10240x32xf32, #tpu.memory_space<vmem_shared>>) dst(%arg20 : memref<128x32xf32, #tpu.memory_space<vmem>>)
    %dma_start3A_1914 = arith.constant 32 : i32
    %dma_start3A_1915 = arith.constant 0 : i32
    %dma_start3A_1916 = tpu.memref_slice %arg14[%dma_start3A_1914, %dma_start3A_1915] : memref<40x128xi32, #tpu.memory_space<vmem>> -> memref<1x128xi32, #tpu.memory_space<vmem>>
    %dma_start3A_1917 = tpu.memref_squeeze %dma_start3A_1916 : memref<1x128xi32, #tpu.memory_space<vmem>> -> memref<128xi32, #tpu.memory_space<vmem>>
    %dma_start3A_1918 = arith.constant 0 : i32
    %dma_start3A_1919 = arith.constant 0 : i32
    %dma_start3A_1920 = tpu.memref_slice %arg10[%dma_start3A_1918, %dma_start3A_1919] : memref<10240x32xf32, #tpu.memory_space<vmem_shared>> -> memref<10240x32xf32, #tpu.memory_space<vmem_shared>>
    tpu.enqueue_indirect_dma source(%arg20 : memref<128x32xf32, #tpu.memory_space<vmem>>) target(%dma_start3A_1920 : memref<10240x32xf32, #tpu.memory_space<vmem_shared>>) offsets(%dma_start3A_1917 : memref<128xi32, #tpu.memory_space<vmem>>) semaphore(%arg26 : memref<!tpu.dma_semaphore, #tpu.memory_space<semaphore_mem>>) {add = true}
    %dma_wait3A_1921 = arith.constant 32 : i32
    %dma_wait3A_1922 = arith.constant 0 : i32
    %dma_wait3A_1923 = tpu.memref_slice %arg14[%dma_wait3A_1921, %dma_wait3A_1922] : memref<40x128xi32, #tpu.memory_space<vmem>> -> memref<1x128xi32, #tpu.memory_space<vmem>>
    %dma_wait3A_1924 = tpu.memref_squeeze %dma_wait3A_1923 : memref<1x128xi32, #tpu.memory_space<vmem>> -> memref<128xi32, #tpu.memory_space<vmem>>
    %dma_wait3A_1925 = arith.constant 0 : i32
    %dma_wait3A_1926 = arith.constant 0 : i32
    %dma_wait3A_1927 = tpu.memref_slice %arg10[%dma_wait3A_1925, %dma_wait3A_1926] : memref<10240x32xf32, #tpu.memory_space<vmem_shared>> -> memref<10240x32xf32, #tpu.memory_space<vmem_shared>>
    tpu.wait_indirect_dma semaphore(%arg26 : memref<!tpu.dma_semaphore, #tpu.memory_space<semaphore_mem>>) src(%arg20 : memref<128x32xf32, #tpu.memory_space<vmem>>) dst(%dma_wait3A_1927 : memref<10240x32xf32, #tpu.memory_space<vmem_shared>>)
    %dma_start3A_1928 = arith.constant 35 : i32
    %dma_start3A_1929 = arith.constant 0 : i32
    %dma_start3A_1930 = tpu.memref_slice %arg13[%dma_start3A_1928, %dma_start3A_1929] : memref<40x128xi32, #tpu.memory_space<vmem>> -> memref<1x128xi32, #tpu.memory_space<vmem>>
    %dma_start3A_1931 = tpu.memref_squeeze %dma_start3A_1930 : memref<1x128xi32, #tpu.memory_space<vmem>> -> memref<128xi32, #tpu.memory_space<vmem>>
    %dma_start3A_1932 = arith.constant 0 : i32
    %dma_start3A_1933 = arith.constant 0 : i32
    %dma_start3A_1934 = tpu.memref_slice %arg11[%dma_start3A_1932, %dma_start3A_1933] : memref<10240x32xf32, #tpu.memory_space<vmem_shared>> -> memref<10240x32xf32, #tpu.memory_space<vmem_shared>>
    tpu.enqueue_indirect_dma source(%dma_start3A_1934 : memref<10240x32xf32, #tpu.memory_space<vmem_shared>>) target(%arg20 : memref<128x32xf32, #tpu.memory_space<vmem>>) offsets(%dma_start3A_1931 : memref<128xi32, #tpu.memory_space<vmem>>) semaphore(%arg23 : memref<!tpu.dma_semaphore, #tpu.memory_space<semaphore_mem>>)
    %dma_wait3A_1935 = arith.constant 33 : i32
    %dma_wait3A_1936 = arith.constant 0 : i32
    %dma_wait3A_1937 = tpu.memref_slice %arg13[%dma_wait3A_1935, %dma_wait3A_1936] : memref<40x128xi32, #tpu.memory_space<vmem>> -> memref<1x128xi32, #tpu.memory_space<vmem>>
    %dma_wait3A_1938 = tpu.memref_squeeze %dma_wait3A_1937 : memref<1x128xi32, #tpu.memory_space<vmem>> -> memref<128xi32, #tpu.memory_space<vmem>>
    %dma_wait3A_1939 = arith.constant 0 : i32
    %dma_wait3A_1940 = arith.constant 0 : i32
    %dma_wait3A_1941 = tpu.memref_slice %arg11[%dma_wait3A_1939, %dma_wait3A_1940] : memref<10240x32xf32, #tpu.memory_space<vmem_shared>> -> memref<10240x32xf32, #tpu.memory_space<vmem_shared>>
    tpu.wait_indirect_dma semaphore(%arg21 : memref<!tpu.dma_semaphore, #tpu.memory_space<semaphore_mem>>) src(%dma_wait3A_1941 : memref<10240x32xf32, #tpu.memory_space<vmem_shared>>) dst(%arg18 : memref<128x32xf32, #tpu.memory_space<vmem>>)
    %dma_start3A_1942 = arith.constant 33 : i32
    %dma_start3A_1943 = arith.constant 0 : i32
    %dma_start3A_1944 = tpu.memref_slice %arg14[%dma_start3A_1942, %dma_start3A_1943] : memref<40x128xi32, #tpu.memory_space<vmem>> -> memref<1x128xi32, #tpu.memory_space<vmem>>
    %dma_start3A_1945 = tpu.memref_squeeze %dma_start3A_1944 : memref<1x128xi32, #tpu.memory_space<vmem>> -> memref<128xi32, #tpu.memory_space<vmem>>
    %dma_start3A_1946 = arith.constant 0 : i32
    %dma_start3A_1947 = arith.constant 0 : i32
    %dma_start3A_1948 = tpu.memref_slice %arg10[%dma_start3A_1946, %dma_start3A_1947] : memref<10240x32xf32, #tpu.memory_space<vmem_shared>> -> memref<10240x32xf32, #tpu.memory_space<vmem_shared>>
    tpu.enqueue_indirect_dma source(%arg18 : memref<128x32xf32, #tpu.memory_space<vmem>>) target(%dma_start3A_1948 : memref<10240x32xf32, #tpu.memory_space<vmem_shared>>) offsets(%dma_start3A_1945 : memref<128xi32, #tpu.memory_space<vmem>>) semaphore(%arg24 : memref<!tpu.dma_semaphore, #tpu.memory_space<semaphore_mem>>) {add = true}
    %dma_wait3A_1949 = arith.constant 33 : i32
    %dma_wait3A_1950 = arith.constant 0 : i32
    %dma_wait3A_1951 = tpu.memref_slice %arg14[%dma_wait3A_1949, %dma_wait3A_1950] : memref<40x128xi32, #tpu.memory_space<vmem>> -> memref<1x128xi32, #tpu.memory_space<vmem>>
    %dma_wait3A_1952 = tpu.memref_squeeze %dma_wait3A_1951 : memref<1x128xi32, #tpu.memory_space<vmem>> -> memref<128xi32, #tpu.memory_space<vmem>>
    %dma_wait3A_1953 = arith.constant 0 : i32
    %dma_wait3A_1954 = arith.constant 0 : i32
    %dma_wait3A_1955 = tpu.memref_slice %arg10[%dma_wait3A_1953, %dma_wait3A_1954] : memref<10240x32xf32, #tpu.memory_space<vmem_shared>> -> memref<10240x32xf32, #tpu.memory_space<vmem_shared>>
    tpu.wait_indirect_dma semaphore(%arg24 : memref<!tpu.dma_semaphore, #tpu.memory_space<semaphore_mem>>) src(%arg18 : memref<128x32xf32, #tpu.memory_space<vmem>>) dst(%dma_wait3A_1955 : memref<10240x32xf32, #tpu.memory_space<vmem_shared>>)
    %dma_start3A_1956 = arith.constant 36 : i32
    %dma_start3A_1957 = arith.constant 0 : i32
    %dma_start3A_1958 = tpu.memref_slice %arg13[%dma_start3A_1956, %dma_start3A_1957] : memref<40x128xi32, #tpu.memory_space<vmem>> -> memref<1x128xi32, #tpu.memory_space<vmem>>
    %dma_start3A_1959 = tpu.memref_squeeze %dma_start3A_1958 : memref<1x128xi32, #tpu.memory_space<vmem>> -> memref<128xi32, #tpu.memory_space<vmem>>
    %dma_start3A_1960 = arith.constant 0 : i32
    %dma_start3A_1961 = arith.constant 0 : i32
    %dma_start3A_1962 = tpu.memref_slice %arg11[%dma_start3A_1960, %dma_start3A_1961] : memref<10240x32xf32, #tpu.memory_space<vmem_shared>> -> memref<10240x32xf32, #tpu.memory_space<vmem_shared>>
    tpu.enqueue_indirect_dma source(%dma_start3A_1962 : memref<10240x32xf32, #tpu.memory_space<vmem_shared>>) target(%arg18 : memref<128x32xf32, #tpu.memory_space<vmem>>) offsets(%dma_start3A_1959 : memref<128xi32, #tpu.memory_space<vmem>>) semaphore(%arg21 : memref<!tpu.dma_semaphore, #tpu.memory_space<semaphore_mem>>)
    %dma_wait3A_1963 = arith.constant 34 : i32
    %dma_wait3A_1964 = arith.constant 0 : i32
    %dma_wait3A_1965 = tpu.memref_slice %arg13[%dma_wait3A_1963, %dma_wait3A_1964] : memref<40x128xi32, #tpu.memory_space<vmem>> -> memref<1x128xi32, #tpu.memory_space<vmem>>
    %dma_wait3A_1966 = tpu.memref_squeeze %dma_wait3A_1965 : memref<1x128xi32, #tpu.memory_space<vmem>> -> memref<128xi32, #tpu.memory_space<vmem>>
    %dma_wait3A_1967 = arith.constant 0 : i32
    %dma_wait3A_1968 = arith.constant 0 : i32
    %dma_wait3A_1969 = tpu.memref_slice %arg11[%dma_wait3A_1967, %dma_wait3A_1968] : memref<10240x32xf32, #tpu.memory_space<vmem_shared>> -> memref<10240x32xf32, #tpu.memory_space<vmem_shared>>
    tpu.wait_indirect_dma semaphore(%arg22 : memref<!tpu.dma_semaphore, #tpu.memory_space<semaphore_mem>>) src(%dma_wait3A_1969 : memref<10240x32xf32, #tpu.memory_space<vmem_shared>>) dst(%arg19 : memref<128x32xf32, #tpu.memory_space<vmem>>)
    %dma_start3A_1970 = arith.constant 34 : i32
    %dma_start3A_1971 = arith.constant 0 : i32
    %dma_start3A_1972 = tpu.memref_slice %arg14[%dma_start3A_1970, %dma_start3A_1971] : memref<40x128xi32, #tpu.memory_space<vmem>> -> memref<1x128xi32, #tpu.memory_space<vmem>>
    %dma_start3A_1973 = tpu.memref_squeeze %dma_start3A_1972 : memref<1x128xi32, #tpu.memory_space<vmem>> -> memref<128xi32, #tpu.memory_space<vmem>>
    %dma_start3A_1974 = arith.constant 0 : i32
    %dma_start3A_1975 = arith.constant 0 : i32
    %dma_start3A_1976 = tpu.memref_slice %arg10[%dma_start3A_1974, %dma_start3A_1975] : memref<10240x32xf32, #tpu.memory_space<vmem_shared>> -> memref<10240x32xf32, #tpu.memory_space<vmem_shared>>
    tpu.enqueue_indirect_dma source(%arg19 : memref<128x32xf32, #tpu.memory_space<vmem>>) target(%dma_start3A_1976 : memref<10240x32xf32, #tpu.memory_space<vmem_shared>>) offsets(%dma_start3A_1973 : memref<128xi32, #tpu.memory_space<vmem>>) semaphore(%arg25 : memref<!tpu.dma_semaphore, #tpu.memory_space<semaphore_mem>>) {add = true}
    %dma_wait3A_1977 = arith.constant 34 : i32
    %dma_wait3A_1978 = arith.constant 0 : i32
    %dma_wait3A_1979 = tpu.memref_slice %arg14[%dma_wait3A_1977, %dma_wait3A_1978] : memref<40x128xi32, #tpu.memory_space<vmem>> -> memref<1x128xi32, #tpu.memory_space<vmem>>
    %dma_wait3A_1980 = tpu.memref_squeeze %dma_wait3A_1979 : memref<1x128xi32, #tpu.memory_space<vmem>> -> memref<128xi32, #tpu.memory_space<vmem>>
    %dma_wait3A_1981 = arith.constant 0 : i32
    %dma_wait3A_1982 = arith.constant 0 : i32
    %dma_wait3A_1983 = tpu.memref_slice %arg10[%dma_wait3A_1981, %dma_wait3A_1982] : memref<10240x32xf32, #tpu.memory_space<vmem_shared>> -> memref<10240x32xf32, #tpu.memory_space<vmem_shared>>
    tpu.wait_indirect_dma semaphore(%arg25 : memref<!tpu.dma_semaphore, #tpu.memory_space<semaphore_mem>>) src(%arg19 : memref<128x32xf32, #tpu.memory_space<vmem>>) dst(%dma_wait3A_1983 : memref<10240x32xf32, #tpu.memory_space<vmem_shared>>)
    %dma_start3A_1984 = arith.constant 37 : i32
    %dma_start3A_1985 = arith.constant 0 : i32
    %dma_start3A_1986 = tpu.memref_slice %arg13[%dma_start3A_1984, %dma_start3A_1985] : memref<40x128xi32, #tpu.memory_space<vmem>> -> memref<1x128xi32, #tpu.memory_space<vmem>>
    %dma_start3A_1987 = tpu.memref_squeeze %dma_start3A_1986 : memref<1x128xi32, #tpu.memory_space<vmem>> -> memref<128xi32, #tpu.memory_space<vmem>>
    %dma_start3A_1988 = arith.constant 0 : i32
    %dma_start3A_1989 = arith.constant 0 : i32
    %dma_start3A_1990 = tpu.memref_slice %arg11[%dma_start3A_1988, %dma_start3A_1989] : memref<10240x32xf32, #tpu.memory_space<vmem_shared>> -> memref<10240x32xf32, #tpu.memory_space<vmem_shared>>
    tpu.enqueue_indirect_dma source(%dma_start3A_1990 : memref<10240x32xf32, #tpu.memory_space<vmem_shared>>) target(%arg19 : memref<128x32xf32, #tpu.memory_space<vmem>>) offsets(%dma_start3A_1987 : memref<128xi32, #tpu.memory_space<vmem>>) semaphore(%arg22 : memref<!tpu.dma_semaphore, #tpu.memory_space<semaphore_mem>>)
    %dma_wait3A_1991 = arith.constant 35 : i32
    %dma_wait3A_1992 = arith.constant 0 : i32
    %dma_wait3A_1993 = tpu.memref_slice %arg13[%dma_wait3A_1991, %dma_wait3A_1992] : memref<40x128xi32, #tpu.memory_space<vmem>> -> memref<1x128xi32, #tpu.memory_space<vmem>>
    %dma_wait3A_1994 = tpu.memref_squeeze %dma_wait3A_1993 : memref<1x128xi32, #tpu.memory_space<vmem>> -> memref<128xi32, #tpu.memory_space<vmem>>
    %dma_wait3A_1995 = arith.constant 0 : i32
    %dma_wait3A_1996 = arith.constant 0 : i32
    %dma_wait3A_1997 = tpu.memref_slice %arg11[%dma_wait3A_1995, %dma_wait3A_1996] : memref<10240x32xf32, #tpu.memory_space<vmem_shared>> -> memref<10240x32xf32, #tpu.memory_space<vmem_shared>>
    tpu.wait_indirect_dma semaphore(%arg23 : memref<!tpu.dma_semaphore, #tpu.memory_space<semaphore_mem>>) src(%dma_wait3A_1997 : memref<10240x32xf32, #tpu.memory_space<vmem_shared>>) dst(%arg20 : memref<128x32xf32, #tpu.memory_space<vmem>>)
    %dma_start3A_1998 = arith.constant 35 : i32
    %dma_start3A_1999 = arith.constant 0 : i32
    %dma_start3A_2000 = tpu.memref_slice %arg14[%dma_start3A_1998, %dma_start3A_1999] : memref<40x128xi32, #tpu.memory_space<vmem>> -> memref<1x128xi32, #tpu.memory_space<vmem>>
    %dma_start3A_2001 = tpu.memref_squeeze %dma_start3A_2000 : memref<1x128xi32, #tpu.memory_space<vmem>> -> memref<128xi32, #tpu.memory_space<vmem>>
    %dma_start3A_2002 = arith.constant 0 : i32
    %dma_start3A_2003 = arith.constant 0 : i32
    %dma_start3A_2004 = tpu.memref_slice %arg10[%dma_start3A_2002, %dma_start3A_2003] : memref<10240x32xf32, #tpu.memory_space<vmem_shared>> -> memref<10240x32xf32, #tpu.memory_space<vmem_shared>>
    tpu.enqueue_indirect_dma source(%arg20 : memref<128x32xf32, #tpu.memory_space<vmem>>) target(%dma_start3A_2004 : memref<10240x32xf32, #tpu.memory_space<vmem_shared>>) offsets(%dma_start3A_2001 : memref<128xi32, #tpu.memory_space<vmem>>) semaphore(%arg26 : memref<!tpu.dma_semaphore, #tpu.memory_space<semaphore_mem>>) {add = true}
    %dma_wait3A_2005 = arith.constant 35 : i32
    %dma_wait3A_2006 = arith.constant 0 : i32
    %dma_wait3A_2007 = tpu.memref_slice %arg14[%dma_wait3A_2005, %dma_wait3A_2006] : memref<40x128xi32, #tpu.memory_space<vmem>> -> memref<1x128xi32, #tpu.memory_space<vmem>>
    %dma_wait3A_2008 = tpu.memref_squeeze %dma_wait3A_2007 : memref<1x128xi32, #tpu.memory_space<vmem>> -> memref<128xi32, #tpu.memory_space<vmem>>
    %dma_wait3A_2009 = arith.constant 0 : i32
    %dma_wait3A_2010 = arith.constant 0 : i32
    %dma_wait3A_2011 = tpu.memref_slice %arg10[%dma_wait3A_2009, %dma_wait3A_2010] : memref<10240x32xf32, #tpu.memory_space<vmem_shared>> -> memref<10240x32xf32, #tpu.memory_space<vmem_shared>>
    tpu.wait_indirect_dma semaphore(%arg26 : memref<!tpu.dma_semaphore, #tpu.memory_space<semaphore_mem>>) src(%arg20 : memref<128x32xf32, #tpu.memory_space<vmem>>) dst(%dma_wait3A_2011 : memref<10240x32xf32, #tpu.memory_space<vmem_shared>>)
    %dma_start3A_2012 = arith.constant 38 : i32
    %dma_start3A_2013 = arith.constant 0 : i32
    %dma_start3A_2014 = tpu.memref_slice %arg13[%dma_start3A_2012, %dma_start3A_2013] : memref<40x128xi32, #tpu.memory_space<vmem>> -> memref<1x128xi32, #tpu.memory_space<vmem>>
    %dma_start3A_2015 = tpu.memref_squeeze %dma_start3A_2014 : memref<1x128xi32, #tpu.memory_space<vmem>> -> memref<128xi32, #tpu.memory_space<vmem>>
    %dma_start3A_2016 = arith.constant 0 : i32
    %dma_start3A_2017 = arith.constant 0 : i32
    %dma_start3A_2018 = tpu.memref_slice %arg11[%dma_start3A_2016, %dma_start3A_2017] : memref<10240x32xf32, #tpu.memory_space<vmem_shared>> -> memref<10240x32xf32, #tpu.memory_space<vmem_shared>>
    tpu.enqueue_indirect_dma source(%dma_start3A_2018 : memref<10240x32xf32, #tpu.memory_space<vmem_shared>>) target(%arg20 : memref<128x32xf32, #tpu.memory_space<vmem>>) offsets(%dma_start3A_2015 : memref<128xi32, #tpu.memory_space<vmem>>) semaphore(%arg23 : memref<!tpu.dma_semaphore, #tpu.memory_space<semaphore_mem>>)
    %dma_wait3A_2019 = arith.constant 36 : i32
    %dma_wait3A_2020 = arith.constant 0 : i32
    %dma_wait3A_2021 = tpu.memref_slice %arg13[%dma_wait3A_2019, %dma_wait3A_2020] : memref<40x128xi32, #tpu.memory_space<vmem>> -> memref<1x128xi32, #tpu.memory_space<vmem>>
    %dma_wait3A_2022 = tpu.memref_squeeze %dma_wait3A_2021 : memref<1x128xi32, #tpu.memory_space<vmem>> -> memref<128xi32, #tpu.memory_space<vmem>>
    %dma_wait3A_2023 = arith.constant 0 : i32
    %dma_wait3A_2024 = arith.constant 0 : i32
    %dma_wait3A_2025 = tpu.memref_slice %arg11[%dma_wait3A_2023, %dma_wait3A_2024] : memref<10240x32xf32, #tpu.memory_space<vmem_shared>> -> memref<10240x32xf32, #tpu.memory_space<vmem_shared>>
    tpu.wait_indirect_dma semaphore(%arg21 : memref<!tpu.dma_semaphore, #tpu.memory_space<semaphore_mem>>) src(%dma_wait3A_2025 : memref<10240x32xf32, #tpu.memory_space<vmem_shared>>) dst(%arg18 : memref<128x32xf32, #tpu.memory_space<vmem>>)
    %dma_start3A_2026 = arith.constant 36 : i32
    %dma_start3A_2027 = arith.constant 0 : i32
    %dma_start3A_2028 = tpu.memref_slice %arg14[%dma_start3A_2026, %dma_start3A_2027] : memref<40x128xi32, #tpu.memory_space<vmem>> -> memref<1x128xi32, #tpu.memory_space<vmem>>
    %dma_start3A_2029 = tpu.memref_squeeze %dma_start3A_2028 : memref<1x128xi32, #tpu.memory_space<vmem>> -> memref<128xi32, #tpu.memory_space<vmem>>
    %dma_start3A_2030 = arith.constant 0 : i32
    %dma_start3A_2031 = arith.constant 0 : i32
    %dma_start3A_2032 = tpu.memref_slice %arg10[%dma_start3A_2030, %dma_start3A_2031] : memref<10240x32xf32, #tpu.memory_space<vmem_shared>> -> memref<10240x32xf32, #tpu.memory_space<vmem_shared>>
    tpu.enqueue_indirect_dma source(%arg18 : memref<128x32xf32, #tpu.memory_space<vmem>>) target(%dma_start3A_2032 : memref<10240x32xf32, #tpu.memory_space<vmem_shared>>) offsets(%dma_start3A_2029 : memref<128xi32, #tpu.memory_space<vmem>>) semaphore(%arg24 : memref<!tpu.dma_semaphore, #tpu.memory_space<semaphore_mem>>) {add = true}
    %dma_wait3A_2033 = arith.constant 36 : i32
    %dma_wait3A_2034 = arith.constant 0 : i32
    %dma_wait3A_2035 = tpu.memref_slice %arg14[%dma_wait3A_2033, %dma_wait3A_2034] : memref<40x128xi32, #tpu.memory_space<vmem>> -> memref<1x128xi32, #tpu.memory_space<vmem>>
    %dma_wait3A_2036 = tpu.memref_squeeze %dma_wait3A_2035 : memref<1x128xi32, #tpu.memory_space<vmem>> -> memref<128xi32, #tpu.memory_space<vmem>>
    %dma_wait3A_2037 = arith.constant 0 : i32
    %dma_wait3A_2038 = arith.constant 0 : i32
    %dma_wait3A_2039 = tpu.memref_slice %arg10[%dma_wait3A_2037, %dma_wait3A_2038] : memref<10240x32xf32, #tpu.memory_space<vmem_shared>> -> memref<10240x32xf32, #tpu.memory_space<vmem_shared>>
    tpu.wait_indirect_dma semaphore(%arg24 : memref<!tpu.dma_semaphore, #tpu.memory_space<semaphore_mem>>) src(%arg18 : memref<128x32xf32, #tpu.memory_space<vmem>>) dst(%dma_wait3A_2039 : memref<10240x32xf32, #tpu.memory_space<vmem_shared>>)
    %dma_start3A_2040 = arith.constant 39 : i32
    %dma_start3A_2041 = arith.constant 0 : i32
    %dma_start3A_2042 = tpu.memref_slice %arg13[%dma_start3A_2040, %dma_start3A_2041] : memref<40x128xi32, #tpu.memory_space<vmem>> -> memref<1x128xi32, #tpu.memory_space<vmem>>
    %dma_start3A_2043 = tpu.memref_squeeze %dma_start3A_2042 : memref<1x128xi32, #tpu.memory_space<vmem>> -> memref<128xi32, #tpu.memory_space<vmem>>
    %dma_start3A_2044 = arith.constant 0 : i32
    %dma_start3A_2045 = arith.constant 0 : i32
    %dma_start3A_2046 = tpu.memref_slice %arg11[%dma_start3A_2044, %dma_start3A_2045] : memref<10240x32xf32, #tpu.memory_space<vmem_shared>> -> memref<10240x32xf32, #tpu.memory_space<vmem_shared>>
    tpu.enqueue_indirect_dma source(%dma_start3A_2046 : memref<10240x32xf32, #tpu.memory_space<vmem_shared>>) target(%arg18 : memref<128x32xf32, #tpu.memory_space<vmem>>) offsets(%dma_start3A_2043 : memref<128xi32, #tpu.memory_space<vmem>>) semaphore(%arg21 : memref<!tpu.dma_semaphore, #tpu.memory_space<semaphore_mem>>)
    %dma_wait3A_2047 = arith.constant 37 : i32
    %dma_wait3A_2048 = arith.constant 0 : i32
    %dma_wait3A_2049 = tpu.memref_slice %arg13[%dma_wait3A_2047, %dma_wait3A_2048] : memref<40x128xi32, #tpu.memory_space<vmem>> -> memref<1x128xi32, #tpu.memory_space<vmem>>
    %dma_wait3A_2050 = tpu.memref_squeeze %dma_wait3A_2049 : memref<1x128xi32, #tpu.memory_space<vmem>> -> memref<128xi32, #tpu.memory_space<vmem>>
    %dma_wait3A_2051 = arith.constant 0 : i32
    %dma_wait3A_2052 = arith.constant 0 : i32
    %dma_wait3A_2053 = tpu.memref_slice %arg11[%dma_wait3A_2051, %dma_wait3A_2052] : memref<10240x32xf32, #tpu.memory_space<vmem_shared>> -> memref<10240x32xf32, #tpu.memory_space<vmem_shared>>
    tpu.wait_indirect_dma semaphore(%arg22 : memref<!tpu.dma_semaphore, #tpu.memory_space<semaphore_mem>>) src(%dma_wait3A_2053 : memref<10240x32xf32, #tpu.memory_space<vmem_shared>>) dst(%arg19 : memref<128x32xf32, #tpu.memory_space<vmem>>)
    %dma_start3A_2054 = arith.constant 37 : i32
    %dma_start3A_2055 = arith.constant 0 : i32
    %dma_start3A_2056 = tpu.memref_slice %arg14[%dma_start3A_2054, %dma_start3A_2055] : memref<40x128xi32, #tpu.memory_space<vmem>> -> memref<1x128xi32, #tpu.memory_space<vmem>>
    %dma_start3A_2057 = tpu.memref_squeeze %dma_start3A_2056 : memref<1x128xi32, #tpu.memory_space<vmem>> -> memref<128xi32, #tpu.memory_space<vmem>>
    %dma_start3A_2058 = arith.constant 0 : i32
    %dma_start3A_2059 = arith.constant 0 : i32
    %dma_start3A_2060 = tpu.memref_slice %arg10[%dma_start3A_2058, %dma_start3A_2059] : memref<10240x32xf32, #tpu.memory_space<vmem_shared>> -> memref<10240x32xf32, #tpu.memory_space<vmem_shared>>
    tpu.enqueue_indirect_dma source(%arg19 : memref<128x32xf32, #tpu.memory_space<vmem>>) target(%dma_start3A_2060 : memref<10240x32xf32, #tpu.memory_space<vmem_shared>>) offsets(%dma_start3A_2057 : memref<128xi32, #tpu.memory_space<vmem>>) semaphore(%arg25 : memref<!tpu.dma_semaphore, #tpu.memory_space<semaphore_mem>>) {add = true}
    %dma_wait3A_2061 = arith.constant 38 : i32
    %dma_wait3A_2062 = arith.constant 0 : i32
    %dma_wait3A_2063 = tpu.memref_slice %arg13[%dma_wait3A_2061, %dma_wait3A_2062] : memref<40x128xi32, #tpu.memory_space<vmem>> -> memref<1x128xi32, #tpu.memory_space<vmem>>
    %dma_wait3A_2064 = tpu.memref_squeeze %dma_wait3A_2063 : memref<1x128xi32, #tpu.memory_space<vmem>> -> memref<128xi32, #tpu.memory_space<vmem>>
    %dma_wait3A_2065 = arith.constant 0 : i32
    %dma_wait3A_2066 = arith.constant 0 : i32
    %dma_wait3A_2067 = tpu.memref_slice %arg11[%dma_wait3A_2065, %dma_wait3A_2066] : memref<10240x32xf32, #tpu.memory_space<vmem_shared>> -> memref<10240x32xf32, #tpu.memory_space<vmem_shared>>
    tpu.wait_indirect_dma semaphore(%arg23 : memref<!tpu.dma_semaphore, #tpu.memory_space<semaphore_mem>>) src(%dma_wait3A_2067 : memref<10240x32xf32, #tpu.memory_space<vmem_shared>>) dst(%arg20 : memref<128x32xf32, #tpu.memory_space<vmem>>)
    %dma_start3A_2068 = arith.constant 38 : i32
    %dma_start3A_2069 = arith.constant 0 : i32
    %dma_start3A_2070 = tpu.memref_slice %arg14[%dma_start3A_2068, %dma_start3A_2069] : memref<40x128xi32, #tpu.memory_space<vmem>> -> memref<1x128xi32, #tpu.memory_space<vmem>>
    %dma_start3A_2071 = tpu.memref_squeeze %dma_start3A_2070 : memref<1x128xi32, #tpu.memory_space<vmem>> -> memref<128xi32, #tpu.memory_space<vmem>>
    %dma_start3A_2072 = arith.constant 0 : i32
    %dma_start3A_2073 = arith.constant 0 : i32
    %dma_start3A_2074 = tpu.memref_slice %arg10[%dma_start3A_2072, %dma_start3A_2073] : memref<10240x32xf32, #tpu.memory_space<vmem_shared>> -> memref<10240x32xf32, #tpu.memory_space<vmem_shared>>
    tpu.enqueue_indirect_dma source(%arg20 : memref<128x32xf32, #tpu.memory_space<vmem>>) target(%dma_start3A_2074 : memref<10240x32xf32, #tpu.memory_space<vmem_shared>>) offsets(%dma_start3A_2071 : memref<128xi32, #tpu.memory_space<vmem>>) semaphore(%arg26 : memref<!tpu.dma_semaphore, #tpu.memory_space<semaphore_mem>>) {add = true}
    %dma_wait3A_2075 = arith.constant 39 : i32
    %dma_wait3A_2076 = arith.constant 0 : i32
    %dma_wait3A_2077 = tpu.memref_slice %arg13[%dma_wait3A_2075, %dma_wait3A_2076] : memref<40x128xi32, #tpu.memory_space<vmem>> -> memref<1x128xi32, #tpu.memory_space<vmem>>
    %dma_wait3A_2078 = tpu.memref_squeeze %dma_wait3A_2077 : memref<1x128xi32, #tpu.memory_space<vmem>> -> memref<128xi32, #tpu.memory_space<vmem>>
    %dma_wait3A_2079 = arith.constant 0 : i32
    %dma_wait3A_2080 = arith.constant 0 : i32
    %dma_wait3A_2081 = tpu.memref_slice %arg11[%dma_wait3A_2079, %dma_wait3A_2080] : memref<10240x32xf32, #tpu.memory_space<vmem_shared>> -> memref<10240x32xf32, #tpu.memory_space<vmem_shared>>
    tpu.wait_indirect_dma semaphore(%arg21 : memref<!tpu.dma_semaphore, #tpu.memory_space<semaphore_mem>>) src(%dma_wait3A_2081 : memref<10240x32xf32, #tpu.memory_space<vmem_shared>>) dst(%arg18 : memref<128x32xf32, #tpu.memory_space<vmem>>)
    %dma_start3A_2082 = arith.constant 39 : i32
    %dma_start3A_2083 = arith.constant 0 : i32
    %dma_start3A_2084 = tpu.memref_slice %arg14[%dma_start3A_2082, %dma_start3A_2083] : memref<40x128xi32, #tpu.memory_space<vmem>> -> memref<1x128xi32, #tpu.memory_space<vmem>>
    %dma_start3A_2085 = tpu.memref_squeeze %dma_start3A_2084 : memref<1x128xi32, #tpu.memory_space<vmem>> -> memref<128xi32, #tpu.memory_space<vmem>>
    %dma_start3A_2086 = arith.constant 0 : i32
    %dma_start3A_2087 = arith.constant 0 : i32
    %dma_start3A_2088 = tpu.memref_slice %arg10[%dma_start3A_2086, %dma_start3A_2087] : memref<10240x32xf32, #tpu.memory_space<vmem_shared>> -> memref<10240x32xf32, #tpu.memory_space<vmem_shared>>
    tpu.enqueue_indirect_dma source(%arg18 : memref<128x32xf32, #tpu.memory_space<vmem>>) target(%dma_start3A_2088 : memref<10240x32xf32, #tpu.memory_space<vmem_shared>>) offsets(%dma_start3A_2085 : memref<128xi32, #tpu.memory_space<vmem>>) semaphore(%arg24 : memref<!tpu.dma_semaphore, #tpu.memory_space<semaphore_mem>>) {add = true}
    %dma_wait3A_2089 = arith.constant 39 : i32
    %dma_wait3A_2090 = arith.constant 0 : i32
    %dma_wait3A_2091 = tpu.memref_slice %arg14[%dma_wait3A_2089, %dma_wait3A_2090] : memref<40x128xi32, #tpu.memory_space<vmem>> -> memref<1x128xi32, #tpu.memory_space<vmem>>
    %dma_wait3A_2092 = tpu.memref_squeeze %dma_wait3A_2091 : memref<1x128xi32, #tpu.memory_space<vmem>> -> memref<128xi32, #tpu.memory_space<vmem>>
    %dma_wait3A_2093 = arith.constant 0 : i32
    %dma_wait3A_2094 = arith.constant 0 : i32
    %dma_wait3A_2095 = tpu.memref_slice %arg10[%dma_wait3A_2093, %dma_wait3A_2094] : memref<10240x32xf32, #tpu.memory_space<vmem_shared>> -> memref<10240x32xf32, #tpu.memory_space<vmem_shared>>
    tpu.wait_indirect_dma semaphore(%arg24 : memref<!tpu.dma_semaphore, #tpu.memory_space<semaphore_mem>>) src(%arg18 : memref<128x32xf32, #tpu.memory_space<vmem>>) dst(%dma_wait3A_2095 : memref<10240x32xf32, #tpu.memory_space<vmem_shared>>)
    %dma_wait3A_2096 = arith.constant 37 : i32
    %dma_wait3A_2097 = arith.constant 0 : i32
    %dma_wait3A_2098 = tpu.memref_slice %arg14[%dma_wait3A_2096, %dma_wait3A_2097] : memref<40x128xi32, #tpu.memory_space<vmem>> -> memref<1x128xi32, #tpu.memory_space<vmem>>
    %dma_wait3A_2099 = tpu.memref_squeeze %dma_wait3A_2098 : memref<1x128xi32, #tpu.memory_space<vmem>> -> memref<128xi32, #tpu.memory_space<vmem>>
    %dma_wait3A_2100 = arith.constant 0 : i32
    %dma_wait3A_2101 = arith.constant 0 : i32
    %dma_wait3A_2102 = tpu.memref_slice %arg10[%dma_wait3A_2100, %dma_wait3A_2101] : memref<10240x32xf32, #tpu.memory_space<vmem_shared>> -> memref<10240x32xf32, #tpu.memory_space<vmem_shared>>
    tpu.wait_indirect_dma semaphore(%arg25 : memref<!tpu.dma_semaphore, #tpu.memory_space<semaphore_mem>>) src(%arg19 : memref<128x32xf32, #tpu.memory_space<vmem>>) dst(%dma_wait3A_2102 : memref<10240x32xf32, #tpu.memory_space<vmem_shared>>)
    %dma_wait3A_2103 = arith.constant 38 : i32
    %dma_wait3A_2104 = arith.constant 0 : i32
    %dma_wait3A_2105 = tpu.memref_slice %arg14[%dma_wait3A_2103, %dma_wait3A_2104] : memref<40x128xi32, #tpu.memory_space<vmem>> -> memref<1x128xi32, #tpu.memory_space<vmem>>
    %dma_wait3A_2106 = tpu.memref_squeeze %dma_wait3A_2105 : memref<1x128xi32, #tpu.memory_space<vmem>> -> memref<128xi32, #tpu.memory_space<vmem>>
    %dma_wait3A_2107 = arith.constant 0 : i32
    %dma_wait3A_2108 = arith.constant 0 : i32
    %dma_wait3A_2109 = tpu.memref_slice %arg10[%dma_wait3A_2107, %dma_wait3A_2108] : memref<10240x32xf32, #tpu.memory_space<vmem_shared>> -> memref<10240x32xf32, #tpu.memory_space<vmem_shared>>
    tpu.wait_indirect_dma semaphore(%arg26 : memref<!tpu.dma_semaphore, #tpu.memory_space<semaphore_mem>>) src(%arg20 : memref<128x32xf32, #tpu.memory_space<vmem>>) dst(%dma_wait3A_2109 : memref<10240x32xf32, #tpu.memory_space<vmem_shared>>)
    %barrier3A_2110 = arith.constant 0 : index
    tpu.barrier barrier_id(%barrier3A_2110)
    %mul3A_2111 = arith.constant 640 : i32
    %mul3A_2112 = arith.muli %arg1, %mul3A_2111 : i32
    %mul3A_2113 = arith.constant 640 : i32
    %mul3A_2114 = arith.muli %arg1, %mul3A_2113 : i32
    "tpu.region"() ({
      %run_scoped3A = tpu.sem_alloc : memref<!tpu.dma_semaphore, #tpu.memory_space<semaphore_mem>>
      %dma_start3A_2115 = arith.constant 0 : i32
      %dma_start3A_2116 = tpu.memref_slice %arg8[%arg0, %mul3A_2114, %dma_start3A_2115] : memref<2x10240x32xf32, #tpu.memory_space<hbm>> -> memref<1x640x32xf32, #tpu.memory_space<hbm>>
      %dma_start3A_2117 = tpu.memref_squeeze %dma_start3A_2116 : memref<1x640x32xf32, #tpu.memory_space<hbm>> -> memref<640x32xf32, #tpu.memory_space<hbm>>
      %dma_start3A_2118 = arith.constant 0 : i32
      %dma_start3A_2119 = tpu.memref_slice %arg10[%mul3A_2112, %dma_start3A_2118] : memref<10240x32xf32, #tpu.memory_space<vmem_shared>> -> memref<640x32xf32, #tpu.memory_space<vmem_shared>>
      tpu.enqueue_dma source(%dma_start3A_2119 : memref<640x32xf32, #tpu.memory_space<vmem_shared>>) target(%dma_start3A_2117 : memref<640x32xf32, #tpu.memory_space<hbm>>) target_semaphore(%run_scoped3A : memref<!tpu.dma_semaphore, #tpu.memory_space<semaphore_mem>>)
      %dma_wait3A_2120 = arith.constant 0 : i32
      %dma_wait3A_2121 = tpu.memref_slice %arg8[%arg0, %mul3A_2114, %dma_wait3A_2120] : memref<2x10240x32xf32, #tpu.memory_space<hbm>> -> memref<1x640x32xf32, #tpu.memory_space<hbm>>
      %dma_wait3A_2122 = tpu.memref_squeeze %dma_wait3A_2121 : memref<1x640x32xf32, #tpu.memory_space<hbm>> -> memref<640x32xf32, #tpu.memory_space<hbm>>
      %dma_wait3A_2123 = arith.constant 0 : i32
      %dma_wait3A_2124 = tpu.memref_slice %arg10[%mul3A_2112, %dma_wait3A_2123] : memref<10240x32xf32, #tpu.memory_space<vmem_shared>> -> memref<640x32xf32, #tpu.memory_space<vmem_shared>>
      tpu.wait_dma2 semaphore(%run_scoped3A : memref<!tpu.dma_semaphore, #tpu.memory_space<semaphore_mem>>) src(%dma_wait3A_2124 : memref<640x32xf32, #tpu.memory_space<vmem_shared>>) dst(%dma_wait3A_2122 : memref<640x32xf32, #tpu.memory_space<hbm>>)
      tpu.yield
    }) : () -> ()
    return
  }
}

#map = affine_map<(d0, d1) -> (0)>
module attributes {stable_mosaic.version = 14 : i64} {
  func.func @_sc_edge_out(%arg0: i32, %arg1: i32, %arg2: memref<163840xi32, #tpu.memory_space<hbm>>, %arg3: memref<163840xi32, #tpu.memory_space<hbm>>, %arg4: memref<10000xf32, #tpu.memory_space<hbm>>, %arg5: memref<10000xf32, #tpu.memory_space<hbm>>, %arg6: memref<160000xf32, #tpu.memory_space<hbm>>, %arg7: memref<160000xf32, #tpu.memory_space<hbm>>, %arg8: memref<10016xf32, #tpu.memory_space<vmem>>, %arg9: memref<10016xf32, #tpu.memory_space<vmem>>, %arg10: memref<5120xf32, #tpu.memory_space<vmem>>, %arg11: memref<5120xi32, #tpu.memory_space<vmem>>, %arg12: memref<5120xi32, #tpu.memory_space<vmem>>, %arg13: memref<5120xf32, #tpu.memory_space<vmem>>) attributes {dimension_semantics = [#tpu.dimension_semantics<core_parallel>, #tpu.dimension_semantics<subcore_parallel>], iteration_bounds = array<i64: 2, 16>, scalar_prefetch = 0 : i64, scratch_operands = 6 : i64, tpu.core_type = #tpu.core_type<sc_vector_subcore>, window_params = [{transform_indices = #map}, {transform_indices = #map}, {transform_indices = #map}, {transform_indices = #map}, {transform_indices = #map}, {transform_indices = #map}]} {
    %mul3A = arith.constant 16 : i32
    %mul3A_0 = arith.muli %arg0, %mul3A : i32
    %add3A = arith.addi %mul3A_0, %arg1 : i32
    "tpu.region"() ({
      %run_scoped3A = tpu.sem_alloc : memref<!tpu.dma_semaphore, #tpu.memory_space<semaphore_mem>>
      %dma_start3A = arith.constant 0 : i32
      %dma_start3A_14 = tpu.memref_slice %arg8[%dma_start3A] : memref<10016xf32, #tpu.memory_space<vmem>> -> memref<10000xf32, #tpu.memory_space<vmem>>
      %dma_start3A_15 = arith.constant 0 : i32
      %dma_start3A_16 = tpu.memref_slice %arg8[%dma_start3A_15] : memref<10016xf32, #tpu.memory_space<vmem>> -> memref<10000xf32, #tpu.memory_space<vmem>>
      tpu.enqueue_dma source(%arg4 : memref<10000xf32, #tpu.memory_space<hbm>>) target(%dma_start3A_16 : memref<10000xf32, #tpu.memory_space<vmem>>) target_semaphore(%run_scoped3A : memref<!tpu.dma_semaphore, #tpu.memory_space<semaphore_mem>>)
      %dma_wait3A = arith.constant 0 : i32
      %dma_wait3A_17 = tpu.memref_slice %arg8[%dma_wait3A] : memref<10016xf32, #tpu.memory_space<vmem>> -> memref<10000xf32, #tpu.memory_space<vmem>>
      %dma_wait3A_18 = arith.constant 0 : i32
      %dma_wait3A_19 = tpu.memref_slice %arg8[%dma_wait3A_18] : memref<10016xf32, #tpu.memory_space<vmem>> -> memref<10000xf32, #tpu.memory_space<vmem>>
      tpu.wait_dma2 semaphore(%run_scoped3A : memref<!tpu.dma_semaphore, #tpu.memory_space<semaphore_mem>>) src(%arg4 : memref<10000xf32, #tpu.memory_space<hbm>>) dst(%dma_wait3A_19 : memref<10000xf32, #tpu.memory_space<vmem>>)
      tpu.yield
    }) : () -> ()
    "tpu.region"() ({
      %run_scoped3A = tpu.sem_alloc : memref<!tpu.dma_semaphore, #tpu.memory_space<semaphore_mem>>
      %dma_start3A = arith.constant 0 : i32
      %dma_start3A_14 = tpu.memref_slice %arg9[%dma_start3A] : memref<10016xf32, #tpu.memory_space<vmem>> -> memref<10000xf32, #tpu.memory_space<vmem>>
      %dma_start3A_15 = arith.constant 0 : i32
      %dma_start3A_16 = tpu.memref_slice %arg9[%dma_start3A_15] : memref<10016xf32, #tpu.memory_space<vmem>> -> memref<10000xf32, #tpu.memory_space<vmem>>
      tpu.enqueue_dma source(%arg5 : memref<10000xf32, #tpu.memory_space<hbm>>) target(%dma_start3A_16 : memref<10000xf32, #tpu.memory_space<vmem>>) target_semaphore(%run_scoped3A : memref<!tpu.dma_semaphore, #tpu.memory_space<semaphore_mem>>)
      %dma_wait3A = arith.constant 0 : i32
      %dma_wait3A_17 = tpu.memref_slice %arg9[%dma_wait3A] : memref<10016xf32, #tpu.memory_space<vmem>> -> memref<10000xf32, #tpu.memory_space<vmem>>
      %dma_wait3A_18 = arith.constant 0 : i32
      %dma_wait3A_19 = tpu.memref_slice %arg9[%dma_wait3A_18] : memref<10016xf32, #tpu.memory_space<vmem>> -> memref<10000xf32, #tpu.memory_space<vmem>>
      tpu.wait_dma2 semaphore(%run_scoped3A : memref<!tpu.dma_semaphore, #tpu.memory_space<semaphore_mem>>) src(%arg5 : memref<10000xf32, #tpu.memory_space<hbm>>) dst(%dma_wait3A_19 : memref<10000xf32, #tpu.memory_space<vmem>>)
      tpu.yield
    }) : () -> ()
    %mul3A_1 = arith.constant 5000 : i32
    %mul3A_2 = arith.muli %add3A, %mul3A_1 : i32
    "tpu.region"() ({
      %run_scoped3A = tpu.sem_alloc : memref<!tpu.dma_semaphore, #tpu.memory_space<semaphore_mem>>
      %dma_start3A = arith.constant 0 : i32
      %dma_start3A_14 = tpu.memref_slice %arg10[%dma_start3A] : memref<5120xf32, #tpu.memory_space<vmem>> -> memref<5000xf32, #tpu.memory_space<vmem>>
      %dma_start3A_15 = tpu.memref_slice %arg6[%mul3A_2] : memref<160000xf32, #tpu.memory_space<hbm>> -> memref<5000xf32, #tpu.memory_space<hbm>>
      %dma_start3A_16 = arith.constant 0 : i32
      %dma_start3A_17 = tpu.memref_slice %arg10[%dma_start3A_16] : memref<5120xf32, #tpu.memory_space<vmem>> -> memref<5000xf32, #tpu.memory_space<vmem>>
      %dma_start3A_18 = tpu.memref_slice %arg6[%mul3A_2] : memref<160000xf32, #tpu.memory_space<hbm>> -> memref<5000xf32, #tpu.memory_space<hbm>>
      tpu.enqueue_dma source(%dma_start3A_18 : memref<5000xf32, #tpu.memory_space<hbm>>) target(%dma_start3A_17 : memref<5000xf32, #tpu.memory_space<vmem>>) target_semaphore(%run_scoped3A : memref<!tpu.dma_semaphore, #tpu.memory_space<semaphore_mem>>)
      %dma_wait3A = arith.constant 0 : i32
      %dma_wait3A_19 = tpu.memref_slice %arg10[%dma_wait3A] : memref<5120xf32, #tpu.memory_space<vmem>> -> memref<5000xf32, #tpu.memory_space<vmem>>
      %dma_wait3A_20 = tpu.memref_slice %arg6[%mul3A_2] : memref<160000xf32, #tpu.memory_space<hbm>> -> memref<5000xf32, #tpu.memory_space<hbm>>
      %dma_wait3A_21 = arith.constant 0 : i32
      %dma_wait3A_22 = tpu.memref_slice %arg10[%dma_wait3A_21] : memref<5120xf32, #tpu.memory_space<vmem>> -> memref<5000xf32, #tpu.memory_space<vmem>>
      %dma_wait3A_23 = tpu.memref_slice %arg6[%mul3A_2] : memref<160000xf32, #tpu.memory_space<hbm>> -> memref<5000xf32, #tpu.memory_space<hbm>>
      tpu.wait_dma2 semaphore(%run_scoped3A : memref<!tpu.dma_semaphore, #tpu.memory_space<semaphore_mem>>) src(%dma_wait3A_23 : memref<5000xf32, #tpu.memory_space<hbm>>) dst(%dma_wait3A_22 : memref<5000xf32, #tpu.memory_space<vmem>>)
      tpu.yield
    }) : () -> ()
    %mul3A_3 = arith.constant 5120 : i32
    %mul3A_4 = arith.muli %add3A, %mul3A_3 : i32
    "tpu.region"() ({
      %run_scoped3A = tpu.sem_alloc : memref<!tpu.dma_semaphore, #tpu.memory_space<semaphore_mem>>
      %dma_start3A = tpu.memref_slice %arg2[%mul3A_4] : memref<163840xi32, #tpu.memory_space<hbm>> -> memref<5120xi32, #tpu.memory_space<hbm>>
      %dma_start3A_14 = tpu.memref_slice %arg2[%mul3A_4] : memref<163840xi32, #tpu.memory_space<hbm>> -> memref<5120xi32, #tpu.memory_space<hbm>>
      tpu.enqueue_dma source(%dma_start3A_14 : memref<5120xi32, #tpu.memory_space<hbm>>) target(%arg11 : memref<5120xi32, #tpu.memory_space<vmem>>) target_semaphore(%run_scoped3A : memref<!tpu.dma_semaphore, #tpu.memory_space<semaphore_mem>>)
      %dma_wait3A = tpu.memref_slice %arg2[%mul3A_4] : memref<163840xi32, #tpu.memory_space<hbm>> -> memref<5120xi32, #tpu.memory_space<hbm>>
      %dma_wait3A_15 = tpu.memref_slice %arg2[%mul3A_4] : memref<163840xi32, #tpu.memory_space<hbm>> -> memref<5120xi32, #tpu.memory_space<hbm>>
      tpu.wait_dma2 semaphore(%run_scoped3A : memref<!tpu.dma_semaphore, #tpu.memory_space<semaphore_mem>>) src(%dma_wait3A_15 : memref<5120xi32, #tpu.memory_space<hbm>>) dst(%arg11 : memref<5120xi32, #tpu.memory_space<vmem>>)
      tpu.yield
    }) : () -> ()
    %mul3A_5 = arith.constant 5120 : i32
    %mul3A_6 = arith.muli %add3A, %mul3A_5 : i32
    "tpu.region"() ({
      %run_scoped3A = tpu.sem_alloc : memref<!tpu.dma_semaphore, #tpu.memory_space<semaphore_mem>>
      %dma_start3A = tpu.memref_slice %arg3[%mul3A_6] : memref<163840xi32, #tpu.memory_space<hbm>> -> memref<5120xi32, #tpu.memory_space<hbm>>
      %dma_start3A_14 = tpu.memref_slice %arg3[%mul3A_6] : memref<163840xi32, #tpu.memory_space<hbm>> -> memref<5120xi32, #tpu.memory_space<hbm>>
      tpu.enqueue_dma source(%dma_start3A_14 : memref<5120xi32, #tpu.memory_space<hbm>>) target(%arg12 : memref<5120xi32, #tpu.memory_space<vmem>>) target_semaphore(%run_scoped3A : memref<!tpu.dma_semaphore, #tpu.memory_space<semaphore_mem>>)
      %dma_wait3A = tpu.memref_slice %arg3[%mul3A_6] : memref<163840xi32, #tpu.memory_space<hbm>> -> memref<5120xi32, #tpu.memory_space<hbm>>
      %dma_wait3A_15 = tpu.memref_slice %arg3[%mul3A_6] : memref<163840xi32, #tpu.memory_space<hbm>> -> memref<5120xi32, #tpu.memory_space<hbm>>
      tpu.wait_dma2 semaphore(%run_scoped3A : memref<!tpu.dma_semaphore, #tpu.memory_space<semaphore_mem>>) src(%dma_wait3A_15 : memref<5120xi32, #tpu.memory_space<hbm>>) dst(%arg12 : memref<5120xi32, #tpu.memory_space<vmem>>)
      tpu.yield
    }) : () -> ()
    %scan3A = arith.constant 0 : i32
    %scan3A_7 = arith.constant 0 : i32
    %scan3A_8 = arith.constant 320 : i32
    %scan3A_9 = arith.addi %scan3A_7, %scan3A_8 : i32
    %scan3A_10 = arith.constant 1 : i32
    scf.for %scan3A_14 = %scan3A_7 to %scan3A_9 step %scan3A_10  : i32 {
      %mul3A_15 = arith.constant 16 : i32
      %mul3A_16 = arith.muli %scan3A_14, %mul3A_15 : i32
      %get3A = arith.index_cast %mul3A_16 : i32 to index
      %get3A_17 = tpu.vector_load %arg11[%get3A] {strides = array<i32>} : memref<5120xi32, #tpu.memory_space<vmem>>, vector<16xi32>,
      %gather3A = tpu.vector_load_idx %arg8[%get3A_17] : memref<10016xf32, #tpu.memory_space<vmem>>[vector<16xi32>], vector<16xf32>,
      %get3A_18 = arith.index_cast %mul3A_16 : i32 to index
      %get3A_19 = tpu.vector_load %arg12[%get3A_18] {strides = array<i32>} : memref<5120xi32, #tpu.memory_space<vmem>>, vector<16xi32>,
      %gather3A_20 = tpu.vector_load_idx %arg9[%get3A_19] : memref<10016xf32, #tpu.memory_space<vmem>>[vector<16xi32>], vector<16xf32>,
      %add3A_21 = arith.addf %gather3A, %gather3A_20 : vector<16xf32>
      %get3A_22 = arith.index_cast %mul3A_16 : i32 to index
      %get3A_23 = tpu.vector_load %arg10[%get3A_22] {strides = array<i32>} : memref<5120xf32, #tpu.memory_space<vmem>>, vector<16xf32>,
      %add3A_24 = arith.addf %add3A_21, %get3A_23 : vector<16xf32>
      %swap3A = arith.index_cast %mul3A_16 : i32 to index
      %swap3A_25 = tpu.vector_load %arg13[%swap3A] {strides = array<i32>} : memref<5120xf32, #tpu.memory_space<vmem>>, vector<16xf32>,
      tpu.vector_store %arg13[%swap3A], %add3A_24 {strides = array<i32>} : memref<5120xf32, #tpu.memory_space<vmem>>, vector<16xf32>,
    }
    %scan3A_11 = arith.constant 320 : i32
    %mul3A_12 = arith.constant 5000 : i32
    %mul3A_13 = arith.muli %add3A, %mul3A_12 : i32
    "tpu.region"() ({
      %run_scoped3A = tpu.sem_alloc : memref<!tpu.dma_semaphore, #tpu.memory_space<semaphore_mem>>
      %dma_start3A = arith.constant 0 : i32
      %dma_start3A_14 = tpu.memref_slice %arg13[%dma_start3A] : memref<5120xf32, #tpu.memory_space<vmem>> -> memref<5000xf32, #tpu.memory_space<vmem>>
      %dma_start3A_15 = tpu.memref_slice %arg7[%mul3A_13] : memref<160000xf32, #tpu.memory_space<hbm>> -> memref<5000xf32, #tpu.memory_space<hbm>>
      %dma_start3A_16 = tpu.memref_slice %arg7[%mul3A_13] : memref<160000xf32, #tpu.memory_space<hbm>> -> memref<5000xf32, #tpu.memory_space<hbm>>
      %dma_start3A_17 = arith.constant 0 : i32
      %dma_start3A_18 = tpu.memref_slice %arg13[%dma_start3A_17] : memref<5120xf32, #tpu.memory_space<vmem>> -> memref<5000xf32, #tpu.memory_space<vmem>>
      tpu.enqueue_dma source(%dma_start3A_18 : memref<5000xf32, #tpu.memory_space<vmem>>) target(%dma_start3A_16 : memref<5000xf32, #tpu.memory_space<hbm>>) target_semaphore(%run_scoped3A : memref<!tpu.dma_semaphore, #tpu.memory_space<semaphore_mem>>)
      %dma_wait3A = arith.constant 0 : i32
      %dma_wait3A_19 = tpu.memref_slice %arg13[%dma_wait3A] : memref<5120xf32, #tpu.memory_space<vmem>> -> memref<5000xf32, #tpu.memory_space<vmem>>
      %dma_wait3A_20 = tpu.memref_slice %arg7[%mul3A_13] : memref<160000xf32, #tpu.memory_space<hbm>> -> memref<5000xf32, #tpu.memory_space<hbm>>
      %dma_wait3A_21 = tpu.memref_slice %arg7[%mul3A_13] : memref<160000xf32, #tpu.memory_space<hbm>> -> memref<5000xf32, #tpu.memory_space<hbm>>
      %dma_wait3A_22 = arith.constant 0 : i32
      %dma_wait3A_23 = tpu.memref_slice %arg13[%dma_wait3A_22] : memref<5120xf32, #tpu.memory_space<vmem>> -> memref<5000xf32, #tpu.memory_space<vmem>>
      tpu.wait_dma2 semaphore(%run_scoped3A : memref<!tpu.dma_semaphore, #tpu.memory_space<semaphore_mem>>) src(%dma_wait3A_23 : memref<5000xf32, #tpu.memory_space<vmem>>) dst(%dma_wait3A_21 : memref<5000xf32, #tpu.memory_space<hbm>>)
      tpu.yield
    }) : () -> ()
    return
  }
}

module attributes {stable_mosaic.version = 14 : i64} {
  func.func @_tc_node_enc_body(%arg0: i32, %arg1: memref<1000x256xf32, #tpu.memory_space<vmem>>, %arg2: memref<32x256xf32, #tpu.memory_space<vmem>>, %arg3: memref<1x32xf32, #tpu.memory_space<vmem>>, %arg4: memref<1000x32xf32, #tpu.memory_space<vmem>>) attributes {dimension_semantics = [#tpu.dimension_semantics<arbitrary>], iteration_bounds = array<i64: 10>, scalar_prefetch = 0 : i64, scratch_operands = 0 : i64, tpu.core_type = #tpu.core_type<tc>, window_params = [{transform_indices = @transform_0, window_bounds = array<i64: 1000, 256>}, {pipeline_mode = #tpu.pipeline_mode<synchronous>, transform_indices = @transform_1, window_bounds = array<i64: 32, 256>}, {pipeline_mode = #tpu.pipeline_mode<synchronous>, transform_indices = @transform_2, window_bounds = array<i64: 1, 32>}, {transform_indices = @transform_3, window_bounds = array<i64: 1000, 32>}]} {
    %get3A = arith.constant 0 : index
    %get3A_0 = arith.constant 0 : index
    %get3A_1 = vector.load %arg1[%get3A, %get3A_0] : memref<1000x256xf32, #tpu.memory_space<vmem>>, vector<1000x256xf32>
    %get3A_2 = arith.constant 0 : index
    %get3A_3 = arith.constant 0 : index
    %get3A_4 = vector.load %arg2[%get3A_2, %get3A_3] : memref<32x256xf32, #tpu.memory_space<vmem>>, vector<32x256xf32>
    %dot_general3A = arith.constant dense<0.000000e+00> : vector<1000x32xf32>
    %dot_general3A_5 = tpu.matmul %get3A_1, %get3A_4, %dot_general3A {dimension_numbers = #tpu.dot_dimension_numbers<[1], [1], [0], [0], [0, 0, 1, 0], [], []>, transpose_lhs_hint = false} : vector<1000x256xf32>, vector<32x256xf32>, vector<1000x32xf32> -> vector<1000x32xf32>
    %get3A_6 = arith.constant 0 : index
    %get3A_7 = arith.constant 0 : index
    %get3A_8 = vector.load %arg3[%get3A_6, %get3A_7] : memref<1x32xf32, #tpu.memory_space<vmem>>, vector<1x32xf32>
    %add3A = vector.broadcast %get3A_8 : vector<1x32xf32> to vector<1000x32xf32>
    %add3A_9 = arith.addf %dot_general3A_5, %add3A : vector<1000x32xf32>
    %max3A = arith.constant 0.000000e+00 : f32
    %max3A_10 = vector.broadcast %max3A : f32 to vector<1000x32xf32>
    %max3A_11 = arith.maximumf %add3A_9, %max3A_10 : vector<1000x32xf32>
    %swap3A = arith.constant 0 : index
    %swap3A_12 = arith.constant 0 : index
    %swap3A_13 = vector.load %arg4[%swap3A, %swap3A_12] : memref<1000x32xf32, #tpu.memory_space<vmem>>, vector<1000x32xf32>
    tpu.vector_store %arg4[%swap3A, %swap3A_12], %max3A_11 {strides = array<i32>} : memref<1000x32xf32, #tpu.memory_space<vmem>>, vector<1000x32xf32>,
    return
  }
  func.func @transform_0(%arg0: i32) -> (i32, i32) {
    %c0_i32 = arith.constant 0 : i32
    %c0_i32_0 = arith.constant 0 : i32
    return %arg0, %c0_i32 : i32, i32
  }
  func.func @transform_1(%arg0: i32) -> (i32, i32) {
    %c0_i32 = arith.constant 0 : i32
    %c0_i32_0 = arith.constant 0 : i32
    %c0_i32_1 = arith.constant 0 : i32
    return %c0_i32, %c0_i32_0 : i32, i32
  }
  func.func @transform_2(%arg0: i32) -> (i32, i32) {
    %c0_i32 = arith.constant 0 : i32
    %c0_i32_0 = arith.constant 0 : i32
    %c0_i32_1 = arith.constant 0 : i32
    return %c0_i32, %c0_i32_0 : i32, i32
  }
  func.func @transform_3(%arg0: i32) -> (i32, i32) {
    %c0_i32 = arith.constant 0 : i32
    %c0_i32_0 = arith.constant 0 : i32
    return %arg0, %c0_i32 : i32, i32
  }
}

module attributes {stable_mosaic.version = 14 : i64} {
  func.func @_tc_edge_enc_body(%arg0: i32, %arg1: memref<16x16000xf32, #tpu.memory_space<vmem>>, %arg2: memref<32x16xf32, #tpu.memory_space<vmem>>, %arg3: memref<32x1xf32, #tpu.memory_space<vmem>>, %arg4: memref<1x32xf32, #tpu.memory_space<vmem>>, %arg5: memref<1x1xf32, #tpu.memory_space<vmem>>, %arg6: memref<160000xf32, #tpu.memory_space<vmem>>) attributes {dimension_semantics = [#tpu.dimension_semantics<arbitrary>], iteration_bounds = array<i64: 10>, scalar_prefetch = 0 : i64, scratch_operands = 0 : i64, tpu.core_type = #tpu.core_type<tc>, window_params = [{transform_indices = @transform_0, window_bounds = array<i64: 16, 16000>}, {pipeline_mode = #tpu.pipeline_mode<synchronous>, transform_indices = @transform_1, window_bounds = array<i64: 32, 16>}, {pipeline_mode = #tpu.pipeline_mode<synchronous>, transform_indices = @transform_2, window_bounds = array<i64: 32, 1>}, {pipeline_mode = #tpu.pipeline_mode<synchronous>, transform_indices = @transform_3, window_bounds = array<i64: 1, 32>}, {pipeline_mode = #tpu.pipeline_mode<synchronous>, transform_indices = @transform_4, window_bounds = array<i64: 1, 1>}, {pipeline_mode = #tpu.pipeline_mode<synchronous>, transform_indices = @transform_5, window_bounds = array<i64: 160000>}]} {
    %get3A = arith.constant 0 : index
    %get3A_0 = arith.constant 0 : index
    %get3A_1 = vector.load %arg2[%get3A, %get3A_0] : memref<32x16xf32, #tpu.memory_space<vmem>>, vector<32x16xf32>
    %get3A_2 = arith.constant 0 : index
    %get3A_3 = arith.constant 0 : index
    %get3A_4 = vector.load %arg1[%get3A_2, %get3A_3] : memref<16x16000xf32, #tpu.memory_space<vmem>>, vector<16x16000xf32>
    %dot_general3A = arith.constant dense<0.000000e+00> : vector<32x16000xf32>
    %dot_general3A_5 = tpu.matmul %get3A_1, %get3A_4, %dot_general3A {dimension_numbers = #tpu.dot_dimension_numbers<[1], [0], [0], [1], [0, 0, 1, 1], [], []>, transpose_lhs_hint = false} : vector<32x16xf32>, vector<16x16000xf32>, vector<32x16000xf32> -> vector<32x16000xf32>
    %get3A_6 = arith.constant 0 : index
    %get3A_7 = arith.constant 0 : index
    %get3A_8 = vector.load %arg3[%get3A_6, %get3A_7] : memref<32x1xf32, #tpu.memory_space<vmem>>, vector<32x1xf32>
    %add3A = vector.broadcast %get3A_8 : vector<32x1xf32> to vector<32x16000xf32>
    %add3A_9 = arith.addf %dot_general3A_5, %add3A : vector<32x16000xf32>
    %max3A = arith.constant 0.000000e+00 : f32
    %max3A_10 = vector.broadcast %max3A : f32 to vector<32x16000xf32>
    %max3A_11 = arith.maximumf %add3A_9, %max3A_10 : vector<32x16000xf32>
    %get3A_12 = arith.constant 0 : index
    %get3A_13 = arith.constant 0 : index
    %get3A_14 = vector.load %arg4[%get3A_12, %get3A_13] : memref<1x32xf32, #tpu.memory_space<vmem>>, vector<1x32xf32>
    %dot_general3A_15 = arith.constant dense<0.000000e+00> : vector<1x16000xf32>
    %dot_general3A_16 = tpu.matmul %get3A_14, %max3A_11, %dot_general3A_15 {dimension_numbers = #tpu.dot_dimension_numbers<[1], [0], [0], [1], [0, 0, 1, 1], [], []>, transpose_lhs_hint = false} : vector<1x32xf32>, vector<32x16000xf32>, vector<1x16000xf32> -> vector<1x16000xf32>
    %get3A_17 = arith.constant 0 : index
    %get3A_18 = arith.constant 0 : index
    %get3A_19 = vector.load %arg5[%get3A_17, %get3A_18] : memref<1x1xf32, #tpu.memory_space<vmem>>, vector<1x1xf32>
    %add3A_20 = vector.broadcast %get3A_19 : vector<1x1xf32> to vector<1x16000xf32>
    %add3A_21 = arith.addf %dot_general3A_16, %add3A_20 : vector<1x16000xf32>
    %squeeze3A = vector.shape_cast %add3A_21 : vector<1x16000xf32> to vector<16000xf32>
    %mul3A = arith.constant 16000 : i32
    %mul3A_22 = arith.muli %arg0, %mul3A : i32
    %swap3A = arith.index_cast %mul3A_22 : i32 to index
    %swap3A_23 = vector.load %arg6[%swap3A] : memref<160000xf32, #tpu.memory_space<vmem>>, vector<16000xf32>
    tpu.vector_store %arg6[%swap3A], %squeeze3A {strides = array<i32>} : memref<160000xf32, #tpu.memory_space<vmem>>, vector<16000xf32>,
    return
  }
  func.func @transform_0(%arg0: i32) -> (i32, i32) {
    %c0_i32 = arith.constant 0 : i32
    %c0_i32_0 = arith.constant 0 : i32
    return %c0_i32, %arg0 : i32, i32
  }
  func.func @transform_1(%arg0: i32) -> (i32, i32) {
    %c0_i32 = arith.constant 0 : i32
    %c0_i32_0 = arith.constant 0 : i32
    %c0_i32_1 = arith.constant 0 : i32
    return %c0_i32, %c0_i32_0 : i32, i32
  }
  func.func @transform_2(%arg0: i32) -> (i32, i32) {
    %c0_i32 = arith.constant 0 : i32
    %c0_i32_0 = arith.constant 0 : i32
    %c0_i32_1 = arith.constant 0 : i32
    return %c0_i32, %c0_i32_0 : i32, i32
  }
  func.func @transform_3(%arg0: i32) -> (i32, i32) {
    %c0_i32 = arith.constant 0 : i32
    %c0_i32_0 = arith.constant 0 : i32
    %c0_i32_1 = arith.constant 0 : i32
    return %c0_i32, %c0_i32_0 : i32, i32
  }
  func.func @transform_4(%arg0: i32) -> (i32, i32) {
    %c0_i32 = arith.constant 0 : i32
    %c0_i32_0 = arith.constant 0 : i32
    %c0_i32_1 = arith.constant 0 : i32
    return %c0_i32, %c0_i32_0 : i32, i32
  }
  func.func @transform_5(%arg0: i32) -> i32 {
    %c0_i32 = arith.constant 0 : i32
    %c0_i32_0 = arith.constant 0 : i32
    return %c0_i32 : i32
  }
}

module attributes {stable_mosaic.version = 14 : i64} {
  func.func @_tc_node_upd_body(%arg0: i32, %arg1: memref<2x1000x32xf32, #tpu.memory_space<vmem>>, %arg2: memref<1000x32xf32, #tpu.memory_space<vmem>>, %arg3: memref<1000x1xf32, #tpu.memory_space<vmem>>, %arg4: memref<32x32xf32, #tpu.memory_space<vmem>>, %arg5: memref<1x32xf32, #tpu.memory_space<vmem>>, %arg6: memref<32x64xf32, #tpu.memory_space<vmem>>, %arg7: memref<1x32xf32, #tpu.memory_space<vmem>>, %arg8: memref<32x32xf32, #tpu.memory_space<vmem>>, %arg9: memref<1x32xf32, #tpu.memory_space<vmem>>, %arg10: memref<32x64xf32, #tpu.memory_space<vmem>>, %arg11: memref<1x32xf32, #tpu.memory_space<vmem>>, %arg12: memref<1x96xf32, #tpu.memory_space<vmem>>, %arg13: memref<1000x2xf32, #tpu.memory_space<vmem>>) attributes {dimension_semantics = [#tpu.dimension_semantics<arbitrary>], iteration_bounds = array<i64: 10>, scalar_prefetch = 0 : i64, scratch_operands = 0 : i64, tpu.core_type = #tpu.core_type<tc>, window_params = [{transform_indices = @transform_0, window_bounds = array<i64: 2, 1000, 32>}, {transform_indices = @transform_1, window_bounds = array<i64: 1000, 32>}, {transform_indices = @transform_2, window_bounds = array<i64: 1000, 1>}, {pipeline_mode = #tpu.pipeline_mode<synchronous>, transform_indices = @transform_3, window_bounds = array<i64: 32, 32>}, {pipeline_mode = #tpu.pipeline_mode<synchronous>, transform_indices = @transform_4, window_bounds = array<i64: 1, 32>}, {pipeline_mode = #tpu.pipeline_mode<synchronous>, transform_indices = @transform_5, window_bounds = array<i64: 32, 64>}, {pipeline_mode = #tpu.pipeline_mode<synchronous>, transform_indices = @transform_6, window_bounds = array<i64: 1, 32>}, {pipeline_mode = #tpu.pipeline_mode<synchronous>, transform_indices = @transform_7, window_bounds = array<i64: 32, 32>}, {pipeline_mode = #tpu.pipeline_mode<synchronous>, transform_indices = @transform_8, window_bounds = array<i64: 1, 32>}, {pipeline_mode = #tpu.pipeline_mode<synchronous>, transform_indices = @transform_9, window_bounds = array<i64: 32, 64>}, {pipeline_mode = #tpu.pipeline_mode<synchronous>, transform_indices = @transform_10, window_bounds = array<i64: 1, 32>}, {pipeline_mode = #tpu.pipeline_mode<synchronous>, transform_indices = @transform_11, window_bounds = array<i64: 1, 96>}, {transform_indices = @transform_12, window_bounds = array<i64: 1000, 2>}]} {
    %get3A = arith.constant 0 : index
    %get3A_0 = arith.constant 0 : index
    %get3A_1 = vector.load %arg3[%get3A, %get3A_0] : memref<1000x1xf32, #tpu.memory_space<vmem>>, vector<1000x1xf32>
    %add3A = arith.constant 1.000000e+00 : f32
    %add3A_2 = vector.broadcast %add3A : f32 to vector<1000x1xf32>
    %add3A_3 = arith.addf %add3A_2, %get3A_1 : vector<1000x1xf32>
    %rsqrt3A = math.rsqrt %add3A_3 : vector<1000x1xf32>
    %get3A_4 = arith.constant 0 : index
    %get3A_5 = arith.constant 0 : index
    %get3A_6 = arith.constant 0 : index
    %get3A_7 = vector.load %arg1[%get3A_4, %get3A_5, %get3A_6] : memref<2x1000x32xf32, #tpu.memory_space<vmem>>, vector<1x1000x32xf32>
    %get3A_8 = vector.shape_cast %get3A_7 : vector<1x1000x32xf32> to vector<1000x32xf32>
    %get3A_9 = arith.constant 1 : index
    %get3A_10 = arith.constant 0 : index
    %get3A_11 = arith.constant 0 : index
    %get3A_12 = vector.load %arg1[%get3A_9, %get3A_10, %get3A_11] : memref<2x1000x32xf32, #tpu.memory_space<vmem>>, vector<1x1000x32xf32>
    %get3A_13 = vector.shape_cast %get3A_12 : vector<1x1000x32xf32> to vector<1000x32xf32>
    %add3A_14 = arith.addf %get3A_8, %get3A_13 : vector<1000x32xf32>
    %mul3A = vector.broadcast %rsqrt3A : vector<1000x1xf32> to vector<1000x32xf32>
    %mul3A_15 = arith.mulf %add3A_14, %mul3A : vector<1000x32xf32>
    %get3A_16 = arith.constant 0 : index
    %get3A_17 = arith.constant 0 : index
    %get3A_18 = vector.load %arg2[%get3A_16, %get3A_17] : memref<1000x32xf32, #tpu.memory_space<vmem>>, vector<1000x32xf32>
    %mul3A_19 = arith.mulf %rsqrt3A, %rsqrt3A : vector<1000x1xf32>
    %mul3A_20 = vector.broadcast %mul3A_19 : vector<1000x1xf32> to vector<1000x32xf32>
    %mul3A_21 = arith.mulf %get3A_18, %mul3A_20 : vector<1000x32xf32>
    %add3A_22 = arith.addf %mul3A_15, %mul3A_21 : vector<1000x32xf32>
    %get3A_23 = arith.constant 0 : index
    %get3A_24 = arith.constant 0 : index
    %get3A_25 = vector.load %arg4[%get3A_23, %get3A_24] : memref<32x32xf32, #tpu.memory_space<vmem>>, vector<32x32xf32>
    %dot_general3A = arith.constant dense<0.000000e+00> : vector<1000x32xf32>
    %dot_general3A_26 = tpu.matmul %add3A_22, %get3A_25, %dot_general3A {dimension_numbers = #tpu.dot_dimension_numbers<[1], [1], [0], [0], [0, 0, 1, 0], [], []>, transpose_lhs_hint = false} : vector<1000x32xf32>, vector<32x32xf32>, vector<1000x32xf32> -> vector<1000x32xf32>
    %get3A_27 = arith.constant 0 : index
    %get3A_28 = arith.constant 0 : index
    %get3A_29 = vector.load %arg5[%get3A_27, %get3A_28] : memref<1x32xf32, #tpu.memory_space<vmem>>, vector<1x32xf32>
    %add3A_30 = vector.broadcast %get3A_29 : vector<1x32xf32> to vector<1000x32xf32>
    %add3A_31 = arith.addf %dot_general3A_26, %add3A_30 : vector<1000x32xf32>
    %get3A_32 = arith.constant 0 : index
    %get3A_33 = arith.constant 0 : index
    %get3A_34 = vector.load %arg6[%get3A_32, %get3A_33] : memref<32x64xf32, #tpu.memory_space<vmem>>, vector<32x32xf32>
    %dot_general3A_35 = arith.constant dense<0.000000e+00> : vector<1000x32xf32>
    %dot_general3A_36 = tpu.matmul %add3A_31, %get3A_34, %dot_general3A_35 {dimension_numbers = #tpu.dot_dimension_numbers<[1], [1], [0], [0], [0, 0, 1, 0], [], []>, transpose_lhs_hint = false} : vector<1000x32xf32>, vector<32x32xf32>, vector<1000x32xf32> -> vector<1000x32xf32>
    %get3A_37 = arith.constant 0 : index
    %get3A_38 = arith.constant 0 : index
    %get3A_39 = vector.load %arg7[%get3A_37, %get3A_38] : memref<1x32xf32, #tpu.memory_space<vmem>>, vector<1x32xf32>
    %add3A_40 = vector.broadcast %get3A_39 : vector<1x32xf32> to vector<1000x32xf32>
    %add3A_41 = arith.addf %dot_general3A_36, %add3A_40 : vector<1000x32xf32>
    %logistic3A = arith.negf %add3A_41 : vector<1000x32xf32>
    %logistic3A_42 = math.exp %logistic3A : vector<1000x32xf32>
    %logistic3A_43 = arith.constant 1.000000e+00 : f32
    %logistic3A_44 = vector.broadcast %logistic3A_43 : f32 to vector<1000x32xf32>
    %logistic3A_45 = arith.addf %logistic3A_44, %logistic3A_42 : vector<1000x32xf32>
    %logistic3A_46 = arith.divf %logistic3A_44, %logistic3A_45 : vector<1000x32xf32>
    %get3A_47 = arith.constant 0 : index
    %get3A_48 = arith.constant 0 : index
    %get3A_49 = vector.load %arg8[%get3A_47, %get3A_48] : memref<32x32xf32, #tpu.memory_space<vmem>>, vector<32x32xf32>
    %dot_general3A_50 = arith.constant dense<0.000000e+00> : vector<1000x32xf32>
    %dot_general3A_51 = tpu.matmul %add3A_22, %get3A_49, %dot_general3A_50 {dimension_numbers = #tpu.dot_dimension_numbers<[1], [1], [0], [0], [0, 0, 1, 0], [], []>, transpose_lhs_hint = false} : vector<1000x32xf32>, vector<32x32xf32>, vector<1000x32xf32> -> vector<1000x32xf32>
    %get3A_52 = arith.constant 0 : index
    %get3A_53 = arith.constant 0 : index
    %get3A_54 = vector.load %arg9[%get3A_52, %get3A_53] : memref<1x32xf32, #tpu.memory_space<vmem>>, vector<1x32xf32>
    %add3A_55 = vector.broadcast %get3A_54 : vector<1x32xf32> to vector<1000x32xf32>
    %add3A_56 = arith.addf %dot_general3A_51, %add3A_55 : vector<1000x32xf32>
    %get3A_57 = arith.constant 0 : index
    %get3A_58 = arith.constant 0 : index
    %get3A_59 = vector.load %arg10[%get3A_57, %get3A_58] : memref<32x64xf32, #tpu.memory_space<vmem>>, vector<32x32xf32>
    %dot_general3A_60 = arith.constant dense<0.000000e+00> : vector<1000x32xf32>
    %dot_general3A_61 = tpu.matmul %add3A_56, %get3A_59, %dot_general3A_60 {dimension_numbers = #tpu.dot_dimension_numbers<[1], [1], [0], [0], [0, 0, 1, 0], [], []>, transpose_lhs_hint = false} : vector<1000x32xf32>, vector<32x32xf32>, vector<1000x32xf32> -> vector<1000x32xf32>
    %get3A_62 = arith.constant 0 : index
    %get3A_63 = arith.constant 0 : index
    %get3A_64 = vector.load %arg11[%get3A_62, %get3A_63] : memref<1x32xf32, #tpu.memory_space<vmem>>, vector<1x32xf32>
    %add3A_65 = vector.broadcast %get3A_64 : vector<1x32xf32> to vector<1000x32xf32>
    %add3A_66 = arith.addf %dot_general3A_61, %add3A_65 : vector<1000x32xf32>
    %tanh3A = math.tanh %add3A_66 : vector<1000x32xf32>
    %sub3A = arith.constant 1.000000e+00 : f32
    %sub3A_67 = vector.broadcast %sub3A : f32 to vector<1000x32xf32>
    %sub3A_68 = arith.subf %sub3A_67, %logistic3A_46 : vector<1000x32xf32>
    %mul3A_69 = arith.mulf %sub3A_68, %tanh3A : vector<1000x32xf32>
    %get3A_70 = arith.constant 0 : index
    %get3A_71 = arith.constant 0 : index
    %get3A_72 = vector.load %arg12[%get3A_70, %get3A_71] : memref<1x96xf32, #tpu.memory_space<vmem>>, vector<1x32xf32>
    %dot_general3A_73 = arith.constant dense<0.000000e+00> : vector<1000x1xf32>
    %dot_general3A_74 = tpu.matmul %mul3A_69, %get3A_72, %dot_general3A_73 {dimension_numbers = #tpu.dot_dimension_numbers<[1], [1], [0], [0], [0, 0, 1, 0], [], []>, transpose_lhs_hint = false} : vector<1000x32xf32>, vector<1x32xf32>, vector<1000x1xf32> -> vector<1000x1xf32>
    %get3A_75 = arith.constant 0 : index
    %get3A_76 = arith.constant 32 : index
    %get3A_77 = vector.load %arg12[%get3A_75, %get3A_76] : memref<1x96xf32, #tpu.memory_space<vmem>>, vector<1x32xf32>
    %dot_general3A_78 = arith.constant dense<0.000000e+00> : vector<1000x1xf32>
    %dot_general3A_79 = tpu.matmul %mul3A_69, %get3A_77, %dot_general3A_78 {dimension_numbers = #tpu.dot_dimension_numbers<[1], [1], [0], [0], [0, 0, 1, 0], [], []>, transpose_lhs_hint = false} : vector<1000x32xf32>, vector<1x32xf32>, vector<1000x1xf32> -> vector<1000x1xf32>
    %concatenate3A = tpu.concatenate %dot_general3A_74, %dot_general3A_79 in 1 : vector<1000x1xf32>, vector<1000x1xf32> -> vector<1000x2xf32>
    %swap3A = arith.constant 0 : index
    %swap3A_80 = arith.constant 0 : index
    %swap3A_81 = vector.load %arg13[%swap3A, %swap3A_80] : memref<1000x2xf32, #tpu.memory_space<vmem>>, vector<1000x2xf32>
    tpu.vector_store %arg13[%swap3A, %swap3A_80], %concatenate3A {strides = array<i32>} : memref<1000x2xf32, #tpu.memory_space<vmem>>, vector<1000x2xf32>,
    return
  }
  func.func @transform_0(%arg0: i32) -> (i32, i32, i32) {
    %c0_i32 = arith.constant 0 : i32
    %c0_i32_0 = arith.constant 0 : i32
    %c0_i32_1 = arith.constant 0 : i32
    return %c0_i32, %arg0, %c0_i32_0 : i32, i32, i32
  }
  func.func @transform_1(%arg0: i32) -> (i32, i32) {
    %c0_i32 = arith.constant 0 : i32
    %c0_i32_0 = arith.constant 0 : i32
    return %arg0, %c0_i32 : i32, i32
  }
  func.func @transform_2(%arg0: i32) -> (i32, i32) {
    %c0_i32 = arith.constant 0 : i32
    %c0_i32_0 = arith.constant 0 : i32
    return %arg0, %c0_i32 : i32, i32
  }
  func.func @transform_3(%arg0: i32) -> (i32, i32) {
    %c0_i32 = arith.constant 0 : i32
    %c0_i32_0 = arith.constant 0 : i32
    %c0_i32_1 = arith.constant 0 : i32
    return %c0_i32, %c0_i32_0 : i32, i32
  }
  func.func @transform_4(%arg0: i32) -> (i32, i32) {
    %c0_i32 = arith.constant 0 : i32
    %c0_i32_0 = arith.constant 0 : i32
    %c0_i32_1 = arith.constant 0 : i32
    return %c0_i32, %c0_i32_0 : i32, i32
  }
  func.func @transform_5(%arg0: i32) -> (i32, i32) {
    %c0_i32 = arith.constant 0 : i32
    %c0_i32_0 = arith.constant 0 : i32
    %c0_i32_1 = arith.constant 0 : i32
    return %c0_i32, %c0_i32_0 : i32, i32
  }
  func.func @transform_6(%arg0: i32) -> (i32, i32) {
    %c0_i32 = arith.constant 0 : i32
    %c0_i32_0 = arith.constant 0 : i32
    %c0_i32_1 = arith.constant 0 : i32
    return %c0_i32, %c0_i32_0 : i32, i32
  }
  func.func @transform_7(%arg0: i32) -> (i32, i32) {
    %c0_i32 = arith.constant 0 : i32
    %c0_i32_0 = arith.constant 0 : i32
    %c0_i32_1 = arith.constant 0 : i32
    return %c0_i32, %c0_i32_0 : i32, i32
  }
  func.func @transform_8(%arg0: i32) -> (i32, i32) {
    %c0_i32 = arith.constant 0 : i32
    %c0_i32_0 = arith.constant 0 : i32
    %c0_i32_1 = arith.constant 0 : i32
    return %c0_i32, %c0_i32_0 : i32, i32
  }
  func.func @transform_9(%arg0: i32) -> (i32, i32) {
    %c0_i32 = arith.constant 0 : i32
    %c0_i32_0 = arith.constant 0 : i32
    %c0_i32_1 = arith.constant 0 : i32
    return %c0_i32, %c0_i32_0 : i32, i32
  }
  func.func @transform_10(%arg0: i32) -> (i32, i32) {
    %c0_i32 = arith.constant 0 : i32
    %c0_i32_0 = arith.constant 0 : i32
    %c0_i32_1 = arith.constant 0 : i32
    return %c0_i32, %c0_i32_0 : i32, i32
  }
  func.func @transform_11(%arg0: i32) -> (i32, i32) {
    %c0_i32 = arith.constant 0 : i32
    %c0_i32_0 = arith.constant 0 : i32
    %c0_i32_1 = arith.constant 0 : i32
    return %c0_i32, %c0_i32_0 : i32, i32
  }
  func.func @transform_12(%arg0: i32) -> (i32, i32) {
    %c0_i32 = arith.constant 0 : i32
    %c0_i32_0 = arith.constant 0 : i32
    return %arg0, %c0_i32 : i32, i32
  }
}

</mosaic_0001>

<sc_bundles>
// kernel: kernel.10.cloned.1.call-start
scs
__scs_entry_jumppad:
0x0: {  	(pc) =	sbr.rel $0x88, $3  }
0x1: {  	(tag) =	ssettag $0x0;
	lr =	simm.s32 $0x1  }
0x2: {  	[smem:$0x3F90] =	sst lr;
	_ =	strace $0xD0000000  }
0x3: {  	_ = 	snop  }
0x4: {  	_ = 	snop  }
0x5: {  	_ = 	snop  }
0x6: {  	_ = 	snop  }
0x7: {  	_ = 	snop  }
__scs_overlays_trampoline_lowered:
0x8: {  	[smem:$0x3F9F] =	sst s0  }
0x9: {  	[smem:$0x3FA0] =	sst s1  }
0xa: {  	[smem:$0x3FA1] =	sst s2  }
0xb: {  	[smem:$0x3FA2] =	sst s3  }
0xc: {  	[smem:$0x3FA3] =	sst s4  }
0xd: {  	[smem:$0x3FA4] =	sst s5  }
0xe: {  	[smem:$0x3FA5] =	sst s6  }
0xf: {  	[smem:$0x3FA6] =	sst s7  }
0x10: {  	[smem:$0x3FA7] =	sst s8  }
0x11: {  	[smem:$0x3FA8] =	sst s9;
	s0 =	simm.s32 @!p0 $0x0  }
0x12: {  	s1 =	sld [smem:$0x3F8E];
	s0 =	simm.s32 @p0 $0x1  }
0x13: {  	[smem:$0x3FA9] =	sst s0;
	s0 =	simm.s32 @!p1 $0x0  }
0x14: {  	s2 =	sld [smem:$0x3F8D];
	s0 =	simm.s32 @p1 $0x1  }
0x15: {  	[smem:$0x3FAA] =	sst s0;
	s0 =	simm.s32 @!p2 $0x0  }
0x16: {  	s3 =	sld [smem:$0x3FDB];
	s0 =	simm.s32 @p2 $0x1  }
0x17: {  	s4 =	simm.s32 $0x1BF5;
	[smem:$0x3FAC] =	sst s0  }
0x18: {  	s0 =	sld [smem:$0x3F8F];
	_ =	swait.ge [sflag:s4], $0x0  }
0x19: {  	s7 =	sld [smem:$0x3F90]  }
0x1a: {  	s8 =	sadd.s32 $0xFFFFE003, lr  }
0x1b: {  	s9 =	sadd.s32 $0xFFFFFEF7, lr;
	s5 =	simm.s32 $0xFFFFFFFF;
	p2 =	slt.u32 s8, $0xFFFFF086  }
0x1c: {  	p1 =	slt.u32 s9, $0xF7A;
	s5 =	simm.s32 @!p2 $0x0  }
0x1d: {  	s5 =	simm.s32 @p1 $0x1;
	p0 =	seq.s32 s7, s2  }
0x1e: {  	s7 =	smul.u32 @!p0 $0xF7A, s2;
	p2 =	seq.s32 @!p0 s5, $0x0  }
0x1f: {  	s9 =	smul.u32 $0xF7A, s1;
	s8 =	simm.s32 @!p0 $0x1BF5;
	p2 =	por !p2, p0  }
0x20: {  	[sflag:s8] =	ssyncset.s32 @!p0 $0xFFFFF086;
	s6 =	sadd.s32 @!p0 s3, s7;
	s7 =	simm.s32 @!p0 $0x108  }
0x21: {  	s3 =	sadd.s32 s3, s9;
	s6 =	sadd.s32 @!p0 $0x88, s6;
	s7 =	simm.s32 @p2 $0x1082  }
0x22: {  	[simem:s7], [sflag:s8] =	dma.local @!p0 [hbm:s6], $0xF7A  }
0x23: {  	s9 =	sor.u32 $0xD0000000, s2;
	s6 =	simm.s32 $0x108;
	_ =	swait.ge @!p0 [sflag:s8], $0x0  }
0x24: {  	s3 =	sadd.s32 $0x88, s3;
	s6 =	simm.s32 @!p1 $0x1082;
	[sflag:s4] =	ssyncset.s32 $0xFFFFF086  }
0x25: {  	[simem:s6], [sflag:s4] =	dma.local [hbm:s3], $0xF7A  }
0x26: {  	[smem:$0x3F90] =	sst s1;
	(tag) =	ssettag s2;
	_ =	strace s9  }
0x27: {  	s1 =	sld [smem:$0x3FA0]  }
0x28: {  	s2 =	sld [smem:$0x3FA1]  }
0x29: {  	s4 =	sld [smem:$0x3FA3]  }
0x2a: {  	p0 =	seq.s32 s5, $0x0;
	s5 =	sld [smem:$0x3FA4]  }
0x2b: {  	s6 =	sld [smem:$0x3FA5]  }
0x2c: {  	s7 =	sld [smem:$0x3FA6]  }
0x2d: {  	s3 =	simm.s32 $0x108;
	s8 =	sld [smem:$0x3FA7]  }
0x2e: {  	s3 =	simm.s32 @!p0 $0x1082;
	s9 =	sld [smem:$0x3FA8]  }
0x2f: {  	lr =	sadd.s32 s0, s3;
	s0 =	sld [smem:$0x3F9F]  }
0x30: {  	s3 =	sld [smem:$0x3FA2]  }
0x31: {  	[smem:$0x3FAB] =	sst s10  }
0x32: {  	s10 =	sld [smem:$0x3FA9];
	_ =	sdelay $0x3  }
0x33: {  	p0 =	seq.s32 s10, $0x1;
	s10 =	sld [smem:$0x3FAB];
	_ =	sdelay $0x3  }
0x34: {  	[smem:$0x3FAB] =	sst s10  }
0x35: {  	s10 =	sld [smem:$0x3FAA];
	_ =	sdelay $0x3  }
0x36: {  	p1 =	seq.s32 s10, $0x1;
	s10 =	sld [smem:$0x3FAB];
	_ =	sdelay $0x3  }
0x37: {  	[smem:$0x3FAB] =	sst s10  }
0x38: {  	s10 =	sld [smem:$0x3FAC]  }
0x39: {  	_ = 	snop;
	(pc) =	sbr.ind lr, $3  }
0x3a: {  	_ = 	snop  }
0x3b: {  	_ = 	snop  }
0x3c: {  	p2 =	seq.s32 s10, $0x1;
	s10 =	sld [smem:$0x3FAB]  }
0x3d: {  	_ =	shalt  }
0x3e: {  	_ =	shalt  }
0x3f: {  	_ =	shalt  }
0x40: {  	_ =	shalt  }
0x41: {  	_ =	shalt  }
0x42: {  	_ =	shalt  }
0x43: {  	_ =	shalt  }
0x44: {  	_ =	shalt  }
0x45: {  	_ =	shalt  }
0x46: {  	_ =	shalt  }
0x47: {  	_ =	shalt  }
0x48: {  	_ =	shalt  }
0x49: {  	_ =	shalt  }
0x4a: {  	_ =	shalt  }
0x4b: {  	_ =	shalt  }
0x4c: {  	_ =	shalt  }
0x4d: {  	_ =	shalt  }
0x4e: {  	_ =	shalt  }
0x4f: {  	_ =	shalt  }
0x50: {  	_ =	shalt  }
0x51: {  	_ =	shalt  }
0x52: {  	_ =	shalt  }
0x53: {  	_ =	shalt  }
0x54: {  	_ =	shalt  }
0x55: {  	_ =	shalt  }
0x56: {  	_ =	shalt  }
0x57: {  	_ =	shalt  }
0x58: {  	_ =	shalt  }
0x59: {  	_ =	shalt  }
0x5a: {  	_ =	shalt  }
0x5b: {  	_ =	shalt  }
0x5c: {  	_ =	shalt  }
0x5d: {  	_ =	shalt  }
0x5e: {  	_ =	shalt  }
0x5f: {  	_ =	shalt  }
0x60: {  	_ =	shalt  }
0x61: {  	_ =	shalt  }
0x62: {  	_ =	shalt  }
0x63: {  	_ =	shalt  }
0x64: {  	_ =	shalt  }
0x65: {  	_ =	shalt  }
0x66: {  	_ =	shalt  }
0x67: {  	_ =	shalt  }
0x68: {  	_ =	shalt  }
0x69: {  	_ =	shalt  }
0x6a: {  	_ =	shalt  }
0x6b: {  	_ =	shalt  }
0x6c: {  	_ =	shalt  }
0x6d: {  	_ =	shalt  }
0x6e: {  	_ =	shalt  }
0x6f: {  	_ =	shalt  }
0x70: {  	_ =	shalt  }
0x71: {  	_ =	shalt  }
0x72: {  	_ =	shalt  }
0x73: {  	_ =	shalt  }
0x74: {  	_ =	shalt  }
0x75: {  	_ =	shalt  }
0x76: {  	_ =	shalt  }
0x77: {  	_ =	shalt  }
0x78: {  	_ =	shalt  }
0x79: {  	_ =	shalt  }
0x7a: {  	_ =	shalt  }
0x7b: {  	_ =	shalt  }
0x7c: {  	_ =	shalt  }
0x7d: {  	_ =	shalt  }
0x7e: {  	_ =	shalt  }
0x7f: {  	_ =	shalt  }
0x80: {  	_ =	shalt  }
0x81: {  	_ =	shalt  }
0x82: {  	_ =	shalt  }
0x83: {  	_ =	shalt  }
0x84: {  	_ =	shalt  }
0x85: {  	_ =	shalt  }
0x86: {  	_ =	shalt  }
0x87: {  	_ =	shalt  }
.Lfunc_end0:
.L_simem_size_0:
called_computation.1_lowered:
.L_overlay_start_0:
0x88: {  	s2 =	sld [smem:$0x3FD9]  }
0x89: {  	s3 =	sld [smem:$0x3FFE];
	_ =	sdelay $0x1  }
0x8a: {  	s1 =	srdreg.scid  }
0x8b: {  	s0 =	sand.u32 $0x1, s1  }
0x8c: {  	s17 =	sshll.u32 s0, $0xA;
	s2 =	sadd.s32 s3, s2  }
0x8d: {  	s2 =	sadd.s32 s2, s17  }
0x8e: {  	[smem:$0x3FB7] =	sst s2  }
0x8f: {  	_ = 	snop  }
0x90: {  	s2 =	sld [smem:$0x3FD0];
	(tm) =	ssettm $0x1  }
0x91: {  	s18 =	sld [smem:$0x3FFB];
	_ =	sdelay $0x3  }
0x92: {  	_ =	strace s18  }
0x93: {  	s3 =	sld [smem:$0x3FFC];
	_ =	sdelay $0x3  }
0x94: {  	_ =	strace s3  }
0x95: {  	s3 =	sld [smem:$0x3FFD];
	_ =	sdelay $0x3  }
0x96: {  	_ =	strace s3  }
0x97: {  	_ =	strace $0x8FFFFFFF  }
0x98: {  	s19 =	sld [smem:$0x3FDB];
	_ =	sdelay $0x1  }
0x99: {  	s4 =	simm.s32 $_scs_section_size  }
0x9a: {  	s5 =	simm.s32 $_size__tile_overlayer_lowered;
	s6 =	simm.s32 $_tile_overlayer_lowered  }
0x9b: {  	s22 =	simm.s32 $0x1BFF;
	s21 =	sshll.u32 s6, $0x1;
	s3 =	sadd.s32 s4, s19  }
0x9c: {  	s7 =	simm.s32 $0x0;
	s20 =	sshll.u32 s5, $0x1;
	s5 =	sadd.s32 s21, s3  }
0x9d: {  	[timem:s7], [sflag:s22] =	dma.local [hbm:s5], s20  }
0x9e: {  	_ =	swait.ge [sflag:s22], s20  }
0x9f: {  	s4 =	ssub.s32 $0x0, s20;
	[sflag:s22] =	ssyncset.done $0x0  }
0xa0: {  	[sflag:s22] =	ssyncadd.s32 s4;
	_ =	sdelay $0x1  }
0xa1: {  	s23 =	simm.s32 $0x1B8B  }
0xa2: {  	_ =	swait.ge [sflag:s23], $0x1  }
0xa3: {  	[sflag:s23] =	ssyncset.done $0x0  }
0xa4: {  	s25 =	simm.s32 $0x1B8E;
	s24 =	sld [smem:$0x3FFE];
	[sflag:s23] =	ssyncadd.s32 $0xFFFFFFFF  }
0xa5: {  	s26 =	simm.s32 $execute0_lowered;
	[smem:$0x3FD2] =	sst s25  }
0xa6: {  	s5 =	sshll.u32 s26, $0x1;
	_ =	strace $0x80000049;
	[dreg:$0x1] =	wrdreg $0xFFFFFFFF  }
0xa7: {  	s28 =	simm.s32 $_size_execute0_lowered;
	s3 =	sadd.s32 s3, s5;
	[dreg:$0x0] =	wrdreg $0x0  }
0xa8: {  	s5 =	sshll.u32 s28, $0x1;
	[dreg:$0x2] =	wrdreg s3  }
0xa9: {  	[dreg:$0x3] =	wrdreg s5  }
0xaa: {  	[dreg:$0x4] =	wrdreg $0xC0  }
0xab: {  	_ =	task [dreg:s7], $0x5FFFF  }
0xac: {  	[dreg:$0x1] =	wrdreg $0xFFFFFFFF  }
0xad: {  	[dreg:$0x0] =	wrdreg $0x60  }
0xae: {  	[dreg:$0x2] =	wrdreg s24  }
0xaf: {  	[dreg:$0x3] =	wrdreg s2  }
0xb0: {  	[dreg:$0x4] =	wrdreg $0x9  }
0xb1: {  	_ =	task.clear_ibuf [dreg:s7], $0x5FFFF;
	_ =	strace $0x90000049  }
0xb2: {  	s29 =	simm.s32 $0x9;
	_ =	strace $0x8000004B  }
0xb3: {  	_ =	swait.ge [sflag:s29], $0x1  }
0xb4: {  	[sflag:s29] =	ssyncadd.s32 $0xFFFFFFFF  }
0xb5: {  	_ =	strace $0x9000004B  }
0xb6: {  	_ =	sfence  }
0xb7: {  	s30 =	sld [smem:$0x0];
	_ =	sdelay $0x2  }
0xb8: {  	s31 =	sshll.u32 s1, $0xD;
	s1 =	sshrl.u32 s1, $0x2  }
0xb9: {  	s3 =	sand.u32 $0x4000, s31;
	s1 =	sadd.s32 s1, s30  }
0xba: {  	s0 =	sor.u32 s3, s0;
	s1 =	sshll.u32 s1, $0x11  }
0xbb: {  	s0 =	sor.u32 s1, s0  }
0xbc: {  	s0 =	sadd.s32 $0x8F2B, s0  }
0xbd: {  	[sflag:s0] =	ssyncadd.remote.s32 $0x1  }
0xbe: {  	_ =	sfence.sel $0xFFFF  }
0xbf: {  	[dreg:$0x0] =	wrdreg $0xFFFFFFFF;
	(pc) =	sbr.abs _section_cstart, $3  }
0xc0: {  	[dreg:$0x1] =	wrdreg $0xFFFFFFFF  }
0xc1: {  	_ =	task.clear_ibuf [dreg:s7], $0x2FFFF;
	_ =	strace $0x9FFFFFFF  }
0xc2: {  	(tm) =	ssettm $0x7FFFFFFF  }
0xc3: {  	_ =	shalt  }
tec
execute0_lowered:
.L_overlay_start_1:
0x0: {  	(tag) =	ssettag $0x1  }
0x1: {  	s5 =	rddreg [dreg:$0x0]  }
0x2: {  	s0 =	srdreg.scid;
	s2 =	rddreg [dreg:$0x1];
	s3 =	simm.s32 $0x0  }
0x3: {  	s11 =	simm.s32 $0x2720;
	s12 =	simm.s32 $0x4E40;
	s4 =	sand.u32 $0x1, s0  }
0x4: {  	s13 =	simm.s32 $0x6240;
	s0 =	stileid.u32;
	s1 =	sshll.u32 s4, $0x4  }
0x5: {  	s14 =	simm.s32 $0x7640;
	s15 =	simm.s32 $0x8A40;
	s6 =	sor.u32 s0, s1  }
0x6: {  	s16 =	simm.s32 $0x0;
	[smem:$0x7FF] =	sst s3;
	s7 =	smul.u32 $0x280, s6  }
0x7: {  	s8 =	ssub.s32 $0x2, s4;
	s4 =	sadd.s32 $0xC600, s5;
	s6 =	smul.u32 $0x271, s6  }
0x8: {  	s1 =	rddreg [dreg:$0x2];
	_ =	strace $0x8000004A;
	s9 =	sshrl.u32 s8, $0x1  }
0x9: {  	s9 =	ssub.s32 s8, s9;
	s7 =	sadd.s32 s7, s5;
	s10 =	sadd.s32 s6, s5  }
0xa: {  	s9 =	smax.u32 s9, $0x1;
	s5 =	sadd.s32 $0x2AE00, s10;
	s6 =	sadd.s32 $0x2600, s7  }
0xb: {  	s7 =	sadd.s32 $0x7600, s7;
	s8 =	sadd.s32 $0xCC00, s10;
	s10 =	simm.s32 $0x1  }
.LBB2_1:
0xc: {  	[tilespmem:s3], [sflag:$0x1] =	stream.linear.gather [hbm4b:s4+s3], $0x2710, $0x38;
	[tilespmem:$0x9E40] =	vst v63  }
0xd: {  	_ =	swait.ge [sflag:s10], $0x2710  }
0xe: {  	[sflag:s10] =	ssyncset.done $0x0  }
0xf: {  	[sflag:s10] =	ssyncadd.s32 $0xFFFFD8F0  }
0x10: {  	[tilespmem:s11], [sflag:$0x1] =	stream.linear.gather [hbm4b:s2+s3], $0x2710, $0x38;
	[tilespmem:$0x9E40] =	vst v63  }
0x11: {  	_ =	swait.ge [sflag:s10], $0x2710  }
0x12: {  	[sflag:s10] =	ssyncset.done $0x0  }
0x13: {  	[sflag:s10] =	ssyncadd.s32 $0xFFFFD8F0  }
0x14: {  	[tilespmem:s12], [sflag:$0x1] =	stream.linear.gather [hbm4b:s5+s3], $0x1388, $0x38;
	[tilespmem:$0x9E40] =	vst v63  }
0x15: {  	_ =	swait.ge [sflag:s10], $0x1388  }
0x16: {  	[sflag:s10] =	ssyncset.done $0x0  }
0x17: {  	[sflag:s10] =	ssyncadd.s32 $0xFFFFEC78  }
0x18: {  	[tilespmem:s13], [sflag:$0x1] =	stream.linear.gather [hbm4b:s6+s3], $0x1400, $0x38;
	[tilespmem:$0x9E40] =	vst v63  }
0x19: {  	_ =	swait.ge [sflag:s10], $0x1400  }
0x1a: {  	[sflag:s10] =	ssyncset.done $0x0  }
0x1b: {  	[sflag:s10] =	ssyncadd.s32 $0xFFFFEC00  }
0x1c: {  	[tilespmem:s14], [sflag:$0x1] =	stream.linear.gather [hbm4b:s7+s3], $0x1400, $0x38;
	[tilespmem:$0x9E40] =	vst v63  }
0x1d: {  	_ =	swait.ge [sflag:s10], $0x1400  }
0x1e: {  	[sflag:s10] =	ssyncset.done $0x0  }
0x1f: {  	s17 =	simm.s32 $0x0;
	[sflag:s10] =	ssyncadd.s32 $0xFFFFEC00  }
0x20: {  	v0 =	vld [tilespmem:s17+$0x7640]  }
0x21: {  	v1 =	vld [tilespmem:s17+$0x6240];
	_ =	sdelay $0x6  }
0x22: {  	v0 =	vld.idx.msk [tilespmem:v0+s11+$0x0], $0xffff  }
0x23: {  	v2 =	vld.idx.msk [tilespmem:v1+s3+$0x0], $0xffff  }
0x24: {  	s18 =	simm.s32 $0x10;
	v3 =	vld [tilespmem:s17+$0x4E40]  }
0x25: {  	s19 =	simm.s32 $0x80;
	v1 =	vld [tilespmem:s18+$0x7640]  }
.LBB2_2:
0x26: {  	p0 =	sne.s32 s19, $0x4FC0;
	v4 =	vld [tilespmem:s18+$0x6240];
	_ =	sdelay $0x1  }
0x27: {  	v0 =	vadd.f32 v0, v2;
	_ =	sdelay $0x1  }
0x28: {  	v0 =	vadd.f32 v3, v0;
	_ =	sdelay $0x1  }
0x29: {  	[tilespmem:s17+$0x8A40] =	vst v0;
	s17 =	smov.u32 s18  }
.Ltmp0:
0x2a: {  	v0 =	vld.idx.msk [tilespmem:v1+s11+$0x0], $0xffff;
	(pc) =	sbr.rel @p0 .LBB2_2-.Ltmp0, $3  }
0x2b: {  	v2 =	vld.idx.msk [tilespmem:v4+s3+$0x0], $0xffff;
	_ =	sdelay $0x1  }
0x2c: {  	s18 =	sshra.s32 s19, $0x2;
	v3 =	vld [tilespmem:s17+$0x4E40]  }
0x2d: {  	s19 =	sadd.s32 $0x40, s19;
	v1 =	vld [tilespmem:s18+$0x7640]  }
0x2e: {  	_ = 	snop  }
0x2f: {  	v4 =	vld [tilespmem:s18+$0x6240];
	_ =	sdelay $0x1  }
0x30: {  	v0 =	vadd.f32 v0, v2;
	_ =	sdelay $0x1  }
0x31: {  	v0 =	vadd.f32 v3, v0;
	_ =	sdelay $0x1  }
0x32: {  	[tilespmem:s17+$0x8A40] =	vst v0  }
0x33: {  	v0 =	vld.idx.msk [tilespmem:v1+s11+$0x0], $0xffff  }
0x34: {  	v62 =	vld.idx.msk [tilespmem:v4+s3+$0x0], $0xffff;
	_ =	sdelay $0x1  }
0x35: {  	v63 =	vld [tilespmem:s18+$0x4E40];
	_ =	sdelay $0x2  }
0x36: {  	v0 =	vadd.f32 v0, v62;
	_ =	sdelay $0x1  }
0x37: {  	s16 =	sadd.s32 $0x1, s16;
	v0 =	vadd.f32 v63, v0  }
0x38: {  	p0 =	sne.s32 s16, s9  }
.Ltmp1:
0x39: {  	[tilespmem:s18+$0x8A40] =	vst v0;
	(pc) =	sbr.rel @p0 .LBB2_1-.Ltmp1, $4  }
0x3a: {  	[hbm4b:s8+s3] =	stream.linear.scatter [tilespmem:s15], [sflag:$0x1], $0x1388, $0x38;
	[tilespmem:$0x9E40] =	vst v63  }
0x3b: {  	_ =	swait.ge [sflag:s10], $0x1388  }
0x3c: {  	[sflag:s10] =	ssyncset.done $0x0  }
0x3d: {  	[sflag:s10] =	ssyncadd.s32 $0xFFFFEC78  }
0x3e: {  	_ =	sfence.sel $0x180000  }
0x3f: {  	[bflag:$0x0] =	sbarrier.arrive $0xFFFF  }
0x40: {  	p0 =	sne.s32 s0, $0x0;
	_ =	strace $0x9000004A  }
0x41: {  	s0 =	sadd.s32 @!p0 $0x100000, s1;
	[bflag:$0x2] =	sbarrier.arrive $0xFFFF  }
0x42: {  	[sflag:s0] =	ssyncadd.tile.s32 @!p0 $0x1;
	_ =	shalt  }
.Lfunc_end2:
_tile_overlayer_lowered:
.L_overlay_start_2:
0x43: {  	(tag) =	ssettag $0x2  }
0x44: {  	s0 =	rddreg [dreg:$0x0];
	s2 =	stileid.u32  }
0x45: {  	s1 =	rddreg [dreg:$0x1];
	p0 =	sne.s32 s2, $0x0  }
0x46: {  	s3 =	rddreg [dreg:$0x2];
	[bflag:$0x3] =	sbarrier.arrive $0xFFFF;
	s2 =	simm.s32 @!p0 $0x1C01  }
0x47: {  	[timem:s3], [sflag:s2] =	dma.local @!p0 [hbm:s0], s1  }
0x48: {  	s0 =	simm.s32 @!p0 $0x1  }
0x49: {  	_ =	swait.ge @!p0 [sflag:s0], s1  }
0x4a: {  	s1 =	ssub.s32 @!p0 $0x0, s1;
	[sflag:s0] =	ssyncset.done @!p0 $0x0  }
0x4b: {  	[sflag:s0] =	ssyncadd.s32 @!p0 s1  }
0x4c: {  	[bflag:$0x3] =	sbarrier.arrive $0xFFFF  }
0x4d: {  	_ =	shalt  }

// kernel: kernel.7.cloned.1.call-start
scs
__scs_entry_jumppad:
0x0: {  	(pc) =	sbr.rel $0x88, $3  }
0x1: {  	(tag) =	ssettag $0x0;
	lr =	simm.s32 $0x1  }
0x2: {  	[smem:$0x3F90] =	sst lr;
	_ =	strace $0xD0000000  }
0x3: {  	_ = 	snop  }
0x4: {  	_ = 	snop  }
0x5: {  	_ = 	snop  }
0x6: {  	_ = 	snop  }
0x7: {  	_ = 	snop  }
__scs_overlays_trampoline_lowered:
0x8: {  	[smem:$0x3F9F] =	sst s0  }
0x9: {  	[smem:$0x3FA0] =	sst s1  }
0xa: {  	[smem:$0x3FA1] =	sst s2  }
0xb: {  	[smem:$0x3FA2] =	sst s3  }
0xc: {  	[smem:$0x3FA3] =	sst s4  }
0xd: {  	[smem:$0x3FA4] =	sst s5  }
0xe: {  	[smem:$0x3FA5] =	sst s6  }
0xf: {  	[smem:$0x3FA6] =	sst s7  }
0x10: {  	[smem:$0x3FA7] =	sst s8  }
0x11: {  	[smem:$0x3FA8] =	sst s9;
	s0 =	simm.s32 @!p0 $0x0  }
0x12: {  	s1 =	sld [smem:$0x3F8E];
	s0 =	simm.s32 @p0 $0x1  }
0x13: {  	[smem:$0x3FA9] =	sst s0;
	s0 =	simm.s32 @!p1 $0x0  }
0x14: {  	s2 =	sld [smem:$0x3F8D];
	s0 =	simm.s32 @p1 $0x1  }
0x15: {  	[smem:$0x3FAA] =	sst s0;
	s0 =	simm.s32 @!p2 $0x0  }
0x16: {  	s3 =	sld [smem:$0x3FDB];
	s0 =	simm.s32 @p2 $0x1  }
0x17: {  	s4 =	simm.s32 $0x1BF5;
	[smem:$0x3FAC] =	sst s0  }
0x18: {  	s0 =	sld [smem:$0x3F8F];
	_ =	swait.ge [sflag:s4], $0x0  }
0x19: {  	s7 =	sld [smem:$0x3F90]  }
0x1a: {  	s8 =	sadd.s32 $0xFFFFE003, lr  }
0x1b: {  	s9 =	sadd.s32 $0xFFFFFEF7, lr;
	s5 =	simm.s32 $0xFFFFFFFF;
	p2 =	slt.u32 s8, $0xFFFFF086  }
0x1c: {  	p1 =	slt.u32 s9, $0xF7A;
	s5 =	simm.s32 @!p2 $0x0  }
0x1d: {  	s5 =	simm.s32 @p1 $0x1;
	p0 =	seq.s32 s7, s2  }
0x1e: {  	s7 =	smul.u32 @!p0 $0xF7A, s2;
	p2 =	seq.s32 @!p0 s5, $0x0  }
0x1f: {  	s9 =	smul.u32 $0xF7A, s1;
	s8 =	simm.s32 @!p0 $0x1BF5;
	p2 =	por !p2, p0  }
0x20: {  	[sflag:s8] =	ssyncset.s32 @!p0 $0xFFFFF086;
	s6 =	sadd.s32 @!p0 s3, s7;
	s7 =	simm.s32 @!p0 $0x108  }
0x21: {  	s3 =	sadd.s32 s3, s9;
	s6 =	sadd.s32 @!p0 $0x88, s6;
	s7 =	simm.s32 @p2 $0x1082  }
0x22: {  	[simem:s7], [sflag:s8] =	dma.local @!p0 [hbm:s6], $0xF7A  }
0x23: {  	s9 =	sor.u32 $0xD0000000, s2;
	s6 =	simm.s32 $0x108;
	_ =	swait.ge @!p0 [sflag:s8], $0x0  }
0x24: {  	s3 =	sadd.s32 $0x88, s3;
	s6 =	simm.s32 @!p1 $0x1082;
	[sflag:s4] =	ssyncset.s32 $0xFFFFF086  }
0x25: {  	[simem:s6], [sflag:s4] =	dma.local [hbm:s3], $0xF7A  }
0x26: {  	[smem:$0x3F90] =	sst s1;
	(tag) =	ssettag s2;
	_ =	strace s9  }
0x27: {  	s1 =	sld [smem:$0x3FA0]  }
0x28: {  	s2 =	sld [smem:$0x3FA1]  }
0x29: {  	s4 =	sld [smem:$0x3FA3]  }
0x2a: {  	p0 =	seq.s32 s5, $0x0;
	s5 =	sld [smem:$0x3FA4]  }
0x2b: {  	s6 =	sld [smem:$0x3FA5]  }
0x2c: {  	s7 =	sld [smem:$0x3FA6]  }
0x2d: {  	s3 =	simm.s32 $0x108;
	s8 =	sld [smem:$0x3FA7]  }
0x2e: {  	s3 =	simm.s32 @!p0 $0x1082;
	s9 =	sld [smem:$0x3FA8]  }
0x2f: {  	lr =	sadd.s32 s0, s3;
	s0 =	sld [smem:$0x3F9F]  }
0x30: {  	s3 =	sld [smem:$0x3FA2]  }
0x31: {  	[smem:$0x3FAB] =	sst s10  }
0x32: {  	s10 =	sld [smem:$0x3FA9];
	_ =	sdelay $0x3  }
0x33: {  	p0 =	seq.s32 s10, $0x1;
	s10 =	sld [smem:$0x3FAB];
	_ =	sdelay $0x3  }
0x34: {  	[smem:$0x3FAB] =	sst s10  }
0x35: {  	s10 =	sld [smem:$0x3FAA];
	_ =	sdelay $0x3  }
0x36: {  	p1 =	seq.s32 s10, $0x1;
	s10 =	sld [smem:$0x3FAB];
	_ =	sdelay $0x3  }
0x37: {  	[smem:$0x3FAB] =	sst s10  }
0x38: {  	s10 =	sld [smem:$0x3FAC]  }
0x39: {  	_ = 	snop;
	(pc) =	sbr.ind lr, $3  }
0x3a: {  	_ = 	snop  }
0x3b: {  	_ = 	snop  }
0x3c: {  	p2 =	seq.s32 s10, $0x1;
	s10 =	sld [smem:$0x3FAB]  }
0x3d: {  	_ =	shalt  }
0x3e: {  	_ =	shalt  }
0x3f: {  	_ =	shalt  }
0x40: {  	_ =	shalt  }
0x41: {  	_ =	shalt  }
0x42: {  	_ =	shalt  }
0x43: {  	_ =	shalt  }
0x44: {  	_ =	shalt  }
0x45: {  	_ =	shalt  }
0x46: {  	_ =	shalt  }
0x47: {  	_ =	shalt  }
0x48: {  	_ =	shalt  }
0x49: {  	_ =	shalt  }
0x4a: {  	_ =	shalt  }
0x4b: {  	_ =	shalt  }
0x4c: {  	_ =	shalt  }
0x4d: {  	_ =	shalt  }
0x4e: {  	_ =	shalt  }
0x4f: {  	_ =	shalt  }
0x50: {  	_ =	shalt  }
0x51: {  	_ =	shalt  }
0x52: {  	_ =	shalt  }
0x53: {  	_ =	shalt  }
0x54: {  	_ =	shalt  }
0x55: {  	_ =	shalt  }
0x56: {  	_ =	shalt  }
0x57: {  	_ =	shalt  }
0x58: {  	_ =	shalt  }
0x59: {  	_ =	shalt  }
0x5a: {  	_ =	shalt  }
0x5b: {  	_ =	shalt  }
0x5c: {  	_ =	shalt  }
0x5d: {  	_ =	shalt  }
0x5e: {  	_ =	shalt  }
0x5f: {  	_ =	shalt  }
0x60: {  	_ =	shalt  }
0x61: {  	_ =	shalt  }
0x62: {  	_ =	shalt  }
0x63: {  	_ =	shalt  }
0x64: {  	_ =	shalt  }
0x65: {  	_ =	shalt  }
0x66: {  	_ =	shalt  }
0x67: {  	_ =	shalt  }
0x68: {  	_ =	shalt  }
0x69: {  	_ =	shalt  }
0x6a: {  	_ =	shalt  }
0x6b: {  	_ =	shalt  }
0x6c: {  	_ =	shalt  }
0x6d: {  	_ =	shalt  }
0x6e: {  	_ =	shalt  }
0x6f: {  	_ =	shalt  }
0x70: {  	_ =	shalt  }
0x71: {  	_ =	shalt  }
0x72: {  	_ =	shalt  }
0x73: {  	_ =	shalt  }
0x74: {  	_ =	shalt  }
0x75: {  	_ =	shalt  }
0x76: {  	_ =	shalt  }
0x77: {  	_ =	shalt  }
0x78: {  	_ =	shalt  }
0x79: {  	_ =	shalt  }
0x7a: {  	_ =	shalt  }
0x7b: {  	_ =	shalt  }
0x7c: {  	_ =	shalt  }
0x7d: {  	_ =	shalt  }
0x7e: {  	_ =	shalt  }
0x7f: {  	_ =	shalt  }
0x80: {  	_ =	shalt  }
0x81: {  	_ =	shalt  }
0x82: {  	_ =	shalt  }
0x83: {  	_ =	shalt  }
0x84: {  	_ =	shalt  }
0x85: {  	_ =	shalt  }
0x86: {  	_ =	shalt  }
0x87: {  	_ =	shalt  }
.Lfunc_end0:
.L_simem_size_0:
called_computation_lowered:
.L_overlay_start_0:
0x88: {  	s2 =	sld [smem:$0x3FD9]  }
0x89: {  	s3 =	sld [smem:$0x3FFE];
	_ =	sdelay $0x1  }
0x8a: {  	s1 =	srdreg.scid  }
0x8b: {  	s0 =	sand.u32 $0x1, s1  }
0x8c: {  	s17 =	sshll.u32 s0, $0xA;
	s2 =	sadd.s32 s3, s2  }
0x8d: {  	s2 =	sadd.s32 s2, s17  }
0x8e: {  	[smem:$0x3FB7] =	sst s2  }
0x8f: {  	_ = 	snop  }
0x90: {  	s2 =	sld [smem:$0x3FD0];
	(tm) =	ssettm $0x1  }
0x91: {  	s18 =	sld [smem:$0x3FFB];
	_ =	sdelay $0x3  }
0x92: {  	_ =	strace s18  }
0x93: {  	s3 =	sld [smem:$0x3FFC];
	_ =	sdelay $0x3  }
0x94: {  	_ =	strace s3  }
0x95: {  	s3 =	sld [smem:$0x3FFD];
	_ =	sdelay $0x3  }
0x96: {  	_ =	strace s3  }
0x97: {  	_ =	strace $0x8FFFFFFF  }
0x98: {  	s19 =	sld [smem:$0x3FDB];
	_ =	sdelay $0x1  }
0x99: {  	s4 =	simm.s32 $_scs_section_size  }
0x9a: {  	s5 =	simm.s32 $_size__tile_overlayer_lowered;
	s6 =	simm.s32 $_tile_overlayer_lowered  }
0x9b: {  	s22 =	simm.s32 $0x1BFF;
	s21 =	sshll.u32 s6, $0x1;
	s3 =	sadd.s32 s4, s19  }
0x9c: {  	s7 =	simm.s32 $0x0;
	s20 =	sshll.u32 s5, $0x1;
	s5 =	sadd.s32 s21, s3  }
0x9d: {  	[timem:s7], [sflag:s22] =	dma.local [hbm:s5], s20  }
0x9e: {  	_ =	swait.ge [sflag:s22], s20  }
0x9f: {  	s4 =	ssub.s32 $0x0, s20;
	[sflag:s22] =	ssyncset.done $0x0  }
0xa0: {  	[sflag:s22] =	ssyncadd.s32 s4;
	_ =	sdelay $0x1  }
0xa1: {  	s23 =	simm.s32 $0x1B8B  }
0xa2: {  	_ =	swait.ge [sflag:s23], $0x1  }
0xa3: {  	[sflag:s23] =	ssyncset.done $0x0  }
0xa4: {  	s25 =	simm.s32 $0x1B8E;
	s24 =	sld [smem:$0x3FFE];
	[sflag:s23] =	ssyncadd.s32 $0xFFFFFFFF  }
0xa5: {  	s26 =	simm.s32 $execute0_lowered;
	[smem:$0x3FD2] =	sst s25  }
0xa6: {  	s5 =	sshll.u32 s26, $0x1;
	_ =	strace $0x80000046;
	[dreg:$0x1] =	wrdreg $0xFFFFFFFF  }
0xa7: {  	s28 =	simm.s32 $_size_execute0_lowered;
	s3 =	sadd.s32 s3, s5;
	[dreg:$0x0] =	wrdreg $0x0  }
0xa8: {  	s5 =	sshll.u32 s28, $0x1;
	[dreg:$0x2] =	wrdreg s3  }
0xa9: {  	[dreg:$0x3] =	wrdreg s5  }
0xaa: {  	[dreg:$0x4] =	wrdreg $0xC0  }
0xab: {  	_ =	task [dreg:s7], $0x5FFFF  }
0xac: {  	[dreg:$0x1] =	wrdreg $0xFFFFFFFF  }
0xad: {  	[dreg:$0x0] =	wrdreg $0x60  }
0xae: {  	[dreg:$0x2] =	wrdreg s24  }
0xaf: {  	[dreg:$0x3] =	wrdreg s2  }
0xb0: {  	[dreg:$0x4] =	wrdreg $0x0  }
0xb1: {  	[dreg:$0x5] =	wrdreg $0xA0000  }
0xb2: {  	[dreg:$0x6] =	wrdreg $0x50000  }
0xb3: {  	[dreg:$0x7] =	wrdreg $0x9  }
0xb4: {  	_ =	task.clear_ibuf [dreg:s7], $0x8FFFF;
	_ =	strace $0x90000046  }
0xb5: {  	s29 =	simm.s32 $0x9;
	_ =	strace $0x80000048  }
0xb6: {  	_ =	swait.ge [sflag:s29], $0x1  }
0xb7: {  	[sflag:s29] =	ssyncadd.s32 $0xFFFFFFFF  }
0xb8: {  	_ =	strace $0x90000048  }
0xb9: {  	_ =	sfence  }
0xba: {  	s30 =	sld [smem:$0x0];
	_ =	sdelay $0x2  }
0xbb: {  	s31 =	sshll.u32 s1, $0xD;
	s1 =	sshrl.u32 s1, $0x2  }
0xbc: {  	s3 =	sand.u32 $0x4000, s31;
	s1 =	sadd.s32 s1, s30  }
0xbd: {  	s0 =	sor.u32 s3, s0;
	s1 =	sshll.u32 s1, $0x11  }
0xbe: {  	s0 =	sor.u32 s1, s0  }
0xbf: {  	s0 =	sadd.s32 $0x8F2B, s0  }
0xc0: {  	[sflag:s0] =	ssyncadd.remote.s32 $0x1  }
0xc1: {  	_ =	sfence.sel $0xFFFF  }
0xc2: {  	[dreg:$0x0] =	wrdreg $0xFFFFFFFF;
	(pc) =	sbr.abs _section_cstart, $3  }
0xc3: {  	[dreg:$0x1] =	wrdreg $0xFFFFFFFF  }
0xc4: {  	_ =	task.clear_ibuf [dreg:s7], $0x2FFFF;
	_ =	strace $0x9FFFFFFF  }
0xc5: {  	(tm) =	ssettm $0x7FFFFFFF  }
tec
execute0_lowered:
.L_overlay_start_1:
0x0: {  	(tag) =	ssettag $0x1  }
0x1: {  	s0 =	rddreg [dreg:$0x0]  }
0x2: {  	s12 =	rddreg [dreg:$0x2]  }
0x3: {  	s1 =	srdreg.scid;
	s4 =	rddreg [dreg:$0x3]  }
0x4: {  	s19 =	stileid.u32;
	s5 =	rddreg [dreg:$0x4]  }
0x5: {  	s6 =	simm.s32 $0x0;
	s30 =	simm.s32 $0x5;
	s7 =	smul.u32 $0x7D00, s19  }
0x6: {  	s31 =	simm.s32 $0x6;
	s1 =	sand.u32 $0x1, s1;
	s8 =	smul.u32 $0x5000, s19  }
0x7: {  	[smem:$0x7FF] =	sst s6;
	s13 =	sadd.s32 $0x7600, s0;
	s17 =	sadd.s32 $0x16400, s0  }
0x8: {  	s14 =	smul.u32 $0x280, s19;
	s18 =	sadd.s32 $0x16600, s0;
	s22 =	sshll.u32 s19, $0x6  }
0x9: {  	p0 =	sgt.u32 s19, $0x9;
	_ =	strace $0x80000047;
	[dreg:$0x6] =	wrdreg s17  }
0xa: {  	s3 =	sshll.u32 s1, $0x4;
	s10 =	smul.u32 $0x50000, s1;
	[dreg:$0x7] =	wrdreg s18  }
0xb: {  	s20 =	ssub.s32 $0x2, s1;
	s17 =	smul.u32 $0x1400, s19;
	p1 =	sne.s32 s1, $0x0  }
0xc: {  	s1 =	simm.s32 $0x0;
	s3 =	sor.u32 s19, s3;
	s9 =	sshrl.u32 s7, $0x3  }
0xd: {  	s21 =	sshrl.u32 s14, $0x3;
	s18 =	sadd.s32 s8, s12;
	s7 =	sadd.s32 s7, s5  }
0xe: {  	s23 =	sadd.s32 s13, s14;
	s19 =	simm.s32 $0x2;
	s3 =	smul.u32 $0x280, s3  }
0xf: {  	s11 =	sadd.s32 s9, s0;
	s16 =	sadd.s32 s8, s10;
	s17 =	sshrl.u32 s17, $0x3  }
0x10: {  	s10 =	sadd.s32 s14, s4;
	[dreg:$0x9] =	wrdreg s23;
	s14 =	sadd.s32 s8, s5  }
0x11: {  	s8 =	simm.s32 $0x1;
	s17 =	sadd.s32 s13, s17;
	s11 =	sadd.s32 $0xC600, s11  }
0x12: {  	s9 =	sshrl.u32 s16, $0x3;
	[dreg:$0x8] =	wrdreg s11;
	s24 =	sadd.s32 $0x2800, s17  }
0x13: {  	s2 =	sadd.s32 s3, s0;
	s26 =	sadd.s32 s13, s3;
	[dreg:$0xa] =	wrdreg s24  }
0x14: {  	s15 =	sadd.s32 s9, s0;
	s17 =	sshrl.u32 s18, $0x3;
	[dreg:$0xd] =	wrdreg s26  }
0x15: {  	s0 =	sadd.s32 s21, s0;
	s9 =	sor.u32 $0x1C07, s22;
	[dreg:$0x11] =	wrdreg s17  }
0x16: {  	s23 =	simm.s32 $0x4;
	s0 =	sadd.s32 $0x2A800, s0;
	[dreg:$0x12] =	wrdreg s9  }
0x17: {  	s16 =	sshrl.u32 s20, $0x1;
	s25 =	sadd.s32 $0x2600, s2;
	[dreg:$0xb] =	wrdreg s0  }
0x18: {  	s16 =	ssub.s32 s20, s16;
	s28 =	sadd.s32 $0x16800, s15;
	[dreg:$0xc] =	wrdreg s25  }
0x19: {  	s21 =	simm.s32 $0x7;
	s29 =	smax.u32 s16, $0x1;
	[dreg:$0xe] =	wrdreg s28  }
0x1a: {  	s22 =	simm.s32 $0xCA80;
	[dreg:$0xf] =	wrdreg s29;
	s0 =	sshrl.u32 @!p0 s7, $0x3  }
0x1b: {  	s13 =	simm.s32 $0x3;
	s26 =	simm.s32 $0x80;
	[dreg:$0x10] =	wrdreg s0  }
.LBB2_1:
0x1c: {  	[dreg:$0x13] =	wrdreg s1  }
0x1d: {  	s0 =	rddreg [dreg:$0x1]  }
0x1e: {  	[spmem:s17], [sflag:s9] =	dma.local [hbm:s0], $0xA00  }
0x1f: {  	_ =	swait.ge [sflag:s21], $0xA00  }
0x20: {  	s2 =	simm.s32 $0x7;
	[sflag:s21] =	ssyncset.done $0x0  }
0x21: {  	s0 =	sshrl.u32 s10, $0x3;
	s1 =	rddreg [dreg:$0x6];
	[sflag:s21] =	ssyncadd.s32 $0xFFFFF600  }
0x22: {  	[spmem:s0], [sflag:s9] =	dma.local [hbm:s1], $0x50  }
0x23: {  	_ =	swait.ge [sflag:s2], $0x50  }
0x24: {  	s3 =	smov.u32 s10;
	[sflag:s2] =	ssyncset.done $0x0  }
0x25: {  	s10 =	simm.s32 $0x0;
	s1 =	rddreg [dreg:$0x7];
	[sflag:s2] =	ssyncadd.s32 $0xFFFFFFB0  }
0x26: {  	[tilespmem:s22], [sflag:$0x7] =	stream.linear.gather [hbm4b:s1+s10], $0x80, $0x38;
	[tilespmem:$0x14D80] =	vst v63  }
0x27: {  	_ =	swait.ge [sflag:s2], $0x80  }
0x28: {  	[sflag:s2] =	ssyncset.done $0x0;
	s0 =	rddreg [dreg:$0x8]  }
0x29: {  	s1 =	rddreg [dreg:$0x10];
	[sflag:s2] =	ssyncadd.s32 $0xFFFFFF80  }
0x2a: {  	[spmem:s1], [sflag:s9] =	dma.local @!p0 [hbm:s0], $0xFA0  }
0x2b: {  	s0 =	simm.s32 @!p0 $0x7  }
0x2c: {  	_ =	swait.ge @!p0 [sflag:s0], $0xFA0  }
0x2d: {  	[sflag:s0] =	ssyncset.done @!p0 $0x0  }
0x2e: {  	[sflag:s0] =	ssyncadd.s32 @!p0 $0xFFFFF060  }
0x2f: {  	[bflag:$0x0] =	sbarrier.arrive $0xFFFF  }
0x30: {  	s25 =	simm.s32 $0xA280;
	s9 =	rddreg [dreg:$0x9]  }
0x31: {  	[tilespmem:s25], [sflag:$0x7] =	stream.linear.gather [hbm4b:s9+s10], $0x1400, $0x38;
	[tilespmem:$0x14D80] =	vst v63  }
0x32: {  	_ =	swait.ge [sflag:s2], $0x1400  }
0x33: {  	[sflag:s2] =	ssyncset.done $0x0  }
0x34: {  	s20 =	simm.s32 $0xB680;
	s1 =	rddreg [dreg:$0xa];
	[sflag:s2] =	ssyncadd.s32 $0xFFFFEC00  }
0x35: {  	[tilespmem:s20], [sflag:$0x7] =	stream.linear.gather [hbm4b:s1+s10], $0x1400, $0x38;
	[tilespmem:$0x14D80] =	vst v63  }
0x36: {  	_ =	swait.ge [sflag:s2], $0x1400  }
0x37: {  	[sflag:s2] =	ssyncset.done $0x0  }
0x38: {  	[sflag:s2] =	ssyncadd.s32 $0xFFFFEC00  }
0x39: {  	[spmem:s4] =	stream.indirect.scatter.add.f32 [tilespmem:s22], [sflag:$0x1], $0x1, s25, s26, $0xb8;
	[tilespmem:$0x14D80] =	vst v63  }
0x3a: {  	s25 =	simm.s32 $0xB680  }
0x3b: {  	[spmem:s4] =	stream.indirect.scatter.add.f32 [tilespmem:s22], [sflag:$0x2], $0x1, s25, s26, $0xb8;
	[tilespmem:$0x14D80] =	vst v63  }
0x3c: {  	s2 =	simm.s32 $0xA300  }
0x3d: {  	[spmem:s4] =	stream.indirect.scatter.add.f32 [tilespmem:s22], [sflag:$0x1], $0x1, s2, s26, $0xb8;
	[tilespmem:$0x14D80] =	vst v63  }
0x3e: {  	s9 =	simm.s32 $0xB700  }
0x3f: {  	[spmem:s4] =	stream.indirect.scatter.add.f32 [tilespmem:s22], [sflag:$0x2], $0x1, s9, s26, $0xb8;
	[tilespmem:$0x14D80] =	vst v63  }
0x40: {  	s17 =	simm.s32 $0xA380  }
0x41: {  	[spmem:s4] =	stream.indirect.scatter.add.f32 [tilespmem:s22], [sflag:$0x1], $0x1, s17, s26, $0xb8;
	[tilespmem:$0x14D80] =	vst v63  }
0x42: {  	s17 =	simm.s32 $0xB780  }
0x43: {  	[spmem:s4] =	stream.indirect.scatter.add.f32 [tilespmem:s22], [sflag:$0x2], $0x1, s17, s26, $0xb8;
	[tilespmem:$0x14D80] =	vst v63  }
0x44: {  	s7 =	simm.s32 $0xA400  }
0x45: {  	[spmem:s4] =	stream.indirect.scatter.add.f32 [tilespmem:s22], [sflag:$0x1], $0x1, s7, s26, $0xb8;
	[tilespmem:$0x14D80] =	vst v63  }
0x46: {  	s7 =	simm.s32 $0xB800  }
0x47: {  	[spmem:s4] =	stream.indirect.scatter.add.f32 [tilespmem:s22], [sflag:$0x2], $0x1, s7, s26, $0xb8;
	[tilespmem:$0x14D80] =	vst v63  }
0x48: {  	s18 =	simm.s32 $0xA480  }
0x49: {  	[spmem:s4] =	stream.indirect.scatter.add.f32 [tilespmem:s22], [sflag:$0x1], $0x1, s18, s26, $0xb8;
	[tilespmem:$0x14D80] =	vst v63  }
0x4a: {  	s18 =	simm.s32 $0xB880  }
0x4b: {  	[spmem:s4] =	stream.indirect.scatter.add.f32 [tilespmem:s22], [sflag:$0x2], $0x1, s18, s26, $0xb8;
	[tilespmem:$0x14D80] =	vst v63  }
0x4c: {  	s28 =	simm.s32 $0xA500  }
0x4d: {  	[spmem:s4] =	stream.indirect.scatter.add.f32 [tilespmem:s22], [sflag:$0x1], $0x1, s28, s26, $0xb8;
	[tilespmem:$0x14D80] =	vst v63  }
0x4e: {  	s28 =	simm.s32 $0xB900  }
0x4f: {  	[spmem:s4] =	stream.indirect.scatter.add.f32 [tilespmem:s22], [sflag:$0x2], $0x1, s28, s26, $0xb8;
	[tilespmem:$0x14D80] =	vst v63  }
0x50: {  	s24 =	simm.s32 $0xA580  }
0x51: {  	[spmem:s4] =	stream.indirect.scatter.add.f32 [tilespmem:s22], [sflag:$0x1], $0x1, s24, s26, $0xb8;
	[tilespmem:$0x14D80] =	vst v63  }
0x52: {  	s20 =	simm.s32 $0xB980  }
0x53: {  	[spmem:s4] =	stream.indirect.scatter.add.f32 [tilespmem:s22], [sflag:$0x2], $0x1, s20, s26, $0xb8;
	[tilespmem:$0x14D80] =	vst v63  }
0x54: {  	s24 =	simm.s32 $0xA600  }
0x55: {  	[spmem:s4] =	stream.indirect.scatter.add.f32 [tilespmem:s22], [sflag:$0x1], $0x1, s24, s26, $0xb8;
	[tilespmem:$0x14D80] =	vst v63  }
0x56: {  	s6 =	simm.s32 $0xBA00  }
0x57: {  	[spmem:s4] =	stream.indirect.scatter.add.f32 [tilespmem:s22], [sflag:$0x2], $0x1, s6, s26, $0xb8;
	[tilespmem:$0x14D80] =	vst v63  }
0x58: {  	s10 =	smov.u32 s3;
	s3 =	simm.s32 $0xA680  }
0x59: {  	[spmem:s4] =	stream.indirect.scatter.add.f32 [tilespmem:s22], [sflag:$0x1], $0x1, s3, s26, $0xb8;
	[tilespmem:$0x14D80] =	vst v63  }
0x5a: {  	s15 =	simm.s32 $0xBA80  }
0x5b: {  	[spmem:s4] =	stream.indirect.scatter.add.f32 [tilespmem:s22], [sflag:$0x2], $0x1, s15, s26, $0xb8;
	[tilespmem:$0x14D80] =	vst v63  }
0x5c: {  	s16 =	simm.s32 $0xA700  }
0x5d: {  	[spmem:s4] =	stream.indirect.scatter.add.f32 [tilespmem:s22], [sflag:$0x1], $0x1, s16, s26, $0xb8;
	[tilespmem:$0x14D80] =	vst v63  }
0x5e: {  	s29 =	simm.s32 $0xBB00  }
0x5f: {  	[spmem:s4] =	stream.indirect.scatter.add.f32 [tilespmem:s22], [sflag:$0x2], $0x1, s29, s26, $0xb8;
	[tilespmem:$0x14D80] =	vst v63  }
0x60: {  	s29 =	simm.s32 $0xA780  }
0x61: {  	[spmem:s4] =	stream.indirect.scatter.add.f32 [tilespmem:s22], [sflag:$0x1], $0x1, s29, s26, $0xb8;
	[tilespmem:$0x14D80] =	vst v63  }
0x62: {  	s11 =	simm.s32 $0xBB80  }
0x63: {  	[spmem:s4] =	stream.indirect.scatter.add.f32 [tilespmem:s22], [sflag:$0x2], $0x1, s11, s26, $0xb8;
	[tilespmem:$0x14D80] =	vst v63  }
0x64: {  	s2 =	simm.s32 $0xA800  }
0x65: {  	[spmem:s4] =	stream.indirect.scatter.add.f32 [tilespmem:s22], [sflag:$0x1], $0x1, s2, s26, $0xb8;
	[tilespmem:$0x14D80] =	vst v63  }
0x66: {  	s21 =	simm.s32 $0xBC00  }
0x67: {  	[spmem:s4] =	stream.indirect.scatter.add.f32 [tilespmem:s22], [sflag:$0x2], $0x1, s21, s26, $0xb8;
	[tilespmem:$0x14D80] =	vst v63  }
0x68: {  	s11 =	simm.s32 $0xA880  }
0x69: {  	[spmem:s4] =	stream.indirect.scatter.add.f32 [tilespmem:s22], [sflag:$0x1], $0x1, s11, s26, $0xb8;
	[tilespmem:$0x14D80] =	vst v63  }
0x6a: {  	s15 =	simm.s32 $0xBC80  }
0x6b: {  	[spmem:s4] =	stream.indirect.scatter.add.f32 [tilespmem:s22], [sflag:$0x2], $0x1, s15, s26, $0xb8;
	[tilespmem:$0x14D80] =	vst v63  }
0x6c: {  	s16 =	simm.s32 $0xA900  }
0x6d: {  	[spmem:s4] =	stream.indirect.scatter.add.f32 [tilespmem:s22], [sflag:$0x1], $0x1, s16, s26, $0xb8;
	[tilespmem:$0x14D80] =	vst v63  }
0x6e: {  	s1 =	simm.s32 $0xBD00  }
0x6f: {  	[spmem:s4] =	stream.indirect.scatter.add.f32 [tilespmem:s22], [sflag:$0x2], $0x1, s1, s26, $0xb8;
	[tilespmem:$0x14D80] =	vst v63  }
0x70: {  	s6 =	simm.s32 $0xA980  }
0x71: {  	[spmem:s4] =	stream.indirect.scatter.add.f32 [tilespmem:s22], [sflag:$0x1], $0x1, s6, s26, $0xb8;
	[tilespmem:$0x14D80] =	vst v63  }
0x72: {  	s9 =	simm.s32 $0xBD80  }
0x73: {  	[spmem:s4] =	stream.indirect.scatter.add.f32 [tilespmem:s22], [sflag:$0x2], $0x1, s9, s26, $0xb8;
	[tilespmem:$0x14D80] =	vst v63  }
0x74: {  	s15 =	simm.s32 $0xAA00  }
0x75: {  	[spmem:s4] =	stream.indirect.scatter.add.f32 [tilespmem:s22], [sflag:$0x1], $0x1, s15, s26, $0xb8;
	[tilespmem:$0x14D80] =	vst v63  }
0x76: {  	s16 =	simm.s32 $0xBE00  }
0x77: {  	[spmem:s4] =	stream.indirect.scatter.add.f32 [tilespmem:s22], [sflag:$0x2], $0x1, s16, s26, $0xb8;
	[tilespmem:$0x14D80] =	vst v63  }
0x78: {  	s1 =	simm.s32 $0xAA80  }
0x79: {  	[spmem:s4] =	stream.indirect.scatter.add.f32 [tilespmem:s22], [sflag:$0x1], $0x1, s1, s26, $0xb8;
	[tilespmem:$0x14D80] =	vst v63  }
0x7a: {  	s6 =	simm.s32 $0xBE80  }
0x7b: {  	[spmem:s4] =	stream.indirect.scatter.add.f32 [tilespmem:s22], [sflag:$0x2], $0x1, s6, s26, $0xb8;
	[tilespmem:$0x14D80] =	vst v63  }
0x7c: {  	s9 =	simm.s32 $0xAB00  }
0x7d: {  	[spmem:s4] =	stream.indirect.scatter.add.f32 [tilespmem:s22], [sflag:$0x1], $0x1, s9, s26, $0xb8;
	[tilespmem:$0x14D80] =	vst v63  }
0x7e: {  	s15 =	simm.s32 $0xBF00  }
0x7f: {  	[spmem:s4] =	stream.indirect.scatter.add.f32 [tilespmem:s22], [sflag:$0x2], $0x1, s15, s26, $0xb8;
	[tilespmem:$0x14D80] =	vst v63  }
0x80: {  	s16 =	simm.s32 $0xAB80  }
0x81: {  	[spmem:s4] =	stream.indirect.scatter.add.f32 [tilespmem:s22], [sflag:$0x1], $0x1, s16, s26, $0xb8;
	[tilespmem:$0x14D80] =	vst v63  }
0x82: {  	s1 =	simm.s32 $0xBF80  }
0x83: {  	[spmem:s4] =	stream.indirect.scatter.add.f32 [tilespmem:s22], [sflag:$0x2], $0x1, s1, s26, $0xb8;
	[tilespmem:$0x14D80] =	vst v63  }
0x84: {  	s6 =	simm.s32 $0xAC00  }
0x85: {  	[spmem:s4] =	stream.indirect.scatter.add.f32 [tilespmem:s22], [sflag:$0x1], $0x1, s6, s26, $0xb8;
	[tilespmem:$0x14D80] =	vst v63  }
0x86: {  	s9 =	simm.s32 $0xC000  }
0x87: {  	[spmem:s4] =	stream.indirect.scatter.add.f32 [tilespmem:s22], [sflag:$0x2], $0x1, s9, s26, $0xb8;
	[tilespmem:$0x14D80] =	vst v63  }
0x88: {  	s15 =	simm.s32 $0xAC80  }
0x89: {  	[spmem:s4] =	stream.indirect.scatter.add.f32 [tilespmem:s22], [sflag:$0x1], $0x1, s15, s26, $0xb8;
	[tilespmem:$0x14D80] =	vst v63  }
0x8a: {  	s16 =	simm.s32 $0xC080  }
0x8b: {  	[spmem:s4] =	stream.indirect.scatter.add.f32 [tilespmem:s22], [sflag:$0x2], $0x1, s16, s26, $0xb8;
	[tilespmem:$0x14D80] =	vst v63  }
0x8c: {  	s1 =	simm.s32 $0xAD00  }
0x8d: {  	[spmem:s4] =	stream.indirect.scatter.add.f32 [tilespmem:s22], [sflag:$0x1], $0x1, s1, s26, $0xb8;
	[tilespmem:$0x14D80] =	vst v63  }
0x8e: {  	s6 =	simm.s32 $0xC100  }
0x8f: {  	[spmem:s4] =	stream.indirect.scatter.add.f32 [tilespmem:s22], [sflag:$0x2], $0x1, s6, s26, $0xb8;
	[tilespmem:$0x14D80] =	vst v63  }
0x90: {  	s9 =	simm.s32 $0xAD80  }
0x91: {  	[spmem:s4] =	stream.indirect.scatter.add.f32 [tilespmem:s22], [sflag:$0x1], $0x1, s9, s26, $0xb8;
	[tilespmem:$0x14D80] =	vst v63  }
0x92: {  	s15 =	simm.s32 $0xC180  }
0x93: {  	[spmem:s4] =	stream.indirect.scatter.add.f32 [tilespmem:s22], [sflag:$0x2], $0x1, s15, s26, $0xb8;
	[tilespmem:$0x14D80] =	vst v63  }
0x94: {  	s16 =	simm.s32 $0xAE00  }
0x95: {  	[spmem:s4] =	stream.indirect.scatter.add.f32 [tilespmem:s22], [sflag:$0x1], $0x1, s16, s26, $0xb8;
	[tilespmem:$0x14D80] =	vst v63  }
0x96: {  	s1 =	simm.s32 $0xC200  }
0x97: {  	[spmem:s4] =	stream.indirect.scatter.add.f32 [tilespmem:s22], [sflag:$0x2], $0x1, s1, s26, $0xb8;
	[tilespmem:$0x14D80] =	vst v63  }
0x98: {  	s6 =	simm.s32 $0xAE80  }
0x99: {  	[spmem:s4] =	stream.indirect.scatter.add.f32 [tilespmem:s22], [sflag:$0x1], $0x1, s6, s26, $0xb8;
	[tilespmem:$0x14D80] =	vst v63  }
0x9a: {  	s9 =	simm.s32 $0xC280  }
0x9b: {  	[spmem:s4] =	stream.indirect.scatter.add.f32 [tilespmem:s22], [sflag:$0x2], $0x1, s9, s26, $0xb8;
	[tilespmem:$0x14D80] =	vst v63  }
0x9c: {  	s15 =	simm.s32 $0xAF00  }
0x9d: {  	[spmem:s4] =	stream.indirect.scatter.add.f32 [tilespmem:s22], [sflag:$0x1], $0x1, s15, s26, $0xb8;
	[tilespmem:$0x14D80] =	vst v63  }
0x9e: {  	s16 =	simm.s32 $0xC300  }
0x9f: {  	[spmem:s4] =	stream.indirect.scatter.add.f32 [tilespmem:s22], [sflag:$0x2], $0x1, s16, s26, $0xb8;
	[tilespmem:$0x14D80] =	vst v63  }
0xa0: {  	s1 =	simm.s32 $0xAF80  }
0xa1: {  	[spmem:s4] =	stream.indirect.scatter.add.f32 [tilespmem:s22], [sflag:$0x1], $0x1, s1, s26, $0xb8;
	[tilespmem:$0x14D80] =	vst v63  }
0xa2: {  	s6 =	simm.s32 $0xC380  }
0xa3: {  	[spmem:s4] =	stream.indirect.scatter.add.f32 [tilespmem:s22], [sflag:$0x2], $0x1, s6, s26, $0xb8;
	[tilespmem:$0x14D80] =	vst v63  }
0xa4: {  	s9 =	simm.s32 $0xB000  }
0xa5: {  	[spmem:s4] =	stream.indirect.scatter.add.f32 [tilespmem:s22], [sflag:$0x1], $0x1, s9, s26, $0xb8;
	[tilespmem:$0x14D80] =	vst v63  }
0xa6: {  	s15 =	simm.s32 $0xC400  }
0xa7: {  	[spmem:s4] =	stream.indirect.scatter.add.f32 [tilespmem:s22], [sflag:$0x2], $0x1, s15, s26, $0xb8;
	[tilespmem:$0x14D80] =	vst v63  }
0xa8: {  	s16 =	simm.s32 $0xB080  }
0xa9: {  	[spmem:s4] =	stream.indirect.scatter.add.f32 [tilespmem:s22], [sflag:$0x1], $0x1, s16, s26, $0xb8;
	[tilespmem:$0x14D80] =	vst v63  }
0xaa: {  	s1 =	simm.s32 $0xC480  }
0xab: {  	[spmem:s4] =	stream.indirect.scatter.add.f32 [tilespmem:s22], [sflag:$0x2], $0x1, s1, s26, $0xb8;
	[tilespmem:$0x14D80] =	vst v63  }
0xac: {  	s6 =	simm.s32 $0xB100  }
0xad: {  	[spmem:s4] =	stream.indirect.scatter.add.f32 [tilespmem:s22], [sflag:$0x1], $0x1, s6, s26, $0xb8;
	[tilespmem:$0x14D80] =	vst v63  }
0xae: {  	s9 =	simm.s32 $0xC500  }
0xaf: {  	[spmem:s4] =	stream.indirect.scatter.add.f32 [tilespmem:s22], [sflag:$0x2], $0x1, s9, s26, $0xb8;
	[tilespmem:$0x14D80] =	vst v63  }
0xb0: {  	s15 =	simm.s32 $0xB180  }
0xb1: {  	[spmem:s4] =	stream.indirect.scatter.add.f32 [tilespmem:s22], [sflag:$0x1], $0x1, s15, s26, $0xb8;
	[tilespmem:$0x14D80] =	vst v63  }
0xb2: {  	s16 =	simm.s32 $0xC580  }
0xb3: {  	[spmem:s4] =	stream.indirect.scatter.add.f32 [tilespmem:s22], [sflag:$0x2], $0x1, s16, s26, $0xb8;
	[tilespmem:$0x14D80] =	vst v63  }
0xb4: {  	s1 =	simm.s32 $0xB200  }
0xb5: {  	[spmem:s4] =	stream.indirect.scatter.add.f32 [tilespmem:s22], [sflag:$0x1], $0x1, s1, s26, $0xb8;
	[tilespmem:$0x14D80] =	vst v63  }
0xb6: {  	s6 =	simm.s32 $0xC600  }
0xb7: {  	[spmem:s4] =	stream.indirect.scatter.add.f32 [tilespmem:s22], [sflag:$0x2], $0x1, s6, s26, $0xb8;
	[tilespmem:$0x14D80] =	vst v63  }
0xb8: {  	s9 =	simm.s32 $0xB280  }
0xb9: {  	[spmem:s4] =	stream.indirect.scatter.add.f32 [tilespmem:s22], [sflag:$0x1], $0x1, s9, s26, $0xb8;
	[tilespmem:$0x14D80] =	vst v63  }
0xba: {  	s15 =	simm.s32 $0xC680  }
0xbb: {  	[spmem:s4] =	stream.indirect.scatter.add.f32 [tilespmem:s22], [sflag:$0x2], $0x1, s15, s26, $0xb8;
	[tilespmem:$0x14D80] =	vst v63  }
0xbc: {  	s16 =	simm.s32 $0xB300  }
0xbd: {  	[spmem:s4] =	stream.indirect.scatter.add.f32 [tilespmem:s22], [sflag:$0x1], $0x1, s16, s26, $0xb8;
	[tilespmem:$0x14D80] =	vst v63  }
0xbe: {  	s1 =	simm.s32 $0xC700  }
0xbf: {  	[spmem:s4] =	stream.indirect.scatter.add.f32 [tilespmem:s22], [sflag:$0x2], $0x1, s1, s26, $0xb8;
	[tilespmem:$0x14D80] =	vst v63  }
0xc0: {  	s6 =	simm.s32 $0xB380  }
0xc1: {  	[spmem:s4] =	stream.indirect.scatter.add.f32 [tilespmem:s22], [sflag:$0x1], $0x1, s6, s26, $0xb8;
	[tilespmem:$0x14D80] =	vst v63  }
0xc2: {  	s9 =	simm.s32 $0xC780  }
0xc3: {  	[spmem:s4] =	stream.indirect.scatter.add.f32 [tilespmem:s22], [sflag:$0x2], $0x1, s9, s26, $0xb8;
	[tilespmem:$0x14D80] =	vst v63  }
0xc4: {  	s15 =	simm.s32 $0xB400  }
0xc5: {  	[spmem:s4] =	stream.indirect.scatter.add.f32 [tilespmem:s22], [sflag:$0x1], $0x1, s15, s26, $0xb8;
	[tilespmem:$0x14D80] =	vst v63  }
0xc6: {  	s16 =	simm.s32 $0xC800  }
0xc7: {  	[spmem:s4] =	stream.indirect.scatter.add.f32 [tilespmem:s22], [sflag:$0x2], $0x1, s16, s26, $0xb8;
	[tilespmem:$0x14D80] =	vst v63  }
0xc8: {  	s1 =	simm.s32 $0xB480  }
0xc9: {  	[spmem:s4] =	stream.indirect.scatter.add.f32 [tilespmem:s22], [sflag:$0x1], $0x1, s1, s26, $0xb8;
	[tilespmem:$0x14D80] =	vst v63  }
0xca: {  	s6 =	simm.s32 $0xC880  }
0xcb: {  	[spmem:s4] =	stream.indirect.scatter.add.f32 [tilespmem:s22], [sflag:$0x2], $0x1, s6, s26, $0xb8;
	[tilespmem:$0x14D80] =	vst v63  }
0xcc: {  	s9 =	simm.s32 $0xB500  }
0xcd: {  	[spmem:s4] =	stream.indirect.scatter.add.f32 [tilespmem:s22], [sflag:$0x1], $0x1, s9, s26, $0xb8;
	[tilespmem:$0x14D80] =	vst v63  }
0xce: {  	s15 =	simm.s32 $0xC900  }
0xcf: {  	[spmem:s4] =	stream.indirect.scatter.add.f32 [tilespmem:s22], [sflag:$0x2], $0x1, s15, s26, $0xb8;
	[tilespmem:$0x14D80] =	vst v63  }
0xd0: {  	s16 =	simm.s32 $0xB580  }
0xd1: {  	[spmem:s4] =	stream.indirect.scatter.add.f32 [tilespmem:s22], [sflag:$0x1], $0x1, s16, s26, $0xb8;
	[tilespmem:$0x14D80] =	vst v63  }
0xd2: {  	s1 =	simm.s32 $0xC980  }
0xd3: {  	[spmem:s4] =	stream.indirect.scatter.add.f32 [tilespmem:s22], [sflag:$0x2], $0x1, s1, s26, $0xb8;
	[tilespmem:$0x14D80] =	vst v63  }
0xd4: {  	s6 =	simm.s32 $0xB600  }
0xd5: {  	[spmem:s4] =	stream.indirect.scatter.add.f32 [tilespmem:s22], [sflag:$0x1], $0x1, s6, s26, $0xb8;
	[tilespmem:$0x14D80] =	vst v63  }
0xd6: {  	s9 =	simm.s32 $0xCA00  }
0xd7: {  	[spmem:s4] =	stream.indirect.scatter.add.f32 [tilespmem:s22], [sflag:$0x2], $0x1, s9, s26, $0xb8;
	[tilespmem:$0x14D80] =	vst v63  }
0xd8: {  	_ =	swait.ge [sflag:s8], $0x80  }
0xd9: {  	[sflag:s8] =	ssyncset.done $0x0  }
0xda: {  	[sflag:s8] =	ssyncadd.s32 $0xFFFFFF80  }
0xdb: {  	_ =	swait.ge [sflag:s19], $0x80  }
0xdc: {  	[sflag:s19] =	ssyncset.done $0x0  }
0xdd: {  	[sflag:s19] =	ssyncadd.s32 $0xFFFFFF80  }
0xde: {  	_ =	swait.ge [sflag:s8], $0x80  }
0xdf: {  	[sflag:s8] =	ssyncset.done $0x0  }
0xe0: {  	[sflag:s8] =	ssyncadd.s32 $0xFFFFFF80  }
0xe1: {  	_ =	swait.ge [sflag:s19], $0x80  }
0xe2: {  	[sflag:s19] =	ssyncset.done $0x0  }
0xe3: {  	[sflag:s19] =	ssyncadd.s32 $0xFFFFFF80  }
0xe4: {  	_ =	swait.ge [sflag:s8], $0x80  }
0xe5: {  	[sflag:s8] =	ssyncset.done $0x0  }
0xe6: {  	[sflag:s8] =	ssyncadd.s32 $0xFFFFFF80  }
0xe7: {  	_ =	swait.ge [sflag:s19], $0x80  }
0xe8: {  	[sflag:s19] =	ssyncset.done $0x0  }
0xe9: {  	[sflag:s19] =	ssyncadd.s32 $0xFFFFFF80  }
0xea: {  	_ =	swait.ge [sflag:s8], $0x80  }
0xeb: {  	[sflag:s8] =	ssyncset.done $0x0  }
0xec: {  	[sflag:s8] =	ssyncadd.s32 $0xFFFFFF80  }
0xed: {  	_ =	swait.ge [sflag:s19], $0x80  }
0xee: {  	[sflag:s19] =	ssyncset.done $0x0  }
0xef: {  	[sflag:s19] =	ssyncadd.s32 $0xFFFFFF80  }
0xf0: {  	_ =	swait.ge [sflag:s8], $0x80  }
0xf1: {  	[sflag:s8] =	ssyncset.done $0x0  }
0xf2: {  	[sflag:s8] =	ssyncadd.s32 $0xFFFFFF80  }
0xf3: {  	_ =	swait.ge [sflag:s19], $0x80  }
0xf4: {  	[sflag:s19] =	ssyncset.done $0x0  }
0xf5: {  	[sflag:s19] =	ssyncadd.s32 $0xFFFFFF80  }
0xf6: {  	_ =	swait.ge [sflag:s8], $0x80  }
0xf7: {  	[sflag:s8] =	ssyncset.done $0x0  }
0xf8: {  	[sflag:s8] =	ssyncadd.s32 $0xFFFFFF80  }
0xf9: {  	_ =	swait.ge [sflag:s19], $0x80  }
0xfa: {  	[sflag:s19] =	ssyncset.done $0x0  }
0xfb: {  	[sflag:s19] =	ssyncadd.s32 $0xFFFFFF80  }
0xfc: {  	_ =	swait.ge [sflag:s8], $0x80  }
0xfd: {  	[sflag:s8] =	ssyncset.done $0x0  }
0xfe: {  	[sflag:s8] =	ssyncadd.s32 $0xFFFFFF80  }
0xff: {  	_ =	swait.ge [sflag:s19], $0x80  }
0x100: {  	[sflag:s19] =	ssyncset.done $0x0  }
0x101: {  	[sflag:s19] =	ssyncadd.s32 $0xFFFFFF80  }
0x102: {  	_ =	swait.ge [sflag:s8], $0x80  }
0x103: {  	[sflag:s8] =	ssyncset.done $0x0  }
0x104: {  	[sflag:s8] =	ssyncadd.s32 $0xFFFFFF80  }
0x105: {  	_ =	swait.ge [sflag:s19], $0x80  }
0x106: {  	[sflag:s19] =	ssyncset.done $0x0  }
0x107: {  	[sflag:s19] =	ssyncadd.s32 $0xFFFFFF80  }
0x108: {  	_ =	swait.ge [sflag:s8], $0x80  }
0x109: {  	[sflag:s8] =	ssyncset.done $0x0  }
0x10a: {  	[sflag:s8] =	ssyncadd.s32 $0xFFFFFF80  }
0x10b: {  	_ =	swait.ge [sflag:s19], $0x80  }
0x10c: {  	[sflag:s19] =	ssyncset.done $0x0  }
0x10d: {  	[sflag:s19] =	ssyncadd.s32 $0xFFFFFF80  }
0x10e: {  	_ =	swait.ge [sflag:s8], $0x80  }
0x10f: {  	[sflag:s8] =	ssyncset.done $0x0  }
0x110: {  	[sflag:s8] =	ssyncadd.s32 $0xFFFFFF80  }
0x111: {  	_ =	swait.ge [sflag:s19], $0x80  }
0x112: {  	[sflag:s19] =	ssyncset.done $0x0  }
0x113: {  	[sflag:s19] =	ssyncadd.s32 $0xFFFFFF80  }
0x114: {  	_ =	swait.ge [sflag:s8], $0x80  }
0x115: {  	[sflag:s8] =	ssyncset.done $0x0  }
0x116: {  	[sflag:s8] =	ssyncadd.s32 $0xFFFFFF80  }
0x117: {  	_ =	swait.ge [sflag:s19], $0x80  }
0x118: {  	[sflag:s19] =	ssyncset.done $0x0  }
0x119: {  	[sflag:s19] =	ssyncadd.s32 $0xFFFFFF80  }
0x11a: {  	_ =	swait.ge [sflag:s8], $0x80  }
0x11b: {  	[sflag:s8] =	ssyncset.done $0x0  }
0x11c: {  	[sflag:s8] =	ssyncadd.s32 $0xFFFFFF80  }
0x11d: {  	_ =	swait.ge [sflag:s19], $0x80  }
0x11e: {  	[sflag:s19] =	ssyncset.done $0x0  }
0x11f: {  	[sflag:s19] =	ssyncadd.s32 $0xFFFFFF80  }
0x120: {  	_ =	swait.ge [sflag:s8], $0x80  }
0x121: {  	[sflag:s8] =	ssyncset.done $0x0  }
0x122: {  	[sflag:s8] =	ssyncadd.s32 $0xFFFFFF80  }
0x123: {  	_ =	swait.ge [sflag:s19], $0x80  }
0x124: {  	[sflag:s19] =	ssyncset.done $0x0  }
0x125: {  	[sflag:s19] =	ssyncadd.s32 $0xFFFFFF80  }
0x126: {  	_ =	swait.ge [sflag:s8], $0x80  }
0x127: {  	[sflag:s8] =	ssyncset.done $0x0  }
0x128: {  	[sflag:s8] =	ssyncadd.s32 $0xFFFFFF80  }
0x129: {  	_ =	swait.ge [sflag:s19], $0x80  }
0x12a: {  	[sflag:s19] =	ssyncset.done $0x0  }
0x12b: {  	[sflag:s19] =	ssyncadd.s32 $0xFFFFFF80  }
0x12c: {  	_ =	swait.ge [sflag:s8], $0x80  }
0x12d: {  	[sflag:s8] =	ssyncset.done $0x0  }
0x12e: {  	[sflag:s8] =	ssyncadd.s32 $0xFFFFFF80  }
0x12f: {  	_ =	swait.ge [sflag:s19], $0x80  }
0x130: {  	[sflag:s19] =	ssyncset.done $0x0  }
0x131: {  	[sflag:s19] =	ssyncadd.s32 $0xFFFFFF80  }
0x132: {  	_ =	swait.ge [sflag:s8], $0x80  }
0x133: {  	[sflag:s8] =	ssyncset.done $0x0  }
0x134: {  	[sflag:s8] =	ssyncadd.s32 $0xFFFFFF80  }
0x135: {  	_ =	swait.ge [sflag:s19], $0x80  }
0x136: {  	[sflag:s19] =	ssyncset.done $0x0  }
0x137: {  	[sflag:s19] =	ssyncadd.s32 $0xFFFFFF80  }
0x138: {  	_ =	swait.ge [sflag:s8], $0x80  }
0x139: {  	[sflag:s8] =	ssyncset.done $0x0  }
0x13a: {  	[sflag:s8] =	ssyncadd.s32 $0xFFFFFF80  }
0x13b: {  	_ =	swait.ge [sflag:s19], $0x80  }
0x13c: {  	[sflag:s19] =	ssyncset.done $0x0  }
0x13d: {  	[sflag:s19] =	ssyncadd.s32 $0xFFFFFF80  }
0x13e: {  	_ =	swait.ge [sflag:s8], $0x80  }
0x13f: {  	[sflag:s8] =	ssyncset.done $0x0  }
0x140: {  	[sflag:s8] =	ssyncadd.s32 $0xFFFFFF80  }
0x141: {  	_ =	swait.ge [sflag:s19], $0x80  }
0x142: {  	[sflag:s19] =	ssyncset.done $0x0  }
0x143: {  	[sflag:s19] =	ssyncadd.s32 $0xFFFFFF80  }
0x144: {  	_ =	swait.ge [sflag:s8], $0x80  }
0x145: {  	[sflag:s8] =	ssyncset.done $0x0  }
0x146: {  	[sflag:s8] =	ssyncadd.s32 $0xFFFFFF80  }
0x147: {  	_ =	swait.ge [sflag:s19], $0x80  }
0x148: {  	[sflag:s19] =	ssyncset.done $0x0  }
0x149: {  	[sflag:s19] =	ssyncadd.s32 $0xFFFFFF80  }
0x14a: {  	_ =	swait.ge [sflag:s8], $0x80  }
0x14b: {  	[sflag:s8] =	ssyncset.done $0x0  }
0x14c: {  	[sflag:s8] =	ssyncadd.s32 $0xFFFFFF80  }
0x14d: {  	_ =	swait.ge [sflag:s19], $0x80  }
0x14e: {  	[sflag:s19] =	ssyncset.done $0x0  }
0x14f: {  	[sflag:s19] =	ssyncadd.s32 $0xFFFFFF80  }
0x150: {  	_ =	swait.ge [sflag:s8], $0x80  }
0x151: {  	[sflag:s8] =	ssyncset.done $0x0  }
0x152: {  	[sflag:s8] =	ssyncadd.s32 $0xFFFFFF80  }
0x153: {  	_ =	swait.ge [sflag:s19], $0x80  }
0x154: {  	[sflag:s19] =	ssyncset.done $0x0  }
0x155: {  	[sflag:s19] =	ssyncadd.s32 $0xFFFFFF80  }
0x156: {  	_ =	swait.ge [sflag:s8], $0x80  }
0x157: {  	[sflag:s8] =	ssyncset.done $0x0  }
0x158: {  	[sflag:s8] =	ssyncadd.s32 $0xFFFFFF80  }
0x159: {  	_ =	swait.ge [sflag:s19], $0x80  }
0x15a: {  	[sflag:s19] =	ssyncset.done $0x0  }
0x15b: {  	[sflag:s19] =	ssyncadd.s32 $0xFFFFFF80  }
0x15c: {  	_ =	swait.ge [sflag:s8], $0x80  }
0x15d: {  	[sflag:s8] =	ssyncset.done $0x0  }
0x15e: {  	[sflag:s8] =	ssyncadd.s32 $0xFFFFFF80  }
0x15f: {  	_ =	swait.ge [sflag:s19], $0x80  }
0x160: {  	[sflag:s19] =	ssyncset.done $0x0  }
0x161: {  	[sflag:s19] =	ssyncadd.s32 $0xFFFFFF80  }
0x162: {  	_ =	swait.ge [sflag:s8], $0x80  }
0x163: {  	[sflag:s8] =	ssyncset.done $0x0  }
0x164: {  	[sflag:s8] =	ssyncadd.s32 $0xFFFFFF80  }
0x165: {  	_ =	swait.ge [sflag:s19], $0x80  }
0x166: {  	[sflag:s19] =	ssyncset.done $0x0  }
0x167: {  	[sflag:s19] =	ssyncadd.s32 $0xFFFFFF80  }
0x168: {  	_ =	swait.ge [sflag:s8], $0x80  }
0x169: {  	[sflag:s8] =	ssyncset.done $0x0  }
0x16a: {  	[sflag:s8] =	ssyncadd.s32 $0xFFFFFF80  }
0x16b: {  	_ =	swait.ge [sflag:s19], $0x80  }
0x16c: {  	[sflag:s19] =	ssyncset.done $0x0  }
0x16d: {  	[sflag:s19] =	ssyncadd.s32 $0xFFFFFF80  }
0x16e: {  	_ =	swait.ge [sflag:s8], $0x80  }
0x16f: {  	[sflag:s8] =	ssyncset.done $0x0  }
0x170: {  	[sflag:s8] =	ssyncadd.s32 $0xFFFFFF80  }
0x171: {  	_ =	swait.ge [sflag:s19], $0x80  }
0x172: {  	[sflag:s19] =	ssyncset.done $0x0  }
0x173: {  	[sflag:s19] =	ssyncadd.s32 $0xFFFFFF80  }
0x174: {  	_ =	swait.ge [sflag:s8], $0x80  }
0x175: {  	[sflag:s8] =	ssyncset.done $0x0  }
0x176: {  	[sflag:s8] =	ssyncadd.s32 $0xFFFFFF80  }
0x177: {  	_ =	swait.ge [sflag:s19], $0x80  }
0x178: {  	[sflag:s19] =	ssyncset.done $0x0  }
0x179: {  	[sflag:s19] =	ssyncadd.s32 $0xFFFFFF80  }
0x17a: {  	_ =	swait.ge [sflag:s8], $0x80  }
0x17b: {  	[sflag:s8] =	ssyncset.done $0x0  }
0x17c: {  	[sflag:s8] =	ssyncadd.s32 $0xFFFFFF80  }
0x17d: {  	_ =	swait.ge [sflag:s19], $0x80  }
0x17e: {  	[sflag:s19] =	ssyncset.done $0x0  }
0x17f: {  	[sflag:s19] =	ssyncadd.s32 $0xFFFFFF80  }
0x180: {  	_ =	swait.ge [sflag:s8], $0x80  }
0x181: {  	[sflag:s8] =	ssyncset.done $0x0  }
0x182: {  	[sflag:s8] =	ssyncadd.s32 $0xFFFFFF80  }
0x183: {  	_ =	swait.ge [sflag:s19], $0x80  }
0x184: {  	[sflag:s19] =	ssyncset.done $0x0  }
0x185: {  	[sflag:s19] =	ssyncadd.s32 $0xFFFFFF80  }
0x186: {  	_ =	swait.ge [sflag:s8], $0x80  }
0x187: {  	[sflag:s8] =	ssyncset.done $0x0  }
0x188: {  	[sflag:s8] =	ssyncadd.s32 $0xFFFFFF80  }
0x189: {  	_ =	swait.ge [sflag:s19], $0x80  }
0x18a: {  	[sflag:s19] =	ssyncset.done $0x0  }
0x18b: {  	[sflag:s19] =	ssyncadd.s32 $0xFFFFFF80  }
0x18c: {  	_ =	swait.ge [sflag:s8], $0x80  }
0x18d: {  	[sflag:s8] =	ssyncset.done $0x0  }
0x18e: {  	[sflag:s8] =	ssyncadd.s32 $0xFFFFFF80  }
0x18f: {  	_ =	swait.ge [sflag:s19], $0x80  }
0x190: {  	[sflag:s19] =	ssyncset.done $0x0  }
0x191: {  	[sflag:s19] =	ssyncadd.s32 $0xFFFFFF80  }
0x192: {  	_ =	swait.ge [sflag:s8], $0x80  }
0x193: {  	[sflag:s8] =	ssyncset.done $0x0  }
0x194: {  	[sflag:s8] =	ssyncadd.s32 $0xFFFFFF80  }
0x195: {  	_ =	swait.ge [sflag:s19], $0x80  }
0x196: {  	[sflag:s19] =	ssyncset.done $0x0  }
0x197: {  	[sflag:s19] =	ssyncadd.s32 $0xFFFFFF80  }
0x198: {  	_ =	swait.ge [sflag:s8], $0x80  }
0x199: {  	[sflag:s8] =	ssyncset.done $0x0  }
0x19a: {  	[sflag:s8] =	ssyncadd.s32 $0xFFFFFF80  }
0x19b: {  	_ =	swait.ge [sflag:s19], $0x80  }
0x19c: {  	[sflag:s19] =	ssyncset.done $0x0  }
0x19d: {  	[sflag:s19] =	ssyncadd.s32 $0xFFFFFF80  }
0x19e: {  	_ =	swait.ge [sflag:s8], $0x80  }
0x19f: {  	[sflag:s8] =	ssyncset.done $0x0  }
0x1a0: {  	[sflag:s8] =	ssyncadd.s32 $0xFFFFFF80  }
0x1a1: {  	_ =	swait.ge [sflag:s19], $0x80  }
0x1a2: {  	[sflag:s19] =	ssyncset.done $0x0  }
0x1a3: {  	[sflag:s19] =	ssyncadd.s32 $0xFFFFFF80  }
0x1a4: {  	_ =	swait.ge [sflag:s8], $0x80  }
0x1a5: {  	[sflag:s8] =	ssyncset.done $0x0  }
0x1a6: {  	[sflag:s8] =	ssyncadd.s32 $0xFFFFFF80  }
0x1a7: {  	_ =	swait.ge [sflag:s19], $0x80  }
0x1a8: {  	[sflag:s19] =	ssyncset.done $0x0  }
0x1a9: {  	[sflag:s19] =	ssyncadd.s32 $0xFFFFFF80  }
0x1aa: {  	_ =	swait.ge [sflag:s8], $0x80  }
0x1ab: {  	[sflag:s8] =	ssyncset.done $0x0  }
0x1ac: {  	[sflag:s8] =	ssyncadd.s32 $0xFFFFFF80  }
0x1ad: {  	_ =	swait.ge [sflag:s19], $0x80  }
0x1ae: {  	[sflag:s19] =	ssyncset.done $0x0  }
0x1af: {  	[sflag:s19] =	ssyncadd.s32 $0xFFFFFF80  }
0x1b0: {  	_ =	swait.ge [sflag:s8], $0x80  }
0x1b1: {  	[sflag:s8] =	ssyncset.done $0x0  }
0x1b2: {  	[sflag:s8] =	ssyncadd.s32 $0xFFFFFF80  }
0x1b3: {  	_ =	swait.ge [sflag:s19], $0x80  }
0x1b4: {  	[sflag:s19] =	ssyncset.done $0x0  }
0x1b5: {  	[sflag:s19] =	ssyncadd.s32 $0xFFFFFF80  }
0x1b6: {  	_ =	swait.ge [sflag:s8], $0x80  }
0x1b7: {  	[sflag:s8] =	ssyncset.done $0x0  }
0x1b8: {  	[sflag:s8] =	ssyncadd.s32 $0xFFFFFF80  }
0x1b9: {  	_ =	swait.ge [sflag:s19], $0x80  }
0x1ba: {  	[sflag:s19] =	ssyncset.done $0x0  }
0x1bb: {  	[sflag:s19] =	ssyncadd.s32 $0xFFFFFF80  }
0x1bc: {  	_ =	swait.ge [sflag:s8], $0x80  }
0x1bd: {  	[sflag:s8] =	ssyncset.done $0x0  }
0x1be: {  	[sflag:s8] =	ssyncadd.s32 $0xFFFFFF80  }
0x1bf: {  	_ =	swait.ge [sflag:s19], $0x80  }
0x1c0: {  	[sflag:s19] =	ssyncset.done $0x0  }
0x1c1: {  	[sflag:s19] =	ssyncadd.s32 $0xFFFFFF80  }
0x1c2: {  	_ =	swait.ge [sflag:s8], $0x80  }
0x1c3: {  	[sflag:s8] =	ssyncset.done $0x0  }
0x1c4: {  	[sflag:s8] =	ssyncadd.s32 $0xFFFFFF80  }
0x1c5: {  	_ =	swait.ge [sflag:s19], $0x80  }
0x1c6: {  	[sflag:s19] =	ssyncset.done $0x0  }
0x1c7: {  	[sflag:s19] =	ssyncadd.s32 $0xFFFFFF80  }
0x1c8: {  	s21 =	simm.s32 $0x7;
	s15 =	simm.s32 $0x11B00;
	[bflag:$0x0] =	sbarrier.arrive $0xFFFF  }
0x1c9: {  	[tilespmem:s15], [sflag:$0x7] =	stream.linear.gather [spmem:s10], $0x280, $0x38;
	[tilespmem:$0x14D80] =	vst v63  }
0x1ca: {  	_ =	swait.ge [sflag:s21], $0x280  }
0x1cb: {  	[sflag:s21] =	ssyncset.done $0x0  }
0x1cc: {  	s16 =	simm.s32 $0xCB00;
	[sflag:s21] =	ssyncadd.s32 $0xFFFFFD80  }
0x1cd: {  	[tilespmem:s16], [sflag:$0x7] =	stream.linear.gather [spmem:s14], $0x5000, $0x38;
	[tilespmem:$0x14D80] =	vst v63  }
0x1ce: {  	_ =	swait.ge [sflag:s21], $0x5000  }
0x1cf: {  	s0 =	simm.s32 $0x0;
	[sflag:s21] =	ssyncset.done $0x0  }
0x1d0: {  	s1 =	simm.s32 $0x40;
	s6 =	simm.s32 $0xCB00;
	[sflag:s21] =	ssyncadd.s32 $0xFFFFB000  }
.LBB2_2:
0x1d1: {  	p2 =	sne.s32 s1, $0x9C0;
	v0 =	vld [tilespmem:s0+$0x11B00];
	_ =	sdelay $0x4  }
0x1d2: {  	v0 =	vadd.f32 $1.000000000e+00, v0;
	_ =	sdelay $0x1  }
0x1d3: {  	v1 =	vshrl.u32 v0, $0x1;
	v0 =	vmul.f32 $5.000000000e-01, v0  }
0x1d4: {  	v1 =	vsub.s32 $0x5F3759DF, v1  }
0x1d5: {  	v2 =	vmul.f32 v1, v0;
	_ =	sdelay $0x1  }
0x1d6: {  	v2 =	vmul.f32 v1, v2;
	_ =	sdelay $0x1  }
0x1d7: {  	v2 =	vsub.f32 $1.500000000e+00, v2;
	_ =	sdelay $0x1  }
0x1d8: {  	v1 =	vmul.f32 v1, v2;
	_ =	sdelay $0x1  }
0x1d9: {  	v2 =	vmul.f32 v1, v0;
	_ =	sdelay $0x1  }
0x1da: {  	v2 =	vmul.f32 v2, v1;
	_ =	sdelay $0x1  }
0x1db: {  	v2 =	vsub.f32 $1.500000000e+00, v2;
	_ =	sdelay $0x1  }
0x1dc: {  	v1 =	vmul.f32 v2, v1;
	_ =	sdelay $0x1  }
0x1dd: {  	v0 =	vmul.f32 v1, v0;
	_ =	sdelay $0x1  }
0x1de: {  	v0 =	vmul.f32 v0, v1;
	_ =	sdelay $0x1  }
.Ltmp0:
0x1df: {  	v0 =	vsub.f32 $1.500000000e+00, v0;
	(pc) =	sbr.rel @p2 .LBB2_2-.Ltmp0, $3  }
0x1e0: {  	_ = 	snop  }
0x1e1: {  	v0 =	vmul.f32 v0, v1;
	_ =	sdelay $0x1  }
0x1e2: {  	[tilespmem:s0+$0x11B00] =	vst v0;
	s0 =	sshra.s32 s1, $0x2;
	s1 =	sadd.s32 $0x40, s1  }
0x1e3: {  	v0 =	vld [tilespmem:s0+$0x11B00];
	_ =	sdelay $0x4  }
0x1e4: {  	v0 =	vadd.f32 $1.000000000e+00, v0;
	_ =	sdelay $0x1  }
0x1e5: {  	v1 =	vshrl.u32 v0, $0x1;
	v0 =	vmul.f32 $5.000000000e-01, v0  }
0x1e6: {  	v1 =	vsub.s32 $0x5F3759DF, v1  }
0x1e7: {  	v2 =	vmul.f32 v1, v0;
	_ =	sdelay $0x1  }
0x1e8: {  	v2 =	vmul.f32 v1, v2;
	_ =	sdelay $0x1  }
0x1e9: {  	v2 =	vsub.f32 $1.500000000e+00, v2;
	_ =	sdelay $0x1  }
0x1ea: {  	v1 =	vmul.f32 v1, v2;
	_ =	sdelay $0x1  }
0x1eb: {  	v2 =	vmul.f32 v1, v0;
	_ =	sdelay $0x1  }
0x1ec: {  	v2 =	vmul.f32 v2, v1;
	_ =	sdelay $0x1  }
0x1ed: {  	v2 =	vsub.f32 $1.500000000e+00, v2;
	_ =	sdelay $0x1  }
0x1ee: {  	v1 =	vmul.f32 v2, v1;
	_ =	sdelay $0x1  }
0x1ef: {  	v0 =	vmul.f32 v1, v0;
	_ =	sdelay $0x1  }
0x1f0: {  	v0 =	vmul.f32 v0, v1;
	_ =	sdelay $0x1  }
0x1f1: {  	v0 =	vsub.f32 $1.500000000e+00, v0;
	_ =	sdelay $0x1  }
0x1f2: {  	v0 =	vmul.f32 v0, v1;
	_ =	sdelay $0x1  }
0x1f3: {  	s15 =	simm.s32 $0xCC00;
	[tilespmem:s0+$0x11B00] =	vst v0  }
0x1f4: {  	v5 =	vld [tilespmem:s15+$0xFFFFFFA0]  }
0x1f5: {  	v3 =	vld [tilespmem:s15+$0xFFFFFFF0]  }
0x1f6: {  	v0 =	vld [tilespmem:s15+$0xFFFFFF60]  }
0x1f7: {  	v6 =	vld [tilespmem:s15+$0xFFFFFFD0]  }
0x1f8: {  	v7 =	vld [tilespmem:s15+$0x80]  }
0x1f9: {  	v10 =	vld [tilespmem:s15+$0xFFFFFF10]  }
0x1fa: {  	v14 =	vld [tilespmem:s15+$0xE0]  }
0x1fb: {  	v9 =	vld [tilespmem:s15+$0xFFFFFF40]  }
0x1fc: {  	s16 =	simm.s32 $0x0;
	v1 =	vld [tilespmem:s15+$0xFFFFFF90]  }
0x1fd: {  	v2 =	vld [tilespmem:s16+$0x11B00]  }
0x1fe: {  	v8 =	vld [tilespmem:s15+$0xFFFFFFC0]  }
0x1ff: {  	v11 =	vld [tilespmem:s15+$0xFFFFFF00]  }
0x200: {  	v12 =	vld [tilespmem:s15+$0xD0]  }
0x201: {  	v21 =	vld [tilespmem:s15+$0xC0]  }
0x202: {  	v19 =	vld [tilespmem:s15+$0x90];
	v17 =	vbroadcast v2, $0x0;
	v4 =	vbroadcast v2, $0xF  }
0x203: {  	v20 =	vld [tilespmem:s15+$0xFFFFFF50];
	v18 =	vbroadcast v2, $0x2;
	v16 =	vbroadcast v2, $0xE  }
0x204: {  	v15 =	vld [tilespmem:s15+$0xB0];
	v13 =	vbroadcast v2, $0xC;
	v23 =	vmul.f32 v17, v11  }
0x205: {  	s0 =	simm.s32 $0x40;
	s16 =	simm.s32 $0xCC00;
	v11 =	vbroadcast v2, $0xD;
	v22 =	vmul.f32 v9, v18;
	v9 =	vld [tilespmem:s15+$0x60]  }
.LBB2_4:
0x206: {  	p2 =	sne.s32 s0, $0x9C0  }
0x207: {  	[tilespmem:s15+$0xFFFFFF00] =	vst v23;
	v23 =	vld [tilespmem:s15+$0xFFFFFFB0];
	v21 =	vmul.f32 v21, v16;
	v14 =	vmul.f32 v14, v4;
	s16 =	sadd.s32 $0x200, s16;
	s1 =	smov.u32 s0;
	s0 =	sadd.s32 $0x40, s0  }
0x208: {  	[tilespmem:s15+$0xFFFFFF40] =	vst v22;
	v22 =	vbroadcast v2, $0xA;
	v19 =	vmul.f32 v19, v13;
	v24 =	vld [tilespmem:s15+$0xA0]  }
0x209: {  	v10 =	vmul.f32 v10, v17;
	v17 =	vmul.f32 v20, v18;
	v18 =	vld [tilespmem:s15+$0x70];
	[tilespmem:s15+$0xE0] =	vst v14  }
0x20a: {  	v14 =	vbroadcast v2, $0x5;
	v20 =	vld [tilespmem:s15+$0xFFFFFFE0];
	v15 =	vmul.f32 v15, v11;
	[tilespmem:s15+$0xC0] =	vst v21  }
0x20b: {  	v12 =	vmul.f32 v12, v16;
	[tilespmem:s15+$0xFFFFFF10] =	vst v10;
	v10 =	vbroadcast v2, $0x6;
	v21 =	vld [tilespmem:s15+$0x40]  }
0x20c: {  	v25 =	vbroadcast v2, $0xB;
	v5 =	vmul.f32 v5, v14;
	v16 =	vld [tilespmem:s15+$0xFFFFFF20];
	[tilespmem:s15+$0x90] =	vst v19  }
0x20d: {  	v19 =	vbroadcast v2, $0x9;
	[tilespmem:s15+$0xFFFFFF50] =	vst v17;
	v17 =	vld [tilespmem:s15+$0x20];
	v11 =	vmul.f32 v24, v11  }
0x20e: {  	v14 =	vmul.f32 v23, v14;
	v23 =	vld [tilespmem:s15+$0x50];
	v18 =	vmul.f32 v18, v25;
	[tilespmem:s15+$0xD0] =	vst v12  }
0x20f: {  	v7 =	vmul.f32 v7, v13;
	v12 =	vbroadcast v2, $0x7;
	v24 =	vld [tilespmem:s15+$0x30];
	[tilespmem:s15+$0xA0] =	vst v11  }
0x210: {  	v8 =	vmul.f32 v8, v10;
	v11 =	vbroadcast v2, $0x3;
	v13 =	vld [tilespmem:s15+$0x0];
	[tilespmem:s15+$0x70] =	vst v18  }
0x211: {  	v9 =	vmul.f32 v9, v25;
	v6 =	vmul.f32 v6, v10;
	v10 =	vld [tilespmem:s15+$0x10];
	[tilespmem:s15+$0x80] =	vst v7  }
0x212: {  	v18 =	vbroadcast v2, $0x8;
	v21 =	vmul.f32 v21, v22;
	v7 =	vld [tilespmem:s15+$0xFFFFFF30];
	[tilespmem:s15+$0xB0] =	vst v15  }
0x213: {  	v15 =	vbroadcast v2, $0x1;
	v25 =	vld [tilespmem:s15+$0xFFFFFF70];
	[tilespmem:s15+$0xFFFFFFD0] =	vst v6;
	v22 =	vmul.f32 v23, v22  }
0x214: {  	v3 =	vmul.f32 v3, v12;
	v6 =	vmul.f32 v20, v12;
	[tilespmem:s15+$0xFFFFFFC0] =	vst v8;
	v8 =	vld [tilespmem:s15+$0xF0]  }
0x215: {  	v20 =	vmul.f32 v24, v19;
	v12 =	vld [tilespmem:s15+$0xFFFFFF80];
	[tilespmem:s15+$0xFFFFFFA0] =	vst v5;
	v13 =	vmul.f32 v13, v18  }
0x216: {  	v5 =	vld [tilespmem:s16+$0xFFFFFFA0];
	[tilespmem:s15+$0xFFFFFFF0] =	vst v3;
	v18 =	vmul.f32 v10, v18;
	v10 =	vmul.f32 v17, v19  }
0x217: {  	v3 =	vmul.f32 v16, v15;
	v15 =	vmul.f32 v7, v15;
	[tilespmem:s15+$0x60] =	vst v9  }
0x218: {  	v0 =	vmul.f32 v0, v11;
	v7 =	vmul.f32 v25, v11;
	[tilespmem:s15+$0xFFFFFFB0] =	vst v14  }
0x219: {  	v2 =	vbroadcast v2, $0x4;
	[tilespmem:s15+$0xFFFFFF20] =	vst v3;
	v3 =	vmul.f32 v8, v4  }
0x21a: {  	[tilespmem:s15+$0xFFFFFF60] =	vst v0  }
0x21b: {  	v4 =	vmul.f32 v12, v2;
	v0 =	vmul.f32 v1, v2;
	[tilespmem:s15+$0x40] =	vst v21  }
0x21c: {  	[tilespmem:s15+$0xFFFFFFE0] =	vst v6  }
0x21d: {  	[tilespmem:s15+$0xF0] =	vst v3  }
0x21e: {  	[tilespmem:s15+$0xFFFFFF90] =	vst v0  }
0x21f: {  	v3 =	vld [tilespmem:s16+$0xFFFFFFF0];
	[tilespmem:s15+$0xFFFFFF70] =	vst v7  }
0x220: {  	v0 =	vld [tilespmem:s16+$0xFFFFFF60];
	[tilespmem:s15+$0x20] =	vst v10  }
0x221: {  	v6 =	vld [tilespmem:s16+$0xFFFFFFD0];
	[tilespmem:s15+$0x30] =	vst v20  }
0x222: {  	v7 =	vld [tilespmem:s16+$0x80];
	[tilespmem:s15+$0xFFFFFF80] =	vst v4  }
0x223: {  	v10 =	vld [tilespmem:s16+$0xFFFFFF10];
	[tilespmem:s15+$0x50] =	vst v22  }
0x224: {  	v14 =	vld [tilespmem:s16+$0xE0];
	[tilespmem:s15+$0x0] =	vst v13  }
0x225: {  	v9 =	vld [tilespmem:s16+$0xFFFFFF40];
	[tilespmem:s15+$0xFFFFFF30] =	vst v15  }
0x226: {  	s1 =	sshra.s32 s1, $0x2;
	v1 =	vld [tilespmem:s16+$0xFFFFFF90];
	[tilespmem:s15+$0x10] =	vst v18;
	s15 =	smov.u32 s16  }
0x227: {  	v2 =	vld [tilespmem:s1+$0x11B00]  }
0x228: {  	v8 =	vld [tilespmem:s16+$0xFFFFFFC0]  }
0x229: {  	v11 =	vld [tilespmem:s16+$0xFFFFFF00]  }
0x22a: {  	v12 =	vld [tilespmem:s16+$0xD0]  }
.Ltmp1:
0x22b: {  	v21 =	vld [tilespmem:s16+$0xC0];
	(pc) =	sbr.rel @p2 .LBB2_4-.Ltmp1, $4  }
0x22c: {  	v17 =	vbroadcast v2, $0x0;
	v19 =	vld [tilespmem:s16+$0x90];
	v4 =	vbroadcast v2, $0xF  }
0x22d: {  	v18 =	vbroadcast v2, $0x2;
	v16 =	vbroadcast v2, $0xE;
	v20 =	vld [tilespmem:s16+$0xFFFFFF50]  }
0x22e: {  	v23 =	vmul.f32 v17, v11;
	v11 =	vbroadcast v2, $0xD;
	v15 =	vld [tilespmem:s16+$0xB0]  }
0x22f: {  	v13 =	vbroadcast v2, $0xC;
	v22 =	vmul.f32 v9, v18;
	v9 =	vld [tilespmem:s16+$0x60]  }
0x230: {  	[tilespmem:s15+$0xFFFFFF00] =	vst v23;
	v14 =	vmul.f32 v14, v4  }
0x231: {  	v21 =	vmul.f32 v21, v16;
	[tilespmem:s15+$0xFFFFFF40] =	vst v22  }
0x232: {  	v10 =	vmul.f32 v10, v17;
	[tilespmem:s15+$0xE0] =	vst v14  }
0x233: {  	v28 =	vmul.f32 v12, v16;
	[tilespmem:s15+$0xC0] =	vst v21  }
0x234: {  	v26 =	vmul.f32 v19, v13;
	[tilespmem:s15+$0xFFFFFF10] =	vst v10  }
0x235: {  	v34 =	vbroadcast v2, $0x6;
	v7 =	vmul.f32 v7, v13;
	[tilespmem:s15+$0xD0] =	vst v28  }
0x236: {  	v18 =	vmul.f32 v20, v18;
	[tilespmem:s15+$0x90] =	vst v26  }
0x237: {  	v38 =	vbroadcast v2, $0x5;
	v6 =	vmul.f32 v6, v34;
	[tilespmem:s15+$0x80] =	vst v7  }
0x238: {  	v40 =	vbroadcast v2, $0x7;
	v8 =	vmul.f32 v8, v34;
	[tilespmem:s15+$0xFFFFFF50] =	vst v18  }
0x239: {  	v47 =	vbroadcast v2, $0x3;
	v5 =	vmul.f32 v5, v38;
	[tilespmem:s15+$0xFFFFFFD0] =	vst v6  }
0x23a: {  	v24 =	vld [tilespmem:s15+$0xA0];
	v52 =	vbroadcast v2, $0x4;
	v3 =	vmul.f32 v3, v40;
	[tilespmem:s15+$0xFFFFFFC0] =	vst v8  }
0x23b: {  	v25 =	vld [tilespmem:s15+$0x70];
	v0 =	vmul.f32 v0, v47;
	[tilespmem:s15+$0xFFFFFFA0] =	vst v5  }
0x23c: {  	v27 =	vld [tilespmem:s15+$0xFFFFFFB0];
	v30 =	vbroadcast v2, $0xB;
	v1 =	vmul.f32 v1, v52;
	[tilespmem:s15+$0xFFFFFFF0] =	vst v3  }
0x23d: {  	v29 =	vld [tilespmem:s15+$0xFFFFFF20];
	v36 =	vmul.f32 v15, v11;
	[tilespmem:s15+$0xFFFFFF60] =	vst v0  }
0x23e: {  	v33 =	vld [tilespmem:s15+$0x40];
	v9 =	vmul.f32 v9, v30;
	[tilespmem:s15+$0xFFFFFF90] =	vst v1  }
0x23f: {  	v31 =	vld [tilespmem:s15+$0xFFFFFFE0];
	v32 =	vmul.f32 v24, v11;
	[tilespmem:s15+$0xB0] =	vst v36  }
0x240: {  	v45 =	vbroadcast v2, $0x1;
	v48 =	vld [tilespmem:s15+$0xF0];
	v17 =	vmul.f32 v25, v30;
	[tilespmem:s15+$0x60] =	vst v9  }
0x241: {  	v42 =	vld [tilespmem:s15+$0xFFFFFF70];
	v49 =	vbroadcast v2, $0xA;
	v46 =	vmul.f32 v27, v38;
	[tilespmem:s15+$0xA0] =	vst v32  }
0x242: {  	v37 =	vld [tilespmem:s15+$0x20];
	v12 =	vmul.f32 v29, v45;
	[tilespmem:s15+$0x70] =	vst v17  }
0x243: {  	v39 =	vld [tilespmem:s15+$0x30];
	v51 =	vmul.f32 v33, v49;
	[tilespmem:s15+$0xFFFFFFB0] =	vst v46  }
0x244: {  	v43 =	vld [tilespmem:s15+$0xFFFFFF80];
	v7 =	vmul.f32 v31, v40;
	[tilespmem:s15+$0xFFFFFF20] =	vst v12  }
0x245: {  	v35 =	vld [tilespmem:s15+$0x50];
	v54 =	vbroadcast v2, $0x9;
	v53 =	vmul.f32 v48, v4;
	[tilespmem:s15+$0x40] =	vst v51  }
0x246: {  	v41 =	vld [tilespmem:s15+$0x0];
	v55 =	vmul.f32 v42, v47;
	[tilespmem:s15+$0xFFFFFFE0] =	vst v7  }
0x247: {  	v50 =	vld [tilespmem:s15+$0xFFFFFF30];
	v56 =	vmul.f32 v37, v54;
	[tilespmem:s15+$0xF0] =	vst v53  }
0x248: {  	v44 =	vld [tilespmem:s15+$0x10];
	v57 =	vmul.f32 v39, v54;
	[tilespmem:s15+$0xFFFFFF70] =	vst v55  }
0x249: {  	v58 =	vbroadcast v2, $0x8;
	v59 =	vmul.f32 v43, v52;
	[tilespmem:s15+$0x20] =	vst v56  }
0x24a: {  	v60 =	vmul.f32 v35, v49;
	[tilespmem:s15+$0x30] =	vst v57  }
0x24b: {  	v61 =	vmul.f32 v41, v58;
	[tilespmem:s15+$0xFFFFFF80] =	vst v59  }
0x24c: {  	v62 =	vmul.f32 v50, v45;
	[tilespmem:s15+$0x50] =	vst v60  }
0x24d: {  	v63 =	vmul.f32 v44, v58;
	[tilespmem:s15+$0x0] =	vst v61  }
0x24e: {  	[tilespmem:s15+$0xFFFFFF30] =	vst v62  }
0x24f: {  	[tilespmem:s15+$0x10] =	vst v63  }
0x250: {  	[spmem:s14] =	stream.linear.scatter [tilespmem:s6], [sflag:$0x7], $0x5000, $0x38;
	[tilespmem:$0x14D80] =	vst v63  }
0x251: {  	_ =	swait.ge [sflag:s21], $0x5000  }
0x252: {  	[sflag:s21] =	ssyncset.done $0x0;
	s1 =	rddreg [dreg:$0xb]  }
0x253: {  	s0 =	sshrl.u32 @!p1 s10, $0x3;
	s9 =	rddreg [dreg:$0x12];
	[sflag:s21] =	ssyncadd.s32 $0xFFFFB000  }
0x254: {  	[hbm:s1], [sflag:s9] =	dma.local @!p1 [spmem:s0], $0x50  }
0x255: {  	s0 =	simm.s32 @!p1 $0x7  }
0x256: {  	_ =	swait.ge @!p1 [sflag:s0], $0x50  }
0x257: {  	[sflag:s0] =	ssyncset.done @!p1 $0x0  }
0x258: {  	[sflag:s0] =	ssyncadd.s32 @!p1 $0xFFFFFFB0  }
0x259: {  	[bflag:$0x0] =	sbarrier.arrive $0xFFFF  }
0x25a: {  	s15 =	simm.s32 $0x0;
	s1 =	simm.s32 $0xA280;
	s6 =	rddreg [dreg:$0xc]  }
0x25b: {  	[tilespmem:s1], [sflag:$0x7] =	stream.linear.gather [hbm4b:s6+s15], $0x1400, $0x38;
	[tilespmem:$0x14D80] =	vst v63  }
0x25c: {  	_ =	swait.ge [sflag:s21], $0x1400  }
0x25d: {  	[sflag:s21] =	ssyncset.done $0x0  }
0x25e: {  	s16 =	rddreg [dreg:$0xd];
	[sflag:s21] =	ssyncadd.s32 $0xFFFFEC00  }
0x25f: {  	[tilespmem:s25], [sflag:$0x7] =	stream.linear.gather [hbm4b:s16+s15], $0x1400, $0x38;
	[tilespmem:$0x14D80] =	vst v63  }
0x260: {  	_ =	swait.ge [sflag:s21], $0x1400  }
0x261: {  	[sflag:s21] =	ssyncset.done $0x0  }
0x262: {  	s6 =	simm.s32 $0x11D80;
	[sflag:s21] =	ssyncadd.s32 $0xFFFFEC00  }
0x263: {  	[tilespmem:s6], [sflag:$0x1] =	stream.indirect.gather [spmem:s5], $0x20, s1, s26, $0xb8;
	[tilespmem:$0x14D80] =	vst v63  }
0x264: {  	s15 =	simm.s32 $0xA300;
	s1 =	simm.s32 $0x12D80  }
0x265: {  	[tilespmem:s1], [sflag:$0x2] =	stream.indirect.gather [spmem:s5], $0x20, s15, s26, $0xb8;
	[tilespmem:$0x14D80] =	vst v63  }
0x266: {  	s16 =	simm.s32 $0xA380;
	s15 =	simm.s32 $0x13D80  }
0x267: {  	[tilespmem:s15], [sflag:$0x3] =	stream.indirect.gather [spmem:s5], $0x20, s16, s26, $0xb8;
	[tilespmem:$0x14D80] =	vst v63  }
0x268: {  	_ =	swait.ge [sflag:s8], $0x1000  }
0x269: {  	[sflag:s8] =	ssyncset.done $0x0  }
0x26a: {  	[sflag:s8] =	ssyncadd.s32 $0xFFFFF000  }
0x26b: {  	[spmem:s12] =	stream.indirect.scatter.add.f32 [tilespmem:s6], [sflag:$0x4], $0x20, s25, s26, $0xb8;
	[tilespmem:$0x14D80] =	vst v63  }
0x26c: {  	_ =	swait.ge [sflag:s23], $0x1000  }
0x26d: {  	[sflag:s23] =	ssyncset.done $0x0  }
0x26e: {  	s25 =	simm.s32 $0xA400;
	[sflag:s23] =	ssyncadd.s32 $0xFFFFF000  }
0x26f: {  	[tilespmem:s6], [sflag:$0x1] =	stream.indirect.gather [spmem:s5], $0x20, s25, s26, $0xb8;
	[tilespmem:$0x14D80] =	vst v63  }
0x270: {  	_ =	swait.ge [sflag:s19], $0x1000  }
0x271: {  	[sflag:s19] =	ssyncset.done $0x0  }
0x272: {  	s16 =	simm.s32 $0xB700;
	[sflag:s19] =	ssyncadd.s32 $0xFFFFF000  }
0x273: {  	[spmem:s12] =	stream.indirect.scatter.add.f32 [tilespmem:s1], [sflag:$0x5], $0x20, s16, s26, $0xb8;
	[tilespmem:$0x14D80] =	vst v63  }
0x274: {  	_ =	swait.ge [sflag:s30], $0x1000  }
0x275: {  	[sflag:s30] =	ssyncset.done $0x0  }
0x276: {  	s25 =	simm.s32 $0xA480;
	[sflag:s30] =	ssyncadd.s32 $0xFFFFF000  }
0x277: {  	[tilespmem:s1], [sflag:$0x2] =	stream.indirect.gather [spmem:s5], $0x20, s25, s26, $0xb8;
	[tilespmem:$0x14D80] =	vst v63  }
0x278: {  	_ =	swait.ge [sflag:s13], $0x1000  }
0x279: {  	[sflag:s13] =	ssyncset.done $0x0  }
0x27a: {  	[sflag:s13] =	ssyncadd.s32 $0xFFFFF000  }
0x27b: {  	[spmem:s12] =	stream.indirect.scatter.add.f32 [tilespmem:s15], [sflag:$0x6], $0x20, s17, s26, $0xb8;
	[tilespmem:$0x14D80] =	vst v63  }
0x27c: {  	_ =	swait.ge [sflag:s31], $0x1000  }
0x27d: {  	[sflag:s31] =	ssyncset.done $0x0  }
0x27e: {  	s16 =	simm.s32 $0xA500;
	[sflag:s31] =	ssyncadd.s32 $0xFFFFF000  }
0x27f: {  	[tilespmem:s15], [sflag:$0x3] =	stream.indirect.gather [spmem:s5], $0x20, s16, s26, $0xb8;
	[tilespmem:$0x14D80] =	vst v63  }
0x280: {  	_ =	swait.ge [sflag:s8], $0x1000  }
0x281: {  	[sflag:s8] =	ssyncset.done $0x0  }
0x282: {  	[sflag:s8] =	ssyncadd.s32 $0xFFFFF000  }
0x283: {  	[spmem:s12] =	stream.indirect.scatter.add.f32 [tilespmem:s6], [sflag:$0x4], $0x20, s7, s26, $0xb8;
	[tilespmem:$0x14D80] =	vst v63  }
0x284: {  	_ =	swait.ge [sflag:s23], $0x1000  }
0x285: {  	[sflag:s23] =	ssyncset.done $0x0  }
0x286: {  	s17 =	simm.s32 $0xA580;
	[sflag:s23] =	ssyncadd.s32 $0xFFFFF000  }
0x287: {  	[tilespmem:s6], [sflag:$0x1] =	stream.indirect.gather [spmem:s5], $0x20, s17, s26, $0xb8;
	[tilespmem:$0x14D80] =	vst v63  }
0x288: {  	_ =	swait.ge [sflag:s19], $0x1000  }
0x289: {  	[sflag:s19] =	ssyncset.done $0x0  }
0x28a: {  	[sflag:s19] =	ssyncadd.s32 $0xFFFFF000  }
0x28b: {  	[spmem:s12] =	stream.indirect.scatter.add.f32 [tilespmem:s1], [sflag:$0x5], $0x20, s18, s26, $0xb8;
	[tilespmem:$0x14D80] =	vst v63  }
0x28c: {  	_ =	swait.ge [sflag:s30], $0x1000  }
0x28d: {  	[sflag:s30] =	ssyncset.done $0x0  }
0x28e: {  	[sflag:s30] =	ssyncadd.s32 $0xFFFFF000  }
0x28f: {  	[tilespmem:s1], [sflag:$0x2] =	stream.indirect.gather [spmem:s5], $0x20, s24, s26, $0xb8;
	[tilespmem:$0x14D80] =	vst v63  }
0x290: {  	_ =	swait.ge [sflag:s13], $0x1000  }
0x291: {  	[sflag:s13] =	ssyncset.done $0x0  }
0x292: {  	[sflag:s13] =	ssyncadd.s32 $0xFFFFF000  }
0x293: {  	[spmem:s12] =	stream.indirect.scatter.add.f32 [tilespmem:s15], [sflag:$0x6], $0x20, s28, s26, $0xb8;
	[tilespmem:$0x14D80] =	vst v63  }
0x294: {  	_ =	swait.ge [sflag:s31], $0x1000  }
0x295: {  	[sflag:s31] =	ssyncset.done $0x0  }
0x296: {  	[sflag:s31] =	ssyncadd.s32 $0xFFFFF000  }
0x297: {  	[tilespmem:s15], [sflag:$0x3] =	stream.indirect.gather [spmem:s5], $0x20, s3, s26, $0xb8;
	[tilespmem:$0x14D80] =	vst v63  }
0x298: {  	_ =	swait.ge [sflag:s8], $0x1000  }
0x299: {  	[sflag:s8] =	ssyncset.done $0x0  }
0x29a: {  	[sflag:s8] =	ssyncadd.s32 $0xFFFFF000  }
0x29b: {  	[spmem:s12] =	stream.indirect.scatter.add.f32 [tilespmem:s6], [sflag:$0x4], $0x20, s20, s26, $0xb8;
	[tilespmem:$0x14D80] =	vst v63  }
0x29c: {  	_ =	swait.ge [sflag:s23], $0x1000  }
0x29d: {  	[sflag:s23] =	ssyncset.done $0x0  }
0x29e: {  	s24 =	simm.s32 $0xA700;
	[sflag:s23] =	ssyncadd.s32 $0xFFFFF000  }
0x29f: {  	[tilespmem:s6], [sflag:$0x1] =	stream.indirect.gather [spmem:s5], $0x20, s24, s26, $0xb8;
	[tilespmem:$0x14D80] =	vst v63  }
0x2a0: {  	_ =	swait.ge [sflag:s19], $0x1000  }
0x2a1: {  	[sflag:s19] =	ssyncset.done $0x0  }
0x2a2: {  	s25 =	simm.s32 $0xBA00;
	[sflag:s19] =	ssyncadd.s32 $0xFFFFF000  }
0x2a3: {  	[spmem:s12] =	stream.indirect.scatter.add.f32 [tilespmem:s1], [sflag:$0x5], $0x20, s25, s26, $0xb8;
	[tilespmem:$0x14D80] =	vst v63  }
0x2a4: {  	_ =	swait.ge [sflag:s30], $0x1000  }
0x2a5: {  	[sflag:s30] =	ssyncset.done $0x0  }
0x2a6: {  	[sflag:s30] =	ssyncadd.s32 $0xFFFFF000  }
0x2a7: {  	[tilespmem:s1], [sflag:$0x2] =	stream.indirect.gather [spmem:s5], $0x20, s29, s26, $0xb8;
	[tilespmem:$0x14D80] =	vst v63  }
0x2a8: {  	_ =	swait.ge [sflag:s13], $0x1000  }
0x2a9: {  	[sflag:s13] =	ssyncset.done $0x0  }
0x2aa: {  	s28 =	simm.s32 $0xBA80;
	[sflag:s13] =	ssyncadd.s32 $0xFFFFF000  }
0x2ab: {  	[spmem:s12] =	stream.indirect.scatter.add.f32 [tilespmem:s15], [sflag:$0x6], $0x20, s28, s26, $0xb8;
	[tilespmem:$0x14D80] =	vst v63  }
0x2ac: {  	_ =	swait.ge [sflag:s31], $0x1000  }
0x2ad: {  	[sflag:s31] =	ssyncset.done $0x0  }
0x2ae: {  	[sflag:s31] =	ssyncadd.s32 $0xFFFFF000  }
0x2af: {  	[tilespmem:s15], [sflag:$0x3] =	stream.indirect.gather [spmem:s5], $0x20, s2, s26, $0xb8;
	[tilespmem:$0x14D80] =	vst v63  }
0x2b0: {  	_ =	swait.ge [sflag:s8], $0x1000  }
0x2b1: {  	[sflag:s8] =	ssyncset.done $0x0  }
0x2b2: {  	s29 =	simm.s32 $0xBB00;
	[sflag:s8] =	ssyncadd.s32 $0xFFFFF000  }
0x2b3: {  	[spmem:s12] =	stream.indirect.scatter.add.f32 [tilespmem:s6], [sflag:$0x4], $0x20, s29, s26, $0xb8;
	[tilespmem:$0x14D80] =	vst v63  }
0x2b4: {  	_ =	swait.ge [sflag:s23], $0x1000  }
0x2b5: {  	[sflag:s23] =	ssyncset.done $0x0  }
0x2b6: {  	[sflag:s23] =	ssyncadd.s32 $0xFFFFF000  }
0x2b7: {  	[tilespmem:s6], [sflag:$0x1] =	stream.indirect.gather [spmem:s5], $0x20, s11, s26, $0xb8;
	[tilespmem:$0x14D80] =	vst v63  }
0x2b8: {  	_ =	swait.ge [sflag:s19], $0x1000  }
0x2b9: {  	[sflag:s19] =	ssyncset.done $0x0  }
0x2ba: {  	s2 =	simm.s32 $0xBB80;
	[sflag:s19] =	ssyncadd.s32 $0xFFFFF000  }
0x2bb: {  	[spmem:s12] =	stream.indirect.scatter.add.f32 [tilespmem:s1], [sflag:$0x5], $0x20, s2, s26, $0xb8;
	[tilespmem:$0x14D80] =	vst v63  }
0x2bc: {  	_ =	swait.ge [sflag:s30], $0x1000  }
0x2bd: {  	[sflag:s30] =	ssyncset.done $0x0  }
0x2be: {  	s3 =	simm.s32 $0xA900;
	[sflag:s30] =	ssyncadd.s32 $0xFFFFF000  }
0x2bf: {  	[tilespmem:s1], [sflag:$0x2] =	stream.indirect.gather [spmem:s5], $0x20, s3, s26, $0xb8;
	[tilespmem:$0x14D80] =	vst v63  }
0x2c0: {  	_ =	swait.ge [sflag:s13], $0x1000  }
0x2c1: {  	[sflag:s13] =	ssyncset.done $0x0  }
0x2c2: {  	s7 =	simm.s32 $0xBC00;
	[sflag:s13] =	ssyncadd.s32 $0xFFFFF000  }
0x2c3: {  	[spmem:s12] =	stream.indirect.scatter.add.f32 [tilespmem:s15], [sflag:$0x6], $0x20, s7, s26, $0xb8;
	[tilespmem:$0x14D80] =	vst v63  }
0x2c4: {  	_ =	swait.ge [sflag:s31], $0x1000  }
0x2c5: {  	[sflag:s31] =	ssyncset.done $0x0  }
0x2c6: {  	s11 =	simm.s32 $0xA980;
	[sflag:s31] =	ssyncadd.s32 $0xFFFFF000  }
0x2c7: {  	[tilespmem:s15], [sflag:$0x3] =	stream.indirect.gather [spmem:s5], $0x20, s11, s26, $0xb8;
	[tilespmem:$0x14D80] =	vst v63  }
0x2c8: {  	_ =	swait.ge [sflag:s8], $0x1000  }
0x2c9: {  	[sflag:s8] =	ssyncset.done $0x0  }
0x2ca: {  	s16 =	simm.s32 $0xBC80;
	[sflag:s8] =	ssyncadd.s32 $0xFFFFF000  }
0x2cb: {  	[spmem:s12] =	stream.indirect.scatter.add.f32 [tilespmem:s6], [sflag:$0x4], $0x20, s16, s26, $0xb8;
	[tilespmem:$0x14D80] =	vst v63  }
0x2cc: {  	_ =	swait.ge [sflag:s23], $0x1000  }
0x2cd: {  	[sflag:s23] =	ssyncset.done $0x0  }
0x2ce: {  	s17 =	simm.s32 $0xAA00;
	[sflag:s23] =	ssyncadd.s32 $0xFFFFF000  }
0x2cf: {  	[tilespmem:s6], [sflag:$0x1] =	stream.indirect.gather [spmem:s5], $0x20, s17, s26, $0xb8;
	[tilespmem:$0x14D80] =	vst v63  }
0x2d0: {  	_ =	swait.ge [sflag:s19], $0x1000  }
0x2d1: {  	[sflag:s19] =	ssyncset.done $0x0  }
0x2d2: {  	s18 =	simm.s32 $0xBD00;
	[sflag:s19] =	ssyncadd.s32 $0xFFFFF000  }
0x2d3: {  	[spmem:s12] =	stream.indirect.scatter.add.f32 [tilespmem:s1], [sflag:$0x5], $0x20, s18, s26, $0xb8;
	[tilespmem:$0x14D80] =	vst v63  }
0x2d4: {  	_ =	swait.ge [sflag:s30], $0x1000  }
0x2d5: {  	[sflag:s30] =	ssyncset.done $0x0  }
0x2d6: {  	s20 =	simm.s32 $0xAA80;
	[sflag:s30] =	ssyncadd.s32 $0xFFFFF000  }
0x2d7: {  	[tilespmem:s1], [sflag:$0x2] =	stream.indirect.gather [spmem:s5], $0x20, s20, s26, $0xb8;
	[tilespmem:$0x14D80] =	vst v63  }
0x2d8: {  	_ =	swait.ge [sflag:s13], $0x1000  }
0x2d9: {  	[sflag:s13] =	ssyncset.done $0x0  }
0x2da: {  	s24 =	simm.s32 $0xBD80;
	[sflag:s13] =	ssyncadd.s32 $0xFFFFF000  }
0x2db: {  	[spmem:s12] =	stream.indirect.scatter.add.f32 [tilespmem:s15], [sflag:$0x6], $0x20, s24, s26, $0xb8;
	[tilespmem:$0x14D80] =	vst v63  }
0x2dc: {  	_ =	swait.ge [sflag:s31], $0x1000  }
0x2dd: {  	[sflag:s31] =	ssyncset.done $0x0  }
0x2de: {  	s25 =	simm.s32 $0xAB00;
	[sflag:s31] =	ssyncadd.s32 $0xFFFFF000  }
0x2df: {  	[tilespmem:s15], [sflag:$0x3] =	stream.indirect.gather [spmem:s5], $0x20, s25, s26, $0xb8;
	[tilespmem:$0x14D80] =	vst v63  }
0x2e0: {  	_ =	swait.ge [sflag:s8], $0x1000  }
0x2e1: {  	[sflag:s8] =	ssyncset.done $0x0  }
0x2e2: {  	s28 =	simm.s32 $0xBE00;
	[sflag:s8] =	ssyncadd.s32 $0xFFFFF000  }
0x2e3: {  	[spmem:s12] =	stream.indirect.scatter.add.f32 [tilespmem:s6], [sflag:$0x4], $0x20, s28, s26, $0xb8;
	[tilespmem:$0x14D80] =	vst v63  }
0x2e4: {  	_ =	swait.ge [sflag:s23], $0x1000  }
0x2e5: {  	[sflag:s23] =	ssyncset.done $0x0  }
0x2e6: {  	s29 =	simm.s32 $0xAB80;
	[sflag:s23] =	ssyncadd.s32 $0xFFFFF000  }
0x2e7: {  	[tilespmem:s6], [sflag:$0x1] =	stream.indirect.gather [spmem:s5], $0x20, s29, s26, $0xb8;
	[tilespmem:$0x14D80] =	vst v63  }
0x2e8: {  	_ =	swait.ge [sflag:s19], $0x1000  }
0x2e9: {  	[sflag:s19] =	ssyncset.done $0x0  }
0x2ea: {  	s2 =	simm.s32 $0xBE80;
	[sflag:s19] =	ssyncadd.s32 $0xFFFFF000  }
0x2eb: {  	[spmem:s12] =	stream.indirect.scatter.add.f32 [tilespmem:s1], [sflag:$0x5], $0x20, s2, s26, $0xb8;
	[tilespmem:$0x14D80] =	vst v63  }
0x2ec: {  	_ =	swait.ge [sflag:s30], $0x1000  }
0x2ed: {  	[sflag:s30] =	ssyncset.done $0x0  }
0x2ee: {  	s3 =	simm.s32 $0xAC00;
	[sflag:s30] =	ssyncadd.s32 $0xFFFFF000  }
0x2ef: {  	[tilespmem:s1], [sflag:$0x2] =	stream.indirect.gather [spmem:s5], $0x20, s3, s26, $0xb8;
	[tilespmem:$0x14D80] =	vst v63  }
0x2f0: {  	_ =	swait.ge [sflag:s13], $0x1000  }
0x2f1: {  	[sflag:s13] =	ssyncset.done $0x0  }
0x2f2: {  	s7 =	simm.s32 $0xBF00;
	[sflag:s13] =	ssyncadd.s32 $0xFFFFF000  }
0x2f3: {  	[spmem:s12] =	stream.indirect.scatter.add.f32 [tilespmem:s15], [sflag:$0x6], $0x20, s7, s26, $0xb8;
	[tilespmem:$0x14D80] =	vst v63  }
0x2f4: {  	_ =	swait.ge [sflag:s31], $0x1000  }
0x2f5: {  	[sflag:s31] =	ssyncset.done $0x0  }
0x2f6: {  	s11 =	simm.s32 $0xAC80;
	[sflag:s31] =	ssyncadd.s32 $0xFFFFF000  }
0x2f7: {  	[tilespmem:s15], [sflag:$0x3] =	stream.indirect.gather [spmem:s5], $0x20, s11, s26, $0xb8;
	[tilespmem:$0x14D80] =	vst v63  }
0x2f8: {  	_ =	swait.ge [sflag:s8], $0x1000  }
0x2f9: {  	[sflag:s8] =	ssyncset.done $0x0  }
0x2fa: {  	s16 =	simm.s32 $0xBF80;
	[sflag:s8] =	ssyncadd.s32 $0xFFFFF000  }
0x2fb: {  	[spmem:s12] =	stream.indirect.scatter.add.f32 [tilespmem:s6], [sflag:$0x4], $0x20, s16, s26, $0xb8;
	[tilespmem:$0x14D80] =	vst v63  }
0x2fc: {  	_ =	swait.ge [sflag:s23], $0x1000  }
0x2fd: {  	[sflag:s23] =	ssyncset.done $0x0  }
0x2fe: {  	s17 =	simm.s32 $0xAD00;
	[sflag:s23] =	ssyncadd.s32 $0xFFFFF000  }
0x2ff: {  	[tilespmem:s6], [sflag:$0x1] =	stream.indirect.gather [spmem:s5], $0x20, s17, s26, $0xb8;
	[tilespmem:$0x14D80] =	vst v63  }
0x300: {  	_ =	swait.ge [sflag:s19], $0x1000  }
0x301: {  	[sflag:s19] =	ssyncset.done $0x0  }
0x302: {  	s18 =	simm.s32 $0xC000;
	[sflag:s19] =	ssyncadd.s32 $0xFFFFF000  }
0x303: {  	[spmem:s12] =	stream.indirect.scatter.add.f32 [tilespmem:s1], [sflag:$0x5], $0x20, s18, s26, $0xb8;
	[tilespmem:$0x14D80] =	vst v63  }
0x304: {  	_ =	swait.ge [sflag:s30], $0x1000  }
0x305: {  	[sflag:s30] =	ssyncset.done $0x0  }
0x306: {  	s20 =	simm.s32 $0xAD80;
	[sflag:s30] =	ssyncadd.s32 $0xFFFFF000  }
0x307: {  	[tilespmem:s1], [sflag:$0x2] =	stream.indirect.gather [spmem:s5], $0x20, s20, s26, $0xb8;
	[tilespmem:$0x14D80] =	vst v63  }
0x308: {  	_ =	swait.ge [sflag:s13], $0x1000  }
0x309: {  	[sflag:s13] =	ssyncset.done $0x0  }
0x30a: {  	s24 =	simm.s32 $0xC080;
	[sflag:s13] =	ssyncadd.s32 $0xFFFFF000  }
0x30b: {  	[spmem:s12] =	stream.indirect.scatter.add.f32 [tilespmem:s15], [sflag:$0x6], $0x20, s24, s26, $0xb8;
	[tilespmem:$0x14D80] =	vst v63  }
0x30c: {  	_ =	swait.ge [sflag:s31], $0x1000  }
0x30d: {  	[sflag:s31] =	ssyncset.done $0x0  }
0x30e: {  	s25 =	simm.s32 $0xAE00;
	[sflag:s31] =	ssyncadd.s32 $0xFFFFF000  }
0x30f: {  	[tilespmem:s15], [sflag:$0x3] =	stream.indirect.gather [spmem:s5], $0x20, s25, s26, $0xb8;
	[tilespmem:$0x14D80] =	vst v63  }
0x310: {  	_ =	swait.ge [sflag:s8], $0x1000  }
0x311: {  	[sflag:s8] =	ssyncset.done $0x0  }
0x312: {  	s28 =	simm.s32 $0xC100;
	[sflag:s8] =	ssyncadd.s32 $0xFFFFF000  }
0x313: {  	[spmem:s12] =	stream.indirect.scatter.add.f32 [tilespmem:s6], [sflag:$0x4], $0x20, s28, s26, $0xb8;
	[tilespmem:$0x14D80] =	vst v63  }
0x314: {  	_ =	swait.ge [sflag:s23], $0x1000  }
0x315: {  	[sflag:s23] =	ssyncset.done $0x0  }
0x316: {  	s29 =	simm.s32 $0xAE80;
	[sflag:s23] =	ssyncadd.s32 $0xFFFFF000  }
0x317: {  	[tilespmem:s6], [sflag:$0x1] =	stream.indirect.gather [spmem:s5], $0x20, s29, s26, $0xb8;
	[tilespmem:$0x14D80] =	vst v63  }
0x318: {  	_ =	swait.ge [sflag:s19], $0x1000  }
0x319: {  	[sflag:s19] =	ssyncset.done $0x0  }
0x31a: {  	s2 =	simm.s32 $0xC180;
	[sflag:s19] =	ssyncadd.s32 $0xFFFFF000  }
0x31b: {  	[spmem:s12] =	stream.indirect.scatter.add.f32 [tilespmem:s1], [sflag:$0x5], $0x20, s2, s26, $0xb8;
	[tilespmem:$0x14D80] =	vst v63  }
0x31c: {  	_ =	swait.ge [sflag:s30], $0x1000  }
0x31d: {  	[sflag:s30] =	ssyncset.done $0x0  }
0x31e: {  	s3 =	simm.s32 $0xAF00;
	[sflag:s30] =	ssyncadd.s32 $0xFFFFF000  }
0x31f: {  	[tilespmem:s1], [sflag:$0x2] =	stream.indirect.gather [spmem:s5], $0x20, s3, s26, $0xb8;
	[tilespmem:$0x14D80] =	vst v63  }
0x320: {  	_ =	swait.ge [sflag:s13], $0x1000  }
0x321: {  	[sflag:s13] =	ssyncset.done $0x0  }
0x322: {  	s7 =	simm.s32 $0xC200;
	[sflag:s13] =	ssyncadd.s32 $0xFFFFF000  }
0x323: {  	[spmem:s12] =	stream.indirect.scatter.add.f32 [tilespmem:s15], [sflag:$0x6], $0x20, s7, s26, $0xb8;
	[tilespmem:$0x14D80] =	vst v63  }
0x324: {  	_ =	swait.ge [sflag:s31], $0x1000  }
0x325: {  	[sflag:s31] =	ssyncset.done $0x0  }
0x326: {  	s11 =	simm.s32 $0xAF80;
	[sflag:s31] =	ssyncadd.s32 $0xFFFFF000  }
0x327: {  	[tilespmem:s15], [sflag:$0x3] =	stream.indirect.gather [spmem:s5], $0x20, s11, s26, $0xb8;
	[tilespmem:$0x14D80] =	vst v63  }
0x328: {  	_ =	swait.ge [sflag:s8], $0x1000  }
0x329: {  	[sflag:s8] =	ssyncset.done $0x0  }
0x32a: {  	s16 =	simm.s32 $0xC280;
	[sflag:s8] =	ssyncadd.s32 $0xFFFFF000  }
0x32b: {  	[spmem:s12] =	stream.indirect.scatter.add.f32 [tilespmem:s6], [sflag:$0x4], $0x20, s16, s26, $0xb8;
	[tilespmem:$0x14D80] =	vst v63  }
0x32c: {  	_ =	swait.ge [sflag:s23], $0x1000  }
0x32d: {  	[sflag:s23] =	ssyncset.done $0x0  }
0x32e: {  	s17 =	simm.s32 $0xB000;
	[sflag:s23] =	ssyncadd.s32 $0xFFFFF000  }
0x32f: {  	[tilespmem:s6], [sflag:$0x1] =	stream.indirect.gather [spmem:s5], $0x20, s17, s26, $0xb8;
	[tilespmem:$0x14D80] =	vst v63  }
0x330: {  	_ =	swait.ge [sflag:s19], $0x1000  }
0x331: {  	[sflag:s19] =	ssyncset.done $0x0  }
0x332: {  	s18 =	simm.s32 $0xC300;
	[sflag:s19] =	ssyncadd.s32 $0xFFFFF000  }
0x333: {  	[spmem:s12] =	stream.indirect.scatter.add.f32 [tilespmem:s1], [sflag:$0x5], $0x20, s18, s26, $0xb8;
	[tilespmem:$0x14D80] =	vst v63  }
0x334: {  	_ =	swait.ge [sflag:s30], $0x1000  }
0x335: {  	[sflag:s30] =	ssyncset.done $0x0  }
0x336: {  	s20 =	simm.s32 $0xB080;
	[sflag:s30] =	ssyncadd.s32 $0xFFFFF000  }
0x337: {  	[tilespmem:s1], [sflag:$0x2] =	stream.indirect.gather [spmem:s5], $0x20, s20, s26, $0xb8;
	[tilespmem:$0x14D80] =	vst v63  }
0x338: {  	_ =	swait.ge [sflag:s13], $0x1000  }
0x339: {  	[sflag:s13] =	ssyncset.done $0x0  }
0x33a: {  	s24 =	simm.s32 $0xC380;
	[sflag:s13] =	ssyncadd.s32 $0xFFFFF000  }
0x33b: {  	[spmem:s12] =	stream.indirect.scatter.add.f32 [tilespmem:s15], [sflag:$0x6], $0x20, s24, s26, $0xb8;
	[tilespmem:$0x14D80] =	vst v63  }
0x33c: {  	_ =	swait.ge [sflag:s31], $0x1000  }
0x33d: {  	[sflag:s31] =	ssyncset.done $0x0  }
0x33e: {  	s25 =	simm.s32 $0xB100;
	[sflag:s31] =	ssyncadd.s32 $0xFFFFF000  }
0x33f: {  	[tilespmem:s15], [sflag:$0x3] =	stream.indirect.gather [spmem:s5], $0x20, s25, s26, $0xb8;
	[tilespmem:$0x14D80] =	vst v63  }
0x340: {  	_ =	swait.ge [sflag:s8], $0x1000  }
0x341: {  	[sflag:s8] =	ssyncset.done $0x0  }
0x342: {  	s28 =	simm.s32 $0xC400;
	[sflag:s8] =	ssyncadd.s32 $0xFFFFF000  }
0x343: {  	[spmem:s12] =	stream.indirect.scatter.add.f32 [tilespmem:s6], [sflag:$0x4], $0x20, s28, s26, $0xb8;
	[tilespmem:$0x14D80] =	vst v63  }
0x344: {  	_ =	swait.ge [sflag:s23], $0x1000  }
0x345: {  	[sflag:s23] =	ssyncset.done $0x0  }
0x346: {  	s29 =	simm.s32 $0xB180;
	[sflag:s23] =	ssyncadd.s32 $0xFFFFF000  }
0x347: {  	[tilespmem:s6], [sflag:$0x1] =	stream.indirect.gather [spmem:s5], $0x20, s29, s26, $0xb8;
	[tilespmem:$0x14D80] =	vst v63  }
0x348: {  	_ =	swait.ge [sflag:s19], $0x1000  }
0x349: {  	[sflag:s19] =	ssyncset.done $0x0  }
0x34a: {  	s2 =	simm.s32 $0xC480;
	[sflag:s19] =	ssyncadd.s32 $0xFFFFF000  }
0x34b: {  	[spmem:s12] =	stream.indirect.scatter.add.f32 [tilespmem:s1], [sflag:$0x5], $0x20, s2, s26, $0xb8;
	[tilespmem:$0x14D80] =	vst v63  }
0x34c: {  	_ =	swait.ge [sflag:s30], $0x1000  }
0x34d: {  	[sflag:s30] =	ssyncset.done $0x0  }
0x34e: {  	s3 =	simm.s32 $0xB200;
	[sflag:s30] =	ssyncadd.s32 $0xFFFFF000  }
0x34f: {  	[tilespmem:s1], [sflag:$0x2] =	stream.indirect.gather [spmem:s5], $0x20, s3, s26, $0xb8;
	[tilespmem:$0x14D80] =	vst v63  }
0x350: {  	_ =	swait.ge [sflag:s13], $0x1000  }
0x351: {  	[sflag:s13] =	ssyncset.done $0x0  }
0x352: {  	s7 =	simm.s32 $0xC500;
	[sflag:s13] =	ssyncadd.s32 $0xFFFFF000  }
0x353: {  	[spmem:s12] =	stream.indirect.scatter.add.f32 [tilespmem:s15], [sflag:$0x6], $0x20, s7, s26, $0xb8;
	[tilespmem:$0x14D80] =	vst v63  }
0x354: {  	_ =	swait.ge [sflag:s31], $0x1000  }
0x355: {  	[sflag:s31] =	ssyncset.done $0x0  }
0x356: {  	s11 =	simm.s32 $0xB280;
	[sflag:s31] =	ssyncadd.s32 $0xFFFFF000  }
0x357: {  	[tilespmem:s15], [sflag:$0x3] =	stream.indirect.gather [spmem:s5], $0x20, s11, s26, $0xb8;
	[tilespmem:$0x14D80] =	vst v63  }
0x358: {  	_ =	swait.ge [sflag:s8], $0x1000  }
0x359: {  	[sflag:s8] =	ssyncset.done $0x0  }
0x35a: {  	s16 =	simm.s32 $0xC580;
	[sflag:s8] =	ssyncadd.s32 $0xFFFFF000  }
0x35b: {  	[spmem:s12] =	stream.indirect.scatter.add.f32 [tilespmem:s6], [sflag:$0x4], $0x20, s16, s26, $0xb8;
	[tilespmem:$0x14D80] =	vst v63  }
0x35c: {  	_ =	swait.ge [sflag:s23], $0x1000  }
0x35d: {  	[sflag:s23] =	ssyncset.done $0x0  }
0x35e: {  	s17 =	simm.s32 $0xB300;
	[sflag:s23] =	ssyncadd.s32 $0xFFFFF000  }
0x35f: {  	[tilespmem:s6], [sflag:$0x1] =	stream.indirect.gather [spmem:s5], $0x20, s17, s26, $0xb8;
	[tilespmem:$0x14D80] =	vst v63  }
0x360: {  	_ =	swait.ge [sflag:s19], $0x1000  }
0x361: {  	[sflag:s19] =	ssyncset.done $0x0  }
0x362: {  	s18 =	simm.s32 $0xC600;
	[sflag:s19] =	ssyncadd.s32 $0xFFFFF000  }
0x363: {  	[spmem:s12] =	stream.indirect.scatter.add.f32 [tilespmem:s1], [sflag:$0x5], $0x20, s18, s26, $0xb8;
	[tilespmem:$0x14D80] =	vst v63  }
0x364: {  	_ =	swait.ge [sflag:s30], $0x1000  }
0x365: {  	[sflag:s30] =	ssyncset.done $0x0  }
0x366: {  	s20 =	simm.s32 $0xB380;
	[sflag:s30] =	ssyncadd.s32 $0xFFFFF000  }
0x367: {  	[tilespmem:s1], [sflag:$0x2] =	stream.indirect.gather [spmem:s5], $0x20, s20, s26, $0xb8;
	[tilespmem:$0x14D80] =	vst v63  }
0x368: {  	_ =	swait.ge [sflag:s13], $0x1000  }
0x369: {  	[sflag:s13] =	ssyncset.done $0x0  }
0x36a: {  	s24 =	simm.s32 $0xC680;
	[sflag:s13] =	ssyncadd.s32 $0xFFFFF000  }
0x36b: {  	[spmem:s12] =	stream.indirect.scatter.add.f32 [tilespmem:s15], [sflag:$0x6], $0x20, s24, s26, $0xb8;
	[tilespmem:$0x14D80] =	vst v63  }
0x36c: {  	_ =	swait.ge [sflag:s31], $0x1000  }
0x36d: {  	[sflag:s31] =	ssyncset.done $0x0  }
0x36e: {  	s25 =	simm.s32 $0xB400;
	[sflag:s31] =	ssyncadd.s32 $0xFFFFF000  }
0x36f: {  	[tilespmem:s15], [sflag:$0x3] =	stream.indirect.gather [spmem:s5], $0x20, s25, s26, $0xb8;
	[tilespmem:$0x14D80] =	vst v63  }
0x370: {  	_ =	swait.ge [sflag:s8], $0x1000  }
0x371: {  	[sflag:s8] =	ssyncset.done $0x0  }
0x372: {  	s28 =	simm.s32 $0xC700;
	[sflag:s8] =	ssyncadd.s32 $0xFFFFF000  }
0x373: {  	[spmem:s12] =	stream.indirect.scatter.add.f32 [tilespmem:s6], [sflag:$0x4], $0x20, s28, s26, $0xb8;
	[tilespmem:$0x14D80] =	vst v63  }
0x374: {  	_ =	swait.ge [sflag:s23], $0x1000  }
0x375: {  	[sflag:s23] =	ssyncset.done $0x0  }
0x376: {  	s29 =	simm.s32 $0xB480;
	[sflag:s23] =	ssyncadd.s32 $0xFFFFF000  }
0x377: {  	[tilespmem:s6], [sflag:$0x1] =	stream.indirect.gather [spmem:s5], $0x20, s29, s26, $0xb8;
	[tilespmem:$0x14D80] =	vst v63  }
0x378: {  	_ =	swait.ge [sflag:s19], $0x1000  }
0x379: {  	[sflag:s19] =	ssyncset.done $0x0  }
0x37a: {  	s2 =	simm.s32 $0xC780;
	[sflag:s19] =	ssyncadd.s32 $0xFFFFF000  }
0x37b: {  	[spmem:s12] =	stream.indirect.scatter.add.f32 [tilespmem:s1], [sflag:$0x5], $0x20, s2, s26, $0xb8;
	[tilespmem:$0x14D80] =	vst v63  }
0x37c: {  	_ =	swait.ge [sflag:s30], $0x1000  }
0x37d: {  	[sflag:s30] =	ssyncset.done $0x0  }
0x37e: {  	s3 =	simm.s32 $0xB500;
	[sflag:s30] =	ssyncadd.s32 $0xFFFFF000  }
0x37f: {  	[tilespmem:s1], [sflag:$0x2] =	stream.indirect.gather [spmem:s5], $0x20, s3, s26, $0xb8;
	[tilespmem:$0x14D80] =	vst v63  }
0x380: {  	_ =	swait.ge [sflag:s13], $0x1000  }
0x381: {  	[sflag:s13] =	ssyncset.done $0x0  }
0x382: {  	s7 =	simm.s32 $0xC800;
	[sflag:s13] =	ssyncadd.s32 $0xFFFFF000  }
0x383: {  	[spmem:s12] =	stream.indirect.scatter.add.f32 [tilespmem:s15], [sflag:$0x6], $0x20, s7, s26, $0xb8;
	[tilespmem:$0x14D80] =	vst v63  }
0x384: {  	_ =	swait.ge [sflag:s31], $0x1000  }
0x385: {  	[sflag:s31] =	ssyncset.done $0x0  }
0x386: {  	s11 =	simm.s32 $0xB580;
	[sflag:s31] =	ssyncadd.s32 $0xFFFFF000  }
0x387: {  	[tilespmem:s15], [sflag:$0x3] =	stream.indirect.gather [spmem:s5], $0x20, s11, s26, $0xb8;
	[tilespmem:$0x14D80] =	vst v63  }
0x388: {  	_ =	swait.ge [sflag:s8], $0x1000  }
0x389: {  	[sflag:s8] =	ssyncset.done $0x0  }
0x38a: {  	s16 =	simm.s32 $0xC880;
	[sflag:s8] =	ssyncadd.s32 $0xFFFFF000  }
0x38b: {  	[spmem:s12] =	stream.indirect.scatter.add.f32 [tilespmem:s6], [sflag:$0x4], $0x20, s16, s26, $0xb8;
	[tilespmem:$0x14D80] =	vst v63  }
0x38c: {  	_ =	swait.ge [sflag:s23], $0x1000  }
0x38d: {  	[sflag:s23] =	ssyncset.done $0x0  }
0x38e: {  	s17 =	simm.s32 $0xB600;
	[sflag:s23] =	ssyncadd.s32 $0xFFFFF000  }
0x38f: {  	[tilespmem:s6], [sflag:$0x1] =	stream.indirect.gather [spmem:s5], $0x20, s17, s26, $0xb8;
	[tilespmem:$0x14D80] =	vst v63  }
0x390: {  	_ =	swait.ge [sflag:s19], $0x1000  }
0x391: {  	[sflag:s19] =	ssyncset.done $0x0  }
0x392: {  	s18 =	simm.s32 $0xC900;
	[sflag:s19] =	ssyncadd.s32 $0xFFFFF000  }
0x393: {  	[spmem:s12] =	stream.indirect.scatter.add.f32 [tilespmem:s1], [sflag:$0x5], $0x20, s18, s26, $0xb8;
	[tilespmem:$0x14D80] =	vst v63  }
0x394: {  	_ =	swait.ge [sflag:s13], $0x1000  }
0x395: {  	[sflag:s13] =	ssyncset.done $0x0  }
0x396: {  	s20 =	simm.s32 $0xC980;
	[sflag:s13] =	ssyncadd.s32 $0xFFFFF000  }
0x397: {  	[spmem:s12] =	stream.indirect.scatter.add.f32 [tilespmem:s15], [sflag:$0x6], $0x20, s20, s26, $0xb8;
	[tilespmem:$0x14D80] =	vst v63  }
0x398: {  	_ =	swait.ge [sflag:s8], $0x1000  }
0x399: {  	[sflag:s8] =	ssyncset.done $0x0  }
0x39a: {  	s24 =	simm.s32 $0xCA00;
	[sflag:s8] =	ssyncadd.s32 $0xFFFFF000  }
0x39b: {  	[spmem:s12] =	stream.indirect.scatter.add.f32 [tilespmem:s6], [sflag:$0x4], $0x20, s24, s26, $0xb8;
	[tilespmem:$0x14D80] =	vst v63  }
0x39c: {  	_ =	swait.ge [sflag:s23], $0x1000  }
0x39d: {  	[sflag:s23] =	ssyncset.done $0x0  }
0x39e: {  	[sflag:s23] =	ssyncadd.s32 $0xFFFFF000  }
0x39f: {  	_ =	swait.ge [sflag:s30], $0x1000  }
0x3a0: {  	[sflag:s30] =	ssyncset.done $0x0  }
0x3a1: {  	[sflag:s30] =	ssyncadd.s32 $0xFFFFF000  }
0x3a2: {  	_ =	swait.ge [sflag:s31], $0x1000  }
0x3a3: {  	[sflag:s31] =	ssyncset.done $0x0  }
0x3a4: {  	[sflag:s31] =	ssyncadd.s32 $0xFFFFF000  }
0x3a5: {  	[bflag:$0x0] =	sbarrier.arrive $0xFFFF  }
0x3a6: {  	s25 =	rddreg [dreg:$0xe]  }
0x3a7: {  	s17 =	rddreg [dreg:$0x11]  }
0x3a8: {  	[hbm:s25], [sflag:s9] =	dma.local [spmem:s17], $0xA00  }
0x3a9: {  	_ =	swait.ge [sflag:s21], $0xA00  }
0x3aa: {  	s28 =	rddreg [dreg:$0x13]  }
0x3ab: {  	s29 =	rddreg [dreg:$0xf];
	s1 =	sadd.s32 $0x1, s28  }
0x3ac: {  	p2 =	sne.s32 s1, s29  }
.Ltmp2:
0x3ad: {  	_ = 	snop;
	(pc) =	sbr.rel @p2 .LBB2_1-.Ltmp2, $3  }
0x3ae: {  	_ =	sdelay $0x1  }
0x3af: {  	[sflag:s21] =	ssyncset.done $0x0  }
0x3b0: {  	[sflag:s21] =	ssyncadd.s32 $0xFFFFF600  }
0x3b1: {  	_ =	sfence.sel $0x180000  }
0x3b2: {  	[bflag:$0x0] =	sbarrier.arrive $0xFFFF  }
0x3b3: {  	_ =	strace $0x90000047  }
0x3b4: {  	s0 =	stileid.u32;
	[bflag:$0x2] =	sbarrier.arrive $0xFFFF  }
0x3b5: {  	p0 =	sne.s32 s0, $0x0;
	s0 =	rddreg [dreg:$0x5]  }
0x3b6: {  	s0 =	sadd.s32 @!p0 $0x100000, s0  }
0x3b7: {  	[sflag:s0] =	ssyncadd.tile.s32 @!p0 $0x1;
	_ =	shalt  }
.Lfunc_end2:
_tile_overlayer_lowered:
.L_overlay_start_2:
0x3b8: {  	(tag) =	ssettag $0x2  }
0x3b9: {  	s0 =	rddreg [dreg:$0x0];
	s2 =	stileid.u32  }
0x3ba: {  	s1 =	rddreg [dreg:$0x1];
	p0 =	sne.s32 s2, $0x0  }
0x3bb: {  	s3 =	rddreg [dreg:$0x2];
	[bflag:$0x3] =	sbarrier.arrive $0xFFFF;
	s2 =	simm.s32 @!p0 $0x1C07  }
0x3bc: {  	[timem:s3], [sflag:s2] =	dma.local @!p0 [hbm:s0], s1  }
0x3bd: {  	s0 =	simm.s32 @!p0 $0x7  }
0x3be: {  	_ =	swait.ge @!p0 [sflag:s0], s1  }
0x3bf: {  	s1 =	ssub.s32 @!p0 $0x0, s1;
	[sflag:s0] =	ssyncset.done @!p0 $0x0  }
0x3c0: {  	[sflag:s0] =	ssyncadd.s32 @!p0 s1  }
0x3c1: {  	[bflag:$0x3] =	sbarrier.arrive $0xFFFF  }
0x3c2: {  	_ =	shalt  }

</sc_bundles>
